<compile_context>
chip_gen: v7x
topology: tpu7x:2x2x1
jax: 0.10.2.dev20260603
libtpu: 0.0.44.dev20260713+nightly
codegen_flags: <defaults>
</compile_context>

<pallas_src>
import functools

import jax
import jax.numpy as jnp
from jax import lax
from jax.experimental import pallas as pl
from jax.experimental.pallas import tpu as pltpu
from jax.experimental.pallas import tpu_sc as plsc

N_NODES = 10000
N_PAD = 10240
N_ACC = 10112
N_TAB = 10000
D = 128
C = 128
E = 320000
NC, NS = 2, 16
NW = NC * NS
CHUNK = 64
NCH = 158
E_PAD = (NCH + 1) * NW * CHUNK
ROWS_PER_TILE = N_ACC // NS
BLK = 1024


def _prep_body(x_ref, wt_ref, vs_ref, vd_ref, xs_ref, asrc_ref, adst_ref):
    xs = jnp.dot(x_ref[...], wt_ref[...], preferred_element_type=jnp.float32)
    xs_ref[...] = xs
    asrc_ref[...] = jnp.sum(xs * vs_ref[...][None, :], axis=1)
    adst_ref[...] = jnp.sum(xs * vd_ref[...][None, :], axis=1)


def _prep(x_pad, wt, vs, vd):
    grid = (N_PAD // BLK,)
    return pl.pallas_call(
        _prep_body,
        grid=grid,
        in_specs=[
            pl.BlockSpec((BLK, D), lambda i: (i, 0)),
            pl.BlockSpec((D, C), lambda i: (0, 0)),
            pl.BlockSpec((C,), lambda i: (0,)),
            pl.BlockSpec((C,), lambda i: (0,)),
        ],
        out_specs=[
            pl.BlockSpec((BLK, C), lambda i: (i, 0)),
            pl.BlockSpec((BLK,), lambda i: (i,)),
            pl.BlockSpec((BLK,), lambda i: (i,)),
        ],
        out_shape=[
            jax.ShapeDtypeStruct((N_PAD, C), jnp.float32),
            jax.ShapeDtypeStruct((N_PAD,), jnp.float32),
            jax.ShapeDtypeStruct((N_PAD,), jnp.float32),
        ],
    )(x_pad, wt, vs, vd)


def _sc_body(xs_hbm, asrc_hbm, adst_hbm, edges_hbm,
             acc_out, den_out,
             asrc_v, adst_v, idx0_v, idx1_v, idx2_v, e0_v, e1_v, e2_v,
             rows0_v, rows1_v, rows2_v, acc_sh, den_sh,
             sem_g0, sem_g1, sem_g2, sem_s0, sem_s1, sem_s2):
    cid = lax.axis_index("c")
    sid = lax.axis_index("s")
    wid = cid * NS + sid
    idx2 = (idx0_v, idx1_v, idx2_v)
    ev = (e0_v, e1_v, e2_v)
    rows = (rows0_v, rows1_v, rows2_v)
    sem_g = (sem_g0, sem_g1, sem_g2)
    sem_s = (sem_s0, sem_s1, sem_s2)

    pltpu.sync_copy(asrc_hbm.at[pl.ds(0, N_TAB)], asrc_v)
    pltpu.sync_copy(adst_hbm.at[pl.ds(0, N_TAB)], adst_v)

    zeros16 = jnp.zeros((16,), jnp.float32)

    def _zrow(i, carry):
        for q in range(C // 16):
            rows0_v[i, pl.ds(q * 16, 16)] = zeros16
        return carry

    lax.fori_loop(0, CHUNK, _zrow, 0)
    for q in range(CHUNK // 16):
        e0_v[pl.ds(q * 16, 16)] = zeros16
    base_r = sid * ROWS_PER_TILE
    nfull = ROWS_PER_TILE // CHUNK
    rest = ROWS_PER_TILE - nfull * CHUNK
    for t in range(nfull):
        pltpu.sync_copy(rows0_v, acc_sh.at[pl.ds(base_r + t * CHUNK, CHUNK)])
        pltpu.sync_copy(e0_v, den_sh.at[pl.ds(base_r + t * CHUNK, CHUNK)])
    pltpu.sync_copy(rows0_v.at[pl.ds(0, rest)],
                    acc_sh.at[pl.ds(base_r + nfull * CHUNK, rest)])
    pltpu.sync_copy(e0_v.at[pl.ds(0, rest)],
                    den_sh.at[pl.ds(base_r + nfull * CHUNK, rest)])
    plsc.subcore_barrier()

    def _issue_gather(b, g):
        base = (wid + NW * g) * CHUNK
        pltpu.sync_copy(edges_hbm.at[:, pl.ds(base, CHUNK)], idx2[b])
        pltpu.async_copy(xs_hbm.at[idx2[b].at[0]], rows[b], sem_g[b])

    def _wait_gather(b):
        pltpu.make_async_copy(
            xs_hbm.at[idx2[b].at[0]], rows[b], sem_g[b]).wait()

    def _wait_scatter(b):
        pltpu.make_async_copy(
            rows[b], acc_sh.at[idx2[b].at[1]], sem_s[b]).wait()
        pltpu.make_async_copy(
            ev[b], den_sh.at[idx2[b].at[1]], sem_s[b]).wait()

    def _process(b):
        for g in range(CHUNK // 16):
            sl = pl.ds(g * 16, 16)
            si = idx2[b][0, sl]
            di = idx2[b][1, sl]
            s = plsc.load_gather(asrc_v, [si]) + plsc.load_gather(adst_v, [di])
            s = jnp.where(s >= 0.0, s, 0.2 * s)
            ev[b][sl] = jnp.where(si != di, jnp.exp(s), 0.0)

        def _scale(it, carry):
            for u in range(4):
                i = it * 4 + u
                spl = plsc.load_gather(
                    ev[b], [jnp.full((16,), 0, jnp.int32) + i])
                for q in range(C // 16):
                    sl = pl.ds(q * 16, 16)
                    rows[b][i, sl] = rows[b][i, sl] * spl
            return carry

        lax.fori_loop(0, CHUNK // 4, _scale, 0)

    def _issue_scatter(b):
        pltpu.async_copy(rows[b], acc_sh.at[idx2[b].at[1]], sem_s[b], add=True)
        pltpu.async_copy(ev[b], den_sh.at[idx2[b].at[1]], sem_s[b], add=True)

    def _iter(b, g, wait_s):
        nb = (b + 1) % 3
        if wait_s:
            _wait_scatter(nb)
        _issue_gather(nb, g + 1)
        _wait_gather(b)
        _process(b)
        _issue_scatter(b)

    _issue_gather(0, 0)
    _iter(0, 0, wait_s=False)
    _iter(1, 1, wait_s=False)

    def _trip(jj, carry):
        _iter(2, 3 * jj + 2, wait_s=True)
        _iter(0, 3 * jj + 3, wait_s=True)
        _iter(1, 3 * jj + 4, wait_s=True)
        return carry

    lax.fori_loop(0, (NCH - 5) // 3 + 1, _trip, 0)
    _wait_gather(2)
    _wait_scatter(0)
    _wait_scatter(1)
    plsc.subcore_barrier()

    for t in range(nfull):
        r0 = base_r + t * CHUNK
        rv = rows[t % 3]
        pltpu.sync_copy(acc_sh.at[pl.ds(r0, CHUNK)], rv)
        pltpu.sync_copy(rv, acc_out.at[cid, pl.ds(r0, CHUNK)])
    r0 = base_r + nfull * CHUNK
    pltpu.sync_copy(acc_sh.at[pl.ds(r0, rest)], rows1_v.at[pl.ds(0, rest)])
    pltpu.sync_copy(rows1_v.at[pl.ds(0, rest)], acc_out.at[cid, pl.ds(r0, rest)])
    nden = ROWS_PER_TILE // C
    dres = ROWS_PER_TILE - nden * C
    for t in range(nden):
        r0 = base_r + t * C
        pltpu.sync_copy(den_sh.at[pl.ds(r0, C)], rows0_v.at[0])
        pltpu.sync_copy(rows0_v.at[0], den_out.at[cid, pl.ds(r0, C)])
    r0 = base_r + nden * C
    pltpu.sync_copy(den_sh.at[pl.ds(r0, dres)], rows0_v.at[0, pl.ds(0, dres)])
    pltpu.sync_copy(rows0_v.at[0, pl.ds(0, dres)],
                    den_out.at[cid, pl.ds(r0, dres)])


_sc_edges = functools.partial(
    pl.kernel,
    out_type=[
        jax.ShapeDtypeStruct((NC, N_ACC, C), jnp.float32),
        jax.ShapeDtypeStruct((NC, N_ACC), jnp.float32),
    ],
    mesh=plsc.VectorSubcoreMesh(core_axis_name="c", subcore_axis_name="s"),
    compiler_params=pltpu.CompilerParams(
        needs_layout_passes=False, use_tc_tiling_on_sc=False),
    scratch_types=[
        pltpu.VMEM((N_TAB,), jnp.float32),
        pltpu.VMEM((N_TAB,), jnp.float32),
        pltpu.VMEM((2, CHUNK), jnp.int32),
        pltpu.VMEM((2, CHUNK), jnp.int32),
        pltpu.VMEM((2, CHUNK), jnp.int32),
        pltpu.VMEM((CHUNK,), jnp.float32),
        pltpu.VMEM((CHUNK,), jnp.float32),
        pltpu.VMEM((CHUNK,), jnp.float32),
        pltpu.VMEM((CHUNK, C), jnp.float32),
        pltpu.VMEM((CHUNK, C), jnp.float32),
        pltpu.VMEM((CHUNK, C), jnp.float32),
        pltpu.VMEM_SHARED((N_ACC, C), jnp.float32),
        pltpu.VMEM_SHARED((N_ACC,), jnp.float32),
        pltpu.SemaphoreType.DMA,
        pltpu.SemaphoreType.DMA,
        pltpu.SemaphoreType.DMA,
        pltpu.SemaphoreType.DMA,
        pltpu.SemaphoreType.DMA,
        pltpu.SemaphoreType.DMA,
    ],
)(_sc_body)


def _combine_body(acc0_ref, acc1_ref, den0_ref, den1_ref, asrc_ref, adst_ref,
                  xs_ref, bias_ref, out_ref):
    s = asrc_ref[...] + adst_ref[...]
    s = jnp.where(s >= 0.0, s, 0.2 * s)
    es = jnp.exp(s)
    den = den0_ref[...] + den1_ref[...] + es
    num = acc0_ref[...] + acc1_ref[...] + es[:, None] * xs_ref[...]
    out_ref[...] = num / (den[:, None] + 1e-16) + bias_ref[...][None, :]


def _combine(acc0, acc1, den0, den1, asrc, adst, xs, bias):
    grid = (N_PAD // BLK,)
    mat = pl.BlockSpec((BLK, C), lambda i: (i, 0))
    vec = pl.BlockSpec((BLK,), lambda i: (i,))
    return pl.pallas_call(
        _combine_body,
        grid=grid,
        in_specs=[mat, mat, vec, vec, vec, vec, mat,
                  pl.BlockSpec((C,), lambda i: (0,))],
        out_specs=mat,
        out_shape=jax.ShapeDtypeStruct((N_PAD, C), jnp.float32),
    )(acc0, acc1, den0, den1, asrc, adst, xs, bias)


def kernel(x, edge_index, idx, W, att_src, att_dst, bias):
    sign = jnp.where(idx == 1, jnp.float32(-1.0), jnp.float32(1.0))
    vs = (sign * att_src).reshape(C).astype(jnp.float32)
    vd = (sign * att_dst).reshape(C).astype(jnp.float32)
    x_pad = jnp.concatenate(
        [x, jnp.zeros((N_PAD - N_NODES, D), jnp.float32)], axis=0)
    edges = jnp.concatenate(
        [edge_index, jnp.zeros((2, E_PAD - E), edge_index.dtype)], axis=1)

    xs, asrc, adst = _prep(x_pad, W.T, vs, vd)
    acc, den = _sc_edges(xs, asrc, adst, edges)
    accp = jnp.zeros((NC, N_PAD - N_ACC, C), jnp.float32)
    denp = jnp.zeros((NC, N_PAD - N_ACC), jnp.float32)
    acc = jnp.concatenate([acc, accp], axis=1)
    den = jnp.concatenate([den, denp], axis=1)
    out = _combine(acc[0], acc[1], den[0], den[1], asrc, adst, xs, bias)
    return out[:N_NODES]

# --- scband reference (transcript-rebuilt; emitter-appended) ---
"""Pipeline reference for scband-net-13340168421477 (READ-ONLY COPY).

The authoritative reference and input builder live on the scoring server;
editing this copy changes nothing except your own understanding.
"""

import jax, jax.numpy as jnp
import numpy as np

N_NODES = 10000
N_EDGES = 320000
D_FEAT = 128
HEADS = 1
OUT_CH = 128


def setup_inputs(seed: int = 0) -> dict:
    key = jax.random.key(seed)
    k1, k2, k3, k4, k5 = jax.random.split(key, 5)
    x = jax.random.normal(k1, (N_NODES, D_FEAT), dtype=jnp.float32)
    edge_index = jax.random.randint(k2, (2, N_EDGES), 0, N_NODES, dtype=jnp.int32)
    # glorot-initialized parameters
    fan = D_FEAT + HEADS * OUT_CH
    std_w = float(np.sqrt(6.0 / fan))
    W = jax.random.uniform(k3, (HEADS * OUT_CH, D_FEAT), minval=-std_w, maxval=std_w, dtype=jnp.float32)
    std_a = float(np.sqrt(6.0 / (1 + OUT_CH)))
    att_src = jax.random.uniform(k4, (1, HEADS, OUT_CH), minval=-std_a, maxval=std_a, dtype=jnp.float32)
    att_dst = jax.random.uniform(k5, (1, HEADS, OUT_CH), minval=-std_a, maxval=std_a, dtype=jnp.float32)
    bias = jnp.zeros((HEADS * OUT_CH,), dtype=jnp.float32)
    return {"x": x, "edge_index": edge_index, "idx": 1, "W": W, "att_src": att_src, "att_dst": att_dst, "bias": bias}


def reference(x, edge_index, idx, W, att_src, att_dst, bias):
    H, C = HEADS, OUT_CH
    N = x.shape[0]
    # shared lin_src = lin_dst (in_channels is int)
    xs = (x @ W.T).reshape(N, H, C)
    sign = jnp.where(idx == 1, jnp.float32(-1.0), jnp.float32(1.0))
    a_src = (xs * (sign * att_src)).sum(-1)  # [N, H]
    a_dst = (xs * (sign * att_dst)).sum(-1)  # [N, H]
    # remove_self_loops + add_self_loops (fixed-shape: invalid edges routed to sentinel segment N)
    mask = edge_index[0] != edge_index[1]
    loop = jnp.arange(N, dtype=edge_index.dtype)
    src = jnp.concatenate([edge_index[0], loop], axis=0)
    dst = jnp.concatenate([edge_index[1], loop], axis=0)
    valid = jnp.concatenate([mask, jnp.ones((N,), dtype=bool)], axis=0)
    dst_seg = jnp.where(valid, dst, jnp.asarray(N, dtype=dst.dtype))
    alpha = a_src[src] + a_dst[dst]  # [E, H]
    alpha = jnp.where(alpha >= 0, alpha, 0.2 * alpha)  # leaky_relu(0.2)
    # segment softmax over destination nodes
    amax = jax.ops.segment_max(alpha, dst_seg, num_segments=N + 1)
    amax = jnp.where(jnp.isfinite(amax), amax, 0.0)
    ex = jnp.exp(alpha - amax[dst_seg])
    denom = jax.ops.segment_sum(ex, dst_seg, num_segments=N + 1)
    alpha = ex / (denom[dst_seg] + 1e-16)
    # message + aggregate (add)
    msg = xs[src] * alpha[:, :, None]  # [E, H, C]
    out = jax.ops.segment_sum(msg, dst_seg, num_segments=N + 1)[:N]  # [N, H, C]
    out = out.reshape(N, H * C) + bias  # concat=True
    return out

if __name__ == "__main__":
    import jax
    _d = setup_inputs()
    print(jax.jit(kernel)(*tuple(_d.values())))

</pallas_src>

<mosaic_0001>
#map = affine_map<(d0, d1) -> (0, 0)>
#map1 = affine_map<(d0, d1) -> (0)>
#map2 = affine_map<(d0, d1) -> (0, 0, 0)>
module attributes {stable_mosaic.version = 14 : i64} {
  func.func @_sc_body(%arg0: i32, %arg1: i32, %arg2: memref<10240x128xf32, #tpu.memory_space<hbm>>, %arg3: memref<10240xf32, #tpu.memory_space<hbm>>, %arg4: memref<10240xf32, #tpu.memory_space<hbm>>, %arg5: memref<2x325632xi32, #tpu.memory_space<hbm>>, %arg6: memref<2x10112x128xf32, #tpu.memory_space<hbm>>, %arg7: memref<2x10112xf32, #tpu.memory_space<hbm>>, %arg8: memref<10000xf32, #tpu.memory_space<vmem>>, %arg9: memref<10000xf32, #tpu.memory_space<vmem>>, %arg10: memref<2x64xi32, #tpu.memory_space<vmem>>, %arg11: memref<2x64xi32, #tpu.memory_space<vmem>>, %arg12: memref<2x64xi32, #tpu.memory_space<vmem>>, %arg13: memref<64xf32, #tpu.memory_space<vmem>>, %arg14: memref<64xf32, #tpu.memory_space<vmem>>, %arg15: memref<64xf32, #tpu.memory_space<vmem>>, %arg16: memref<64x128xf32, #tpu.memory_space<vmem>>, %arg17: memref<64x128xf32, #tpu.memory_space<vmem>>, %arg18: memref<64x128xf32, #tpu.memory_space<vmem>>, %arg19: memref<10112x128xf32, #tpu.memory_space<vmem_shared>>, %arg20: memref<10112xf32, #tpu.memory_space<vmem_shared>>, %arg21: memref<!tpu.dma_semaphore, #tpu.memory_space<semaphore_mem>>, %arg22: memref<!tpu.dma_semaphore, #tpu.memory_space<semaphore_mem>>, %arg23: memref<!tpu.dma_semaphore, #tpu.memory_space<semaphore_mem>>, %arg24: memref<!tpu.dma_semaphore, #tpu.memory_space<semaphore_mem>>, %arg25: memref<!tpu.dma_semaphore, #tpu.memory_space<semaphore_mem>>, %arg26: memref<!tpu.dma_semaphore, #tpu.memory_space<semaphore_mem>>) attributes {dimension_semantics = [#tpu.dimension_semantics<core_parallel>, #tpu.dimension_semantics<subcore_parallel>], iteration_bounds = array<i64: 2, 16>, scalar_prefetch = 0 : i64, scratch_operands = 19 : i64, tpu.core_type = #tpu.core_type<sc_vector_subcore>, window_params = [{transform_indices = #map}, {transform_indices = #map1}, {transform_indices = #map1}, {transform_indices = #map}, {transform_indices = #map2}, {transform_indices = #map}]} {
    %mul3A = arith.constant 16 : i32
    %mul3A_0 = arith.muli %arg0, %mul3A : i32
    %add3A = arith.addi %mul3A_0, %arg1 : i32
    "tpu.region"() ({
      %run_scoped3A_411 = tpu.sem_alloc : memref<!tpu.dma_semaphore, #tpu.memory_space<semaphore_mem>>
      %dma_start3A_412 = arith.constant 0 : i32
      %dma_start3A_413 = tpu.memref_slice %arg3[%dma_start3A_412] : memref<10240xf32, #tpu.memory_space<hbm>> -> memref<10000xf32, #tpu.memory_space<hbm>>
      %dma_start3A_414 = arith.constant 0 : i32
      %dma_start3A_415 = tpu.memref_slice %arg3[%dma_start3A_414] : memref<10240xf32, #tpu.memory_space<hbm>> -> memref<10000xf32, #tpu.memory_space<hbm>>
      tpu.enqueue_dma source(%dma_start3A_415 : memref<10000xf32, #tpu.memory_space<hbm>>) target(%arg8 : memref<10000xf32, #tpu.memory_space<vmem>>) target_semaphore(%run_scoped3A_411 : memref<!tpu.dma_semaphore, #tpu.memory_space<semaphore_mem>>)
      %dma_wait3A_416 = arith.constant 0 : i32
      %dma_wait3A_417 = tpu.memref_slice %arg3[%dma_wait3A_416] : memref<10240xf32, #tpu.memory_space<hbm>> -> memref<10000xf32, #tpu.memory_space<hbm>>
      %dma_wait3A_418 = arith.constant 0 : i32
      %dma_wait3A_419 = tpu.memref_slice %arg3[%dma_wait3A_418] : memref<10240xf32, #tpu.memory_space<hbm>> -> memref<10000xf32, #tpu.memory_space<hbm>>
      tpu.wait_dma2 semaphore(%run_scoped3A_411 : memref<!tpu.dma_semaphore, #tpu.memory_space<semaphore_mem>>) src(%dma_wait3A_419 : memref<10000xf32, #tpu.memory_space<hbm>>) dst(%arg8 : memref<10000xf32, #tpu.memory_space<vmem>>)
      tpu.yield
    }) : () -> ()
    "tpu.region"() ({
      %run_scoped3A_411 = tpu.sem_alloc : memref<!tpu.dma_semaphore, #tpu.memory_space<semaphore_mem>>
      %dma_start3A_412 = arith.constant 0 : i32
      %dma_start3A_413 = tpu.memref_slice %arg4[%dma_start3A_412] : memref<10240xf32, #tpu.memory_space<hbm>> -> memref<10000xf32, #tpu.memory_space<hbm>>
      %dma_start3A_414 = arith.constant 0 : i32
      %dma_start3A_415 = tpu.memref_slice %arg4[%dma_start3A_414] : memref<10240xf32, #tpu.memory_space<hbm>> -> memref<10000xf32, #tpu.memory_space<hbm>>
      tpu.enqueue_dma source(%dma_start3A_415 : memref<10000xf32, #tpu.memory_space<hbm>>) target(%arg9 : memref<10000xf32, #tpu.memory_space<vmem>>) target_semaphore(%run_scoped3A_411 : memref<!tpu.dma_semaphore, #tpu.memory_space<semaphore_mem>>)
      %dma_wait3A_416 = arith.constant 0 : i32
      %dma_wait3A_417 = tpu.memref_slice %arg4[%dma_wait3A_416] : memref<10240xf32, #tpu.memory_space<hbm>> -> memref<10000xf32, #tpu.memory_space<hbm>>
      %dma_wait3A_418 = arith.constant 0 : i32
      %dma_wait3A_419 = tpu.memref_slice %arg4[%dma_wait3A_418] : memref<10240xf32, #tpu.memory_space<hbm>> -> memref<10000xf32, #tpu.memory_space<hbm>>
      tpu.wait_dma2 semaphore(%run_scoped3A_411 : memref<!tpu.dma_semaphore, #tpu.memory_space<semaphore_mem>>) src(%dma_wait3A_419 : memref<10000xf32, #tpu.memory_space<hbm>>) dst(%arg9 : memref<10000xf32, #tpu.memory_space<vmem>>)
      tpu.yield
    }) : () -> ()
    %broadcast_in_dim3A = arith.constant 0.000000e+00 : f32
    %broadcast_in_dim3A_1 = vector.broadcast %broadcast_in_dim3A : f32 to vector<16xf32>
    %scan3A = arith.constant 0 : i32
    %scan3A_2 = arith.constant 0 : i32
    %scan3A_3 = arith.constant 64 : i32
    %scan3A_4 = arith.addi %scan3A_2, %scan3A_3 : i32
    %scan3A_5 = arith.constant 1 : i32
    scf.for %scan3A_411 = %scan3A_2 to %scan3A_4 step %scan3A_5  : i32 {
      %swap3A_412 = arith.index_cast %scan3A_411 : i32 to index
      %swap3A_413 = arith.constant 0 : index
      %swap3A_414 = tpu.vector_load %arg16[%swap3A_412, %swap3A_413] {strides = array<i32>} : memref<64x128xf32, #tpu.memory_space<vmem>>, vector<16xf32>,
      tpu.vector_store %arg16[%swap3A_412, %swap3A_413], %broadcast_in_dim3A_1 {strides = array<i32>} : memref<64x128xf32, #tpu.memory_space<vmem>>, vector<16xf32>,
      %swap3A_415 = arith.index_cast %scan3A_411 : i32 to index
      %swap3A_416 = arith.constant 16 : index
      %swap3A_417 = tpu.vector_load %arg16[%swap3A_415, %swap3A_416] {strides = array<i32>} : memref<64x128xf32, #tpu.memory_space<vmem>>, vector<16xf32>,
      tpu.vector_store %arg16[%swap3A_415, %swap3A_416], %broadcast_in_dim3A_1 {strides = array<i32>} : memref<64x128xf32, #tpu.memory_space<vmem>>, vector<16xf32>,
      %swap3A_418 = arith.index_cast %scan3A_411 : i32 to index
      %swap3A_419 = arith.constant 32 : index
      %swap3A_420 = tpu.vector_load %arg16[%swap3A_418, %swap3A_419] {strides = array<i32>} : memref<64x128xf32, #tpu.memory_space<vmem>>, vector<16xf32>,
      tpu.vector_store %arg16[%swap3A_418, %swap3A_419], %broadcast_in_dim3A_1 {strides = array<i32>} : memref<64x128xf32, #tpu.memory_space<vmem>>, vector<16xf32>,
      %swap3A_421 = arith.index_cast %scan3A_411 : i32 to index
      %swap3A_422 = arith.constant 48 : index
      %swap3A_423 = tpu.vector_load %arg16[%swap3A_421, %swap3A_422] {strides = array<i32>} : memref<64x128xf32, #tpu.memory_space<vmem>>, vector<16xf32>,
      tpu.vector_store %arg16[%swap3A_421, %swap3A_422], %broadcast_in_dim3A_1 {strides = array<i32>} : memref<64x128xf32, #tpu.memory_space<vmem>>, vector<16xf32>,
      %swap3A_424 = arith.index_cast %scan3A_411 : i32 to index
      %swap3A_425 = arith.constant 64 : index
      %swap3A_426 = tpu.vector_load %arg16[%swap3A_424, %swap3A_425] {strides = array<i32>} : memref<64x128xf32, #tpu.memory_space<vmem>>, vector<16xf32>,
      tpu.vector_store %arg16[%swap3A_424, %swap3A_425], %broadcast_in_dim3A_1 {strides = array<i32>} : memref<64x128xf32, #tpu.memory_space<vmem>>, vector<16xf32>,
      %swap3A_427 = arith.index_cast %scan3A_411 : i32 to index
      %swap3A_428 = arith.constant 80 : index
      %swap3A_429 = tpu.vector_load %arg16[%swap3A_427, %swap3A_428] {strides = array<i32>} : memref<64x128xf32, #tpu.memory_space<vmem>>, vector<16xf32>,
      tpu.vector_store %arg16[%swap3A_427, %swap3A_428], %broadcast_in_dim3A_1 {strides = array<i32>} : memref<64x128xf32, #tpu.memory_space<vmem>>, vector<16xf32>,
      %swap3A_430 = arith.index_cast %scan3A_411 : i32 to index
      %swap3A_431 = arith.constant 96 : index
      %swap3A_432 = tpu.vector_load %arg16[%swap3A_430, %swap3A_431] {strides = array<i32>} : memref<64x128xf32, #tpu.memory_space<vmem>>, vector<16xf32>,
      tpu.vector_store %arg16[%swap3A_430, %swap3A_431], %broadcast_in_dim3A_1 {strides = array<i32>} : memref<64x128xf32, #tpu.memory_space<vmem>>, vector<16xf32>,
      %swap3A_433 = arith.index_cast %scan3A_411 : i32 to index
      %swap3A_434 = arith.constant 112 : index
      %swap3A_435 = tpu.vector_load %arg16[%swap3A_433, %swap3A_434] {strides = array<i32>} : memref<64x128xf32, #tpu.memory_space<vmem>>, vector<16xf32>,
      tpu.vector_store %arg16[%swap3A_433, %swap3A_434], %broadcast_in_dim3A_1 {strides = array<i32>} : memref<64x128xf32, #tpu.memory_space<vmem>>, vector<16xf32>,
    }
    %scan3A_6 = arith.constant 64 : i32
    %swap3A = arith.constant 0 : index
    %swap3A_7 = tpu.vector_load %arg13[%swap3A] {strides = array<i32>} : memref<64xf32, #tpu.memory_space<vmem>>, vector<16xf32>,
    tpu.vector_store %arg13[%swap3A], %broadcast_in_dim3A_1 {strides = array<i32>} : memref<64xf32, #tpu.memory_space<vmem>>, vector<16xf32>,
    %swap3A_8 = arith.constant 16 : index
    %swap3A_9 = tpu.vector_load %arg13[%swap3A_8] {strides = array<i32>} : memref<64xf32, #tpu.memory_space<vmem>>, vector<16xf32>,
    tpu.vector_store %arg13[%swap3A_8], %broadcast_in_dim3A_1 {strides = array<i32>} : memref<64xf32, #tpu.memory_space<vmem>>, vector<16xf32>,
    %swap3A_10 = arith.constant 32 : index
    %swap3A_11 = tpu.vector_load %arg13[%swap3A_10] {strides = array<i32>} : memref<64xf32, #tpu.memory_space<vmem>>, vector<16xf32>,
    tpu.vector_store %arg13[%swap3A_10], %broadcast_in_dim3A_1 {strides = array<i32>} : memref<64xf32, #tpu.memory_space<vmem>>, vector<16xf32>,
    %swap3A_12 = arith.constant 48 : index
    %swap3A_13 = tpu.vector_load %arg13[%swap3A_12] {strides = array<i32>} : memref<64xf32, #tpu.memory_space<vmem>>, vector<16xf32>,
    tpu.vector_store %arg13[%swap3A_12], %broadcast_in_dim3A_1 {strides = array<i32>} : memref<64xf32, #tpu.memory_space<vmem>>, vector<16xf32>,
    %mul3A_14 = arith.constant 632 : i32
    %mul3A_15 = arith.muli %arg1, %mul3A_14 : i32
    %add3A_16 = arith.constant 0 : i32
    %add3A_17 = arith.addi %mul3A_15, %add3A_16 : i32
    "tpu.region"() ({
      %run_scoped3A_411 = tpu.sem_alloc : memref<!tpu.dma_semaphore, #tpu.memory_space<semaphore_mem>>
      %dma_start3A_412 = arith.constant 0 : i32
      %dma_start3A_413 = tpu.memref_slice %arg19[%add3A_17, %dma_start3A_412] : memref<10112x128xf32, #tpu.memory_space<vmem_shared>> -> memref<64x128xf32, #tpu.memory_space<vmem_shared>>
      %dma_start3A_414 = arith.constant 0 : i32
      %dma_start3A_415 = tpu.memref_slice %arg19[%add3A_17, %dma_start3A_414] : memref<10112x128xf32, #tpu.memory_space<vmem_shared>> -> memref<64x128xf32, #tpu.memory_space<vmem_shared>>
      tpu.enqueue_dma source(%arg16 : memref<64x128xf32, #tpu.memory_space<vmem>>) target(%dma_start3A_415 : memref<64x128xf32, #tpu.memory_space<vmem_shared>>) target_semaphore(%run_scoped3A_411 : memref<!tpu.dma_semaphore, #tpu.memory_space<semaphore_mem>>)
      %dma_wait3A_416 = arith.constant 0 : i32
      %dma_wait3A_417 = tpu.memref_slice %arg19[%add3A_17, %dma_wait3A_416] : memref<10112x128xf32, #tpu.memory_space<vmem_shared>> -> memref<64x128xf32, #tpu.memory_space<vmem_shared>>
      %dma_wait3A_418 = arith.constant 0 : i32
      %dma_wait3A_419 = tpu.memref_slice %arg19[%add3A_17, %dma_wait3A_418] : memref<10112x128xf32, #tpu.memory_space<vmem_shared>> -> memref<64x128xf32, #tpu.memory_space<vmem_shared>>
      tpu.wait_dma2 semaphore(%run_scoped3A_411 : memref<!tpu.dma_semaphore, #tpu.memory_space<semaphore_mem>>) src(%arg16 : memref<64x128xf32, #tpu.memory_space<vmem>>) dst(%dma_wait3A_419 : memref<64x128xf32, #tpu.memory_space<vmem_shared>>)
      tpu.yield
    }) : () -> ()
    %add3A_18 = arith.constant 0 : i32
    %add3A_19 = arith.addi %mul3A_15, %add3A_18 : i32
    "tpu.region"() ({
      %run_scoped3A_411 = tpu.sem_alloc : memref<!tpu.dma_semaphore, #tpu.memory_space<semaphore_mem>>
      %dma_start3A_412 = tpu.memref_slice %arg20[%add3A_19] : memref<10112xf32, #tpu.memory_space<vmem_shared>> -> memref<64xf32, #tpu.memory_space<vmem_shared>>
      %dma_start3A_413 = tpu.memref_slice %arg20[%add3A_19] : memref<10112xf32, #tpu.memory_space<vmem_shared>> -> memref<64xf32, #tpu.memory_space<vmem_shared>>
      tpu.enqueue_dma source(%arg13 : memref<64xf32, #tpu.memory_space<vmem>>) target(%dma_start3A_413 : memref<64xf32, #tpu.memory_space<vmem_shared>>) target_semaphore(%run_scoped3A_411 : memref<!tpu.dma_semaphore, #tpu.memory_space<semaphore_mem>>)
      %dma_wait3A_414 = tpu.memref_slice %arg20[%add3A_19] : memref<10112xf32, #tpu.memory_space<vmem_shared>> -> memref<64xf32, #tpu.memory_space<vmem_shared>>
      %dma_wait3A_415 = tpu.memref_slice %arg20[%add3A_19] : memref<10112xf32, #tpu.memory_space<vmem_shared>> -> memref<64xf32, #tpu.memory_space<vmem_shared>>
      tpu.wait_dma2 semaphore(%run_scoped3A_411 : memref<!tpu.dma_semaphore, #tpu.memory_space<semaphore_mem>>) src(%arg13 : memref<64xf32, #tpu.memory_space<vmem>>) dst(%dma_wait3A_415 : memref<64xf32, #tpu.memory_space<vmem_shared>>)
      tpu.yield
    }) : () -> ()
    %add3A_20 = arith.constant 64 : i32
    %add3A_21 = arith.addi %mul3A_15, %add3A_20 : i32
    "tpu.region"() ({
      %run_scoped3A_411 = tpu.sem_alloc : memref<!tpu.dma_semaphore, #tpu.memory_space<semaphore_mem>>
      %dma_start3A_412 = arith.constant 0 : i32
      %dma_start3A_413 = tpu.memref_slice %arg19[%add3A_21, %dma_start3A_412] : memref<10112x128xf32, #tpu.memory_space<vmem_shared>> -> memref<64x128xf32, #tpu.memory_space<vmem_shared>>
      %dma_start3A_414 = arith.constant 0 : i32
      %dma_start3A_415 = tpu.memref_slice %arg19[%add3A_21, %dma_start3A_414] : memref<10112x128xf32, #tpu.memory_space<vmem_shared>> -> memref<64x128xf32, #tpu.memory_space<vmem_shared>>
      tpu.enqueue_dma source(%arg16 : memref<64x128xf32, #tpu.memory_space<vmem>>) target(%dma_start3A_415 : memref<64x128xf32, #tpu.memory_space<vmem_shared>>) target_semaphore(%run_scoped3A_411 : memref<!tpu.dma_semaphore, #tpu.memory_space<semaphore_mem>>)
      %dma_wait3A_416 = arith.constant 0 : i32
      %dma_wait3A_417 = tpu.memref_slice %arg19[%add3A_21, %dma_wait3A_416] : memref<10112x128xf32, #tpu.memory_space<vmem_shared>> -> memref<64x128xf32, #tpu.memory_space<vmem_shared>>
      %dma_wait3A_418 = arith.constant 0 : i32
      %dma_wait3A_419 = tpu.memref_slice %arg19[%add3A_21, %dma_wait3A_418] : memref<10112x128xf32, #tpu.memory_space<vmem_shared>> -> memref<64x128xf32, #tpu.memory_space<vmem_shared>>
      tpu.wait_dma2 semaphore(%run_scoped3A_411 : memref<!tpu.dma_semaphore, #tpu.memory_space<semaphore_mem>>) src(%arg16 : memref<64x128xf32, #tpu.memory_space<vmem>>) dst(%dma_wait3A_419 : memref<64x128xf32, #tpu.memory_space<vmem_shared>>)
      tpu.yield
    }) : () -> ()
    %add3A_22 = arith.constant 64 : i32
    %add3A_23 = arith.addi %mul3A_15, %add3A_22 : i32
    "tpu.region"() ({
      %run_scoped3A_411 = tpu.sem_alloc : memref<!tpu.dma_semaphore, #tpu.memory_space<semaphore_mem>>
      %dma_start3A_412 = tpu.memref_slice %arg20[%add3A_23] : memref<10112xf32, #tpu.memory_space<vmem_shared>> -> memref<64xf32, #tpu.memory_space<vmem_shared>>
      %dma_start3A_413 = tpu.memref_slice %arg20[%add3A_23] : memref<10112xf32, #tpu.memory_space<vmem_shared>> -> memref<64xf32, #tpu.memory_space<vmem_shared>>
      tpu.enqueue_dma source(%arg13 : memref<64xf32, #tpu.memory_space<vmem>>) target(%dma_start3A_413 : memref<64xf32, #tpu.memory_space<vmem_shared>>) target_semaphore(%run_scoped3A_411 : memref<!tpu.dma_semaphore, #tpu.memory_space<semaphore_mem>>)
      %dma_wait3A_414 = tpu.memref_slice %arg20[%add3A_23] : memref<10112xf32, #tpu.memory_space<vmem_shared>> -> memref<64xf32, #tpu.memory_space<vmem_shared>>
      %dma_wait3A_415 = tpu.memref_slice %arg20[%add3A_23] : memref<10112xf32, #tpu.memory_space<vmem_shared>> -> memref<64xf32, #tpu.memory_space<vmem_shared>>
      tpu.wait_dma2 semaphore(%run_scoped3A_411 : memref<!tpu.dma_semaphore, #tpu.memory_space<semaphore_mem>>) src(%arg13 : memref<64xf32, #tpu.memory_space<vmem>>) dst(%dma_wait3A_415 : memref<64xf32, #tpu.memory_space<vmem_shared>>)
      tpu.yield
    }) : () -> ()
    %add3A_24 = arith.constant 128 : i32
    %add3A_25 = arith.addi %mul3A_15, %add3A_24 : i32
    "tpu.region"() ({
      %run_scoped3A_411 = tpu.sem_alloc : memref<!tpu.dma_semaphore, #tpu.memory_space<semaphore_mem>>
      %dma_start3A_412 = arith.constant 0 : i32
      %dma_start3A_413 = tpu.memref_slice %arg19[%add3A_25, %dma_start3A_412] : memref<10112x128xf32, #tpu.memory_space<vmem_shared>> -> memref<64x128xf32, #tpu.memory_space<vmem_shared>>
      %dma_start3A_414 = arith.constant 0 : i32
      %dma_start3A_415 = tpu.memref_slice %arg19[%add3A_25, %dma_start3A_414] : memref<10112x128xf32, #tpu.memory_space<vmem_shared>> -> memref<64x128xf32, #tpu.memory_space<vmem_shared>>
      tpu.enqueue_dma source(%arg16 : memref<64x128xf32, #tpu.memory_space<vmem>>) target(%dma_start3A_415 : memref<64x128xf32, #tpu.memory_space<vmem_shared>>) target_semaphore(%run_scoped3A_411 : memref<!tpu.dma_semaphore, #tpu.memory_space<semaphore_mem>>)
      %dma_wait3A_416 = arith.constant 0 : i32
      %dma_wait3A_417 = tpu.memref_slice %arg19[%add3A_25, %dma_wait3A_416] : memref<10112x128xf32, #tpu.memory_space<vmem_shared>> -> memref<64x128xf32, #tpu.memory_space<vmem_shared>>
      %dma_wait3A_418 = arith.constant 0 : i32
      %dma_wait3A_419 = tpu.memref_slice %arg19[%add3A_25, %dma_wait3A_418] : memref<10112x128xf32, #tpu.memory_space<vmem_shared>> -> memref<64x128xf32, #tpu.memory_space<vmem_shared>>
      tpu.wait_dma2 semaphore(%run_scoped3A_411 : memref<!tpu.dma_semaphore, #tpu.memory_space<semaphore_mem>>) src(%arg16 : memref<64x128xf32, #tpu.memory_space<vmem>>) dst(%dma_wait3A_419 : memref<64x128xf32, #tpu.memory_space<vmem_shared>>)
      tpu.yield
    }) : () -> ()
    %add3A_26 = arith.constant 128 : i32
    %add3A_27 = arith.addi %mul3A_15, %add3A_26 : i32
    "tpu.region"() ({
      %run_scoped3A_411 = tpu.sem_alloc : memref<!tpu.dma_semaphore, #tpu.memory_space<semaphore_mem>>
      %dma_start3A_412 = tpu.memref_slice %arg20[%add3A_27] : memref<10112xf32, #tpu.memory_space<vmem_shared>> -> memref<64xf32, #tpu.memory_space<vmem_shared>>
      %dma_start3A_413 = tpu.memref_slice %arg20[%add3A_27] : memref<10112xf32, #tpu.memory_space<vmem_shared>> -> memref<64xf32, #tpu.memory_space<vmem_shared>>
      tpu.enqueue_dma source(%arg13 : memref<64xf32, #tpu.memory_space<vmem>>) target(%dma_start3A_413 : memref<64xf32, #tpu.memory_space<vmem_shared>>) target_semaphore(%run_scoped3A_411 : memref<!tpu.dma_semaphore, #tpu.memory_space<semaphore_mem>>)
      %dma_wait3A_414 = tpu.memref_slice %arg20[%add3A_27] : memref<10112xf32, #tpu.memory_space<vmem_shared>> -> memref<64xf32, #tpu.memory_space<vmem_shared>>
      %dma_wait3A_415 = tpu.memref_slice %arg20[%add3A_27] : memref<10112xf32, #tpu.memory_space<vmem_shared>> -> memref<64xf32, #tpu.memory_space<vmem_shared>>
      tpu.wait_dma2 semaphore(%run_scoped3A_411 : memref<!tpu.dma_semaphore, #tpu.memory_space<semaphore_mem>>) src(%arg13 : memref<64xf32, #tpu.memory_space<vmem>>) dst(%dma_wait3A_415 : memref<64xf32, #tpu.memory_space<vmem_shared>>)
      tpu.yield
    }) : () -> ()
    %add3A_28 = arith.constant 192 : i32
    %add3A_29 = arith.addi %mul3A_15, %add3A_28 : i32
    "tpu.region"() ({
      %run_scoped3A_411 = tpu.sem_alloc : memref<!tpu.dma_semaphore, #tpu.memory_space<semaphore_mem>>
      %dma_start3A_412 = arith.constant 0 : i32
      %dma_start3A_413 = tpu.memref_slice %arg19[%add3A_29, %dma_start3A_412] : memref<10112x128xf32, #tpu.memory_space<vmem_shared>> -> memref<64x128xf32, #tpu.memory_space<vmem_shared>>
      %dma_start3A_414 = arith.constant 0 : i32
      %dma_start3A_415 = tpu.memref_slice %arg19[%add3A_29, %dma_start3A_414] : memref<10112x128xf32, #tpu.memory_space<vmem_shared>> -> memref<64x128xf32, #tpu.memory_space<vmem_shared>>
      tpu.enqueue_dma source(%arg16 : memref<64x128xf32, #tpu.memory_space<vmem>>) target(%dma_start3A_415 : memref<64x128xf32, #tpu.memory_space<vmem_shared>>) target_semaphore(%run_scoped3A_411 : memref<!tpu.dma_semaphore, #tpu.memory_space<semaphore_mem>>)
      %dma_wait3A_416 = arith.constant 0 : i32
      %dma_wait3A_417 = tpu.memref_slice %arg19[%add3A_29, %dma_wait3A_416] : memref<10112x128xf32, #tpu.memory_space<vmem_shared>> -> memref<64x128xf32, #tpu.memory_space<vmem_shared>>
      %dma_wait3A_418 = arith.constant 0 : i32
      %dma_wait3A_419 = tpu.memref_slice %arg19[%add3A_29, %dma_wait3A_418] : memref<10112x128xf32, #tpu.memory_space<vmem_shared>> -> memref<64x128xf32, #tpu.memory_space<vmem_shared>>
      tpu.wait_dma2 semaphore(%run_scoped3A_411 : memref<!tpu.dma_semaphore, #tpu.memory_space<semaphore_mem>>) src(%arg16 : memref<64x128xf32, #tpu.memory_space<vmem>>) dst(%dma_wait3A_419 : memref<64x128xf32, #tpu.memory_space<vmem_shared>>)
      tpu.yield
    }) : () -> ()
    %add3A_30 = arith.constant 192 : i32
    %add3A_31 = arith.addi %mul3A_15, %add3A_30 : i32
    "tpu.region"() ({
      %run_scoped3A_411 = tpu.sem_alloc : memref<!tpu.dma_semaphore, #tpu.memory_space<semaphore_mem>>
      %dma_start3A_412 = tpu.memref_slice %arg20[%add3A_31] : memref<10112xf32, #tpu.memory_space<vmem_shared>> -> memref<64xf32, #tpu.memory_space<vmem_shared>>
      %dma_start3A_413 = tpu.memref_slice %arg20[%add3A_31] : memref<10112xf32, #tpu.memory_space<vmem_shared>> -> memref<64xf32, #tpu.memory_space<vmem_shared>>
      tpu.enqueue_dma source(%arg13 : memref<64xf32, #tpu.memory_space<vmem>>) target(%dma_start3A_413 : memref<64xf32, #tpu.memory_space<vmem_shared>>) target_semaphore(%run_scoped3A_411 : memref<!tpu.dma_semaphore, #tpu.memory_space<semaphore_mem>>)
      %dma_wait3A_414 = tpu.memref_slice %arg20[%add3A_31] : memref<10112xf32, #tpu.memory_space<vmem_shared>> -> memref<64xf32, #tpu.memory_space<vmem_shared>>
      %dma_wait3A_415 = tpu.memref_slice %arg20[%add3A_31] : memref<10112xf32, #tpu.memory_space<vmem_shared>> -> memref<64xf32, #tpu.memory_space<vmem_shared>>
      tpu.wait_dma2 semaphore(%run_scoped3A_411 : memref<!tpu.dma_semaphore, #tpu.memory_space<semaphore_mem>>) src(%arg13 : memref<64xf32, #tpu.memory_space<vmem>>) dst(%dma_wait3A_415 : memref<64xf32, #tpu.memory_space<vmem_shared>>)
      tpu.yield
    }) : () -> ()
    %add3A_32 = arith.constant 256 : i32
    %add3A_33 = arith.addi %mul3A_15, %add3A_32 : i32
    "tpu.region"() ({
      %run_scoped3A_411 = tpu.sem_alloc : memref<!tpu.dma_semaphore, #tpu.memory_space<semaphore_mem>>
      %dma_start3A_412 = arith.constant 0 : i32
      %dma_start3A_413 = tpu.memref_slice %arg19[%add3A_33, %dma_start3A_412] : memref<10112x128xf32, #tpu.memory_space<vmem_shared>> -> memref<64x128xf32, #tpu.memory_space<vmem_shared>>
      %dma_start3A_414 = arith.constant 0 : i32
      %dma_start3A_415 = tpu.memref_slice %arg19[%add3A_33, %dma_start3A_414] : memref<10112x128xf32, #tpu.memory_space<vmem_shared>> -> memref<64x128xf32, #tpu.memory_space<vmem_shared>>
      tpu.enqueue_dma source(%arg16 : memref<64x128xf32, #tpu.memory_space<vmem>>) target(%dma_start3A_415 : memref<64x128xf32, #tpu.memory_space<vmem_shared>>) target_semaphore(%run_scoped3A_411 : memref<!tpu.dma_semaphore, #tpu.memory_space<semaphore_mem>>)
      %dma_wait3A_416 = arith.constant 0 : i32
      %dma_wait3A_417 = tpu.memref_slice %arg19[%add3A_33, %dma_wait3A_416] : memref<10112x128xf32, #tpu.memory_space<vmem_shared>> -> memref<64x128xf32, #tpu.memory_space<vmem_shared>>
      %dma_wait3A_418 = arith.constant 0 : i32
      %dma_wait3A_419 = tpu.memref_slice %arg19[%add3A_33, %dma_wait3A_418] : memref<10112x128xf32, #tpu.memory_space<vmem_shared>> -> memref<64x128xf32, #tpu.memory_space<vmem_shared>>
      tpu.wait_dma2 semaphore(%run_scoped3A_411 : memref<!tpu.dma_semaphore, #tpu.memory_space<semaphore_mem>>) src(%arg16 : memref<64x128xf32, #tpu.memory_space<vmem>>) dst(%dma_wait3A_419 : memref<64x128xf32, #tpu.memory_space<vmem_shared>>)
      tpu.yield
    }) : () -> ()
    %add3A_34 = arith.constant 256 : i32
    %add3A_35 = arith.addi %mul3A_15, %add3A_34 : i32
    "tpu.region"() ({
      %run_scoped3A_411 = tpu.sem_alloc : memref<!tpu.dma_semaphore, #tpu.memory_space<semaphore_mem>>
      %dma_start3A_412 = tpu.memref_slice %arg20[%add3A_35] : memref<10112xf32, #tpu.memory_space<vmem_shared>> -> memref<64xf32, #tpu.memory_space<vmem_shared>>
      %dma_start3A_413 = tpu.memref_slice %arg20[%add3A_35] : memref<10112xf32, #tpu.memory_space<vmem_shared>> -> memref<64xf32, #tpu.memory_space<vmem_shared>>
      tpu.enqueue_dma source(%arg13 : memref<64xf32, #tpu.memory_space<vmem>>) target(%dma_start3A_413 : memref<64xf32, #tpu.memory_space<vmem_shared>>) target_semaphore(%run_scoped3A_411 : memref<!tpu.dma_semaphore, #tpu.memory_space<semaphore_mem>>)
      %dma_wait3A_414 = tpu.memref_slice %arg20[%add3A_35] : memref<10112xf32, #tpu.memory_space<vmem_shared>> -> memref<64xf32, #tpu.memory_space<vmem_shared>>
      %dma_wait3A_415 = tpu.memref_slice %arg20[%add3A_35] : memref<10112xf32, #tpu.memory_space<vmem_shared>> -> memref<64xf32, #tpu.memory_space<vmem_shared>>
      tpu.wait_dma2 semaphore(%run_scoped3A_411 : memref<!tpu.dma_semaphore, #tpu.memory_space<semaphore_mem>>) src(%arg13 : memref<64xf32, #tpu.memory_space<vmem>>) dst(%dma_wait3A_415 : memref<64xf32, #tpu.memory_space<vmem_shared>>)
      tpu.yield
    }) : () -> ()
    %add3A_36 = arith.constant 320 : i32
    %add3A_37 = arith.addi %mul3A_15, %add3A_36 : i32
    "tpu.region"() ({
      %run_scoped3A_411 = tpu.sem_alloc : memref<!tpu.dma_semaphore, #tpu.memory_space<semaphore_mem>>
      %dma_start3A_412 = arith.constant 0 : i32
      %dma_start3A_413 = tpu.memref_slice %arg19[%add3A_37, %dma_start3A_412] : memref<10112x128xf32, #tpu.memory_space<vmem_shared>> -> memref<64x128xf32, #tpu.memory_space<vmem_shared>>
      %dma_start3A_414 = arith.constant 0 : i32
      %dma_start3A_415 = tpu.memref_slice %arg19[%add3A_37, %dma_start3A_414] : memref<10112x128xf32, #tpu.memory_space<vmem_shared>> -> memref<64x128xf32, #tpu.memory_space<vmem_shared>>
      tpu.enqueue_dma source(%arg16 : memref<64x128xf32, #tpu.memory_space<vmem>>) target(%dma_start3A_415 : memref<64x128xf32, #tpu.memory_space<vmem_shared>>) target_semaphore(%run_scoped3A_411 : memref<!tpu.dma_semaphore, #tpu.memory_space<semaphore_mem>>)
      %dma_wait3A_416 = arith.constant 0 : i32
      %dma_wait3A_417 = tpu.memref_slice %arg19[%add3A_37, %dma_wait3A_416] : memref<10112x128xf32, #tpu.memory_space<vmem_shared>> -> memref<64x128xf32, #tpu.memory_space<vmem_shared>>
      %dma_wait3A_418 = arith.constant 0 : i32
      %dma_wait3A_419 = tpu.memref_slice %arg19[%add3A_37, %dma_wait3A_418] : memref<10112x128xf32, #tpu.memory_space<vmem_shared>> -> memref<64x128xf32, #tpu.memory_space<vmem_shared>>
      tpu.wait_dma2 semaphore(%run_scoped3A_411 : memref<!tpu.dma_semaphore, #tpu.memory_space<semaphore_mem>>) src(%arg16 : memref<64x128xf32, #tpu.memory_space<vmem>>) dst(%dma_wait3A_419 : memref<64x128xf32, #tpu.memory_space<vmem_shared>>)
      tpu.yield
    }) : () -> ()
    %add3A_38 = arith.constant 320 : i32
    %add3A_39 = arith.addi %mul3A_15, %add3A_38 : i32
    "tpu.region"() ({
      %run_scoped3A_411 = tpu.sem_alloc : memref<!tpu.dma_semaphore, #tpu.memory_space<semaphore_mem>>
      %dma_start3A_412 = tpu.memref_slice %arg20[%add3A_39] : memref<10112xf32, #tpu.memory_space<vmem_shared>> -> memref<64xf32, #tpu.memory_space<vmem_shared>>
      %dma_start3A_413 = tpu.memref_slice %arg20[%add3A_39] : memref<10112xf32, #tpu.memory_space<vmem_shared>> -> memref<64xf32, #tpu.memory_space<vmem_shared>>
      tpu.enqueue_dma source(%arg13 : memref<64xf32, #tpu.memory_space<vmem>>) target(%dma_start3A_413 : memref<64xf32, #tpu.memory_space<vmem_shared>>) target_semaphore(%run_scoped3A_411 : memref<!tpu.dma_semaphore, #tpu.memory_space<semaphore_mem>>)
      %dma_wait3A_414 = tpu.memref_slice %arg20[%add3A_39] : memref<10112xf32, #tpu.memory_space<vmem_shared>> -> memref<64xf32, #tpu.memory_space<vmem_shared>>
      %dma_wait3A_415 = tpu.memref_slice %arg20[%add3A_39] : memref<10112xf32, #tpu.memory_space<vmem_shared>> -> memref<64xf32, #tpu.memory_space<vmem_shared>>
      tpu.wait_dma2 semaphore(%run_scoped3A_411 : memref<!tpu.dma_semaphore, #tpu.memory_space<semaphore_mem>>) src(%arg13 : memref<64xf32, #tpu.memory_space<vmem>>) dst(%dma_wait3A_415 : memref<64xf32, #tpu.memory_space<vmem_shared>>)
      tpu.yield
    }) : () -> ()
    %add3A_40 = arith.constant 384 : i32
    %add3A_41 = arith.addi %mul3A_15, %add3A_40 : i32
    "tpu.region"() ({
      %run_scoped3A_411 = tpu.sem_alloc : memref<!tpu.dma_semaphore, #tpu.memory_space<semaphore_mem>>
      %dma_start3A_412 = arith.constant 0 : i32
      %dma_start3A_413 = tpu.memref_slice %arg19[%add3A_41, %dma_start3A_412] : memref<10112x128xf32, #tpu.memory_space<vmem_shared>> -> memref<64x128xf32, #tpu.memory_space<vmem_shared>>
      %dma_start3A_414 = arith.constant 0 : i32
      %dma_start3A_415 = tpu.memref_slice %arg19[%add3A_41, %dma_start3A_414] : memref<10112x128xf32, #tpu.memory_space<vmem_shared>> -> memref<64x128xf32, #tpu.memory_space<vmem_shared>>
      tpu.enqueue_dma source(%arg16 : memref<64x128xf32, #tpu.memory_space<vmem>>) target(%dma_start3A_415 : memref<64x128xf32, #tpu.memory_space<vmem_shared>>) target_semaphore(%run_scoped3A_411 : memref<!tpu.dma_semaphore, #tpu.memory_space<semaphore_mem>>)
      %dma_wait3A_416 = arith.constant 0 : i32
      %dma_wait3A_417 = tpu.memref_slice %arg19[%add3A_41, %dma_wait3A_416] : memref<10112x128xf32, #tpu.memory_space<vmem_shared>> -> memref<64x128xf32, #tpu.memory_space<vmem_shared>>
      %dma_wait3A_418 = arith.constant 0 : i32
      %dma_wait3A_419 = tpu.memref_slice %arg19[%add3A_41, %dma_wait3A_418] : memref<10112x128xf32, #tpu.memory_space<vmem_shared>> -> memref<64x128xf32, #tpu.memory_space<vmem_shared>>
      tpu.wait_dma2 semaphore(%run_scoped3A_411 : memref<!tpu.dma_semaphore, #tpu.memory_space<semaphore_mem>>) src(%arg16 : memref<64x128xf32, #tpu.memory_space<vmem>>) dst(%dma_wait3A_419 : memref<64x128xf32, #tpu.memory_space<vmem_shared>>)
      tpu.yield
    }) : () -> ()
    %add3A_42 = arith.constant 384 : i32
    %add3A_43 = arith.addi %mul3A_15, %add3A_42 : i32
    "tpu.region"() ({
      %run_scoped3A_411 = tpu.sem_alloc : memref<!tpu.dma_semaphore, #tpu.memory_space<semaphore_mem>>
      %dma_start3A_412 = tpu.memref_slice %arg20[%add3A_43] : memref<10112xf32, #tpu.memory_space<vmem_shared>> -> memref<64xf32, #tpu.memory_space<vmem_shared>>
      %dma_start3A_413 = tpu.memref_slice %arg20[%add3A_43] : memref<10112xf32, #tpu.memory_space<vmem_shared>> -> memref<64xf32, #tpu.memory_space<vmem_shared>>
      tpu.enqueue_dma source(%arg13 : memref<64xf32, #tpu.memory_space<vmem>>) target(%dma_start3A_413 : memref<64xf32, #tpu.memory_space<vmem_shared>>) target_semaphore(%run_scoped3A_411 : memref<!tpu.dma_semaphore, #tpu.memory_space<semaphore_mem>>)
      %dma_wait3A_414 = tpu.memref_slice %arg20[%add3A_43] : memref<10112xf32, #tpu.memory_space<vmem_shared>> -> memref<64xf32, #tpu.memory_space<vmem_shared>>
      %dma_wait3A_415 = tpu.memref_slice %arg20[%add3A_43] : memref<10112xf32, #tpu.memory_space<vmem_shared>> -> memref<64xf32, #tpu.memory_space<vmem_shared>>
      tpu.wait_dma2 semaphore(%run_scoped3A_411 : memref<!tpu.dma_semaphore, #tpu.memory_space<semaphore_mem>>) src(%arg13 : memref<64xf32, #tpu.memory_space<vmem>>) dst(%dma_wait3A_415 : memref<64xf32, #tpu.memory_space<vmem_shared>>)
      tpu.yield
    }) : () -> ()
    %add3A_44 = arith.constant 448 : i32
    %add3A_45 = arith.addi %mul3A_15, %add3A_44 : i32
    "tpu.region"() ({
      %run_scoped3A_411 = tpu.sem_alloc : memref<!tpu.dma_semaphore, #tpu.memory_space<semaphore_mem>>
      %dma_start3A_412 = arith.constant 0 : i32
      %dma_start3A_413 = tpu.memref_slice %arg19[%add3A_45, %dma_start3A_412] : memref<10112x128xf32, #tpu.memory_space<vmem_shared>> -> memref<64x128xf32, #tpu.memory_space<vmem_shared>>
      %dma_start3A_414 = arith.constant 0 : i32
      %dma_start3A_415 = tpu.memref_slice %arg19[%add3A_45, %dma_start3A_414] : memref<10112x128xf32, #tpu.memory_space<vmem_shared>> -> memref<64x128xf32, #tpu.memory_space<vmem_shared>>
      tpu.enqueue_dma source(%arg16 : memref<64x128xf32, #tpu.memory_space<vmem>>) target(%dma_start3A_415 : memref<64x128xf32, #tpu.memory_space<vmem_shared>>) target_semaphore(%run_scoped3A_411 : memref<!tpu.dma_semaphore, #tpu.memory_space<semaphore_mem>>)
      %dma_wait3A_416 = arith.constant 0 : i32
      %dma_wait3A_417 = tpu.memref_slice %arg19[%add3A_45, %dma_wait3A_416] : memref<10112x128xf32, #tpu.memory_space<vmem_shared>> -> memref<64x128xf32, #tpu.memory_space<vmem_shared>>
      %dma_wait3A_418 = arith.constant 0 : i32
      %dma_wait3A_419 = tpu.memref_slice %arg19[%add3A_45, %dma_wait3A_418] : memref<10112x128xf32, #tpu.memory_space<vmem_shared>> -> memref<64x128xf32, #tpu.memory_space<vmem_shared>>
      tpu.wait_dma2 semaphore(%run_scoped3A_411 : memref<!tpu.dma_semaphore, #tpu.memory_space<semaphore_mem>>) src(%arg16 : memref<64x128xf32, #tpu.memory_space<vmem>>) dst(%dma_wait3A_419 : memref<64x128xf32, #tpu.memory_space<vmem_shared>>)
      tpu.yield
    }) : () -> ()
    %add3A_46 = arith.constant 448 : i32
    %add3A_47 = arith.addi %mul3A_15, %add3A_46 : i32
    "tpu.region"() ({
      %run_scoped3A_411 = tpu.sem_alloc : memref<!tpu.dma_semaphore, #tpu.memory_space<semaphore_mem>>
      %dma_start3A_412 = tpu.memref_slice %arg20[%add3A_47] : memref<10112xf32, #tpu.memory_space<vmem_shared>> -> memref<64xf32, #tpu.memory_space<vmem_shared>>
      %dma_start3A_413 = tpu.memref_slice %arg20[%add3A_47] : memref<10112xf32, #tpu.memory_space<vmem_shared>> -> memref<64xf32, #tpu.memory_space<vmem_shared>>
      tpu.enqueue_dma source(%arg13 : memref<64xf32, #tpu.memory_space<vmem>>) target(%dma_start3A_413 : memref<64xf32, #tpu.memory_space<vmem_shared>>) target_semaphore(%run_scoped3A_411 : memref<!tpu.dma_semaphore, #tpu.memory_space<semaphore_mem>>)
      %dma_wait3A_414 = tpu.memref_slice %arg20[%add3A_47] : memref<10112xf32, #tpu.memory_space<vmem_shared>> -> memref<64xf32, #tpu.memory_space<vmem_shared>>
      %dma_wait3A_415 = tpu.memref_slice %arg20[%add3A_47] : memref<10112xf32, #tpu.memory_space<vmem_shared>> -> memref<64xf32, #tpu.memory_space<vmem_shared>>
      tpu.wait_dma2 semaphore(%run_scoped3A_411 : memref<!tpu.dma_semaphore, #tpu.memory_space<semaphore_mem>>) src(%arg13 : memref<64xf32, #tpu.memory_space<vmem>>) dst(%dma_wait3A_415 : memref<64xf32, #tpu.memory_space<vmem_shared>>)
      tpu.yield
    }) : () -> ()
    %add3A_48 = arith.constant 512 : i32
    %add3A_49 = arith.addi %mul3A_15, %add3A_48 : i32
    "tpu.region"() ({
      %run_scoped3A_411 = tpu.sem_alloc : memref<!tpu.dma_semaphore, #tpu.memory_space<semaphore_mem>>
      %dma_start3A_412 = arith.constant 0 : i32
      %dma_start3A_413 = tpu.memref_slice %arg19[%add3A_49, %dma_start3A_412] : memref<10112x128xf32, #tpu.memory_space<vmem_shared>> -> memref<64x128xf32, #tpu.memory_space<vmem_shared>>
      %dma_start3A_414 = arith.constant 0 : i32
      %dma_start3A_415 = tpu.memref_slice %arg19[%add3A_49, %dma_start3A_414] : memref<10112x128xf32, #tpu.memory_space<vmem_shared>> -> memref<64x128xf32, #tpu.memory_space<vmem_shared>>
      tpu.enqueue_dma source(%arg16 : memref<64x128xf32, #tpu.memory_space<vmem>>) target(%dma_start3A_415 : memref<64x128xf32, #tpu.memory_space<vmem_shared>>) target_semaphore(%run_scoped3A_411 : memref<!tpu.dma_semaphore, #tpu.memory_space<semaphore_mem>>)
      %dma_wait3A_416 = arith.constant 0 : i32
      %dma_wait3A_417 = tpu.memref_slice %arg19[%add3A_49, %dma_wait3A_416] : memref<10112x128xf32, #tpu.memory_space<vmem_shared>> -> memref<64x128xf32, #tpu.memory_space<vmem_shared>>
      %dma_wait3A_418 = arith.constant 0 : i32
      %dma_wait3A_419 = tpu.memref_slice %arg19[%add3A_49, %dma_wait3A_418] : memref<10112x128xf32, #tpu.memory_space<vmem_shared>> -> memref<64x128xf32, #tpu.memory_space<vmem_shared>>
      tpu.wait_dma2 semaphore(%run_scoped3A_411 : memref<!tpu.dma_semaphore, #tpu.memory_space<semaphore_mem>>) src(%arg16 : memref<64x128xf32, #tpu.memory_space<vmem>>) dst(%dma_wait3A_419 : memref<64x128xf32, #tpu.memory_space<vmem_shared>>)
      tpu.yield
    }) : () -> ()
    %add3A_50 = arith.constant 512 : i32
    %add3A_51 = arith.addi %mul3A_15, %add3A_50 : i32
    "tpu.region"() ({
      %run_scoped3A_411 = tpu.sem_alloc : memref<!tpu.dma_semaphore, #tpu.memory_space<semaphore_mem>>
      %dma_start3A_412 = tpu.memref_slice %arg20[%add3A_51] : memref<10112xf32, #tpu.memory_space<vmem_shared>> -> memref<64xf32, #tpu.memory_space<vmem_shared>>
      %dma_start3A_413 = tpu.memref_slice %arg20[%add3A_51] : memref<10112xf32, #tpu.memory_space<vmem_shared>> -> memref<64xf32, #tpu.memory_space<vmem_shared>>
      tpu.enqueue_dma source(%arg13 : memref<64xf32, #tpu.memory_space<vmem>>) target(%dma_start3A_413 : memref<64xf32, #tpu.memory_space<vmem_shared>>) target_semaphore(%run_scoped3A_411 : memref<!tpu.dma_semaphore, #tpu.memory_space<semaphore_mem>>)
      %dma_wait3A_414 = tpu.memref_slice %arg20[%add3A_51] : memref<10112xf32, #tpu.memory_space<vmem_shared>> -> memref<64xf32, #tpu.memory_space<vmem_shared>>
      %dma_wait3A_415 = tpu.memref_slice %arg20[%add3A_51] : memref<10112xf32, #tpu.memory_space<vmem_shared>> -> memref<64xf32, #tpu.memory_space<vmem_shared>>
      tpu.wait_dma2 semaphore(%run_scoped3A_411 : memref<!tpu.dma_semaphore, #tpu.memory_space<semaphore_mem>>) src(%arg13 : memref<64xf32, #tpu.memory_space<vmem>>) dst(%dma_wait3A_415 : memref<64xf32, #tpu.memory_space<vmem_shared>>)
      tpu.yield
    }) : () -> ()
    %add3A_52 = arith.constant 576 : i32
    %add3A_53 = arith.addi %mul3A_15, %add3A_52 : i32
    "tpu.region"() ({
      %run_scoped3A_411 = tpu.sem_alloc : memref<!tpu.dma_semaphore, #tpu.memory_space<semaphore_mem>>
      %dma_start3A_412 = arith.constant 0 : i32
      %dma_start3A_413 = arith.constant 0 : i32
      %dma_start3A_414 = tpu.memref_slice %arg16[%dma_start3A_412, %dma_start3A_413] : memref<64x128xf32, #tpu.memory_space<vmem>> -> memref<56x128xf32, #tpu.memory_space<vmem>>
      %dma_start3A_415 = arith.constant 0 : i32
      %dma_start3A_416 = tpu.memref_slice %arg19[%add3A_53, %dma_start3A_415] : memref<10112x128xf32, #tpu.memory_space<vmem_shared>> -> memref<56x128xf32, #tpu.memory_space<vmem_shared>>
      %dma_start3A_417 = arith.constant 0 : i32
      %dma_start3A_418 = tpu.memref_slice %arg19[%add3A_53, %dma_start3A_417] : memref<10112x128xf32, #tpu.memory_space<vmem_shared>> -> memref<56x128xf32, #tpu.memory_space<vmem_shared>>
      %dma_start3A_419 = arith.constant 0 : i32
      %dma_start3A_420 = arith.constant 0 : i32
      %dma_start3A_421 = tpu.memref_slice %arg16[%dma_start3A_419, %dma_start3A_420] : memref<64x128xf32, #tpu.memory_space<vmem>> -> memref<56x128xf32, #tpu.memory_space<vmem>>
      tpu.enqueue_dma source(%dma_start3A_421 : memref<56x128xf32, #tpu.memory_space<vmem>>) target(%dma_start3A_418 : memref<56x128xf32, #tpu.memory_space<vmem_shared>>) target_semaphore(%run_scoped3A_411 : memref<!tpu.dma_semaphore, #tpu.memory_space<semaphore_mem>>)
      %dma_wait3A_422 = arith.constant 0 : i32
      %dma_wait3A_423 = arith.constant 0 : i32
      %dma_wait3A_424 = tpu.memref_slice %arg16[%dma_wait3A_422, %dma_wait3A_423] : memref<64x128xf32, #tpu.memory_space<vmem>> -> memref<56x128xf32, #tpu.memory_space<vmem>>
      %dma_wait3A_425 = arith.constant 0 : i32
      %dma_wait3A_426 = tpu.memref_slice %arg19[%add3A_53, %dma_wait3A_425] : memref<10112x128xf32, #tpu.memory_space<vmem_shared>> -> memref<56x128xf32, #tpu.memory_space<vmem_shared>>
      %dma_wait3A_427 = arith.constant 0 : i32
      %dma_wait3A_428 = tpu.memref_slice %arg19[%add3A_53, %dma_wait3A_427] : memref<10112x128xf32, #tpu.memory_space<vmem_shared>> -> memref<56x128xf32, #tpu.memory_space<vmem_shared>>
      %dma_wait3A_429 = arith.constant 0 : i32
      %dma_wait3A_430 = arith.constant 0 : i32
      %dma_wait3A_431 = tpu.memref_slice %arg16[%dma_wait3A_429, %dma_wait3A_430] : memref<64x128xf32, #tpu.memory_space<vmem>> -> memref<56x128xf32, #tpu.memory_space<vmem>>
      tpu.wait_dma2 semaphore(%run_scoped3A_411 : memref<!tpu.dma_semaphore, #tpu.memory_space<semaphore_mem>>) src(%dma_wait3A_431 : memref<56x128xf32, #tpu.memory_space<vmem>>) dst(%dma_wait3A_428 : memref<56x128xf32, #tpu.memory_space<vmem_shared>>)
      tpu.yield
    }) : () -> ()
    %add3A_54 = arith.constant 576 : i32
    %add3A_55 = arith.addi %mul3A_15, %add3A_54 : i32
    "tpu.region"() ({
      %run_scoped3A_411 = tpu.sem_alloc : memref<!tpu.dma_semaphore, #tpu.memory_space<semaphore_mem>>
      %dma_start3A_412 = arith.constant 0 : i32
      %dma_start3A_413 = tpu.memref_slice %arg13[%dma_start3A_412] : memref<64xf32, #tpu.memory_space<vmem>> -> memref<56xf32, #tpu.memory_space<vmem>>
      %dma_start3A_414 = tpu.memref_slice %arg20[%add3A_55] : memref<10112xf32, #tpu.memory_space<vmem_shared>> -> memref<56xf32, #tpu.memory_space<vmem_shared>>
      %dma_start3A_415 = tpu.memref_slice %arg20[%add3A_55] : memref<10112xf32, #tpu.memory_space<vmem_shared>> -> memref<56xf32, #tpu.memory_space<vmem_shared>>
      %dma_start3A_416 = arith.constant 0 : i32
      %dma_start3A_417 = tpu.memref_slice %arg13[%dma_start3A_416] : memref<64xf32, #tpu.memory_space<vmem>> -> memref<56xf32, #tpu.memory_space<vmem>>
      tpu.enqueue_dma source(%dma_start3A_417 : memref<56xf32, #tpu.memory_space<vmem>>) target(%dma_start3A_415 : memref<56xf32, #tpu.memory_space<vmem_shared>>) target_semaphore(%run_scoped3A_411 : memref<!tpu.dma_semaphore, #tpu.memory_space<semaphore_mem>>)
      %dma_wait3A_418 = arith.constant 0 : i32
      %dma_wait3A_419 = tpu.memref_slice %arg13[%dma_wait3A_418] : memref<64xf32, #tpu.memory_space<vmem>> -> memref<56xf32, #tpu.memory_space<vmem>>
      %dma_wait3A_420 = tpu.memref_slice %arg20[%add3A_55] : memref<10112xf32, #tpu.memory_space<vmem_shared>> -> memref<56xf32, #tpu.memory_space<vmem_shared>>
      %dma_wait3A_421 = tpu.memref_slice %arg20[%add3A_55] : memref<10112xf32, #tpu.memory_space<vmem_shared>> -> memref<56xf32, #tpu.memory_space<vmem_shared>>
      %dma_wait3A_422 = arith.constant 0 : i32
      %dma_wait3A_423 = tpu.memref_slice %arg13[%dma_wait3A_422] : memref<64xf32, #tpu.memory_space<vmem>> -> memref<56xf32, #tpu.memory_space<vmem>>
      tpu.wait_dma2 semaphore(%run_scoped3A_411 : memref<!tpu.dma_semaphore, #tpu.memory_space<semaphore_mem>>) src(%dma_wait3A_423 : memref<56xf32, #tpu.memory_space<vmem>>) dst(%dma_wait3A_421 : memref<56xf32, #tpu.memory_space<vmem_shared>>)
      tpu.yield
    }) : () -> ()
    %barrier3A = arith.constant 0 : index
    tpu.barrier barrier_id(%barrier3A)
    %add3A_56 = arith.constant 0 : i32
    %add3A_57 = arith.addi %add3A, %add3A_56 : i32
    %mul3A_58 = arith.constant 64 : i32
    %mul3A_59 = arith.muli %add3A_57, %mul3A_58 : i32
    "tpu.region"() ({
      %run_scoped3A_411 = tpu.sem_alloc : memref<!tpu.dma_semaphore, #tpu.memory_space<semaphore_mem>>
      %dma_start3A_412 = arith.constant 0 : i32
      %dma_start3A_413 = tpu.memref_slice %arg5[%dma_start3A_412, %mul3A_59] : memref<2x325632xi32, #tpu.memory_space<hbm>> -> memref<2x64xi32, #tpu.memory_space<hbm>>
      %dma_start3A_414 = arith.constant 0 : i32
      %dma_start3A_415 = tpu.memref_slice %arg5[%dma_start3A_414, %mul3A_59] : memref<2x325632xi32, #tpu.memory_space<hbm>> -> memref<2x64xi32, #tpu.memory_space<hbm>>
      tpu.enqueue_dma source(%dma_start3A_415 : memref<2x64xi32, #tpu.memory_space<hbm>>) target(%arg10 : memref<2x64xi32, #tpu.memory_space<vmem>>) target_semaphore(%run_scoped3A_411 : memref<!tpu.dma_semaphore, #tpu.memory_space<semaphore_mem>>)
      %dma_wait3A_416 = arith.constant 0 : i32
      %dma_wait3A_417 = tpu.memref_slice %arg5[%dma_wait3A_416, %mul3A_59] : memref<2x325632xi32, #tpu.memory_space<hbm>> -> memref<2x64xi32, #tpu.memory_space<hbm>>
      %dma_wait3A_418 = arith.constant 0 : i32
      %dma_wait3A_419 = tpu.memref_slice %arg5[%dma_wait3A_418, %mul3A_59] : memref<2x325632xi32, #tpu.memory_space<hbm>> -> memref<2x64xi32, #tpu.memory_space<hbm>>
      tpu.wait_dma2 semaphore(%run_scoped3A_411 : memref<!tpu.dma_semaphore, #tpu.memory_space<semaphore_mem>>) src(%dma_wait3A_419 : memref<2x64xi32, #tpu.memory_space<hbm>>) dst(%arg10 : memref<2x64xi32, #tpu.memory_space<vmem>>)
      tpu.yield
    }) : () -> ()
    %dma_start3A = arith.constant 0 : i32
    %dma_start3A_60 = arith.constant 0 : i32
    %dma_start3A_61 = tpu.memref_slice %arg10[%dma_start3A, %dma_start3A_60] : memref<2x64xi32, #tpu.memory_space<vmem>> -> memref<1x64xi32, #tpu.memory_space<vmem>>
    %dma_start3A_62 = tpu.memref_squeeze %dma_start3A_61 : memref<1x64xi32, #tpu.memory_space<vmem>> -> memref<64xi32, #tpu.memory_space<vmem>>
    %dma_start3A_63 = arith.constant 0 : i32
    %dma_start3A_64 = arith.constant 0 : i32
    %dma_start3A_65 = tpu.memref_slice %arg2[%dma_start3A_63, %dma_start3A_64] : memref<10240x128xf32, #tpu.memory_space<hbm>> -> memref<10240x128xf32, #tpu.memory_space<hbm>>
    tpu.enqueue_indirect_dma source(%dma_start3A_65 : memref<10240x128xf32, #tpu.memory_space<hbm>>) target(%arg16 : memref<64x128xf32, #tpu.memory_space<vmem>>) offsets(%dma_start3A_62 : memref<64xi32, #tpu.memory_space<vmem>>) semaphore(%arg21 : memref<!tpu.dma_semaphore, #tpu.memory_space<semaphore_mem>>)
    %add3A_66 = arith.constant 32 : i32
    %add3A_67 = arith.addi %add3A, %add3A_66 : i32
    %mul3A_68 = arith.constant 64 : i32
    %mul3A_69 = arith.muli %add3A_67, %mul3A_68 : i32
    "tpu.region"() ({
      %run_scoped3A_411 = tpu.sem_alloc : memref<!tpu.dma_semaphore, #tpu.memory_space<semaphore_mem>>
      %dma_start3A_412 = arith.constant 0 : i32
      %dma_start3A_413 = tpu.memref_slice %arg5[%dma_start3A_412, %mul3A_69] : memref<2x325632xi32, #tpu.memory_space<hbm>> -> memref<2x64xi32, #tpu.memory_space<hbm>>
      %dma_start3A_414 = arith.constant 0 : i32
      %dma_start3A_415 = tpu.memref_slice %arg5[%dma_start3A_414, %mul3A_69] : memref<2x325632xi32, #tpu.memory_space<hbm>> -> memref<2x64xi32, #tpu.memory_space<hbm>>
      tpu.enqueue_dma source(%dma_start3A_415 : memref<2x64xi32, #tpu.memory_space<hbm>>) target(%arg11 : memref<2x64xi32, #tpu.memory_space<vmem>>) target_semaphore(%run_scoped3A_411 : memref<!tpu.dma_semaphore, #tpu.memory_space<semaphore_mem>>)
      %dma_wait3A_416 = arith.constant 0 : i32
      %dma_wait3A_417 = tpu.memref_slice %arg5[%dma_wait3A_416, %mul3A_69] : memref<2x325632xi32, #tpu.memory_space<hbm>> -> memref<2x64xi32, #tpu.memory_space<hbm>>
      %dma_wait3A_418 = arith.constant 0 : i32
      %dma_wait3A_419 = tpu.memref_slice %arg5[%dma_wait3A_418, %mul3A_69] : memref<2x325632xi32, #tpu.memory_space<hbm>> -> memref<2x64xi32, #tpu.memory_space<hbm>>
      tpu.wait_dma2 semaphore(%run_scoped3A_411 : memref<!tpu.dma_semaphore, #tpu.memory_space<semaphore_mem>>) src(%dma_wait3A_419 : memref<2x64xi32, #tpu.memory_space<hbm>>) dst(%arg11 : memref<2x64xi32, #tpu.memory_space<vmem>>)
      tpu.yield
    }) : () -> ()
    %dma_start3A_70 = arith.constant 0 : i32
    %dma_start3A_71 = arith.constant 0 : i32
    %dma_start3A_72 = tpu.memref_slice %arg11[%dma_start3A_70, %dma_start3A_71] : memref<2x64xi32, #tpu.memory_space<vmem>> -> memref<1x64xi32, #tpu.memory_space<vmem>>
    %dma_start3A_73 = tpu.memref_squeeze %dma_start3A_72 : memref<1x64xi32, #tpu.memory_space<vmem>> -> memref<64xi32, #tpu.memory_space<vmem>>
    %dma_start3A_74 = arith.constant 0 : i32
    %dma_start3A_75 = arith.constant 0 : i32
    %dma_start3A_76 = tpu.memref_slice %arg2[%dma_start3A_74, %dma_start3A_75] : memref<10240x128xf32, #tpu.memory_space<hbm>> -> memref<10240x128xf32, #tpu.memory_space<hbm>>
    tpu.enqueue_indirect_dma source(%dma_start3A_76 : memref<10240x128xf32, #tpu.memory_space<hbm>>) target(%arg17 : memref<64x128xf32, #tpu.memory_space<vmem>>) offsets(%dma_start3A_73 : memref<64xi32, #tpu.memory_space<vmem>>) semaphore(%arg22 : memref<!tpu.dma_semaphore, #tpu.memory_space<semaphore_mem>>)
    %dma_wait3A = arith.constant 0 : i32
    %dma_wait3A_77 = arith.constant 0 : i32
    %dma_wait3A_78 = tpu.memref_slice %arg10[%dma_wait3A, %dma_wait3A_77] : memref<2x64xi32, #tpu.memory_space<vmem>> -> memref<1x64xi32, #tpu.memory_space<vmem>>
    %dma_wait3A_79 = tpu.memref_squeeze %dma_wait3A_78 : memref<1x64xi32, #tpu.memory_space<vmem>> -> memref<64xi32, #tpu.memory_space<vmem>>
    %dma_wait3A_80 = arith.constant 0 : i32
    %dma_wait3A_81 = arith.constant 0 : i32
    %dma_wait3A_82 = tpu.memref_slice %arg2[%dma_wait3A_80, %dma_wait3A_81] : memref<10240x128xf32, #tpu.memory_space<hbm>> -> memref<10240x128xf32, #tpu.memory_space<hbm>>
    tpu.wait_indirect_dma semaphore(%arg21 : memref<!tpu.dma_semaphore, #tpu.memory_space<semaphore_mem>>) src(%dma_wait3A_82 : memref<10240x128xf32, #tpu.memory_space<hbm>>) dst(%arg16 : memref<64x128xf32, #tpu.memory_space<vmem>>)
    %get3A = arith.constant 0 : i32
    %get3A_83 = arith.index_cast %get3A : i32 to index
    %get3A_84 = arith.constant 0 : index
    %get3A_85 = tpu.vector_load %arg10[%get3A_83, %get3A_84] {strides = array<i32>} : memref<2x64xi32, #tpu.memory_space<vmem>>, vector<16xi32>,
    %get3A_86 = arith.constant 1 : i32
    %get3A_87 = arith.index_cast %get3A_86 : i32 to index
    %get3A_88 = arith.constant 0 : index
    %get3A_89 = tpu.vector_load %arg10[%get3A_87, %get3A_88] {strides = array<i32>} : memref<2x64xi32, #tpu.memory_space<vmem>>, vector<16xi32>,
    %gather3A = tpu.vector_load_idx %arg8[%get3A_85] : memref<10000xf32, #tpu.memory_space<vmem>>[vector<16xi32>], vector<16xf32>,
    %gather3A_90 = tpu.vector_load_idx %arg9[%get3A_89] : memref<10000xf32, #tpu.memory_space<vmem>>[vector<16xi32>], vector<16xf32>,
    %add3A_91 = arith.addf %gather3A, %gather3A_90 : vector<16xf32>
    %ge3A = arith.constant 0.000000e+00 : f32
    %ge3A_92 = vector.broadcast %ge3A : f32 to vector<16xf32>
    %ge3A_93 = arith.cmpf oge, %add3A_91, %ge3A_92 : vector<16xf32>
    %mul3A_94 = arith.constant 2.000000e-01 : f32
    %mul3A_95 = vector.broadcast %mul3A_94 : f32 to vector<16xf32>
    %mul3A_96 = arith.mulf %mul3A_95, %add3A_91 : vector<16xf32>
    %select_n3A = arith.select %ge3A_93, %add3A_91, %mul3A_96 : vector<16xi1>, vector<16xf32>
    %ne3A = arith.cmpi ne, %get3A_85, %get3A_89 : vector<16xi32>
    %exp3A = math.exp %select_n3A : vector<16xf32>
    %jit3A = arith.constant 0.000000e+00 : f32
    %broadcast_in_dim3A_97 = vector.broadcast %jit3A : f32 to vector<16xf32>
    %select_n3A_98 = arith.select %ne3A, %exp3A, %broadcast_in_dim3A_97 : vector<16xi1>, vector<16xf32>
    %swap3A_99 = arith.constant 0 : index
    %swap3A_100 = tpu.vector_load %arg13[%swap3A_99] {strides = array<i32>} : memref<64xf32, #tpu.memory_space<vmem>>, vector<16xf32>,
    tpu.vector_store %arg13[%swap3A_99], %select_n3A_98 {strides = array<i32>} : memref<64xf32, #tpu.memory_space<vmem>>, vector<16xf32>,
    %get3A_101 = arith.constant 0 : i32
    %get3A_102 = arith.index_cast %get3A_101 : i32 to index
    %get3A_103 = arith.constant 16 : index
    %get3A_104 = tpu.vector_load %arg10[%get3A_102, %get3A_103] {strides = array<i32>} : memref<2x64xi32, #tpu.memory_space<vmem>>, vector<16xi32>,
    %get3A_105 = arith.constant 1 : i32
    %get3A_106 = arith.index_cast %get3A_105 : i32 to index
    %get3A_107 = arith.constant 16 : index
    %get3A_108 = tpu.vector_load %arg10[%get3A_106, %get3A_107] {strides = array<i32>} : memref<2x64xi32, #tpu.memory_space<vmem>>, vector<16xi32>,
    %gather3A_109 = tpu.vector_load_idx %arg8[%get3A_104] : memref<10000xf32, #tpu.memory_space<vmem>>[vector<16xi32>], vector<16xf32>,
    %gather3A_110 = tpu.vector_load_idx %arg9[%get3A_108] : memref<10000xf32, #tpu.memory_space<vmem>>[vector<16xi32>], vector<16xf32>,
    %add3A_111 = arith.addf %gather3A_109, %gather3A_110 : vector<16xf32>
    %ge3A_112 = arith.constant 0.000000e+00 : f32
    %ge3A_113 = vector.broadcast %ge3A_112 : f32 to vector<16xf32>
    %ge3A_114 = arith.cmpf oge, %add3A_111, %ge3A_113 : vector<16xf32>
    %mul3A_115 = arith.constant 2.000000e-01 : f32
    %mul3A_116 = vector.broadcast %mul3A_115 : f32 to vector<16xf32>
    %mul3A_117 = arith.mulf %mul3A_116, %add3A_111 : vector<16xf32>
    %select_n3A_118 = arith.select %ge3A_114, %add3A_111, %mul3A_117 : vector<16xi1>, vector<16xf32>
    %ne3A_119 = arith.cmpi ne, %get3A_104, %get3A_108 : vector<16xi32>
    %exp3A_120 = math.exp %select_n3A_118 : vector<16xf32>
    %jit3A_121 = arith.constant 0.000000e+00 : f32
    %broadcast_in_dim3A_122 = vector.broadcast %jit3A_121 : f32 to vector<16xf32>
    %select_n3A_123 = arith.select %ne3A_119, %exp3A_120, %broadcast_in_dim3A_122 : vector<16xi1>, vector<16xf32>
    %swap3A_124 = arith.constant 16 : index
    %swap3A_125 = tpu.vector_load %arg13[%swap3A_124] {strides = array<i32>} : memref<64xf32, #tpu.memory_space<vmem>>, vector<16xf32>,
    tpu.vector_store %arg13[%swap3A_124], %select_n3A_123 {strides = array<i32>} : memref<64xf32, #tpu.memory_space<vmem>>, vector<16xf32>,
    %get3A_126 = arith.constant 0 : i32
    %get3A_127 = arith.index_cast %get3A_126 : i32 to index
    %get3A_128 = arith.constant 32 : index
    %get3A_129 = tpu.vector_load %arg10[%get3A_127, %get3A_128] {strides = array<i32>} : memref<2x64xi32, #tpu.memory_space<vmem>>, vector<16xi32>,
    %get3A_130 = arith.constant 1 : i32
    %get3A_131 = arith.index_cast %get3A_130 : i32 to index
    %get3A_132 = arith.constant 32 : index
    %get3A_133 = tpu.vector_load %arg10[%get3A_131, %get3A_132] {strides = array<i32>} : memref<2x64xi32, #tpu.memory_space<vmem>>, vector<16xi32>,
    %gather3A_134 = tpu.vector_load_idx %arg8[%get3A_129] : memref<10000xf32, #tpu.memory_space<vmem>>[vector<16xi32>], vector<16xf32>,
    %gather3A_135 = tpu.vector_load_idx %arg9[%get3A_133] : memref<10000xf32, #tpu.memory_space<vmem>>[vector<16xi32>], vector<16xf32>,
    %add3A_136 = arith.addf %gather3A_134, %gather3A_135 : vector<16xf32>
    %ge3A_137 = arith.constant 0.000000e+00 : f32
    %ge3A_138 = vector.broadcast %ge3A_137 : f32 to vector<16xf32>
    %ge3A_139 = arith.cmpf oge, %add3A_136, %ge3A_138 : vector<16xf32>
    %mul3A_140 = arith.constant 2.000000e-01 : f32
    %mul3A_141 = vector.broadcast %mul3A_140 : f32 to vector<16xf32>
    %mul3A_142 = arith.mulf %mul3A_141, %add3A_136 : vector<16xf32>
    %select_n3A_143 = arith.select %ge3A_139, %add3A_136, %mul3A_142 : vector<16xi1>, vector<16xf32>
    %ne3A_144 = arith.cmpi ne, %get3A_129, %get3A_133 : vector<16xi32>
    %exp3A_145 = math.exp %select_n3A_143 : vector<16xf32>
    %jit3A_146 = arith.constant 0.000000e+00 : f32
    %broadcast_in_dim3A_147 = vector.broadcast %jit3A_146 : f32 to vector<16xf32>
    %select_n3A_148 = arith.select %ne3A_144, %exp3A_145, %broadcast_in_dim3A_147 : vector<16xi1>, vector<16xf32>
    %swap3A_149 = arith.constant 32 : index
    %swap3A_150 = tpu.vector_load %arg13[%swap3A_149] {strides = array<i32>} : memref<64xf32, #tpu.memory_space<vmem>>, vector<16xf32>,
    tpu.vector_store %arg13[%swap3A_149], %select_n3A_148 {strides = array<i32>} : memref<64xf32, #tpu.memory_space<vmem>>, vector<16xf32>,
    %get3A_151 = arith.constant 0 : i32
    %get3A_152 = arith.index_cast %get3A_151 : i32 to index
    %get3A_153 = arith.constant 48 : index
    %get3A_154 = tpu.vector_load %arg10[%get3A_152, %get3A_153] {strides = array<i32>} : memref<2x64xi32, #tpu.memory_space<vmem>>, vector<16xi32>,
    %get3A_155 = arith.constant 1 : i32
    %get3A_156 = arith.index_cast %get3A_155 : i32 to index
    %get3A_157 = arith.constant 48 : index
    %get3A_158 = tpu.vector_load %arg10[%get3A_156, %get3A_157] {strides = array<i32>} : memref<2x64xi32, #tpu.memory_space<vmem>>, vector<16xi32>,
    %gather3A_159 = tpu.vector_load_idx %arg8[%get3A_154] : memref<10000xf32, #tpu.memory_space<vmem>>[vector<16xi32>], vector<16xf32>,
    %gather3A_160 = tpu.vector_load_idx %arg9[%get3A_158] : memref<10000xf32, #tpu.memory_space<vmem>>[vector<16xi32>], vector<16xf32>,
    %add3A_161 = arith.addf %gather3A_159, %gather3A_160 : vector<16xf32>
    %ge3A_162 = arith.constant 0.000000e+00 : f32
    %ge3A_163 = vector.broadcast %ge3A_162 : f32 to vector<16xf32>
    %ge3A_164 = arith.cmpf oge, %add3A_161, %ge3A_163 : vector<16xf32>
    %mul3A_165 = arith.constant 2.000000e-01 : f32
    %mul3A_166 = vector.broadcast %mul3A_165 : f32 to vector<16xf32>
    %mul3A_167 = arith.mulf %mul3A_166, %add3A_161 : vector<16xf32>
    %select_n3A_168 = arith.select %ge3A_164, %add3A_161, %mul3A_167 : vector<16xi1>, vector<16xf32>
    %ne3A_169 = arith.cmpi ne, %get3A_154, %get3A_158 : vector<16xi32>
    %exp3A_170 = math.exp %select_n3A_168 : vector<16xf32>
    %jit3A_171 = arith.constant 0.000000e+00 : f32
    %broadcast_in_dim3A_172 = vector.broadcast %jit3A_171 : f32 to vector<16xf32>
    %select_n3A_173 = arith.select %ne3A_169, %exp3A_170, %broadcast_in_dim3A_172 : vector<16xi1>, vector<16xf32>
    %swap3A_174 = arith.constant 48 : index
    %swap3A_175 = tpu.vector_load %arg13[%swap3A_174] {strides = array<i32>} : memref<64xf32, #tpu.memory_space<vmem>>, vector<16xf32>,
    tpu.vector_store %arg13[%swap3A_174], %select_n3A_173 {strides = array<i32>} : memref<64xf32, #tpu.memory_space<vmem>>, vector<16xf32>,
    %scan3A_176 = arith.constant 0 : i32
    %scan3A_177 = arith.constant 0 : i32
    %scan3A_178 = arith.constant 16 : i32
    %scan3A_179 = arith.addi %scan3A_177, %scan3A_178 : i32
    %scan3A_180 = arith.constant 1 : i32
    scf.for %scan3A_411 = %scan3A_177 to %scan3A_179 step %scan3A_180  : i32 {
      %mul3A_412 = arith.constant 4 : i32
      %mul3A_413 = arith.muli %scan3A_411, %mul3A_412 : i32
      %add3A_414 = arith.constant 0 : i32
      %add3A_415 = arith.addi %mul3A_413, %add3A_414 : i32
      %broadcast_in_dim3A_416 = arith.constant 0 : i32
      %broadcast_in_dim3A_417 = vector.broadcast %broadcast_in_dim3A_416 : i32 to vector<16xi32>
      %add3A_418 = vector.broadcast %add3A_415 : i32 to vector<16xi32>
      %add3A_419 = arith.addi %broadcast_in_dim3A_417, %add3A_418 : vector<16xi32>
      %gather3A_420 = tpu.vector_load_idx %arg13[%add3A_419] : memref<64xf32, #tpu.memory_space<vmem>>[vector<16xi32>], vector<16xf32>,
      %get3A_421 = arith.index_cast %add3A_415 : i32 to index
      %get3A_422 = arith.constant 0 : index
      %get3A_423 = tpu.vector_load %arg16[%get3A_421, %get3A_422] {strides = array<i32>} : memref<64x128xf32, #tpu.memory_space<vmem>>, vector<16xf32>,
      %mul3A_424 = arith.mulf %get3A_423, %gather3A_420 : vector<16xf32>
      %swap3A_425 = arith.index_cast %add3A_415 : i32 to index
      %swap3A_426 = arith.constant 0 : index
      %swap3A_427 = tpu.vector_load %arg16[%swap3A_425, %swap3A_426] {strides = array<i32>} : memref<64x128xf32, #tpu.memory_space<vmem>>, vector<16xf32>,
      tpu.vector_store %arg16[%swap3A_425, %swap3A_426], %mul3A_424 {strides = array<i32>} : memref<64x128xf32, #tpu.memory_space<vmem>>, vector<16xf32>,
      %get3A_428 = arith.index_cast %add3A_415 : i32 to index
      %get3A_429 = arith.constant 16 : index
      %get3A_430 = tpu.vector_load %arg16[%get3A_428, %get3A_429] {strides = array<i32>} : memref<64x128xf32, #tpu.memory_space<vmem>>, vector<16xf32>,
      %mul3A_431 = arith.mulf %get3A_430, %gather3A_420 : vector<16xf32>
      %swap3A_432 = arith.index_cast %add3A_415 : i32 to index
      %swap3A_433 = arith.constant 16 : index
      %swap3A_434 = tpu.vector_load %arg16[%swap3A_432, %swap3A_433] {strides = array<i32>} : memref<64x128xf32, #tpu.memory_space<vmem>>, vector<16xf32>,
      tpu.vector_store %arg16[%swap3A_432, %swap3A_433], %mul3A_431 {strides = array<i32>} : memref<64x128xf32, #tpu.memory_space<vmem>>, vector<16xf32>,
      %get3A_435 = arith.index_cast %add3A_415 : i32 to index
      %get3A_436 = arith.constant 32 : index
      %get3A_437 = tpu.vector_load %arg16[%get3A_435, %get3A_436] {strides = array<i32>} : memref<64x128xf32, #tpu.memory_space<vmem>>, vector<16xf32>,
      %mul3A_438 = arith.mulf %get3A_437, %gather3A_420 : vector<16xf32>
      %swap3A_439 = arith.index_cast %add3A_415 : i32 to index
      %swap3A_440 = arith.constant 32 : index
      %swap3A_441 = tpu.vector_load %arg16[%swap3A_439, %swap3A_440] {strides = array<i32>} : memref<64x128xf32, #tpu.memory_space<vmem>>, vector<16xf32>,
      tpu.vector_store %arg16[%swap3A_439, %swap3A_440], %mul3A_438 {strides = array<i32>} : memref<64x128xf32, #tpu.memory_space<vmem>>, vector<16xf32>,
      %get3A_442 = arith.index_cast %add3A_415 : i32 to index
      %get3A_443 = arith.constant 48 : index
      %get3A_444 = tpu.vector_load %arg16[%get3A_442, %get3A_443] {strides = array<i32>} : memref<64x128xf32, #tpu.memory_space<vmem>>, vector<16xf32>,
      %mul3A_445 = arith.mulf %get3A_444, %gather3A_420 : vector<16xf32>
      %swap3A_446 = arith.index_cast %add3A_415 : i32 to index
      %swap3A_447 = arith.constant 48 : index
      %swap3A_448 = tpu.vector_load %arg16[%swap3A_446, %swap3A_447] {strides = array<i32>} : memref<64x128xf32, #tpu.memory_space<vmem>>, vector<16xf32>,
      tpu.vector_store %arg16[%swap3A_446, %swap3A_447], %mul3A_445 {strides = array<i32>} : memref<64x128xf32, #tpu.memory_space<vmem>>, vector<16xf32>,
      %get3A_449 = arith.index_cast %add3A_415 : i32 to index
      %get3A_450 = arith.constant 64 : index
      %get3A_451 = tpu.vector_load %arg16[%get3A_449, %get3A_450] {strides = array<i32>} : memref<64x128xf32, #tpu.memory_space<vmem>>, vector<16xf32>,
      %mul3A_452 = arith.mulf %get3A_451, %gather3A_420 : vector<16xf32>
      %swap3A_453 = arith.index_cast %add3A_415 : i32 to index
      %swap3A_454 = arith.constant 64 : index
      %swap3A_455 = tpu.vector_load %arg16[%swap3A_453, %swap3A_454] {strides = array<i32>} : memref<64x128xf32, #tpu.memory_space<vmem>>, vector<16xf32>,
      tpu.vector_store %arg16[%swap3A_453, %swap3A_454], %mul3A_452 {strides = array<i32>} : memref<64x128xf32, #tpu.memory_space<vmem>>, vector<16xf32>,
      %get3A_456 = arith.index_cast %add3A_415 : i32 to index
      %get3A_457 = arith.constant 80 : index
      %get3A_458 = tpu.vector_load %arg16[%get3A_456, %get3A_457] {strides = array<i32>} : memref<64x128xf32, #tpu.memory_space<vmem>>, vector<16xf32>,
      %mul3A_459 = arith.mulf %get3A_458, %gather3A_420 : vector<16xf32>
      %swap3A_460 = arith.index_cast %add3A_415 : i32 to index
      %swap3A_461 = arith.constant 80 : index
      %swap3A_462 = tpu.vector_load %arg16[%swap3A_460, %swap3A_461] {strides = array<i32>} : memref<64x128xf32, #tpu.memory_space<vmem>>, vector<16xf32>,
      tpu.vector_store %arg16[%swap3A_460, %swap3A_461], %mul3A_459 {strides = array<i32>} : memref<64x128xf32, #tpu.memory_space<vmem>>, vector<16xf32>,
      %get3A_463 = arith.index_cast %add3A_415 : i32 to index
      %get3A_464 = arith.constant 96 : index
      %get3A_465 = tpu.vector_load %arg16[%get3A_463, %get3A_464] {strides = array<i32>} : memref<64x128xf32, #tpu.memory_space<vmem>>, vector<16xf32>,
      %mul3A_466 = arith.mulf %get3A_465, %gather3A_420 : vector<16xf32>
      %swap3A_467 = arith.index_cast %add3A_415 : i32 to index
      %swap3A_468 = arith.constant 96 : index
      %swap3A_469 = tpu.vector_load %arg16[%swap3A_467, %swap3A_468] {strides = array<i32>} : memref<64x128xf32, #tpu.memory_space<vmem>>, vector<16xf32>,
      tpu.vector_store %arg16[%swap3A_467, %swap3A_468], %mul3A_466 {strides = array<i32>} : memref<64x128xf32, #tpu.memory_space<vmem>>, vector<16xf32>,
      %get3A_470 = arith.index_cast %add3A_415 : i32 to index
      %get3A_471 = arith.constant 112 : index
      %get3A_472 = tpu.vector_load %arg16[%get3A_470, %get3A_471] {strides = array<i32>} : memref<64x128xf32, #tpu.memory_space<vmem>>, vector<16xf32>,
      %mul3A_473 = arith.mulf %get3A_472, %gather3A_420 : vector<16xf32>
      %swap3A_474 = arith.index_cast %add3A_415 : i32 to index
      %swap3A_475 = arith.constant 112 : index
      %swap3A_476 = tpu.vector_load %arg16[%swap3A_474, %swap3A_475] {strides = array<i32>} : memref<64x128xf32, #tpu.memory_space<vmem>>, vector<16xf32>,
      tpu.vector_store %arg16[%swap3A_474, %swap3A_475], %mul3A_473 {strides = array<i32>} : memref<64x128xf32, #tpu.memory_space<vmem>>, vector<16xf32>,
      %mul3A_477 = arith.constant 4 : i32
      %mul3A_478 = arith.muli %scan3A_411, %mul3A_477 : i32
      %add3A_479 = arith.constant 1 : i32
      %add3A_480 = arith.addi %mul3A_478, %add3A_479 : i32
      %broadcast_in_dim3A_481 = arith.constant 0 : i32
      %broadcast_in_dim3A_482 = vector.broadcast %broadcast_in_dim3A_481 : i32 to vector<16xi32>
      %add3A_483 = vector.broadcast %add3A_480 : i32 to vector<16xi32>
      %add3A_484 = arith.addi %broadcast_in_dim3A_482, %add3A_483 : vector<16xi32>
      %gather3A_485 = tpu.vector_load_idx %arg13[%add3A_484] : memref<64xf32, #tpu.memory_space<vmem>>[vector<16xi32>], vector<16xf32>,
      %get3A_486 = arith.index_cast %add3A_480 : i32 to index
      %get3A_487 = arith.constant 0 : index
      %get3A_488 = tpu.vector_load %arg16[%get3A_486, %get3A_487] {strides = array<i32>} : memref<64x128xf32, #tpu.memory_space<vmem>>, vector<16xf32>,
      %mul3A_489 = arith.mulf %get3A_488, %gather3A_485 : vector<16xf32>
      %swap3A_490 = arith.index_cast %add3A_480 : i32 to index
      %swap3A_491 = arith.constant 0 : index
      %swap3A_492 = tpu.vector_load %arg16[%swap3A_490, %swap3A_491] {strides = array<i32>} : memref<64x128xf32, #tpu.memory_space<vmem>>, vector<16xf32>,
      tpu.vector_store %arg16[%swap3A_490, %swap3A_491], %mul3A_489 {strides = array<i32>} : memref<64x128xf32, #tpu.memory_space<vmem>>, vector<16xf32>,
      %get3A_493 = arith.index_cast %add3A_480 : i32 to index
      %get3A_494 = arith.constant 16 : index
      %get3A_495 = tpu.vector_load %arg16[%get3A_493, %get3A_494] {strides = array<i32>} : memref<64x128xf32, #tpu.memory_space<vmem>>, vector<16xf32>,
      %mul3A_496 = arith.mulf %get3A_495, %gather3A_485 : vector<16xf32>
      %swap3A_497 = arith.index_cast %add3A_480 : i32 to index
      %swap3A_498 = arith.constant 16 : index
      %swap3A_499 = tpu.vector_load %arg16[%swap3A_497, %swap3A_498] {strides = array<i32>} : memref<64x128xf32, #tpu.memory_space<vmem>>, vector<16xf32>,
      tpu.vector_store %arg16[%swap3A_497, %swap3A_498], %mul3A_496 {strides = array<i32>} : memref<64x128xf32, #tpu.memory_space<vmem>>, vector<16xf32>,
      %get3A_500 = arith.index_cast %add3A_480 : i32 to index
      %get3A_501 = arith.constant 32 : index
      %get3A_502 = tpu.vector_load %arg16[%get3A_500, %get3A_501] {strides = array<i32>} : memref<64x128xf32, #tpu.memory_space<vmem>>, vector<16xf32>,
      %mul3A_503 = arith.mulf %get3A_502, %gather3A_485 : vector<16xf32>
      %swap3A_504 = arith.index_cast %add3A_480 : i32 to index
      %swap3A_505 = arith.constant 32 : index
      %swap3A_506 = tpu.vector_load %arg16[%swap3A_504, %swap3A_505] {strides = array<i32>} : memref<64x128xf32, #tpu.memory_space<vmem>>, vector<16xf32>,
      tpu.vector_store %arg16[%swap3A_504, %swap3A_505], %mul3A_503 {strides = array<i32>} : memref<64x128xf32, #tpu.memory_space<vmem>>, vector<16xf32>,
      %get3A_507 = arith.index_cast %add3A_480 : i32 to index
      %get3A_508 = arith.constant 48 : index
      %get3A_509 = tpu.vector_load %arg16[%get3A_507, %get3A_508] {strides = array<i32>} : memref<64x128xf32, #tpu.memory_space<vmem>>, vector<16xf32>,
      %mul3A_510 = arith.mulf %get3A_509, %gather3A_485 : vector<16xf32>
      %swap3A_511 = arith.index_cast %add3A_480 : i32 to index
      %swap3A_512 = arith.constant 48 : index
      %swap3A_513 = tpu.vector_load %arg16[%swap3A_511, %swap3A_512] {strides = array<i32>} : memref<64x128xf32, #tpu.memory_space<vmem>>, vector<16xf32>,
      tpu.vector_store %arg16[%swap3A_511, %swap3A_512], %mul3A_510 {strides = array<i32>} : memref<64x128xf32, #tpu.memory_space<vmem>>, vector<16xf32>,
      %get3A_514 = arith.index_cast %add3A_480 : i32 to index
      %get3A_515 = arith.constant 64 : index
      %get3A_516 = tpu.vector_load %arg16[%get3A_514, %get3A_515] {strides = array<i32>} : memref<64x128xf32, #tpu.memory_space<vmem>>, vector<16xf32>,
      %mul3A_517 = arith.mulf %get3A_516, %gather3A_485 : vector<16xf32>
      %swap3A_518 = arith.index_cast %add3A_480 : i32 to index
      %swap3A_519 = arith.constant 64 : index
      %swap3A_520 = tpu.vector_load %arg16[%swap3A_518, %swap3A_519] {strides = array<i32>} : memref<64x128xf32, #tpu.memory_space<vmem>>, vector<16xf32>,
      tpu.vector_store %arg16[%swap3A_518, %swap3A_519], %mul3A_517 {strides = array<i32>} : memref<64x128xf32, #tpu.memory_space<vmem>>, vector<16xf32>,
      %get3A_521 = arith.index_cast %add3A_480 : i32 to index
      %get3A_522 = arith.constant 80 : index
      %get3A_523 = tpu.vector_load %arg16[%get3A_521, %get3A_522] {strides = array<i32>} : memref<64x128xf32, #tpu.memory_space<vmem>>, vector<16xf32>,
      %mul3A_524 = arith.mulf %get3A_523, %gather3A_485 : vector<16xf32>
      %swap3A_525 = arith.index_cast %add3A_480 : i32 to index
      %swap3A_526 = arith.constant 80 : index
      %swap3A_527 = tpu.vector_load %arg16[%swap3A_525, %swap3A_526] {strides = array<i32>} : memref<64x128xf32, #tpu.memory_space<vmem>>, vector<16xf32>,
      tpu.vector_store %arg16[%swap3A_525, %swap3A_526], %mul3A_524 {strides = array<i32>} : memref<64x128xf32, #tpu.memory_space<vmem>>, vector<16xf32>,
      %get3A_528 = arith.index_cast %add3A_480 : i32 to index
      %get3A_529 = arith.constant 96 : index
      %get3A_530 = tpu.vector_load %arg16[%get3A_528, %get3A_529] {strides = array<i32>} : memref<64x128xf32, #tpu.memory_space<vmem>>, vector<16xf32>,
      %mul3A_531 = arith.mulf %get3A_530, %gather3A_485 : vector<16xf32>
      %swap3A_532 = arith.index_cast %add3A_480 : i32 to index
      %swap3A_533 = arith.constant 96 : index
      %swap3A_534 = tpu.vector_load %arg16[%swap3A_532, %swap3A_533] {strides = array<i32>} : memref<64x128xf32, #tpu.memory_space<vmem>>, vector<16xf32>,
      tpu.vector_store %arg16[%swap3A_532, %swap3A_533], %mul3A_531 {strides = array<i32>} : memref<64x128xf32, #tpu.memory_space<vmem>>, vector<16xf32>,
      %get3A_535 = arith.index_cast %add3A_480 : i32 to index
      %get3A_536 = arith.constant 112 : index
      %get3A_537 = tpu.vector_load %arg16[%get3A_535, %get3A_536] {strides = array<i32>} : memref<64x128xf32, #tpu.memory_space<vmem>>, vector<16xf32>,
      %mul3A_538 = arith.mulf %get3A_537, %gather3A_485 : vector<16xf32>
      %swap3A_539 = arith.index_cast %add3A_480 : i32 to index
      %swap3A_540 = arith.constant 112 : index
      %swap3A_541 = tpu.vector_load %arg16[%swap3A_539, %swap3A_540] {strides = array<i32>} : memref<64x128xf32, #tpu.memory_space<vmem>>, vector<16xf32>,
      tpu.vector_store %arg16[%swap3A_539, %swap3A_540], %mul3A_538 {strides = array<i32>} : memref<64x128xf32, #tpu.memory_space<vmem>>, vector<16xf32>,
      %mul3A_542 = arith.constant 4 : i32
      %mul3A_543 = arith.muli %scan3A_411, %mul3A_542 : i32
      %add3A_544 = arith.constant 2 : i32
      %add3A_545 = arith.addi %mul3A_543, %add3A_544 : i32
      %broadcast_in_dim3A_546 = arith.constant 0 : i32
      %broadcast_in_dim3A_547 = vector.broadcast %broadcast_in_dim3A_546 : i32 to vector<16xi32>
      %add3A_548 = vector.broadcast %add3A_545 : i32 to vector<16xi32>
      %add3A_549 = arith.addi %broadcast_in_dim3A_547, %add3A_548 : vector<16xi32>
      %gather3A_550 = tpu.vector_load_idx %arg13[%add3A_549] : memref<64xf32, #tpu.memory_space<vmem>>[vector<16xi32>], vector<16xf32>,
      %get3A_551 = arith.index_cast %add3A_545 : i32 to index
      %get3A_552 = arith.constant 0 : index
      %get3A_553 = tpu.vector_load %arg16[%get3A_551, %get3A_552] {strides = array<i32>} : memref<64x128xf32, #tpu.memory_space<vmem>>, vector<16xf32>,
      %mul3A_554 = arith.mulf %get3A_553, %gather3A_550 : vector<16xf32>
      %swap3A_555 = arith.index_cast %add3A_545 : i32 to index
      %swap3A_556 = arith.constant 0 : index
      %swap3A_557 = tpu.vector_load %arg16[%swap3A_555, %swap3A_556] {strides = array<i32>} : memref<64x128xf32, #tpu.memory_space<vmem>>, vector<16xf32>,
      tpu.vector_store %arg16[%swap3A_555, %swap3A_556], %mul3A_554 {strides = array<i32>} : memref<64x128xf32, #tpu.memory_space<vmem>>, vector<16xf32>,
      %get3A_558 = arith.index_cast %add3A_545 : i32 to index
      %get3A_559 = arith.constant 16 : index
      %get3A_560 = tpu.vector_load %arg16[%get3A_558, %get3A_559] {strides = array<i32>} : memref<64x128xf32, #tpu.memory_space<vmem>>, vector<16xf32>,
      %mul3A_561 = arith.mulf %get3A_560, %gather3A_550 : vector<16xf32>
      %swap3A_562 = arith.index_cast %add3A_545 : i32 to index
      %swap3A_563 = arith.constant 16 : index
      %swap3A_564 = tpu.vector_load %arg16[%swap3A_562, %swap3A_563] {strides = array<i32>} : memref<64x128xf32, #tpu.memory_space<vmem>>, vector<16xf32>,
      tpu.vector_store %arg16[%swap3A_562, %swap3A_563], %mul3A_561 {strides = array<i32>} : memref<64x128xf32, #tpu.memory_space<vmem>>, vector<16xf32>,
      %get3A_565 = arith.index_cast %add3A_545 : i32 to index
      %get3A_566 = arith.constant 32 : index
      %get3A_567 = tpu.vector_load %arg16[%get3A_565, %get3A_566] {strides = array<i32>} : memref<64x128xf32, #tpu.memory_space<vmem>>, vector<16xf32>,
      %mul3A_568 = arith.mulf %get3A_567, %gather3A_550 : vector<16xf32>
      %swap3A_569 = arith.index_cast %add3A_545 : i32 to index
      %swap3A_570 = arith.constant 32 : index
      %swap3A_571 = tpu.vector_load %arg16[%swap3A_569, %swap3A_570] {strides = array<i32>} : memref<64x128xf32, #tpu.memory_space<vmem>>, vector<16xf32>,
      tpu.vector_store %arg16[%swap3A_569, %swap3A_570], %mul3A_568 {strides = array<i32>} : memref<64x128xf32, #tpu.memory_space<vmem>>, vector<16xf32>,
      %get3A_572 = arith.index_cast %add3A_545 : i32 to index
      %get3A_573 = arith.constant 48 : index
      %get3A_574 = tpu.vector_load %arg16[%get3A_572, %get3A_573] {strides = array<i32>} : memref<64x128xf32, #tpu.memory_space<vmem>>, vector<16xf32>,
      %mul3A_575 = arith.mulf %get3A_574, %gather3A_550 : vector<16xf32>
      %swap3A_576 = arith.index_cast %add3A_545 : i32 to index
      %swap3A_577 = arith.constant 48 : index
      %swap3A_578 = tpu.vector_load %arg16[%swap3A_576, %swap3A_577] {strides = array<i32>} : memref<64x128xf32, #tpu.memory_space<vmem>>, vector<16xf32>,
      tpu.vector_store %arg16[%swap3A_576, %swap3A_577], %mul3A_575 {strides = array<i32>} : memref<64x128xf32, #tpu.memory_space<vmem>>, vector<16xf32>,
      %get3A_579 = arith.index_cast %add3A_545 : i32 to index
      %get3A_580 = arith.constant 64 : index
      %get3A_581 = tpu.vector_load %arg16[%get3A_579, %get3A_580] {strides = array<i32>} : memref<64x128xf32, #tpu.memory_space<vmem>>, vector<16xf32>,
      %mul3A_582 = arith.mulf %get3A_581, %gather3A_550 : vector<16xf32>
      %swap3A_583 = arith.index_cast %add3A_545 : i32 to index
      %swap3A_584 = arith.constant 64 : index
      %swap3A_585 = tpu.vector_load %arg16[%swap3A_583, %swap3A_584] {strides = array<i32>} : memref<64x128xf32, #tpu.memory_space<vmem>>, vector<16xf32>,
      tpu.vector_store %arg16[%swap3A_583, %swap3A_584], %mul3A_582 {strides = array<i32>} : memref<64x128xf32, #tpu.memory_space<vmem>>, vector<16xf32>,
      %get3A_586 = arith.index_cast %add3A_545 : i32 to index
      %get3A_587 = arith.constant 80 : index
      %get3A_588 = tpu.vector_load %arg16[%get3A_586, %get3A_587] {strides = array<i32>} : memref<64x128xf32, #tpu.memory_space<vmem>>, vector<16xf32>,
      %mul3A_589 = arith.mulf %get3A_588, %gather3A_550 : vector<16xf32>
      %swap3A_590 = arith.index_cast %add3A_545 : i32 to index
      %swap3A_591 = arith.constant 80 : index
      %swap3A_592 = tpu.vector_load %arg16[%swap3A_590, %swap3A_591] {strides = array<i32>} : memref<64x128xf32, #tpu.memory_space<vmem>>, vector<16xf32>,
      tpu.vector_store %arg16[%swap3A_590, %swap3A_591], %mul3A_589 {strides = array<i32>} : memref<64x128xf32, #tpu.memory_space<vmem>>, vector<16xf32>,
      %get3A_593 = arith.index_cast %add3A_545 : i32 to index
      %get3A_594 = arith.constant 96 : index
      %get3A_595 = tpu.vector_load %arg16[%get3A_593, %get3A_594] {strides = array<i32>} : memref<64x128xf32, #tpu.memory_space<vmem>>, vector<16xf32>,
      %mul3A_596 = arith.mulf %get3A_595, %gather3A_550 : vector<16xf32>
      %swap3A_597 = arith.index_cast %add3A_545 : i32 to index
      %swap3A_598 = arith.constant 96 : index
      %swap3A_599 = tpu.vector_load %arg16[%swap3A_597, %swap3A_598] {strides = array<i32>} : memref<64x128xf32, #tpu.memory_space<vmem>>, vector<16xf32>,
      tpu.vector_store %arg16[%swap3A_597, %swap3A_598], %mul3A_596 {strides = array<i32>} : memref<64x128xf32, #tpu.memory_space<vmem>>, vector<16xf32>,
      %get3A_600 = arith.index_cast %add3A_545 : i32 to index
      %get3A_601 = arith.constant 112 : index
      %get3A_602 = tpu.vector_load %arg16[%get3A_600, %get3A_601] {strides = array<i32>} : memref<64x128xf32, #tpu.memory_space<vmem>>, vector<16xf32>,
      %mul3A_603 = arith.mulf %get3A_602, %gather3A_550 : vector<16xf32>
      %swap3A_604 = arith.index_cast %add3A_545 : i32 to index
      %swap3A_605 = arith.constant 112 : index
      %swap3A_606 = tpu.vector_load %arg16[%swap3A_604, %swap3A_605] {strides = array<i32>} : memref<64x128xf32, #tpu.memory_space<vmem>>, vector<16xf32>,
      tpu.vector_store %arg16[%swap3A_604, %swap3A_605], %mul3A_603 {strides = array<i32>} : memref<64x128xf32, #tpu.memory_space<vmem>>, vector<16xf32>,
      %mul3A_607 = arith.constant 4 : i32
      %mul3A_608 = arith.muli %scan3A_411, %mul3A_607 : i32
      %add3A_609 = arith.constant 3 : i32
      %add3A_610 = arith.addi %mul3A_608, %add3A_609 : i32
      %broadcast_in_dim3A_611 = arith.constant 0 : i32
      %broadcast_in_dim3A_612 = vector.broadcast %broadcast_in_dim3A_611 : i32 to vector<16xi32>
      %add3A_613 = vector.broadcast %add3A_610 : i32 to vector<16xi32>
      %add3A_614 = arith.addi %broadcast_in_dim3A_612, %add3A_613 : vector<16xi32>
      %gather3A_615 = tpu.vector_load_idx %arg13[%add3A_614] : memref<64xf32, #tpu.memory_space<vmem>>[vector<16xi32>], vector<16xf32>,
      %get3A_616 = arith.index_cast %add3A_610 : i32 to index
      %get3A_617 = arith.constant 0 : index
      %get3A_618 = tpu.vector_load %arg16[%get3A_616, %get3A_617] {strides = array<i32>} : memref<64x128xf32, #tpu.memory_space<vmem>>, vector<16xf32>,
      %mul3A_619 = arith.mulf %get3A_618, %gather3A_615 : vector<16xf32>
      %swap3A_620 = arith.index_cast %add3A_610 : i32 to index
      %swap3A_621 = arith.constant 0 : index
      %swap3A_622 = tpu.vector_load %arg16[%swap3A_620, %swap3A_621] {strides = array<i32>} : memref<64x128xf32, #tpu.memory_space<vmem>>, vector<16xf32>,
      tpu.vector_store %arg16[%swap3A_620, %swap3A_621], %mul3A_619 {strides = array<i32>} : memref<64x128xf32, #tpu.memory_space<vmem>>, vector<16xf32>,
      %get3A_623 = arith.index_cast %add3A_610 : i32 to index
      %get3A_624 = arith.constant 16 : index
      %get3A_625 = tpu.vector_load %arg16[%get3A_623, %get3A_624] {strides = array<i32>} : memref<64x128xf32, #tpu.memory_space<vmem>>, vector<16xf32>,
      %mul3A_626 = arith.mulf %get3A_625, %gather3A_615 : vector<16xf32>
      %swap3A_627 = arith.index_cast %add3A_610 : i32 to index
      %swap3A_628 = arith.constant 16 : index
      %swap3A_629 = tpu.vector_load %arg16[%swap3A_627, %swap3A_628] {strides = array<i32>} : memref<64x128xf32, #tpu.memory_space<vmem>>, vector<16xf32>,
      tpu.vector_store %arg16[%swap3A_627, %swap3A_628], %mul3A_626 {strides = array<i32>} : memref<64x128xf32, #tpu.memory_space<vmem>>, vector<16xf32>,
      %get3A_630 = arith.index_cast %add3A_610 : i32 to index
      %get3A_631 = arith.constant 32 : index
      %get3A_632 = tpu.vector_load %arg16[%get3A_630, %get3A_631] {strides = array<i32>} : memref<64x128xf32, #tpu.memory_space<vmem>>, vector<16xf32>,
      %mul3A_633 = arith.mulf %get3A_632, %gather3A_615 : vector<16xf32>
      %swap3A_634 = arith.index_cast %add3A_610 : i32 to index
      %swap3A_635 = arith.constant 32 : index
      %swap3A_636 = tpu.vector_load %arg16[%swap3A_634, %swap3A_635] {strides = array<i32>} : memref<64x128xf32, #tpu.memory_space<vmem>>, vector<16xf32>,
      tpu.vector_store %arg16[%swap3A_634, %swap3A_635], %mul3A_633 {strides = array<i32>} : memref<64x128xf32, #tpu.memory_space<vmem>>, vector<16xf32>,
      %get3A_637 = arith.index_cast %add3A_610 : i32 to index
      %get3A_638 = arith.constant 48 : index
      %get3A_639 = tpu.vector_load %arg16[%get3A_637, %get3A_638] {strides = array<i32>} : memref<64x128xf32, #tpu.memory_space<vmem>>, vector<16xf32>,
      %mul3A_640 = arith.mulf %get3A_639, %gather3A_615 : vector<16xf32>
      %swap3A_641 = arith.index_cast %add3A_610 : i32 to index
      %swap3A_642 = arith.constant 48 : index
      %swap3A_643 = tpu.vector_load %arg16[%swap3A_641, %swap3A_642] {strides = array<i32>} : memref<64x128xf32, #tpu.memory_space<vmem>>, vector<16xf32>,
      tpu.vector_store %arg16[%swap3A_641, %swap3A_642], %mul3A_640 {strides = array<i32>} : memref<64x128xf32, #tpu.memory_space<vmem>>, vector<16xf32>,
      %get3A_644 = arith.index_cast %add3A_610 : i32 to index
      %get3A_645 = arith.constant 64 : index
      %get3A_646 = tpu.vector_load %arg16[%get3A_644, %get3A_645] {strides = array<i32>} : memref<64x128xf32, #tpu.memory_space<vmem>>, vector<16xf32>,
      %mul3A_647 = arith.mulf %get3A_646, %gather3A_615 : vector<16xf32>
      %swap3A_648 = arith.index_cast %add3A_610 : i32 to index
      %swap3A_649 = arith.constant 64 : index
      %swap3A_650 = tpu.vector_load %arg16[%swap3A_648, %swap3A_649] {strides = array<i32>} : memref<64x128xf32, #tpu.memory_space<vmem>>, vector<16xf32>,
      tpu.vector_store %arg16[%swap3A_648, %swap3A_649], %mul3A_647 {strides = array<i32>} : memref<64x128xf32, #tpu.memory_space<vmem>>, vector<16xf32>,
      %get3A_651 = arith.index_cast %add3A_610 : i32 to index
      %get3A_652 = arith.constant 80 : index
      %get3A_653 = tpu.vector_load %arg16[%get3A_651, %get3A_652] {strides = array<i32>} : memref<64x128xf32, #tpu.memory_space<vmem>>, vector<16xf32>,
      %mul3A_654 = arith.mulf %get3A_653, %gather3A_615 : vector<16xf32>
      %swap3A_655 = arith.index_cast %add3A_610 : i32 to index
      %swap3A_656 = arith.constant 80 : index
      %swap3A_657 = tpu.vector_load %arg16[%swap3A_655, %swap3A_656] {strides = array<i32>} : memref<64x128xf32, #tpu.memory_space<vmem>>, vector<16xf32>,
      tpu.vector_store %arg16[%swap3A_655, %swap3A_656], %mul3A_654 {strides = array<i32>} : memref<64x128xf32, #tpu.memory_space<vmem>>, vector<16xf32>,
      %get3A_658 = arith.index_cast %add3A_610 : i32 to index
      %get3A_659 = arith.constant 96 : index
      %get3A_660 = tpu.vector_load %arg16[%get3A_658, %get3A_659] {strides = array<i32>} : memref<64x128xf32, #tpu.memory_space<vmem>>, vector<16xf32>,
      %mul3A_661 = arith.mulf %get3A_660, %gather3A_615 : vector<16xf32>
      %swap3A_662 = arith.index_cast %add3A_610 : i32 to index
      %swap3A_663 = arith.constant 96 : index
      %swap3A_664 = tpu.vector_load %arg16[%swap3A_662, %swap3A_663] {strides = array<i32>} : memref<64x128xf32, #tpu.memory_space<vmem>>, vector<16xf32>,
      tpu.vector_store %arg16[%swap3A_662, %swap3A_663], %mul3A_661 {strides = array<i32>} : memref<64x128xf32, #tpu.memory_space<vmem>>, vector<16xf32>,
      %get3A_665 = arith.index_cast %add3A_610 : i32 to index
      %get3A_666 = arith.constant 112 : index
      %get3A_667 = tpu.vector_load %arg16[%get3A_665, %get3A_666] {strides = array<i32>} : memref<64x128xf32, #tpu.memory_space<vmem>>, vector<16xf32>,
      %mul3A_668 = arith.mulf %get3A_667, %gather3A_615 : vector<16xf32>
      %swap3A_669 = arith.index_cast %add3A_610 : i32 to index
      %swap3A_670 = arith.constant 112 : index
      %swap3A_671 = tpu.vector_load %arg16[%swap3A_669, %swap3A_670] {strides = array<i32>} : memref<64x128xf32, #tpu.memory_space<vmem>>, vector<16xf32>,
      tpu.vector_store %arg16[%swap3A_669, %swap3A_670], %mul3A_668 {strides = array<i32>} : memref<64x128xf32, #tpu.memory_space<vmem>>, vector<16xf32>,
    }
    %scan3A_181 = arith.constant 16 : i32
    %dma_start3A_182 = arith.constant 1 : i32
    %dma_start3A_183 = arith.constant 0 : i32
    %dma_start3A_184 = tpu.memref_slice %arg10[%dma_start3A_182, %dma_start3A_183] : memref<2x64xi32, #tpu.memory_space<vmem>> -> memref<1x64xi32, #tpu.memory_space<vmem>>
    %dma_start3A_185 = tpu.memref_squeeze %dma_start3A_184 : memref<1x64xi32, #tpu.memory_space<vmem>> -> memref<64xi32, #tpu.memory_space<vmem>>
    %dma_start3A_186 = arith.constant 0 : i32
    %dma_start3A_187 = arith.constant 0 : i32
    %dma_start3A_188 = tpu.memref_slice %arg19[%dma_start3A_186, %dma_start3A_187] : memref<10112x128xf32, #tpu.memory_space<vmem_shared>> -> memref<10112x128xf32, #tpu.memory_space<vmem_shared>>
    tpu.enqueue_indirect_dma source(%arg16 : memref<64x128xf32, #tpu.memory_space<vmem>>) target(%dma_start3A_188 : memref<10112x128xf32, #tpu.memory_space<vmem_shared>>) offsets(%dma_start3A_185 : memref<64xi32, #tpu.memory_space<vmem>>) semaphore(%arg24 : memref<!tpu.dma_semaphore, #tpu.memory_space<semaphore_mem>>) {add = true}
    %dma_start3A_189 = arith.constant 1 : i32
    %dma_start3A_190 = arith.constant 0 : i32
    %dma_start3A_191 = tpu.memref_slice %arg10[%dma_start3A_189, %dma_start3A_190] : memref<2x64xi32, #tpu.memory_space<vmem>> -> memref<1x64xi32, #tpu.memory_space<vmem>>
    %dma_start3A_192 = tpu.memref_squeeze %dma_start3A_191 : memref<1x64xi32, #tpu.memory_space<vmem>> -> memref<64xi32, #tpu.memory_space<vmem>>
    %dma_start3A_193 = arith.constant 0 : i32
    %dma_start3A_194 = tpu.memref_slice %arg20[%dma_start3A_193] : memref<10112xf32, #tpu.memory_space<vmem_shared>> -> memref<10112xf32, #tpu.memory_space<vmem_shared>>
    tpu.enqueue_indirect_dma source(%arg13 : memref<64xf32, #tpu.memory_space<vmem>>) target(%dma_start3A_194 : memref<10112xf32, #tpu.memory_space<vmem_shared>>) offsets(%dma_start3A_192 : memref<64xi32, #tpu.memory_space<vmem>>) semaphore(%arg24 : memref<!tpu.dma_semaphore, #tpu.memory_space<semaphore_mem>>) {add = true}
    %add3A_195 = arith.constant 64 : i32
    %add3A_196 = arith.addi %add3A, %add3A_195 : i32
    %mul3A_197 = arith.constant 64 : i32
    %mul3A_198 = arith.muli %add3A_196, %mul3A_197 : i32
    "tpu.region"() ({
      %run_scoped3A_411 = tpu.sem_alloc : memref<!tpu.dma_semaphore, #tpu.memory_space<semaphore_mem>>
      %dma_start3A_412 = arith.constant 0 : i32
      %dma_start3A_413 = tpu.memref_slice %arg5[%dma_start3A_412, %mul3A_198] : memref<2x325632xi32, #tpu.memory_space<hbm>> -> memref<2x64xi32, #tpu.memory_space<hbm>>
      %dma_start3A_414 = arith.constant 0 : i32
      %dma_start3A_415 = tpu.memref_slice %arg5[%dma_start3A_414, %mul3A_198] : memref<2x325632xi32, #tpu.memory_space<hbm>> -> memref<2x64xi32, #tpu.memory_space<hbm>>
      tpu.enqueue_dma source(%dma_start3A_415 : memref<2x64xi32, #tpu.memory_space<hbm>>) target(%arg12 : memref<2x64xi32, #tpu.memory_space<vmem>>) target_semaphore(%run_scoped3A_411 : memref<!tpu.dma_semaphore, #tpu.memory_space<semaphore_mem>>)
      %dma_wait3A_416 = arith.constant 0 : i32
      %dma_wait3A_417 = tpu.memref_slice %arg5[%dma_wait3A_416, %mul3A_198] : memref<2x325632xi32, #tpu.memory_space<hbm>> -> memref<2x64xi32, #tpu.memory_space<hbm>>
      %dma_wait3A_418 = arith.constant 0 : i32
      %dma_wait3A_419 = tpu.memref_slice %arg5[%dma_wait3A_418, %mul3A_198] : memref<2x325632xi32, #tpu.memory_space<hbm>> -> memref<2x64xi32, #tpu.memory_space<hbm>>
      tpu.wait_dma2 semaphore(%run_scoped3A_411 : memref<!tpu.dma_semaphore, #tpu.memory_space<semaphore_mem>>) src(%dma_wait3A_419 : memref<2x64xi32, #tpu.memory_space<hbm>>) dst(%arg12 : memref<2x64xi32, #tpu.memory_space<vmem>>)
      tpu.yield
    }) : () -> ()
    %dma_start3A_199 = arith.constant 0 : i32
    %dma_start3A_200 = arith.constant 0 : i32
    %dma_start3A_201 = tpu.memref_slice %arg12[%dma_start3A_199, %dma_start3A_200] : memref<2x64xi32, #tpu.memory_space<vmem>> -> memref<1x64xi32, #tpu.memory_space<vmem>>
    %dma_start3A_202 = tpu.memref_squeeze %dma_start3A_201 : memref<1x64xi32, #tpu.memory_space<vmem>> -> memref<64xi32, #tpu.memory_space<vmem>>
    %dma_start3A_203 = arith.constant 0 : i32
    %dma_start3A_204 = arith.constant 0 : i32
    %dma_start3A_205 = tpu.memref_slice %arg2[%dma_start3A_203, %dma_start3A_204] : memref<10240x128xf32, #tpu.memory_space<hbm>> -> memref<10240x128xf32, #tpu.memory_space<hbm>>
    tpu.enqueue_indirect_dma source(%dma_start3A_205 : memref<10240x128xf32, #tpu.memory_space<hbm>>) target(%arg18 : memref<64x128xf32, #tpu.memory_space<vmem>>) offsets(%dma_start3A_202 : memref<64xi32, #tpu.memory_space<vmem>>) semaphore(%arg23 : memref<!tpu.dma_semaphore, #tpu.memory_space<semaphore_mem>>)
    %dma_wait3A_206 = arith.constant 0 : i32
    %dma_wait3A_207 = arith.constant 0 : i32
    %dma_wait3A_208 = tpu.memref_slice %arg11[%dma_wait3A_206, %dma_wait3A_207] : memref<2x64xi32, #tpu.memory_space<vmem>> -> memref<1x64xi32, #tpu.memory_space<vmem>>
    %dma_wait3A_209 = tpu.memref_squeeze %dma_wait3A_208 : memref<1x64xi32, #tpu.memory_space<vmem>> -> memref<64xi32, #tpu.memory_space<vmem>>
    %dma_wait3A_210 = arith.constant 0 : i32
    %dma_wait3A_211 = arith.constant 0 : i32
    %dma_wait3A_212 = tpu.memref_slice %arg2[%dma_wait3A_210, %dma_wait3A_211] : memref<10240x128xf32, #tpu.memory_space<hbm>> -> memref<10240x128xf32, #tpu.memory_space<hbm>>
    tpu.wait_indirect_dma semaphore(%arg22 : memref<!tpu.dma_semaphore, #tpu.memory_space<semaphore_mem>>) src(%dma_wait3A_212 : memref<10240x128xf32, #tpu.memory_space<hbm>>) dst(%arg17 : memref<64x128xf32, #tpu.memory_space<vmem>>)
    %get3A_213 = arith.constant 0 : i32
    %get3A_214 = arith.index_cast %get3A_213 : i32 to index
    %get3A_215 = arith.constant 0 : index
    %get3A_216 = tpu.vector_load %arg11[%get3A_214, %get3A_215] {strides = array<i32>} : memref<2x64xi32, #tpu.memory_space<vmem>>, vector<16xi32>,
    %get3A_217 = arith.constant 1 : i32
    %get3A_218 = arith.index_cast %get3A_217 : i32 to index
    %get3A_219 = arith.constant 0 : index
    %get3A_220 = tpu.vector_load %arg11[%get3A_218, %get3A_219] {strides = array<i32>} : memref<2x64xi32, #tpu.memory_space<vmem>>, vector<16xi32>,
    %gather3A_221 = tpu.vector_load_idx %arg8[%get3A_216] : memref<10000xf32, #tpu.memory_space<vmem>>[vector<16xi32>], vector<16xf32>,
    %gather3A_222 = tpu.vector_load_idx %arg9[%get3A_220] : memref<10000xf32, #tpu.memory_space<vmem>>[vector<16xi32>], vector<16xf32>,
    %add3A_223 = arith.addf %gather3A_221, %gather3A_222 : vector<16xf32>
    %ge3A_224 = arith.constant 0.000000e+00 : f32
    %ge3A_225 = vector.broadcast %ge3A_224 : f32 to vector<16xf32>
    %ge3A_226 = arith.cmpf oge, %add3A_223, %ge3A_225 : vector<16xf32>
    %mul3A_227 = arith.constant 2.000000e-01 : f32
    %mul3A_228 = vector.broadcast %mul3A_227 : f32 to vector<16xf32>
    %mul3A_229 = arith.mulf %mul3A_228, %add3A_223 : vector<16xf32>
    %select_n3A_230 = arith.select %ge3A_226, %add3A_223, %mul3A_229 : vector<16xi1>, vector<16xf32>
    %ne3A_231 = arith.cmpi ne, %get3A_216, %get3A_220 : vector<16xi32>
    %exp3A_232 = math.exp %select_n3A_230 : vector<16xf32>
    %jit3A_233 = arith.constant 0.000000e+00 : f32
    %broadcast_in_dim3A_234 = vector.broadcast %jit3A_233 : f32 to vector<16xf32>
    %select_n3A_235 = arith.select %ne3A_231, %exp3A_232, %broadcast_in_dim3A_234 : vector<16xi1>, vector<16xf32>
    %swap3A_236 = arith.constant 0 : index
    %swap3A_237 = tpu.vector_load %arg14[%swap3A_236] {strides = array<i32>} : memref<64xf32, #tpu.memory_space<vmem>>, vector<16xf32>,
    tpu.vector_store %arg14[%swap3A_236], %select_n3A_235 {strides = array<i32>} : memref<64xf32, #tpu.memory_space<vmem>>, vector<16xf32>,
    %get3A_238 = arith.constant 0 : i32
    %get3A_239 = arith.index_cast %get3A_238 : i32 to index
    %get3A_240 = arith.constant 16 : index
    %get3A_241 = tpu.vector_load %arg11[%get3A_239, %get3A_240] {strides = array<i32>} : memref<2x64xi32, #tpu.memory_space<vmem>>, vector<16xi32>,
    %get3A_242 = arith.constant 1 : i32
    %get3A_243 = arith.index_cast %get3A_242 : i32 to index
    %get3A_244 = arith.constant 16 : index
    %get3A_245 = tpu.vector_load %arg11[%get3A_243, %get3A_244] {strides = array<i32>} : memref<2x64xi32, #tpu.memory_space<vmem>>, vector<16xi32>,
    %gather3A_246 = tpu.vector_load_idx %arg8[%get3A_241] : memref<10000xf32, #tpu.memory_space<vmem>>[vector<16xi32>], vector<16xf32>,
    %gather3A_247 = tpu.vector_load_idx %arg9[%get3A_245] : memref<10000xf32, #tpu.memory_space<vmem>>[vector<16xi32>], vector<16xf32>,
    %add3A_248 = arith.addf %gather3A_246, %gather3A_247 : vector<16xf32>
    %ge3A_249 = arith.constant 0.000000e+00 : f32
    %ge3A_250 = vector.broadcast %ge3A_249 : f32 to vector<16xf32>
    %ge3A_251 = arith.cmpf oge, %add3A_248, %ge3A_250 : vector<16xf32>
    %mul3A_252 = arith.constant 2.000000e-01 : f32
    %mul3A_253 = vector.broadcast %mul3A_252 : f32 to vector<16xf32>
    %mul3A_254 = arith.mulf %mul3A_253, %add3A_248 : vector<16xf32>
    %select_n3A_255 = arith.select %ge3A_251, %add3A_248, %mul3A_254 : vector<16xi1>, vector<16xf32>
    %ne3A_256 = arith.cmpi ne, %get3A_241, %get3A_245 : vector<16xi32>
    %exp3A_257 = math.exp %select_n3A_255 : vector<16xf32>
    %jit3A_258 = arith.constant 0.000000e+00 : f32
    %broadcast_in_dim3A_259 = vector.broadcast %jit3A_258 : f32 to vector<16xf32>
    %select_n3A_260 = arith.select %ne3A_256, %exp3A_257, %broadcast_in_dim3A_259 : vector<16xi1>, vector<16xf32>
    %swap3A_261 = arith.constant 16 : index
    %swap3A_262 = tpu.vector_load %arg14[%swap3A_261] {strides = array<i32>} : memref<64xf32, #tpu.memory_space<vmem>>, vector<16xf32>,
    tpu.vector_store %arg14[%swap3A_261], %select_n3A_260 {strides = array<i32>} : memref<64xf32, #tpu.memory_space<vmem>>, vector<16xf32>,
    %get3A_263 = arith.constant 0 : i32
    %get3A_264 = arith.index_cast %get3A_263 : i32 to index
    %get3A_265 = arith.constant 32 : index
    %get3A_266 = tpu.vector_load %arg11[%get3A_264, %get3A_265] {strides = array<i32>} : memref<2x64xi32, #tpu.memory_space<vmem>>, vector<16xi32>,
    %get3A_267 = arith.constant 1 : i32
    %get3A_268 = arith.index_cast %get3A_267 : i32 to index
    %get3A_269 = arith.constant 32 : index
    %get3A_270 = tpu.vector_load %arg11[%get3A_268, %get3A_269] {strides = array<i32>} : memref<2x64xi32, #tpu.memory_space<vmem>>, vector<16xi32>,
    %gather3A_271 = tpu.vector_load_idx %arg8[%get3A_266] : memref<10000xf32, #tpu.memory_space<vmem>>[vector<16xi32>], vector<16xf32>,
    %gather3A_272 = tpu.vector_load_idx %arg9[%get3A_270] : memref<10000xf32, #tpu.memory_space<vmem>>[vector<16xi32>], vector<16xf32>,
    %add3A_273 = arith.addf %gather3A_271, %gather3A_272 : vector<16xf32>
    %ge3A_274 = arith.constant 0.000000e+00 : f32
    %ge3A_275 = vector.broadcast %ge3A_274 : f32 to vector<16xf32>
    %ge3A_276 = arith.cmpf oge, %add3A_273, %ge3A_275 : vector<16xf32>
    %mul3A_277 = arith.constant 2.000000e-01 : f32
    %mul3A_278 = vector.broadcast %mul3A_277 : f32 to vector<16xf32>
    %mul3A_279 = arith.mulf %mul3A_278, %add3A_273 : vector<16xf32>
    %select_n3A_280 = arith.select %ge3A_276, %add3A_273, %mul3A_279 : vector<16xi1>, vector<16xf32>
    %ne3A_281 = arith.cmpi ne, %get3A_266, %get3A_270 : vector<16xi32>
    %exp3A_282 = math.exp %select_n3A_280 : vector<16xf32>
    %jit3A_283 = arith.constant 0.000000e+00 : f32
    %broadcast_in_dim3A_284 = vector.broadcast %jit3A_283 : f32 to vector<16xf32>
    %select_n3A_285 = arith.select %ne3A_281, %exp3A_282, %broadcast_in_dim3A_284 : vector<16xi1>, vector<16xf32>
    %swap3A_286 = arith.constant 32 : index
    %swap3A_287 = tpu.vector_load %arg14[%swap3A_286] {strides = array<i32>} : memref<64xf32, #tpu.memory_space<vmem>>, vector<16xf32>,
    tpu.vector_store %arg14[%swap3A_286], %select_n3A_285 {strides = array<i32>} : memref<64xf32, #tpu.memory_space<vmem>>, vector<16xf32>,
    %get3A_288 = arith.constant 0 : i32
    %get3A_289 = arith.index_cast %get3A_288 : i32 to index
    %get3A_290 = arith.constant 48 : index
    %get3A_291 = tpu.vector_load %arg11[%get3A_289, %get3A_290] {strides = array<i32>} : memref<2x64xi32, #tpu.memory_space<vmem>>, vector<16xi32>,
    %get3A_292 = arith.constant 1 : i32
    %get3A_293 = arith.index_cast %get3A_292 : i32 to index
    %get3A_294 = arith.constant 48 : index
    %get3A_295 = tpu.vector_load %arg11[%get3A_293, %get3A_294] {strides = array<i32>} : memref<2x64xi32, #tpu.memory_space<vmem>>, vector<16xi32>,
    %gather3A_296 = tpu.vector_load_idx %arg8[%get3A_291] : memref<10000xf32, #tpu.memory_space<vmem>>[vector<16xi32>], vector<16xf32>,
    %gather3A_297 = tpu.vector_load_idx %arg9[%get3A_295] : memref<10000xf32, #tpu.memory_space<vmem>>[vector<16xi32>], vector<16xf32>,
    %add3A_298 = arith.addf %gather3A_296, %gather3A_297 : vector<16xf32>
    %ge3A_299 = arith.constant 0.000000e+00 : f32
    %ge3A_300 = vector.broadcast %ge3A_299 : f32 to vector<16xf32>
    %ge3A_301 = arith.cmpf oge, %add3A_298, %ge3A_300 : vector<16xf32>
    %mul3A_302 = arith.constant 2.000000e-01 : f32
    %mul3A_303 = vector.broadcast %mul3A_302 : f32 to vector<16xf32>
    %mul3A_304 = arith.mulf %mul3A_303, %add3A_298 : vector<16xf32>
    %select_n3A_305 = arith.select %ge3A_301, %add3A_298, %mul3A_304 : vector<16xi1>, vector<16xf32>
    %ne3A_306 = arith.cmpi ne, %get3A_291, %get3A_295 : vector<16xi32>
    %exp3A_307 = math.exp %select_n3A_305 : vector<16xf32>
    %jit3A_308 = arith.constant 0.000000e+00 : f32
    %broadcast_in_dim3A_309 = vector.broadcast %jit3A_308 : f32 to vector<16xf32>
    %select_n3A_310 = arith.select %ne3A_306, %exp3A_307, %broadcast_in_dim3A_309 : vector<16xi1>, vector<16xf32>
    %swap3A_311 = arith.constant 48 : index
    %swap3A_312 = tpu.vector_load %arg14[%swap3A_311] {strides = array<i32>} : memref<64xf32, #tpu.memory_space<vmem>>, vector<16xf32>,
    tpu.vector_store %arg14[%swap3A_311], %select_n3A_310 {strides = array<i32>} : memref<64xf32, #tpu.memory_space<vmem>>, vector<16xf32>,
    %scan3A_313 = arith.constant 0 : i32
    %scan3A_314 = arith.constant 0 : i32
    %scan3A_315 = arith.constant 16 : i32
    %scan3A_316 = arith.addi %scan3A_314, %scan3A_315 : i32
    %scan3A_317 = arith.constant 1 : i32
    scf.for %scan3A_411 = %scan3A_314 to %scan3A_316 step %scan3A_317  : i32 {
      %mul3A_412 = arith.constant 4 : i32
      %mul3A_413 = arith.muli %scan3A_411, %mul3A_412 : i32
      %add3A_414 = arith.constant 0 : i32
      %add3A_415 = arith.addi %mul3A_413, %add3A_414 : i32
      %broadcast_in_dim3A_416 = arith.constant 0 : i32
      %broadcast_in_dim3A_417 = vector.broadcast %broadcast_in_dim3A_416 : i32 to vector<16xi32>
      %add3A_418 = vector.broadcast %add3A_415 : i32 to vector<16xi32>
      %add3A_419 = arith.addi %broadcast_in_dim3A_417, %add3A_418 : vector<16xi32>
      %gather3A_420 = tpu.vector_load_idx %arg14[%add3A_419] : memref<64xf32, #tpu.memory_space<vmem>>[vector<16xi32>], vector<16xf32>,
      %get3A_421 = arith.index_cast %add3A_415 : i32 to index
      %get3A_422 = arith.constant 0 : index
      %get3A_423 = tpu.vector_load %arg17[%get3A_421, %get3A_422] {strides = array<i32>} : memref<64x128xf32, #tpu.memory_space<vmem>>, vector<16xf32>,
      %mul3A_424 = arith.mulf %get3A_423, %gather3A_420 : vector<16xf32>
      %swap3A_425 = arith.index_cast %add3A_415 : i32 to index
      %swap3A_426 = arith.constant 0 : index
      %swap3A_427 = tpu.vector_load %arg17[%swap3A_425, %swap3A_426] {strides = array<i32>} : memref<64x128xf32, #tpu.memory_space<vmem>>, vector<16xf32>,
      tpu.vector_store %arg17[%swap3A_425, %swap3A_426], %mul3A_424 {strides = array<i32>} : memref<64x128xf32, #tpu.memory_space<vmem>>, vector<16xf32>,
      %get3A_428 = arith.index_cast %add3A_415 : i32 to index
      %get3A_429 = arith.constant 16 : index
      %get3A_430 = tpu.vector_load %arg17[%get3A_428, %get3A_429] {strides = array<i32>} : memref<64x128xf32, #tpu.memory_space<vmem>>, vector<16xf32>,
      %mul3A_431 = arith.mulf %get3A_430, %gather3A_420 : vector<16xf32>
      %swap3A_432 = arith.index_cast %add3A_415 : i32 to index
      %swap3A_433 = arith.constant 16 : index
      %swap3A_434 = tpu.vector_load %arg17[%swap3A_432, %swap3A_433] {strides = array<i32>} : memref<64x128xf32, #tpu.memory_space<vmem>>, vector<16xf32>,
      tpu.vector_store %arg17[%swap3A_432, %swap3A_433], %mul3A_431 {strides = array<i32>} : memref<64x128xf32, #tpu.memory_space<vmem>>, vector<16xf32>,
      %get3A_435 = arith.index_cast %add3A_415 : i32 to index
      %get3A_436 = arith.constant 32 : index
      %get3A_437 = tpu.vector_load %arg17[%get3A_435, %get3A_436] {strides = array<i32>} : memref<64x128xf32, #tpu.memory_space<vmem>>, vector<16xf32>,
      %mul3A_438 = arith.mulf %get3A_437, %gather3A_420 : vector<16xf32>
      %swap3A_439 = arith.index_cast %add3A_415 : i32 to index
      %swap3A_440 = arith.constant 32 : index
      %swap3A_441 = tpu.vector_load %arg17[%swap3A_439, %swap3A_440] {strides = array<i32>} : memref<64x128xf32, #tpu.memory_space<vmem>>, vector<16xf32>,
      tpu.vector_store %arg17[%swap3A_439, %swap3A_440], %mul3A_438 {strides = array<i32>} : memref<64x128xf32, #tpu.memory_space<vmem>>, vector<16xf32>,
      %get3A_442 = arith.index_cast %add3A_415 : i32 to index
      %get3A_443 = arith.constant 48 : index
      %get3A_444 = tpu.vector_load %arg17[%get3A_442, %get3A_443] {strides = array<i32>} : memref<64x128xf32, #tpu.memory_space<vmem>>, vector<16xf32>,
      %mul3A_445 = arith.mulf %get3A_444, %gather3A_420 : vector<16xf32>
      %swap3A_446 = arith.index_cast %add3A_415 : i32 to index
      %swap3A_447 = arith.constant 48 : index
      %swap3A_448 = tpu.vector_load %arg17[%swap3A_446, %swap3A_447] {strides = array<i32>} : memref<64x128xf32, #tpu.memory_space<vmem>>, vector<16xf32>,
      tpu.vector_store %arg17[%swap3A_446, %swap3A_447], %mul3A_445 {strides = array<i32>} : memref<64x128xf32, #tpu.memory_space<vmem>>, vector<16xf32>,
      %get3A_449 = arith.index_cast %add3A_415 : i32 to index
      %get3A_450 = arith.constant 64 : index
      %get3A_451 = tpu.vector_load %arg17[%get3A_449, %get3A_450] {strides = array<i32>} : memref<64x128xf32, #tpu.memory_space<vmem>>, vector<16xf32>,
      %mul3A_452 = arith.mulf %get3A_451, %gather3A_420 : vector<16xf32>
      %swap3A_453 = arith.index_cast %add3A_415 : i32 to index
      %swap3A_454 = arith.constant 64 : index
      %swap3A_455 = tpu.vector_load %arg17[%swap3A_453, %swap3A_454] {strides = array<i32>} : memref<64x128xf32, #tpu.memory_space<vmem>>, vector<16xf32>,
      tpu.vector_store %arg17[%swap3A_453, %swap3A_454], %mul3A_452 {strides = array<i32>} : memref<64x128xf32, #tpu.memory_space<vmem>>, vector<16xf32>,
      %get3A_456 = arith.index_cast %add3A_415 : i32 to index
      %get3A_457 = arith.constant 80 : index
      %get3A_458 = tpu.vector_load %arg17[%get3A_456, %get3A_457] {strides = array<i32>} : memref<64x128xf32, #tpu.memory_space<vmem>>, vector<16xf32>,
      %mul3A_459 = arith.mulf %get3A_458, %gather3A_420 : vector<16xf32>
      %swap3A_460 = arith.index_cast %add3A_415 : i32 to index
      %swap3A_461 = arith.constant 80 : index
      %swap3A_462 = tpu.vector_load %arg17[%swap3A_460, %swap3A_461] {strides = array<i32>} : memref<64x128xf32, #tpu.memory_space<vmem>>, vector<16xf32>,
      tpu.vector_store %arg17[%swap3A_460, %swap3A_461], %mul3A_459 {strides = array<i32>} : memref<64x128xf32, #tpu.memory_space<vmem>>, vector<16xf32>,
      %get3A_463 = arith.index_cast %add3A_415 : i32 to index
      %get3A_464 = arith.constant 96 : index
      %get3A_465 = tpu.vector_load %arg17[%get3A_463, %get3A_464] {strides = array<i32>} : memref<64x128xf32, #tpu.memory_space<vmem>>, vector<16xf32>,
      %mul3A_466 = arith.mulf %get3A_465, %gather3A_420 : vector<16xf32>
      %swap3A_467 = arith.index_cast %add3A_415 : i32 to index
      %swap3A_468 = arith.constant 96 : index
      %swap3A_469 = tpu.vector_load %arg17[%swap3A_467, %swap3A_468] {strides = array<i32>} : memref<64x128xf32, #tpu.memory_space<vmem>>, vector<16xf32>,
      tpu.vector_store %arg17[%swap3A_467, %swap3A_468], %mul3A_466 {strides = array<i32>} : memref<64x128xf32, #tpu.memory_space<vmem>>, vector<16xf32>,
      %get3A_470 = arith.index_cast %add3A_415 : i32 to index
      %get3A_471 = arith.constant 112 : index
      %get3A_472 = tpu.vector_load %arg17[%get3A_470, %get3A_471] {strides = array<i32>} : memref<64x128xf32, #tpu.memory_space<vmem>>, vector<16xf32>,
      %mul3A_473 = arith.mulf %get3A_472, %gather3A_420 : vector<16xf32>
      %swap3A_474 = arith.index_cast %add3A_415 : i32 to index
      %swap3A_475 = arith.constant 112 : index
      %swap3A_476 = tpu.vector_load %arg17[%swap3A_474, %swap3A_475] {strides = array<i32>} : memref<64x128xf32, #tpu.memory_space<vmem>>, vector<16xf32>,
      tpu.vector_store %arg17[%swap3A_474, %swap3A_475], %mul3A_473 {strides = array<i32>} : memref<64x128xf32, #tpu.memory_space<vmem>>, vector<16xf32>,
      %mul3A_477 = arith.constant 4 : i32
      %mul3A_478 = arith.muli %scan3A_411, %mul3A_477 : i32
      %add3A_479 = arith.constant 1 : i32
      %add3A_480 = arith.addi %mul3A_478, %add3A_479 : i32
      %broadcast_in_dim3A_481 = arith.constant 0 : i32
      %broadcast_in_dim3A_482 = vector.broadcast %broadcast_in_dim3A_481 : i32 to vector<16xi32>
      %add3A_483 = vector.broadcast %add3A_480 : i32 to vector<16xi32>
      %add3A_484 = arith.addi %broadcast_in_dim3A_482, %add3A_483 : vector<16xi32>
      %gather3A_485 = tpu.vector_load_idx %arg14[%add3A_484] : memref<64xf32, #tpu.memory_space<vmem>>[vector<16xi32>], vector<16xf32>,
      %get3A_486 = arith.index_cast %add3A_480 : i32 to index
      %get3A_487 = arith.constant 0 : index
      %get3A_488 = tpu.vector_load %arg17[%get3A_486, %get3A_487] {strides = array<i32>} : memref<64x128xf32, #tpu.memory_space<vmem>>, vector<16xf32>,
      %mul3A_489 = arith.mulf %get3A_488, %gather3A_485 : vector<16xf32>
      %swap3A_490 = arith.index_cast %add3A_480 : i32 to index
      %swap3A_491 = arith.constant 0 : index
      %swap3A_492 = tpu.vector_load %arg17[%swap3A_490, %swap3A_491] {strides = array<i32>} : memref<64x128xf32, #tpu.memory_space<vmem>>, vector<16xf32>,
      tpu.vector_store %arg17[%swap3A_490, %swap3A_491], %mul3A_489 {strides = array<i32>} : memref<64x128xf32, #tpu.memory_space<vmem>>, vector<16xf32>,
      %get3A_493 = arith.index_cast %add3A_480 : i32 to index
      %get3A_494 = arith.constant 16 : index
      %get3A_495 = tpu.vector_load %arg17[%get3A_493, %get3A_494] {strides = array<i32>} : memref<64x128xf32, #tpu.memory_space<vmem>>, vector<16xf32>,
      %mul3A_496 = arith.mulf %get3A_495, %gather3A_485 : vector<16xf32>
      %swap3A_497 = arith.index_cast %add3A_480 : i32 to index
      %swap3A_498 = arith.constant 16 : index
      %swap3A_499 = tpu.vector_load %arg17[%swap3A_497, %swap3A_498] {strides = array<i32>} : memref<64x128xf32, #tpu.memory_space<vmem>>, vector<16xf32>,
      tpu.vector_store %arg17[%swap3A_497, %swap3A_498], %mul3A_496 {strides = array<i32>} : memref<64x128xf32, #tpu.memory_space<vmem>>, vector<16xf32>,
      %get3A_500 = arith.index_cast %add3A_480 : i32 to index
      %get3A_501 = arith.constant 32 : index
      %get3A_502 = tpu.vector_load %arg17[%get3A_500, %get3A_501] {strides = array<i32>} : memref<64x128xf32, #tpu.memory_space<vmem>>, vector<16xf32>,
      %mul3A_503 = arith.mulf %get3A_502, %gather3A_485 : vector<16xf32>
      %swap3A_504 = arith.index_cast %add3A_480 : i32 to index
      %swap3A_505 = arith.constant 32 : index
      %swap3A_506 = tpu.vector_load %arg17[%swap3A_504, %swap3A_505] {strides = array<i32>} : memref<64x128xf32, #tpu.memory_space<vmem>>, vector<16xf32>,
      tpu.vector_store %arg17[%swap3A_504, %swap3A_505], %mul3A_503 {strides = array<i32>} : memref<64x128xf32, #tpu.memory_space<vmem>>, vector<16xf32>,
      %get3A_507 = arith.index_cast %add3A_480 : i32 to index
      %get3A_508 = arith.constant 48 : index
      %get3A_509 = tpu.vector_load %arg17[%get3A_507, %get3A_508] {strides = array<i32>} : memref<64x128xf32, #tpu.memory_space<vmem>>, vector<16xf32>,
      %mul3A_510 = arith.mulf %get3A_509, %gather3A_485 : vector<16xf32>
      %swap3A_511 = arith.index_cast %add3A_480 : i32 to index
      %swap3A_512 = arith.constant 48 : index
      %swap3A_513 = tpu.vector_load %arg17[%swap3A_511, %swap3A_512] {strides = array<i32>} : memref<64x128xf32, #tpu.memory_space<vmem>>, vector<16xf32>,
      tpu.vector_store %arg17[%swap3A_511, %swap3A_512], %mul3A_510 {strides = array<i32>} : memref<64x128xf32, #tpu.memory_space<vmem>>, vector<16xf32>,
      %get3A_514 = arith.index_cast %add3A_480 : i32 to index
      %get3A_515 = arith.constant 64 : index
      %get3A_516 = tpu.vector_load %arg17[%get3A_514, %get3A_515] {strides = array<i32>} : memref<64x128xf32, #tpu.memory_space<vmem>>, vector<16xf32>,
      %mul3A_517 = arith.mulf %get3A_516, %gather3A_485 : vector<16xf32>
      %swap3A_518 = arith.index_cast %add3A_480 : i32 to index
      %swap3A_519 = arith.constant 64 : index
      %swap3A_520 = tpu.vector_load %arg17[%swap3A_518, %swap3A_519] {strides = array<i32>} : memref<64x128xf32, #tpu.memory_space<vmem>>, vector<16xf32>,
      tpu.vector_store %arg17[%swap3A_518, %swap3A_519], %mul3A_517 {strides = array<i32>} : memref<64x128xf32, #tpu.memory_space<vmem>>, vector<16xf32>,
      %get3A_521 = arith.index_cast %add3A_480 : i32 to index
      %get3A_522 = arith.constant 80 : index
      %get3A_523 = tpu.vector_load %arg17[%get3A_521, %get3A_522] {strides = array<i32>} : memref<64x128xf32, #tpu.memory_space<vmem>>, vector<16xf32>,
      %mul3A_524 = arith.mulf %get3A_523, %gather3A_485 : vector<16xf32>
      %swap3A_525 = arith.index_cast %add3A_480 : i32 to index
      %swap3A_526 = arith.constant 80 : index
      %swap3A_527 = tpu.vector_load %arg17[%swap3A_525, %swap3A_526] {strides = array<i32>} : memref<64x128xf32, #tpu.memory_space<vmem>>, vector<16xf32>,
      tpu.vector_store %arg17[%swap3A_525, %swap3A_526], %mul3A_524 {strides = array<i32>} : memref<64x128xf32, #tpu.memory_space<vmem>>, vector<16xf32>,
      %get3A_528 = arith.index_cast %add3A_480 : i32 to index
      %get3A_529 = arith.constant 96 : index
      %get3A_530 = tpu.vector_load %arg17[%get3A_528, %get3A_529] {strides = array<i32>} : memref<64x128xf32, #tpu.memory_space<vmem>>, vector<16xf32>,
      %mul3A_531 = arith.mulf %get3A_530, %gather3A_485 : vector<16xf32>
      %swap3A_532 = arith.index_cast %add3A_480 : i32 to index
      %swap3A_533 = arith.constant 96 : index
      %swap3A_534 = tpu.vector_load %arg17[%swap3A_532, %swap3A_533] {strides = array<i32>} : memref<64x128xf32, #tpu.memory_space<vmem>>, vector<16xf32>,
      tpu.vector_store %arg17[%swap3A_532, %swap3A_533], %mul3A_531 {strides = array<i32>} : memref<64x128xf32, #tpu.memory_space<vmem>>, vector<16xf32>,
      %get3A_535 = arith.index_cast %add3A_480 : i32 to index
      %get3A_536 = arith.constant 112 : index
      %get3A_537 = tpu.vector_load %arg17[%get3A_535, %get3A_536] {strides = array<i32>} : memref<64x128xf32, #tpu.memory_space<vmem>>, vector<16xf32>,
      %mul3A_538 = arith.mulf %get3A_537, %gather3A_485 : vector<16xf32>
      %swap3A_539 = arith.index_cast %add3A_480 : i32 to index
      %swap3A_540 = arith.constant 112 : index
      %swap3A_541 = tpu.vector_load %arg17[%swap3A_539, %swap3A_540] {strides = array<i32>} : memref<64x128xf32, #tpu.memory_space<vmem>>, vector<16xf32>,
      tpu.vector_store %arg17[%swap3A_539, %swap3A_540], %mul3A_538 {strides = array<i32>} : memref<64x128xf32, #tpu.memory_space<vmem>>, vector<16xf32>,
      %mul3A_542 = arith.constant 4 : i32
      %mul3A_543 = arith.muli %scan3A_411, %mul3A_542 : i32
      %add3A_544 = arith.constant 2 : i32
      %add3A_545 = arith.addi %mul3A_543, %add3A_544 : i32
      %broadcast_in_dim3A_546 = arith.constant 0 : i32
      %broadcast_in_dim3A_547 = vector.broadcast %broadcast_in_dim3A_546 : i32 to vector<16xi32>
      %add3A_548 = vector.broadcast %add3A_545 : i32 to vector<16xi32>
      %add3A_549 = arith.addi %broadcast_in_dim3A_547, %add3A_548 : vector<16xi32>
      %gather3A_550 = tpu.vector_load_idx %arg14[%add3A_549] : memref<64xf32, #tpu.memory_space<vmem>>[vector<16xi32>], vector<16xf32>,
      %get3A_551 = arith.index_cast %add3A_545 : i32 to index
      %get3A_552 = arith.constant 0 : index
      %get3A_553 = tpu.vector_load %arg17[%get3A_551, %get3A_552] {strides = array<i32>} : memref<64x128xf32, #tpu.memory_space<vmem>>, vector<16xf32>,
      %mul3A_554 = arith.mulf %get3A_553, %gather3A_550 : vector<16xf32>
      %swap3A_555 = arith.index_cast %add3A_545 : i32 to index
      %swap3A_556 = arith.constant 0 : index
      %swap3A_557 = tpu.vector_load %arg17[%swap3A_555, %swap3A_556] {strides = array<i32>} : memref<64x128xf32, #tpu.memory_space<vmem>>, vector<16xf32>,
      tpu.vector_store %arg17[%swap3A_555, %swap3A_556], %mul3A_554 {strides = array<i32>} : memref<64x128xf32, #tpu.memory_space<vmem>>, vector<16xf32>,
      %get3A_558 = arith.index_cast %add3A_545 : i32 to index
      %get3A_559 = arith.constant 16 : index
      %get3A_560 = tpu.vector_load %arg17[%get3A_558, %get3A_559] {strides = array<i32>} : memref<64x128xf32, #tpu.memory_space<vmem>>, vector<16xf32>,
      %mul3A_561 = arith.mulf %get3A_560, %gather3A_550 : vector<16xf32>
      %swap3A_562 = arith.index_cast %add3A_545 : i32 to index
      %swap3A_563 = arith.constant 16 : index
      %swap3A_564 = tpu.vector_load %arg17[%swap3A_562, %swap3A_563] {strides = array<i32>} : memref<64x128xf32, #tpu.memory_space<vmem>>, vector<16xf32>,
      tpu.vector_store %arg17[%swap3A_562, %swap3A_563], %mul3A_561 {strides = array<i32>} : memref<64x128xf32, #tpu.memory_space<vmem>>, vector<16xf32>,
      %get3A_565 = arith.index_cast %add3A_545 : i32 to index
      %get3A_566 = arith.constant 32 : index
      %get3A_567 = tpu.vector_load %arg17[%get3A_565, %get3A_566] {strides = array<i32>} : memref<64x128xf32, #tpu.memory_space<vmem>>, vector<16xf32>,
      %mul3A_568 = arith.mulf %get3A_567, %gather3A_550 : vector<16xf32>
      %swap3A_569 = arith.index_cast %add3A_545 : i32 to index
      %swap3A_570 = arith.constant 32 : index
      %swap3A_571 = tpu.vector_load %arg17[%swap3A_569, %swap3A_570] {strides = array<i32>} : memref<64x128xf32, #tpu.memory_space<vmem>>, vector<16xf32>,
      tpu.vector_store %arg17[%swap3A_569, %swap3A_570], %mul3A_568 {strides = array<i32>} : memref<64x128xf32, #tpu.memory_space<vmem>>, vector<16xf32>,
      %get3A_572 = arith.index_cast %add3A_545 : i32 to index
      %get3A_573 = arith.constant 48 : index
      %get3A_574 = tpu.vector_load %arg17[%get3A_572, %get3A_573] {strides = array<i32>} : memref<64x128xf32, #tpu.memory_space<vmem>>, vector<16xf32>,
      %mul3A_575 = arith.mulf %get3A_574, %gather3A_550 : vector<16xf32>
      %swap3A_576 = arith.index_cast %add3A_545 : i32 to index
      %swap3A_577 = arith.constant 48 : index
      %swap3A_578 = tpu.vector_load %arg17[%swap3A_576, %swap3A_577] {strides = array<i32>} : memref<64x128xf32, #tpu.memory_space<vmem>>, vector<16xf32>,
      tpu.vector_store %arg17[%swap3A_576, %swap3A_577], %mul3A_575 {strides = array<i32>} : memref<64x128xf32, #tpu.memory_space<vmem>>, vector<16xf32>,
      %get3A_579 = arith.index_cast %add3A_545 : i32 to index
      %get3A_580 = arith.constant 64 : index
      %get3A_581 = tpu.vector_load %arg17[%get3A_579, %get3A_580] {strides = array<i32>} : memref<64x128xf32, #tpu.memory_space<vmem>>, vector<16xf32>,
      %mul3A_582 = arith.mulf %get3A_581, %gather3A_550 : vector<16xf32>
      %swap3A_583 = arith.index_cast %add3A_545 : i32 to index
      %swap3A_584 = arith.constant 64 : index
      %swap3A_585 = tpu.vector_load %arg17[%swap3A_583, %swap3A_584] {strides = array<i32>} : memref<64x128xf32, #tpu.memory_space<vmem>>, vector<16xf32>,
      tpu.vector_store %arg17[%swap3A_583, %swap3A_584], %mul3A_582 {strides = array<i32>} : memref<64x128xf32, #tpu.memory_space<vmem>>, vector<16xf32>,
      %get3A_586 = arith.index_cast %add3A_545 : i32 to index
      %get3A_587 = arith.constant 80 : index
      %get3A_588 = tpu.vector_load %arg17[%get3A_586, %get3A_587] {strides = array<i32>} : memref<64x128xf32, #tpu.memory_space<vmem>>, vector<16xf32>,
      %mul3A_589 = arith.mulf %get3A_588, %gather3A_550 : vector<16xf32>
      %swap3A_590 = arith.index_cast %add3A_545 : i32 to index
      %swap3A_591 = arith.constant 80 : index
      %swap3A_592 = tpu.vector_load %arg17[%swap3A_590, %swap3A_591] {strides = array<i32>} : memref<64x128xf32, #tpu.memory_space<vmem>>, vector<16xf32>,
      tpu.vector_store %arg17[%swap3A_590, %swap3A_591], %mul3A_589 {strides = array<i32>} : memref<64x128xf32, #tpu.memory_space<vmem>>, vector<16xf32>,
      %get3A_593 = arith.index_cast %add3A_545 : i32 to index
      %get3A_594 = arith.constant 96 : index
      %get3A_595 = tpu.vector_load %arg17[%get3A_593, %get3A_594] {strides = array<i32>} : memref<64x128xf32, #tpu.memory_space<vmem>>, vector<16xf32>,
      %mul3A_596 = arith.mulf %get3A_595, %gather3A_550 : vector<16xf32>
      %swap3A_597 = arith.index_cast %add3A_545 : i32 to index
      %swap3A_598 = arith.constant 96 : index
      %swap3A_599 = tpu.vector_load %arg17[%swap3A_597, %swap3A_598] {strides = array<i32>} : memref<64x128xf32, #tpu.memory_space<vmem>>, vector<16xf32>,
      tpu.vector_store %arg17[%swap3A_597, %swap3A_598], %mul3A_596 {strides = array<i32>} : memref<64x128xf32, #tpu.memory_space<vmem>>, vector<16xf32>,
      %get3A_600 = arith.index_cast %add3A_545 : i32 to index
      %get3A_601 = arith.constant 112 : index
      %get3A_602 = tpu.vector_load %arg17[%get3A_600, %get3A_601] {strides = array<i32>} : memref<64x128xf32, #tpu.memory_space<vmem>>, vector<16xf32>,
      %mul3A_603 = arith.mulf %get3A_602, %gather3A_550 : vector<16xf32>
      %swap3A_604 = arith.index_cast %add3A_545 : i32 to index
      %swap3A_605 = arith.constant 112 : index
      %swap3A_606 = tpu.vector_load %arg17[%swap3A_604, %swap3A_605] {strides = array<i32>} : memref<64x128xf32, #tpu.memory_space<vmem>>, vector<16xf32>,
      tpu.vector_store %arg17[%swap3A_604, %swap3A_605], %mul3A_603 {strides = array<i32>} : memref<64x128xf32, #tpu.memory_space<vmem>>, vector<16xf32>,
      %mul3A_607 = arith.constant 4 : i32
      %mul3A_608 = arith.muli %scan3A_411, %mul3A_607 : i32
      %add3A_609 = arith.constant 3 : i32
      %add3A_610 = arith.addi %mul3A_608, %add3A_609 : i32
      %broadcast_in_dim3A_611 = arith.constant 0 : i32
      %broadcast_in_dim3A_612 = vector.broadcast %broadcast_in_dim3A_611 : i32 to vector<16xi32>
      %add3A_613 = vector.broadcast %add3A_610 : i32 to vector<16xi32>
      %add3A_614 = arith.addi %broadcast_in_dim3A_612, %add3A_613 : vector<16xi32>
      %gather3A_615 = tpu.vector_load_idx %arg14[%add3A_614] : memref<64xf32, #tpu.memory_space<vmem>>[vector<16xi32>], vector<16xf32>,
      %get3A_616 = arith.index_cast %add3A_610 : i32 to index
      %get3A_617 = arith.constant 0 : index
      %get3A_618 = tpu.vector_load %arg17[%get3A_616, %get3A_617] {strides = array<i32>} : memref<64x128xf32, #tpu.memory_space<vmem>>, vector<16xf32>,
      %mul3A_619 = arith.mulf %get3A_618, %gather3A_615 : vector<16xf32>
      %swap3A_620 = arith.index_cast %add3A_610 : i32 to index
      %swap3A_621 = arith.constant 0 : index
      %swap3A_622 = tpu.vector_load %arg17[%swap3A_620, %swap3A_621] {strides = array<i32>} : memref<64x128xf32, #tpu.memory_space<vmem>>, vector<16xf32>,
      tpu.vector_store %arg17[%swap3A_620, %swap3A_621], %mul3A_619 {strides = array<i32>} : memref<64x128xf32, #tpu.memory_space<vmem>>, vector<16xf32>,
      %get3A_623 = arith.index_cast %add3A_610 : i32 to index
      %get3A_624 = arith.constant 16 : index
      %get3A_625 = tpu.vector_load %arg17[%get3A_623, %get3A_624] {strides = array<i32>} : memref<64x128xf32, #tpu.memory_space<vmem>>, vector<16xf32>,
      %mul3A_626 = arith.mulf %get3A_625, %gather3A_615 : vector<16xf32>
      %swap3A_627 = arith.index_cast %add3A_610 : i32 to index
      %swap3A_628 = arith.constant 16 : index
      %swap3A_629 = tpu.vector_load %arg17[%swap3A_627, %swap3A_628] {strides = array<i32>} : memref<64x128xf32, #tpu.memory_space<vmem>>, vector<16xf32>,
      tpu.vector_store %arg17[%swap3A_627, %swap3A_628], %mul3A_626 {strides = array<i32>} : memref<64x128xf32, #tpu.memory_space<vmem>>, vector<16xf32>,
      %get3A_630 = arith.index_cast %add3A_610 : i32 to index
      %get3A_631 = arith.constant 32 : index
      %get3A_632 = tpu.vector_load %arg17[%get3A_630, %get3A_631] {strides = array<i32>} : memref<64x128xf32, #tpu.memory_space<vmem>>, vector<16xf32>,
      %mul3A_633 = arith.mulf %get3A_632, %gather3A_615 : vector<16xf32>
      %swap3A_634 = arith.index_cast %add3A_610 : i32 to index
      %swap3A_635 = arith.constant 32 : index
      %swap3A_636 = tpu.vector_load %arg17[%swap3A_634, %swap3A_635] {strides = array<i32>} : memref<64x128xf32, #tpu.memory_space<vmem>>, vector<16xf32>,
      tpu.vector_store %arg17[%swap3A_634, %swap3A_635], %mul3A_633 {strides = array<i32>} : memref<64x128xf32, #tpu.memory_space<vmem>>, vector<16xf32>,
      %get3A_637 = arith.index_cast %add3A_610 : i32 to index
      %get3A_638 = arith.constant 48 : index
      %get3A_639 = tpu.vector_load %arg17[%get3A_637, %get3A_638] {strides = array<i32>} : memref<64x128xf32, #tpu.memory_space<vmem>>, vector<16xf32>,
      %mul3A_640 = arith.mulf %get3A_639, %gather3A_615 : vector<16xf32>
      %swap3A_641 = arith.index_cast %add3A_610 : i32 to index
      %swap3A_642 = arith.constant 48 : index
      %swap3A_643 = tpu.vector_load %arg17[%swap3A_641, %swap3A_642] {strides = array<i32>} : memref<64x128xf32, #tpu.memory_space<vmem>>, vector<16xf32>,
      tpu.vector_store %arg17[%swap3A_641, %swap3A_642], %mul3A_640 {strides = array<i32>} : memref<64x128xf32, #tpu.memory_space<vmem>>, vector<16xf32>,
      %get3A_644 = arith.index_cast %add3A_610 : i32 to index
      %get3A_645 = arith.constant 64 : index
      %get3A_646 = tpu.vector_load %arg17[%get3A_644, %get3A_645] {strides = array<i32>} : memref<64x128xf32, #tpu.memory_space<vmem>>, vector<16xf32>,
      %mul3A_647 = arith.mulf %get3A_646, %gather3A_615 : vector<16xf32>
      %swap3A_648 = arith.index_cast %add3A_610 : i32 to index
      %swap3A_649 = arith.constant 64 : index
      %swap3A_650 = tpu.vector_load %arg17[%swap3A_648, %swap3A_649] {strides = array<i32>} : memref<64x128xf32, #tpu.memory_space<vmem>>, vector<16xf32>,
      tpu.vector_store %arg17[%swap3A_648, %swap3A_649], %mul3A_647 {strides = array<i32>} : memref<64x128xf32, #tpu.memory_space<vmem>>, vector<16xf32>,
      %get3A_651 = arith.index_cast %add3A_610 : i32 to index
      %get3A_652 = arith.constant 80 : index
      %get3A_653 = tpu.vector_load %arg17[%get3A_651, %get3A_652] {strides = array<i32>} : memref<64x128xf32, #tpu.memory_space<vmem>>, vector<16xf32>,
      %mul3A_654 = arith.mulf %get3A_653, %gather3A_615 : vector<16xf32>
      %swap3A_655 = arith.index_cast %add3A_610 : i32 to index
      %swap3A_656 = arith.constant 80 : index
      %swap3A_657 = tpu.vector_load %arg17[%swap3A_655, %swap3A_656] {strides = array<i32>} : memref<64x128xf32, #tpu.memory_space<vmem>>, vector<16xf32>,
      tpu.vector_store %arg17[%swap3A_655, %swap3A_656], %mul3A_654 {strides = array<i32>} : memref<64x128xf32, #tpu.memory_space<vmem>>, vector<16xf32>,
      %get3A_658 = arith.index_cast %add3A_610 : i32 to index
      %get3A_659 = arith.constant 96 : index
      %get3A_660 = tpu.vector_load %arg17[%get3A_658, %get3A_659] {strides = array<i32>} : memref<64x128xf32, #tpu.memory_space<vmem>>, vector<16xf32>,
      %mul3A_661 = arith.mulf %get3A_660, %gather3A_615 : vector<16xf32>
      %swap3A_662 = arith.index_cast %add3A_610 : i32 to index
      %swap3A_663 = arith.constant 96 : index
      %swap3A_664 = tpu.vector_load %arg17[%swap3A_662, %swap3A_663] {strides = array<i32>} : memref<64x128xf32, #tpu.memory_space<vmem>>, vector<16xf32>,
      tpu.vector_store %arg17[%swap3A_662, %swap3A_663], %mul3A_661 {strides = array<i32>} : memref<64x128xf32, #tpu.memory_space<vmem>>, vector<16xf32>,
      %get3A_665 = arith.index_cast %add3A_610 : i32 to index
      %get3A_666 = arith.constant 112 : index
      %get3A_667 = tpu.vector_load %arg17[%get3A_665, %get3A_666] {strides = array<i32>} : memref<64x128xf32, #tpu.memory_space<vmem>>, vector<16xf32>,
      %mul3A_668 = arith.mulf %get3A_667, %gather3A_615 : vector<16xf32>
      %swap3A_669 = arith.index_cast %add3A_610 : i32 to index
      %swap3A_670 = arith.constant 112 : index
      %swap3A_671 = tpu.vector_load %arg17[%swap3A_669, %swap3A_670] {strides = array<i32>} : memref<64x128xf32, #tpu.memory_space<vmem>>, vector<16xf32>,
      tpu.vector_store %arg17[%swap3A_669, %swap3A_670], %mul3A_668 {strides = array<i32>} : memref<64x128xf32, #tpu.memory_space<vmem>>, vector<16xf32>,
    }
    %scan3A_318 = arith.constant 16 : i32
    %dma_start3A_319 = arith.constant 1 : i32
    %dma_start3A_320 = arith.constant 0 : i32
    %dma_start3A_321 = tpu.memref_slice %arg11[%dma_start3A_319, %dma_start3A_320] : memref<2x64xi32, #tpu.memory_space<vmem>> -> memref<1x64xi32, #tpu.memory_space<vmem>>
    %dma_start3A_322 = tpu.memref_squeeze %dma_start3A_321 : memref<1x64xi32, #tpu.memory_space<vmem>> -> memref<64xi32, #tpu.memory_space<vmem>>
    %dma_start3A_323 = arith.constant 0 : i32
    %dma_start3A_324 = arith.constant 0 : i32
    %dma_start3A_325 = tpu.memref_slice %arg19[%dma_start3A_323, %dma_start3A_324] : memref<10112x128xf32, #tpu.memory_space<vmem_shared>> -> memref<10112x128xf32, #tpu.memory_space<vmem_shared>>
    tpu.enqueue_indirect_dma source(%arg17 : memref<64x128xf32, #tpu.memory_space<vmem>>) target(%dma_start3A_325 : memref<10112x128xf32, #tpu.memory_space<vmem_shared>>) offsets(%dma_start3A_322 : memref<64xi32, #tpu.memory_space<vmem>>) semaphore(%arg25 : memref<!tpu.dma_semaphore, #tpu.memory_space<semaphore_mem>>) {add = true}
    %dma_start3A_326 = arith.constant 1 : i32
    %dma_start3A_327 = arith.constant 0 : i32
    %dma_start3A_328 = tpu.memref_slice %arg11[%dma_start3A_326, %dma_start3A_327] : memref<2x64xi32, #tpu.memory_space<vmem>> -> memref<1x64xi32, #tpu.memory_space<vmem>>
    %dma_start3A_329 = tpu.memref_squeeze %dma_start3A_328 : memref<1x64xi32, #tpu.memory_space<vmem>> -> memref<64xi32, #tpu.memory_space<vmem>>
    %dma_start3A_330 = arith.constant 0 : i32
    %dma_start3A_331 = tpu.memref_slice %arg20[%dma_start3A_330] : memref<10112xf32, #tpu.memory_space<vmem_shared>> -> memref<10112xf32, #tpu.memory_space<vmem_shared>>
    tpu.enqueue_indirect_dma source(%arg14 : memref<64xf32, #tpu.memory_space<vmem>>) target(%dma_start3A_331 : memref<10112xf32, #tpu.memory_space<vmem_shared>>) offsets(%dma_start3A_329 : memref<64xi32, #tpu.memory_space<vmem>>) semaphore(%arg25 : memref<!tpu.dma_semaphore, #tpu.memory_space<semaphore_mem>>) {add = true}
    %scan3A_332 = arith.constant 0 : i32
    %scan3A_333 = arith.constant 0 : i32
    %scan3A_334 = arith.constant 52 : i32
    %scan3A_335 = arith.addi %scan3A_333, %scan3A_334 : i32
    %scan3A_336 = arith.constant 1 : i32
    scf.for %scan3A_411 = %scan3A_333 to %scan3A_335 step %scan3A_336  : i32 {
      %mul3A_412 = arith.constant 3 : i32
      %mul3A_413 = arith.muli %mul3A_412, %scan3A_411 : i32
      %add3A_414 = arith.constant 2 : i32
      %add3A_415 = arith.addi %mul3A_413, %add3A_414 : i32
      %dma_wait3A_416 = arith.constant 1 : i32
      %dma_wait3A_417 = arith.constant 0 : i32
      %dma_wait3A_418 = tpu.memref_slice %arg10[%dma_wait3A_416, %dma_wait3A_417] : memref<2x64xi32, #tpu.memory_space<vmem>> -> memref<1x64xi32, #tpu.memory_space<vmem>>
      %dma_wait3A_419 = tpu.memref_squeeze %dma_wait3A_418 : memref<1x64xi32, #tpu.memory_space<vmem>> -> memref<64xi32, #tpu.memory_space<vmem>>
      %dma_wait3A_420 = arith.constant 0 : i32
      %dma_wait3A_421 = arith.constant 0 : i32
      %dma_wait3A_422 = tpu.memref_slice %arg19[%dma_wait3A_420, %dma_wait3A_421] : memref<10112x128xf32, #tpu.memory_space<vmem_shared>> -> memref<10112x128xf32, #tpu.memory_space<vmem_shared>>
      tpu.wait_indirect_dma semaphore(%arg24 : memref<!tpu.dma_semaphore, #tpu.memory_space<semaphore_mem>>) src(%arg16 : memref<64x128xf32, #tpu.memory_space<vmem>>) dst(%dma_wait3A_422 : memref<10112x128xf32, #tpu.memory_space<vmem_shared>>)
      %dma_wait3A_423 = arith.constant 1 : i32
      %dma_wait3A_424 = arith.constant 0 : i32
      %dma_wait3A_425 = tpu.memref_slice %arg10[%dma_wait3A_423, %dma_wait3A_424] : memref<2x64xi32, #tpu.memory_space<vmem>> -> memref<1x64xi32, #tpu.memory_space<vmem>>
      %dma_wait3A_426 = tpu.memref_squeeze %dma_wait3A_425 : memref<1x64xi32, #tpu.memory_space<vmem>> -> memref<64xi32, #tpu.memory_space<vmem>>
      %dma_wait3A_427 = arith.constant 0 : i32
      %dma_wait3A_428 = tpu.memref_slice %arg20[%dma_wait3A_427] : memref<10112xf32, #tpu.memory_space<vmem_shared>> -> memref<10112xf32, #tpu.memory_space<vmem_shared>>
      tpu.wait_indirect_dma semaphore(%arg24 : memref<!tpu.dma_semaphore, #tpu.memory_space<semaphore_mem>>) src(%arg13 : memref<64xf32, #tpu.memory_space<vmem>>) dst(%dma_wait3A_428 : memref<10112xf32, #tpu.memory_space<vmem_shared>>)
      %add3A_429 = arith.constant 1 : i32
      %add3A_430 = arith.addi %add3A_415, %add3A_429 : i32
      %mul3A_431 = arith.constant 32 : i32
      %mul3A_432 = arith.muli %mul3A_431, %add3A_430 : i32
      %add3A_433 = arith.addi %add3A, %mul3A_432 : i32
      %mul3A_434 = arith.constant 64 : i32
      %mul3A_435 = arith.muli %add3A_433, %mul3A_434 : i32
      "tpu.region"() ({
        %run_scoped3A_883 = tpu.sem_alloc : memref<!tpu.dma_semaphore, #tpu.memory_space<semaphore_mem>>
        %dma_start3A_884 = arith.constant 0 : i32
        %dma_start3A_885 = tpu.memref_slice %arg5[%dma_start3A_884, %mul3A_435] : memref<2x325632xi32, #tpu.memory_space<hbm>> -> memref<2x64xi32, #tpu.memory_space<hbm>>
        %dma_start3A_886 = arith.constant 0 : i32
        %dma_start3A_887 = tpu.memref_slice %arg5[%dma_start3A_886, %mul3A_435] : memref<2x325632xi32, #tpu.memory_space<hbm>> -> memref<2x64xi32, #tpu.memory_space<hbm>>
        tpu.enqueue_dma source(%dma_start3A_887 : memref<2x64xi32, #tpu.memory_space<hbm>>) target(%arg10 : memref<2x64xi32, #tpu.memory_space<vmem>>) target_semaphore(%run_scoped3A_883 : memref<!tpu.dma_semaphore, #tpu.memory_space<semaphore_mem>>)
        %dma_wait3A_888 = arith.constant 0 : i32
        %dma_wait3A_889 = tpu.memref_slice %arg5[%dma_wait3A_888, %mul3A_435] : memref<2x325632xi32, #tpu.memory_space<hbm>> -> memref<2x64xi32, #tpu.memory_space<hbm>>
        %dma_wait3A_890 = arith.constant 0 : i32
        %dma_wait3A_891 = tpu.memref_slice %arg5[%dma_wait3A_890, %mul3A_435] : memref<2x325632xi32, #tpu.memory_space<hbm>> -> memref<2x64xi32, #tpu.memory_space<hbm>>
        tpu.wait_dma2 semaphore(%run_scoped3A_883 : memref<!tpu.dma_semaphore, #tpu.memory_space<semaphore_mem>>) src(%dma_wait3A_891 : memref<2x64xi32, #tpu.memory_space<hbm>>) dst(%arg10 : memref<2x64xi32, #tpu.memory_space<vmem>>)
        tpu.yield
      }) : () -> ()
      %dma_start3A_436 = arith.constant 0 : i32
      %dma_start3A_437 = arith.constant 0 : i32
      %dma_start3A_438 = tpu.memref_slice %arg10[%dma_start3A_436, %dma_start3A_437] : memref<2x64xi32, #tpu.memory_space<vmem>> -> memref<1x64xi32, #tpu.memory_space<vmem>>
      %dma_start3A_439 = tpu.memref_squeeze %dma_start3A_438 : memref<1x64xi32, #tpu.memory_space<vmem>> -> memref<64xi32, #tpu.memory_space<vmem>>
      %dma_start3A_440 = arith.constant 0 : i32
      %dma_start3A_441 = arith.constant 0 : i32
      %dma_start3A_442 = tpu.memref_slice %arg2[%dma_start3A_440, %dma_start3A_441] : memref<10240x128xf32, #tpu.memory_space<hbm>> -> memref<10240x128xf32, #tpu.memory_space<hbm>>
      tpu.enqueue_indirect_dma source(%dma_start3A_442 : memref<10240x128xf32, #tpu.memory_space<hbm>>) target(%arg16 : memref<64x128xf32, #tpu.memory_space<vmem>>) offsets(%dma_start3A_439 : memref<64xi32, #tpu.memory_space<vmem>>) semaphore(%arg21 : memref<!tpu.dma_semaphore, #tpu.memory_space<semaphore_mem>>)
      %dma_wait3A_443 = arith.constant 0 : i32
      %dma_wait3A_444 = arith.constant 0 : i32
      %dma_wait3A_445 = tpu.memref_slice %arg12[%dma_wait3A_443, %dma_wait3A_444] : memref<2x64xi32, #tpu.memory_space<vmem>> -> memref<1x64xi32, #tpu.memory_space<vmem>>
      %dma_wait3A_446 = tpu.memref_squeeze %dma_wait3A_445 : memref<1x64xi32, #tpu.memory_space<vmem>> -> memref<64xi32, #tpu.memory_space<vmem>>
      %dma_wait3A_447 = arith.constant 0 : i32
      %dma_wait3A_448 = arith.constant 0 : i32
      %dma_wait3A_449 = tpu.memref_slice %arg2[%dma_wait3A_447, %dma_wait3A_448] : memref<10240x128xf32, #tpu.memory_space<hbm>> -> memref<10240x128xf32, #tpu.memory_space<hbm>>
      tpu.wait_indirect_dma semaphore(%arg23 : memref<!tpu.dma_semaphore, #tpu.memory_space<semaphore_mem>>) src(%dma_wait3A_449 : memref<10240x128xf32, #tpu.memory_space<hbm>>) dst(%arg18 : memref<64x128xf32, #tpu.memory_space<vmem>>)
      %get3A_450 = arith.constant 0 : i32
      %get3A_451 = arith.index_cast %get3A_450 : i32 to index
      %get3A_452 = arith.constant 0 : index
      %get3A_453 = tpu.vector_load %arg12[%get3A_451, %get3A_452] {strides = array<i32>} : memref<2x64xi32, #tpu.memory_space<vmem>>, vector<16xi32>,
      %get3A_454 = arith.constant 1 : i32
      %get3A_455 = arith.index_cast %get3A_454 : i32 to index
      %get3A_456 = arith.constant 0 : index
      %get3A_457 = tpu.vector_load %arg12[%get3A_455, %get3A_456] {strides = array<i32>} : memref<2x64xi32, #tpu.memory_space<vmem>>, vector<16xi32>,
      %gather3A_458 = tpu.vector_load_idx %arg8[%get3A_453] : memref<10000xf32, #tpu.memory_space<vmem>>[vector<16xi32>], vector<16xf32>,
      %gather3A_459 = tpu.vector_load_idx %arg9[%get3A_457] : memref<10000xf32, #tpu.memory_space<vmem>>[vector<16xi32>], vector<16xf32>,
      %add3A_460 = arith.addf %gather3A_458, %gather3A_459 : vector<16xf32>
      %ge3A_461 = arith.constant 0.000000e+00 : f32
      %ge3A_462 = vector.broadcast %ge3A_461 : f32 to vector<16xf32>
      %ge3A_463 = arith.cmpf oge, %add3A_460, %ge3A_462 : vector<16xf32>
      %mul3A_464 = arith.constant 2.000000e-01 : f32
      %mul3A_465 = vector.broadcast %mul3A_464 : f32 to vector<16xf32>
      %mul3A_466 = arith.mulf %mul3A_465, %add3A_460 : vector<16xf32>
      %select_n3A_467 = arith.select %ge3A_463, %add3A_460, %mul3A_466 : vector<16xi1>, vector<16xf32>
      %ne3A_468 = arith.cmpi ne, %get3A_453, %get3A_457 : vector<16xi32>
      %exp3A_469 = math.exp %select_n3A_467 : vector<16xf32>
      %jit3A_470 = arith.constant 0.000000e+00 : f32
      %broadcast_in_dim3A_471 = vector.broadcast %jit3A_470 : f32 to vector<16xf32>
      %select_n3A_472 = arith.select %ne3A_468, %exp3A_469, %broadcast_in_dim3A_471 : vector<16xi1>, vector<16xf32>
      %swap3A_473 = arith.constant 0 : index
      %swap3A_474 = tpu.vector_load %arg15[%swap3A_473] {strides = array<i32>} : memref<64xf32, #tpu.memory_space<vmem>>, vector<16xf32>,
      tpu.vector_store %arg15[%swap3A_473], %select_n3A_472 {strides = array<i32>} : memref<64xf32, #tpu.memory_space<vmem>>, vector<16xf32>,
      %get3A_475 = arith.constant 0 : i32
      %get3A_476 = arith.index_cast %get3A_475 : i32 to index
      %get3A_477 = arith.constant 16 : index
      %get3A_478 = tpu.vector_load %arg12[%get3A_476, %get3A_477] {strides = array<i32>} : memref<2x64xi32, #tpu.memory_space<vmem>>, vector<16xi32>,
      %get3A_479 = arith.constant 1 : i32
      %get3A_480 = arith.index_cast %get3A_479 : i32 to index
      %get3A_481 = arith.constant 16 : index
      %get3A_482 = tpu.vector_load %arg12[%get3A_480, %get3A_481] {strides = array<i32>} : memref<2x64xi32, #tpu.memory_space<vmem>>, vector<16xi32>,
      %gather3A_483 = tpu.vector_load_idx %arg8[%get3A_478] : memref<10000xf32, #tpu.memory_space<vmem>>[vector<16xi32>], vector<16xf32>,
      %gather3A_484 = tpu.vector_load_idx %arg9[%get3A_482] : memref<10000xf32, #tpu.memory_space<vmem>>[vector<16xi32>], vector<16xf32>,
      %add3A_485 = arith.addf %gather3A_483, %gather3A_484 : vector<16xf32>
      %ge3A_486 = arith.constant 0.000000e+00 : f32
      %ge3A_487 = vector.broadcast %ge3A_486 : f32 to vector<16xf32>
      %ge3A_488 = arith.cmpf oge, %add3A_485, %ge3A_487 : vector<16xf32>
      %mul3A_489 = arith.constant 2.000000e-01 : f32
      %mul3A_490 = vector.broadcast %mul3A_489 : f32 to vector<16xf32>
      %mul3A_491 = arith.mulf %mul3A_490, %add3A_485 : vector<16xf32>
      %select_n3A_492 = arith.select %ge3A_488, %add3A_485, %mul3A_491 : vector<16xi1>, vector<16xf32>
      %ne3A_493 = arith.cmpi ne, %get3A_478, %get3A_482 : vector<16xi32>
      %exp3A_494 = math.exp %select_n3A_492 : vector<16xf32>
      %jit3A_495 = arith.constant 0.000000e+00 : f32
      %broadcast_in_dim3A_496 = vector.broadcast %jit3A_495 : f32 to vector<16xf32>
      %select_n3A_497 = arith.select %ne3A_493, %exp3A_494, %broadcast_in_dim3A_496 : vector<16xi1>, vector<16xf32>
      %swap3A_498 = arith.constant 16 : index
      %swap3A_499 = tpu.vector_load %arg15[%swap3A_498] {strides = array<i32>} : memref<64xf32, #tpu.memory_space<vmem>>, vector<16xf32>,
      tpu.vector_store %arg15[%swap3A_498], %select_n3A_497 {strides = array<i32>} : memref<64xf32, #tpu.memory_space<vmem>>, vector<16xf32>,
      %get3A_500 = arith.constant 0 : i32
      %get3A_501 = arith.index_cast %get3A_500 : i32 to index
      %get3A_502 = arith.constant 32 : index
      %get3A_503 = tpu.vector_load %arg12[%get3A_501, %get3A_502] {strides = array<i32>} : memref<2x64xi32, #tpu.memory_space<vmem>>, vector<16xi32>,
      %get3A_504 = arith.constant 1 : i32
      %get3A_505 = arith.index_cast %get3A_504 : i32 to index
      %get3A_506 = arith.constant 32 : index
      %get3A_507 = tpu.vector_load %arg12[%get3A_505, %get3A_506] {strides = array<i32>} : memref<2x64xi32, #tpu.memory_space<vmem>>, vector<16xi32>,
      %gather3A_508 = tpu.vector_load_idx %arg8[%get3A_503] : memref<10000xf32, #tpu.memory_space<vmem>>[vector<16xi32>], vector<16xf32>,
      %gather3A_509 = tpu.vector_load_idx %arg9[%get3A_507] : memref<10000xf32, #tpu.memory_space<vmem>>[vector<16xi32>], vector<16xf32>,
      %add3A_510 = arith.addf %gather3A_508, %gather3A_509 : vector<16xf32>
      %ge3A_511 = arith.constant 0.000000e+00 : f32
      %ge3A_512 = vector.broadcast %ge3A_511 : f32 to vector<16xf32>
      %ge3A_513 = arith.cmpf oge, %add3A_510, %ge3A_512 : vector<16xf32>
      %mul3A_514 = arith.constant 2.000000e-01 : f32
      %mul3A_515 = vector.broadcast %mul3A_514 : f32 to vector<16xf32>
      %mul3A_516 = arith.mulf %mul3A_515, %add3A_510 : vector<16xf32>
      %select_n3A_517 = arith.select %ge3A_513, %add3A_510, %mul3A_516 : vector<16xi1>, vector<16xf32>
      %ne3A_518 = arith.cmpi ne, %get3A_503, %get3A_507 : vector<16xi32>
      %exp3A_519 = math.exp %select_n3A_517 : vector<16xf32>
      %jit3A_520 = arith.constant 0.000000e+00 : f32
      %broadcast_in_dim3A_521 = vector.broadcast %jit3A_520 : f32 to vector<16xf32>
      %select_n3A_522 = arith.select %ne3A_518, %exp3A_519, %broadcast_in_dim3A_521 : vector<16xi1>, vector<16xf32>
      %swap3A_523 = arith.constant 32 : index
      %swap3A_524 = tpu.vector_load %arg15[%swap3A_523] {strides = array<i32>} : memref<64xf32, #tpu.memory_space<vmem>>, vector<16xf32>,
      tpu.vector_store %arg15[%swap3A_523], %select_n3A_522 {strides = array<i32>} : memref<64xf32, #tpu.memory_space<vmem>>, vector<16xf32>,
      %get3A_525 = arith.constant 0 : i32
      %get3A_526 = arith.index_cast %get3A_525 : i32 to index
      %get3A_527 = arith.constant 48 : index
      %get3A_528 = tpu.vector_load %arg12[%get3A_526, %get3A_527] {strides = array<i32>} : memref<2x64xi32, #tpu.memory_space<vmem>>, vector<16xi32>,
      %get3A_529 = arith.constant 1 : i32
      %get3A_530 = arith.index_cast %get3A_529 : i32 to index
      %get3A_531 = arith.constant 48 : index
      %get3A_532 = tpu.vector_load %arg12[%get3A_530, %get3A_531] {strides = array<i32>} : memref<2x64xi32, #tpu.memory_space<vmem>>, vector<16xi32>,
      %gather3A_533 = tpu.vector_load_idx %arg8[%get3A_528] : memref<10000xf32, #tpu.memory_space<vmem>>[vector<16xi32>], vector<16xf32>,
      %gather3A_534 = tpu.vector_load_idx %arg9[%get3A_532] : memref<10000xf32, #tpu.memory_space<vmem>>[vector<16xi32>], vector<16xf32>,
      %add3A_535 = arith.addf %gather3A_533, %gather3A_534 : vector<16xf32>
      %ge3A_536 = arith.constant 0.000000e+00 : f32
      %ge3A_537 = vector.broadcast %ge3A_536 : f32 to vector<16xf32>
      %ge3A_538 = arith.cmpf oge, %add3A_535, %ge3A_537 : vector<16xf32>
      %mul3A_539 = arith.constant 2.000000e-01 : f32
      %mul3A_540 = vector.broadcast %mul3A_539 : f32 to vector<16xf32>
      %mul3A_541 = arith.mulf %mul3A_540, %add3A_535 : vector<16xf32>
      %select_n3A_542 = arith.select %ge3A_538, %add3A_535, %mul3A_541 : vector<16xi1>, vector<16xf32>
      %ne3A_543 = arith.cmpi ne, %get3A_528, %get3A_532 : vector<16xi32>
      %exp3A_544 = math.exp %select_n3A_542 : vector<16xf32>
      %jit3A_545 = arith.constant 0.000000e+00 : f32
      %broadcast_in_dim3A_546 = vector.broadcast %jit3A_545 : f32 to vector<16xf32>
      %select_n3A_547 = arith.select %ne3A_543, %exp3A_544, %broadcast_in_dim3A_546 : vector<16xi1>, vector<16xf32>
      %swap3A_548 = arith.constant 48 : index
      %swap3A_549 = tpu.vector_load %arg15[%swap3A_548] {strides = array<i32>} : memref<64xf32, #tpu.memory_space<vmem>>, vector<16xf32>,
      tpu.vector_store %arg15[%swap3A_548], %select_n3A_547 {strides = array<i32>} : memref<64xf32, #tpu.memory_space<vmem>>, vector<16xf32>,
      %scan3A_550 = arith.constant 0 : i32
      %scan3A_551 = arith.constant 0 : i32
      %scan3A_552 = arith.constant 16 : i32
      %scan3A_553 = arith.addi %scan3A_551, %scan3A_552 : i32
      %scan3A_554 = arith.constant 1 : i32
      scf.for %scan3A_883 = %scan3A_551 to %scan3A_553 step %scan3A_554  : i32 {
        %mul3A_884 = arith.constant 4 : i32
        %mul3A_885 = arith.muli %scan3A_883, %mul3A_884 : i32
        %add3A_886 = arith.constant 0 : i32
        %add3A_887 = arith.addi %mul3A_885, %add3A_886 : i32
        %broadcast_in_dim3A_888 = arith.constant 0 : i32
        %broadcast_in_dim3A_889 = vector.broadcast %broadcast_in_dim3A_888 : i32 to vector<16xi32>
        %add3A_890 = vector.broadcast %add3A_887 : i32 to vector<16xi32>
        %add3A_891 = arith.addi %broadcast_in_dim3A_889, %add3A_890 : vector<16xi32>
        %gather3A_892 = tpu.vector_load_idx %arg15[%add3A_891] : memref<64xf32, #tpu.memory_space<vmem>>[vector<16xi32>], vector<16xf32>,
        %get3A_893 = arith.index_cast %add3A_887 : i32 to index
        %get3A_894 = arith.constant 0 : index
        %get3A_895 = tpu.vector_load %arg18[%get3A_893, %get3A_894] {strides = array<i32>} : memref<64x128xf32, #tpu.memory_space<vmem>>, vector<16xf32>,
        %mul3A_896 = arith.mulf %get3A_895, %gather3A_892 : vector<16xf32>
        %swap3A_897 = arith.index_cast %add3A_887 : i32 to index
        %swap3A_898 = arith.constant 0 : index
        %swap3A_899 = tpu.vector_load %arg18[%swap3A_897, %swap3A_898] {strides = array<i32>} : memref<64x128xf32, #tpu.memory_space<vmem>>, vector<16xf32>,
        tpu.vector_store %arg18[%swap3A_897, %swap3A_898], %mul3A_896 {strides = array<i32>} : memref<64x128xf32, #tpu.memory_space<vmem>>, vector<16xf32>,
        %get3A_900 = arith.index_cast %add3A_887 : i32 to index
        %get3A_901 = arith.constant 16 : index
        %get3A_902 = tpu.vector_load %arg18[%get3A_900, %get3A_901] {strides = array<i32>} : memref<64x128xf32, #tpu.memory_space<vmem>>, vector<16xf32>,
        %mul3A_903 = arith.mulf %get3A_902, %gather3A_892 : vector<16xf32>
        %swap3A_904 = arith.index_cast %add3A_887 : i32 to index
        %swap3A_905 = arith.constant 16 : index
        %swap3A_906 = tpu.vector_load %arg18[%swap3A_904, %swap3A_905] {strides = array<i32>} : memref<64x128xf32, #tpu.memory_space<vmem>>, vector<16xf32>,
        tpu.vector_store %arg18[%swap3A_904, %swap3A_905], %mul3A_903 {strides = array<i32>} : memref<64x128xf32, #tpu.memory_space<vmem>>, vector<16xf32>,
        %get3A_907 = arith.index_cast %add3A_887 : i32 to index
        %get3A_908 = arith.constant 32 : index
        %get3A_909 = tpu.vector_load %arg18[%get3A_907, %get3A_908] {strides = array<i32>} : memref<64x128xf32, #tpu.memory_space<vmem>>, vector<16xf32>,
        %mul3A_910 = arith.mulf %get3A_909, %gather3A_892 : vector<16xf32>
        %swap3A_911 = arith.index_cast %add3A_887 : i32 to index
        %swap3A_912 = arith.constant 32 : index
        %swap3A_913 = tpu.vector_load %arg18[%swap3A_911, %swap3A_912] {strides = array<i32>} : memref<64x128xf32, #tpu.memory_space<vmem>>, vector<16xf32>,
        tpu.vector_store %arg18[%swap3A_911, %swap3A_912], %mul3A_910 {strides = array<i32>} : memref<64x128xf32, #tpu.memory_space<vmem>>, vector<16xf32>,
        %get3A_914 = arith.index_cast %add3A_887 : i32 to index
        %get3A_915 = arith.constant 48 : index
        %get3A_916 = tpu.vector_load %arg18[%get3A_914, %get3A_915] {strides = array<i32>} : memref<64x128xf32, #tpu.memory_space<vmem>>, vector<16xf32>,
        %mul3A_917 = arith.mulf %get3A_916, %gather3A_892 : vector<16xf32>
        %swap3A_918 = arith.index_cast %add3A_887 : i32 to index
        %swap3A_919 = arith.constant 48 : index
        %swap3A_920 = tpu.vector_load %arg18[%swap3A_918, %swap3A_919] {strides = array<i32>} : memref<64x128xf32, #tpu.memory_space<vmem>>, vector<16xf32>,
        tpu.vector_store %arg18[%swap3A_918, %swap3A_919], %mul3A_917 {strides = array<i32>} : memref<64x128xf32, #tpu.memory_space<vmem>>, vector<16xf32>,
        %get3A_921 = arith.index_cast %add3A_887 : i32 to index
        %get3A_922 = arith.constant 64 : index
        %get3A_923 = tpu.vector_load %arg18[%get3A_921, %get3A_922] {strides = array<i32>} : memref<64x128xf32, #tpu.memory_space<vmem>>, vector<16xf32>,
        %mul3A_924 = arith.mulf %get3A_923, %gather3A_892 : vector<16xf32>
        %swap3A_925 = arith.index_cast %add3A_887 : i32 to index
        %swap3A_926 = arith.constant 64 : index
        %swap3A_927 = tpu.vector_load %arg18[%swap3A_925, %swap3A_926] {strides = array<i32>} : memref<64x128xf32, #tpu.memory_space<vmem>>, vector<16xf32>,
        tpu.vector_store %arg18[%swap3A_925, %swap3A_926], %mul3A_924 {strides = array<i32>} : memref<64x128xf32, #tpu.memory_space<vmem>>, vector<16xf32>,
        %get3A_928 = arith.index_cast %add3A_887 : i32 to index
        %get3A_929 = arith.constant 80 : index
        %get3A_930 = tpu.vector_load %arg18[%get3A_928, %get3A_929] {strides = array<i32>} : memref<64x128xf32, #tpu.memory_space<vmem>>, vector<16xf32>,
        %mul3A_931 = arith.mulf %get3A_930, %gather3A_892 : vector<16xf32>
        %swap3A_932 = arith.index_cast %add3A_887 : i32 to index
        %swap3A_933 = arith.constant 80 : index
        %swap3A_934 = tpu.vector_load %arg18[%swap3A_932, %swap3A_933] {strides = array<i32>} : memref<64x128xf32, #tpu.memory_space<vmem>>, vector<16xf32>,
        tpu.vector_store %arg18[%swap3A_932, %swap3A_933], %mul3A_931 {strides = array<i32>} : memref<64x128xf32, #tpu.memory_space<vmem>>, vector<16xf32>,
        %get3A_935 = arith.index_cast %add3A_887 : i32 to index
        %get3A_936 = arith.constant 96 : index
        %get3A_937 = tpu.vector_load %arg18[%get3A_935, %get3A_936] {strides = array<i32>} : memref<64x128xf32, #tpu.memory_space<vmem>>, vector<16xf32>,
        %mul3A_938 = arith.mulf %get3A_937, %gather3A_892 : vector<16xf32>
        %swap3A_939 = arith.index_cast %add3A_887 : i32 to index
        %swap3A_940 = arith.constant 96 : index
        %swap3A_941 = tpu.vector_load %arg18[%swap3A_939, %swap3A_940] {strides = array<i32>} : memref<64x128xf32, #tpu.memory_space<vmem>>, vector<16xf32>,
        tpu.vector_store %arg18[%swap3A_939, %swap3A_940], %mul3A_938 {strides = array<i32>} : memref<64x128xf32, #tpu.memory_space<vmem>>, vector<16xf32>,
        %get3A_942 = arith.index_cast %add3A_887 : i32 to index
        %get3A_943 = arith.constant 112 : index
        %get3A_944 = tpu.vector_load %arg18[%get3A_942, %get3A_943] {strides = array<i32>} : memref<64x128xf32, #tpu.memory_space<vmem>>, vector<16xf32>,
        %mul3A_945 = arith.mulf %get3A_944, %gather3A_892 : vector<16xf32>
        %swap3A_946 = arith.index_cast %add3A_887 : i32 to index
        %swap3A_947 = arith.constant 112 : index
        %swap3A_948 = tpu.vector_load %arg18[%swap3A_946, %swap3A_947] {strides = array<i32>} : memref<64x128xf32, #tpu.memory_space<vmem>>, vector<16xf32>,
        tpu.vector_store %arg18[%swap3A_946, %swap3A_947], %mul3A_945 {strides = array<i32>} : memref<64x128xf32, #tpu.memory_space<vmem>>, vector<16xf32>,
        %mul3A_949 = arith.constant 4 : i32
        %mul3A_950 = arith.muli %scan3A_883, %mul3A_949 : i32
        %add3A_951 = arith.constant 1 : i32
        %add3A_952 = arith.addi %mul3A_950, %add3A_951 : i32
        %broadcast_in_dim3A_953 = arith.constant 0 : i32
        %broadcast_in_dim3A_954 = vector.broadcast %broadcast_in_dim3A_953 : i32 to vector<16xi32>
        %add3A_955 = vector.broadcast %add3A_952 : i32 to vector<16xi32>
        %add3A_956 = arith.addi %broadcast_in_dim3A_954, %add3A_955 : vector<16xi32>
        %gather3A_957 = tpu.vector_load_idx %arg15[%add3A_956] : memref<64xf32, #tpu.memory_space<vmem>>[vector<16xi32>], vector<16xf32>,
        %get3A_958 = arith.index_cast %add3A_952 : i32 to index
        %get3A_959 = arith.constant 0 : index
        %get3A_960 = tpu.vector_load %arg18[%get3A_958, %get3A_959] {strides = array<i32>} : memref<64x128xf32, #tpu.memory_space<vmem>>, vector<16xf32>,
        %mul3A_961 = arith.mulf %get3A_960, %gather3A_957 : vector<16xf32>
        %swap3A_962 = arith.index_cast %add3A_952 : i32 to index
        %swap3A_963 = arith.constant 0 : index
        %swap3A_964 = tpu.vector_load %arg18[%swap3A_962, %swap3A_963] {strides = array<i32>} : memref<64x128xf32, #tpu.memory_space<vmem>>, vector<16xf32>,
        tpu.vector_store %arg18[%swap3A_962, %swap3A_963], %mul3A_961 {strides = array<i32>} : memref<64x128xf32, #tpu.memory_space<vmem>>, vector<16xf32>,
        %get3A_965 = arith.index_cast %add3A_952 : i32 to index
        %get3A_966 = arith.constant 16 : index
        %get3A_967 = tpu.vector_load %arg18[%get3A_965, %get3A_966] {strides = array<i32>} : memref<64x128xf32, #tpu.memory_space<vmem>>, vector<16xf32>,
        %mul3A_968 = arith.mulf %get3A_967, %gather3A_957 : vector<16xf32>
        %swap3A_969 = arith.index_cast %add3A_952 : i32 to index
        %swap3A_970 = arith.constant 16 : index
        %swap3A_971 = tpu.vector_load %arg18[%swap3A_969, %swap3A_970] {strides = array<i32>} : memref<64x128xf32, #tpu.memory_space<vmem>>, vector<16xf32>,
        tpu.vector_store %arg18[%swap3A_969, %swap3A_970], %mul3A_968 {strides = array<i32>} : memref<64x128xf32, #tpu.memory_space<vmem>>, vector<16xf32>,
        %get3A_972 = arith.index_cast %add3A_952 : i32 to index
        %get3A_973 = arith.constant 32 : index
        %get3A_974 = tpu.vector_load %arg18[%get3A_972, %get3A_973] {strides = array<i32>} : memref<64x128xf32, #tpu.memory_space<vmem>>, vector<16xf32>,
        %mul3A_975 = arith.mulf %get3A_974, %gather3A_957 : vector<16xf32>
        %swap3A_976 = arith.index_cast %add3A_952 : i32 to index
        %swap3A_977 = arith.constant 32 : index
        %swap3A_978 = tpu.vector_load %arg18[%swap3A_976, %swap3A_977] {strides = array<i32>} : memref<64x128xf32, #tpu.memory_space<vmem>>, vector<16xf32>,
        tpu.vector_store %arg18[%swap3A_976, %swap3A_977], %mul3A_975 {strides = array<i32>} : memref<64x128xf32, #tpu.memory_space<vmem>>, vector<16xf32>,
        %get3A_979 = arith.index_cast %add3A_952 : i32 to index
        %get3A_980 = arith.constant 48 : index
        %get3A_981 = tpu.vector_load %arg18[%get3A_979, %get3A_980] {strides = array<i32>} : memref<64x128xf32, #tpu.memory_space<vmem>>, vector<16xf32>,
        %mul3A_982 = arith.mulf %get3A_981, %gather3A_957 : vector<16xf32>
        %swap3A_983 = arith.index_cast %add3A_952 : i32 to index
        %swap3A_984 = arith.constant 48 : index
        %swap3A_985 = tpu.vector_load %arg18[%swap3A_983, %swap3A_984] {strides = array<i32>} : memref<64x128xf32, #tpu.memory_space<vmem>>, vector<16xf32>,
        tpu.vector_store %arg18[%swap3A_983, %swap3A_984], %mul3A_982 {strides = array<i32>} : memref<64x128xf32, #tpu.memory_space<vmem>>, vector<16xf32>,
        %get3A_986 = arith.index_cast %add3A_952 : i32 to index
        %get3A_987 = arith.constant 64 : index
        %get3A_988 = tpu.vector_load %arg18[%get3A_986, %get3A_987] {strides = array<i32>} : memref<64x128xf32, #tpu.memory_space<vmem>>, vector<16xf32>,
        %mul3A_989 = arith.mulf %get3A_988, %gather3A_957 : vector<16xf32>
        %swap3A_990 = arith.index_cast %add3A_952 : i32 to index
        %swap3A_991 = arith.constant 64 : index
        %swap3A_992 = tpu.vector_load %arg18[%swap3A_990, %swap3A_991] {strides = array<i32>} : memref<64x128xf32, #tpu.memory_space<vmem>>, vector<16xf32>,
        tpu.vector_store %arg18[%swap3A_990, %swap3A_991], %mul3A_989 {strides = array<i32>} : memref<64x128xf32, #tpu.memory_space<vmem>>, vector<16xf32>,
        %get3A_993 = arith.index_cast %add3A_952 : i32 to index
        %get3A_994 = arith.constant 80 : index
        %get3A_995 = tpu.vector_load %arg18[%get3A_993, %get3A_994] {strides = array<i32>} : memref<64x128xf32, #tpu.memory_space<vmem>>, vector<16xf32>,
        %mul3A_996 = arith.mulf %get3A_995, %gather3A_957 : vector<16xf32>
        %swap3A_997 = arith.index_cast %add3A_952 : i32 to index
        %swap3A_998 = arith.constant 80 : index
        %swap3A_999 = tpu.vector_load %arg18[%swap3A_997, %swap3A_998] {strides = array<i32>} : memref<64x128xf32, #tpu.memory_space<vmem>>, vector<16xf32>,
        tpu.vector_store %arg18[%swap3A_997, %swap3A_998], %mul3A_996 {strides = array<i32>} : memref<64x128xf32, #tpu.memory_space<vmem>>, vector<16xf32>,
        %get3A_1000 = arith.index_cast %add3A_952 : i32 to index
        %get3A_1001 = arith.constant 96 : index
        %get3A_1002 = tpu.vector_load %arg18[%get3A_1000, %get3A_1001] {strides = array<i32>} : memref<64x128xf32, #tpu.memory_space<vmem>>, vector<16xf32>,
        %mul3A_1003 = arith.mulf %get3A_1002, %gather3A_957 : vector<16xf32>
        %swap3A_1004 = arith.index_cast %add3A_952 : i32 to index
        %swap3A_1005 = arith.constant 96 : index
        %swap3A_1006 = tpu.vector_load %arg18[%swap3A_1004, %swap3A_1005] {strides = array<i32>} : memref<64x128xf32, #tpu.memory_space<vmem>>, vector<16xf32>,
        tpu.vector_store %arg18[%swap3A_1004, %swap3A_1005], %mul3A_1003 {strides = array<i32>} : memref<64x128xf32, #tpu.memory_space<vmem>>, vector<16xf32>,
        %get3A_1007 = arith.index_cast %add3A_952 : i32 to index
        %get3A_1008 = arith.constant 112 : index
        %get3A_1009 = tpu.vector_load %arg18[%get3A_1007, %get3A_1008] {strides = array<i32>} : memref<64x128xf32, #tpu.memory_space<vmem>>, vector<16xf32>,
        %mul3A_1010 = arith.mulf %get3A_1009, %gather3A_957 : vector<16xf32>
        %swap3A_1011 = arith.index_cast %add3A_952 : i32 to index
        %swap3A_1012 = arith.constant 112 : index
        %swap3A_1013 = tpu.vector_load %arg18[%swap3A_1011, %swap3A_1012] {strides = array<i32>} : memref<64x128xf32, #tpu.memory_space<vmem>>, vector<16xf32>,
        tpu.vector_store %arg18[%swap3A_1011, %swap3A_1012], %mul3A_1010 {strides = array<i32>} : memref<64x128xf32, #tpu.memory_space<vmem>>, vector<16xf32>,
        %mul3A_1014 = arith.constant 4 : i32
        %mul3A_1015 = arith.muli %scan3A_883, %mul3A_1014 : i32
        %add3A_1016 = arith.constant 2 : i32
        %add3A_1017 = arith.addi %mul3A_1015, %add3A_1016 : i32
        %broadcast_in_dim3A_1018 = arith.constant 0 : i32
        %broadcast_in_dim3A_1019 = vector.broadcast %broadcast_in_dim3A_1018 : i32 to vector<16xi32>
        %add3A_1020 = vector.broadcast %add3A_1017 : i32 to vector<16xi32>
        %add3A_1021 = arith.addi %broadcast_in_dim3A_1019, %add3A_1020 : vector<16xi32>
        %gather3A_1022 = tpu.vector_load_idx %arg15[%add3A_1021] : memref<64xf32, #tpu.memory_space<vmem>>[vector<16xi32>], vector<16xf32>,
        %get3A_1023 = arith.index_cast %add3A_1017 : i32 to index
        %get3A_1024 = arith.constant 0 : index
        %get3A_1025 = tpu.vector_load %arg18[%get3A_1023, %get3A_1024] {strides = array<i32>} : memref<64x128xf32, #tpu.memory_space<vmem>>, vector<16xf32>,
        %mul3A_1026 = arith.mulf %get3A_1025, %gather3A_1022 : vector<16xf32>
        %swap3A_1027 = arith.index_cast %add3A_1017 : i32 to index
        %swap3A_1028 = arith.constant 0 : index
        %swap3A_1029 = tpu.vector_load %arg18[%swap3A_1027, %swap3A_1028] {strides = array<i32>} : memref<64x128xf32, #tpu.memory_space<vmem>>, vector<16xf32>,
        tpu.vector_store %arg18[%swap3A_1027, %swap3A_1028], %mul3A_1026 {strides = array<i32>} : memref<64x128xf32, #tpu.memory_space<vmem>>, vector<16xf32>,
        %get3A_1030 = arith.index_cast %add3A_1017 : i32 to index
        %get3A_1031 = arith.constant 16 : index
        %get3A_1032 = tpu.vector_load %arg18[%get3A_1030, %get3A_1031] {strides = array<i32>} : memref<64x128xf32, #tpu.memory_space<vmem>>, vector<16xf32>,
        %mul3A_1033 = arith.mulf %get3A_1032, %gather3A_1022 : vector<16xf32>
        %swap3A_1034 = arith.index_cast %add3A_1017 : i32 to index
        %swap3A_1035 = arith.constant 16 : index
        %swap3A_1036 = tpu.vector_load %arg18[%swap3A_1034, %swap3A_1035] {strides = array<i32>} : memref<64x128xf32, #tpu.memory_space<vmem>>, vector<16xf32>,
        tpu.vector_store %arg18[%swap3A_1034, %swap3A_1035], %mul3A_1033 {strides = array<i32>} : memref<64x128xf32, #tpu.memory_space<vmem>>, vector<16xf32>,
        %get3A_1037 = arith.index_cast %add3A_1017 : i32 to index
        %get3A_1038 = arith.constant 32 : index
        %get3A_1039 = tpu.vector_load %arg18[%get3A_1037, %get3A_1038] {strides = array<i32>} : memref<64x128xf32, #tpu.memory_space<vmem>>, vector<16xf32>,
        %mul3A_1040 = arith.mulf %get3A_1039, %gather3A_1022 : vector<16xf32>
        %swap3A_1041 = arith.index_cast %add3A_1017 : i32 to index
        %swap3A_1042 = arith.constant 32 : index
        %swap3A_1043 = tpu.vector_load %arg18[%swap3A_1041, %swap3A_1042] {strides = array<i32>} : memref<64x128xf32, #tpu.memory_space<vmem>>, vector<16xf32>,
        tpu.vector_store %arg18[%swap3A_1041, %swap3A_1042], %mul3A_1040 {strides = array<i32>} : memref<64x128xf32, #tpu.memory_space<vmem>>, vector<16xf32>,
        %get3A_1044 = arith.index_cast %add3A_1017 : i32 to index
        %get3A_1045 = arith.constant 48 : index
        %get3A_1046 = tpu.vector_load %arg18[%get3A_1044, %get3A_1045] {strides = array<i32>} : memref<64x128xf32, #tpu.memory_space<vmem>>, vector<16xf32>,
        %mul3A_1047 = arith.mulf %get3A_1046, %gather3A_1022 : vector<16xf32>
        %swap3A_1048 = arith.index_cast %add3A_1017 : i32 to index
        %swap3A_1049 = arith.constant 48 : index
        %swap3A_1050 = tpu.vector_load %arg18[%swap3A_1048, %swap3A_1049] {strides = array<i32>} : memref<64x128xf32, #tpu.memory_space<vmem>>, vector<16xf32>,
        tpu.vector_store %arg18[%swap3A_1048, %swap3A_1049], %mul3A_1047 {strides = array<i32>} : memref<64x128xf32, #tpu.memory_space<vmem>>, vector<16xf32>,
        %get3A_1051 = arith.index_cast %add3A_1017 : i32 to index
        %get3A_1052 = arith.constant 64 : index
        %get3A_1053 = tpu.vector_load %arg18[%get3A_1051, %get3A_1052] {strides = array<i32>} : memref<64x128xf32, #tpu.memory_space<vmem>>, vector<16xf32>,
        %mul3A_1054 = arith.mulf %get3A_1053, %gather3A_1022 : vector<16xf32>
        %swap3A_1055 = arith.index_cast %add3A_1017 : i32 to index
        %swap3A_1056 = arith.constant 64 : index
        %swap3A_1057 = tpu.vector_load %arg18[%swap3A_1055, %swap3A_1056] {strides = array<i32>} : memref<64x128xf32, #tpu.memory_space<vmem>>, vector<16xf32>,
        tpu.vector_store %arg18[%swap3A_1055, %swap3A_1056], %mul3A_1054 {strides = array<i32>} : memref<64x128xf32, #tpu.memory_space<vmem>>, vector<16xf32>,
        %get3A_1058 = arith.index_cast %add3A_1017 : i32 to index
        %get3A_1059 = arith.constant 80 : index
        %get3A_1060 = tpu.vector_load %arg18[%get3A_1058, %get3A_1059] {strides = array<i32>} : memref<64x128xf32, #tpu.memory_space<vmem>>, vector<16xf32>,
        %mul3A_1061 = arith.mulf %get3A_1060, %gather3A_1022 : vector<16xf32>
        %swap3A_1062 = arith.index_cast %add3A_1017 : i32 to index
        %swap3A_1063 = arith.constant 80 : index
        %swap3A_1064 = tpu.vector_load %arg18[%swap3A_1062, %swap3A_1063] {strides = array<i32>} : memref<64x128xf32, #tpu.memory_space<vmem>>, vector<16xf32>,
        tpu.vector_store %arg18[%swap3A_1062, %swap3A_1063], %mul3A_1061 {strides = array<i32>} : memref<64x128xf32, #tpu.memory_space<vmem>>, vector<16xf32>,
        %get3A_1065 = arith.index_cast %add3A_1017 : i32 to index
        %get3A_1066 = arith.constant 96 : index
        %get3A_1067 = tpu.vector_load %arg18[%get3A_1065, %get3A_1066] {strides = array<i32>} : memref<64x128xf32, #tpu.memory_space<vmem>>, vector<16xf32>,
        %mul3A_1068 = arith.mulf %get3A_1067, %gather3A_1022 : vector<16xf32>
        %swap3A_1069 = arith.index_cast %add3A_1017 : i32 to index
        %swap3A_1070 = arith.constant 96 : index
        %swap3A_1071 = tpu.vector_load %arg18[%swap3A_1069, %swap3A_1070] {strides = array<i32>} : memref<64x128xf32, #tpu.memory_space<vmem>>, vector<16xf32>,
        tpu.vector_store %arg18[%swap3A_1069, %swap3A_1070], %mul3A_1068 {strides = array<i32>} : memref<64x128xf32, #tpu.memory_space<vmem>>, vector<16xf32>,
        %get3A_1072 = arith.index_cast %add3A_1017 : i32 to index
        %get3A_1073 = arith.constant 112 : index
        %get3A_1074 = tpu.vector_load %arg18[%get3A_1072, %get3A_1073] {strides = array<i32>} : memref<64x128xf32, #tpu.memory_space<vmem>>, vector<16xf32>,
        %mul3A_1075 = arith.mulf %get3A_1074, %gather3A_1022 : vector<16xf32>
        %swap3A_1076 = arith.index_cast %add3A_1017 : i32 to index
        %swap3A_1077 = arith.constant 112 : index
        %swap3A_1078 = tpu.vector_load %arg18[%swap3A_1076, %swap3A_1077] {strides = array<i32>} : memref<64x128xf32, #tpu.memory_space<vmem>>, vector<16xf32>,
        tpu.vector_store %arg18[%swap3A_1076, %swap3A_1077], %mul3A_1075 {strides = array<i32>} : memref<64x128xf32, #tpu.memory_space<vmem>>, vector<16xf32>,
        %mul3A_1079 = arith.constant 4 : i32
        %mul3A_1080 = arith.muli %scan3A_883, %mul3A_1079 : i32
        %add3A_1081 = arith.constant 3 : i32
        %add3A_1082 = arith.addi %mul3A_1080, %add3A_1081 : i32
        %broadcast_in_dim3A_1083 = arith.constant 0 : i32
        %broadcast_in_dim3A_1084 = vector.broadcast %broadcast_in_dim3A_1083 : i32 to vector<16xi32>
        %add3A_1085 = vector.broadcast %add3A_1082 : i32 to vector<16xi32>
        %add3A_1086 = arith.addi %broadcast_in_dim3A_1084, %add3A_1085 : vector<16xi32>
        %gather3A_1087 = tpu.vector_load_idx %arg15[%add3A_1086] : memref<64xf32, #tpu.memory_space<vmem>>[vector<16xi32>], vector<16xf32>,
        %get3A_1088 = arith.index_cast %add3A_1082 : i32 to index
        %get3A_1089 = arith.constant 0 : index
        %get3A_1090 = tpu.vector_load %arg18[%get3A_1088, %get3A_1089] {strides = array<i32>} : memref<64x128xf32, #tpu.memory_space<vmem>>, vector<16xf32>,
        %mul3A_1091 = arith.mulf %get3A_1090, %gather3A_1087 : vector<16xf32>
        %swap3A_1092 = arith.index_cast %add3A_1082 : i32 to index
        %swap3A_1093 = arith.constant 0 : index
        %swap3A_1094 = tpu.vector_load %arg18[%swap3A_1092, %swap3A_1093] {strides = array<i32>} : memref<64x128xf32, #tpu.memory_space<vmem>>, vector<16xf32>,
        tpu.vector_store %arg18[%swap3A_1092, %swap3A_1093], %mul3A_1091 {strides = array<i32>} : memref<64x128xf32, #tpu.memory_space<vmem>>, vector<16xf32>,
        %get3A_1095 = arith.index_cast %add3A_1082 : i32 to index
        %get3A_1096 = arith.constant 16 : index
        %get3A_1097 = tpu.vector_load %arg18[%get3A_1095, %get3A_1096] {strides = array<i32>} : memref<64x128xf32, #tpu.memory_space<vmem>>, vector<16xf32>,
        %mul3A_1098 = arith.mulf %get3A_1097, %gather3A_1087 : vector<16xf32>
        %swap3A_1099 = arith.index_cast %add3A_1082 : i32 to index
        %swap3A_1100 = arith.constant 16 : index
        %swap3A_1101 = tpu.vector_load %arg18[%swap3A_1099, %swap3A_1100] {strides = array<i32>} : memref<64x128xf32, #tpu.memory_space<vmem>>, vector<16xf32>,
        tpu.vector_store %arg18[%swap3A_1099, %swap3A_1100], %mul3A_1098 {strides = array<i32>} : memref<64x128xf32, #tpu.memory_space<vmem>>, vector<16xf32>,
        %get3A_1102 = arith.index_cast %add3A_1082 : i32 to index
        %get3A_1103 = arith.constant 32 : index
        %get3A_1104 = tpu.vector_load %arg18[%get3A_1102, %get3A_1103] {strides = array<i32>} : memref<64x128xf32, #tpu.memory_space<vmem>>, vector<16xf32>,
        %mul3A_1105 = arith.mulf %get3A_1104, %gather3A_1087 : vector<16xf32>
        %swap3A_1106 = arith.index_cast %add3A_1082 : i32 to index
        %swap3A_1107 = arith.constant 32 : index
        %swap3A_1108 = tpu.vector_load %arg18[%swap3A_1106, %swap3A_1107] {strides = array<i32>} : memref<64x128xf32, #tpu.memory_space<vmem>>, vector<16xf32>,
        tpu.vector_store %arg18[%swap3A_1106, %swap3A_1107], %mul3A_1105 {strides = array<i32>} : memref<64x128xf32, #tpu.memory_space<vmem>>, vector<16xf32>,
        %get3A_1109 = arith.index_cast %add3A_1082 : i32 to index
        %get3A_1110 = arith.constant 48 : index
        %get3A_1111 = tpu.vector_load %arg18[%get3A_1109, %get3A_1110] {strides = array<i32>} : memref<64x128xf32, #tpu.memory_space<vmem>>, vector<16xf32>,
        %mul3A_1112 = arith.mulf %get3A_1111, %gather3A_1087 : vector<16xf32>
        %swap3A_1113 = arith.index_cast %add3A_1082 : i32 to index
        %swap3A_1114 = arith.constant 48 : index
        %swap3A_1115 = tpu.vector_load %arg18[%swap3A_1113, %swap3A_1114] {strides = array<i32>} : memref<64x128xf32, #tpu.memory_space<vmem>>, vector<16xf32>,
        tpu.vector_store %arg18[%swap3A_1113, %swap3A_1114], %mul3A_1112 {strides = array<i32>} : memref<64x128xf32, #tpu.memory_space<vmem>>, vector<16xf32>,
        %get3A_1116 = arith.index_cast %add3A_1082 : i32 to index
        %get3A_1117 = arith.constant 64 : index
        %get3A_1118 = tpu.vector_load %arg18[%get3A_1116, %get3A_1117] {strides = array<i32>} : memref<64x128xf32, #tpu.memory_space<vmem>>, vector<16xf32>,
        %mul3A_1119 = arith.mulf %get3A_1118, %gather3A_1087 : vector<16xf32>
        %swap3A_1120 = arith.index_cast %add3A_1082 : i32 to index
        %swap3A_1121 = arith.constant 64 : index
        %swap3A_1122 = tpu.vector_load %arg18[%swap3A_1120, %swap3A_1121] {strides = array<i32>} : memref<64x128xf32, #tpu.memory_space<vmem>>, vector<16xf32>,
        tpu.vector_store %arg18[%swap3A_1120, %swap3A_1121], %mul3A_1119 {strides = array<i32>} : memref<64x128xf32, #tpu.memory_space<vmem>>, vector<16xf32>,
        %get3A_1123 = arith.index_cast %add3A_1082 : i32 to index
        %get3A_1124 = arith.constant 80 : index
        %get3A_1125 = tpu.vector_load %arg18[%get3A_1123, %get3A_1124] {strides = array<i32>} : memref<64x128xf32, #tpu.memory_space<vmem>>, vector<16xf32>,
        %mul3A_1126 = arith.mulf %get3A_1125, %gather3A_1087 : vector<16xf32>
        %swap3A_1127 = arith.index_cast %add3A_1082 : i32 to index
        %swap3A_1128 = arith.constant 80 : index
        %swap3A_1129 = tpu.vector_load %arg18[%swap3A_1127, %swap3A_1128] {strides = array<i32>} : memref<64x128xf32, #tpu.memory_space<vmem>>, vector<16xf32>,
        tpu.vector_store %arg18[%swap3A_1127, %swap3A_1128], %mul3A_1126 {strides = array<i32>} : memref<64x128xf32, #tpu.memory_space<vmem>>, vector<16xf32>,
        %get3A_1130 = arith.index_cast %add3A_1082 : i32 to index
        %get3A_1131 = arith.constant 96 : index
        %get3A_1132 = tpu.vector_load %arg18[%get3A_1130, %get3A_1131] {strides = array<i32>} : memref<64x128xf32, #tpu.memory_space<vmem>>, vector<16xf32>,
        %mul3A_1133 = arith.mulf %get3A_1132, %gather3A_1087 : vector<16xf32>
        %swap3A_1134 = arith.index_cast %add3A_1082 : i32 to index
        %swap3A_1135 = arith.constant 96 : index
        %swap3A_1136 = tpu.vector_load %arg18[%swap3A_1134, %swap3A_1135] {strides = array<i32>} : memref<64x128xf32, #tpu.memory_space<vmem>>, vector<16xf32>,
        tpu.vector_store %arg18[%swap3A_1134, %swap3A_1135], %mul3A_1133 {strides = array<i32>} : memref<64x128xf32, #tpu.memory_space<vmem>>, vector<16xf32>,
        %get3A_1137 = arith.index_cast %add3A_1082 : i32 to index
        %get3A_1138 = arith.constant 112 : index
        %get3A_1139 = tpu.vector_load %arg18[%get3A_1137, %get3A_1138] {strides = array<i32>} : memref<64x128xf32, #tpu.memory_space<vmem>>, vector<16xf32>,
        %mul3A_1140 = arith.mulf %get3A_1139, %gather3A_1087 : vector<16xf32>
        %swap3A_1141 = arith.index_cast %add3A_1082 : i32 to index
        %swap3A_1142 = arith.constant 112 : index
        %swap3A_1143 = tpu.vector_load %arg18[%swap3A_1141, %swap3A_1142] {strides = array<i32>} : memref<64x128xf32, #tpu.memory_space<vmem>>, vector<16xf32>,
        tpu.vector_store %arg18[%swap3A_1141, %swap3A_1142], %mul3A_1140 {strides = array<i32>} : memref<64x128xf32, #tpu.memory_space<vmem>>, vector<16xf32>,
      }
      %scan3A_555 = arith.constant 16 : i32
      %dma_start3A_556 = arith.constant 1 : i32
      %dma_start3A_557 = arith.constant 0 : i32
      %dma_start3A_558 = tpu.memref_slice %arg12[%dma_start3A_556, %dma_start3A_557] : memref<2x64xi32, #tpu.memory_space<vmem>> -> memref<1x64xi32, #tpu.memory_space<vmem>>
      %dma_start3A_559 = tpu.memref_squeeze %dma_start3A_558 : memref<1x64xi32, #tpu.memory_space<vmem>> -> memref<64xi32, #tpu.memory_space<vmem>>
      %dma_start3A_560 = arith.constant 0 : i32
      %dma_start3A_561 = arith.constant 0 : i32
      %dma_start3A_562 = tpu.memref_slice %arg19[%dma_start3A_560, %dma_start3A_561] : memref<10112x128xf32, #tpu.memory_space<vmem_shared>> -> memref<10112x128xf32, #tpu.memory_space<vmem_shared>>
      tpu.enqueue_indirect_dma source(%arg18 : memref<64x128xf32, #tpu.memory_space<vmem>>) target(%dma_start3A_562 : memref<10112x128xf32, #tpu.memory_space<vmem_shared>>) offsets(%dma_start3A_559 : memref<64xi32, #tpu.memory_space<vmem>>) semaphore(%arg26 : memref<!tpu.dma_semaphore, #tpu.memory_space<semaphore_mem>>) {add = true}
      %dma_start3A_563 = arith.constant 1 : i32
      %dma_start3A_564 = arith.constant 0 : i32
      %dma_start3A_565 = tpu.memref_slice %arg12[%dma_start3A_563, %dma_start3A_564] : memref<2x64xi32, #tpu.memory_space<vmem>> -> memref<1x64xi32, #tpu.memory_space<vmem>>
      %dma_start3A_566 = tpu.memref_squeeze %dma_start3A_565 : memref<1x64xi32, #tpu.memory_space<vmem>> -> memref<64xi32, #tpu.memory_space<vmem>>
      %dma_start3A_567 = arith.constant 0 : i32
      %dma_start3A_568 = tpu.memref_slice %arg20[%dma_start3A_567] : memref<10112xf32, #tpu.memory_space<vmem_shared>> -> memref<10112xf32, #tpu.memory_space<vmem_shared>>
      tpu.enqueue_indirect_dma source(%arg15 : memref<64xf32, #tpu.memory_space<vmem>>) target(%dma_start3A_568 : memref<10112xf32, #tpu.memory_space<vmem_shared>>) offsets(%dma_start3A_566 : memref<64xi32, #tpu.memory_space<vmem>>) semaphore(%arg26 : memref<!tpu.dma_semaphore, #tpu.memory_space<semaphore_mem>>) {add = true}
      %mul3A_569 = arith.constant 3 : i32
      %mul3A_570 = arith.muli %mul3A_569, %scan3A_411 : i32
      %add3A_571 = arith.constant 3 : i32
      %add3A_572 = arith.addi %mul3A_570, %add3A_571 : i32
      %dma_wait3A_573 = arith.constant 1 : i32
      %dma_wait3A_574 = arith.constant 0 : i32
      %dma_wait3A_575 = tpu.memref_slice %arg11[%dma_wait3A_573, %dma_wait3A_574] : memref<2x64xi32, #tpu.memory_space<vmem>> -> memref<1x64xi32, #tpu.memory_space<vmem>>
      %dma_wait3A_576 = tpu.memref_squeeze %dma_wait3A_575 : memref<1x64xi32, #tpu.memory_space<vmem>> -> memref<64xi32, #tpu.memory_space<vmem>>
      %dma_wait3A_577 = arith.constant 0 : i32
      %dma_wait3A_578 = arith.constant 0 : i32
      %dma_wait3A_579 = tpu.memref_slice %arg19[%dma_wait3A_577, %dma_wait3A_578] : memref<10112x128xf32, #tpu.memory_space<vmem_shared>> -> memref<10112x128xf32, #tpu.memory_space<vmem_shared>>
      tpu.wait_indirect_dma semaphore(%arg25 : memref<!tpu.dma_semaphore, #tpu.memory_space<semaphore_mem>>) src(%arg17 : memref<64x128xf32, #tpu.memory_space<vmem>>) dst(%dma_wait3A_579 : memref<10112x128xf32, #tpu.memory_space<vmem_shared>>)
      %dma_wait3A_580 = arith.constant 1 : i32
      %dma_wait3A_581 = arith.constant 0 : i32
      %dma_wait3A_582 = tpu.memref_slice %arg11[%dma_wait3A_580, %dma_wait3A_581] : memref<2x64xi32, #tpu.memory_space<vmem>> -> memref<1x64xi32, #tpu.memory_space<vmem>>
      %dma_wait3A_583 = tpu.memref_squeeze %dma_wait3A_582 : memref<1x64xi32, #tpu.memory_space<vmem>> -> memref<64xi32, #tpu.memory_space<vmem>>
      %dma_wait3A_584 = arith.constant 0 : i32
      %dma_wait3A_585 = tpu.memref_slice %arg20[%dma_wait3A_584] : memref<10112xf32, #tpu.memory_space<vmem_shared>> -> memref<10112xf32, #tpu.memory_space<vmem_shared>>
      tpu.wait_indirect_dma semaphore(%arg25 : memref<!tpu.dma_semaphore, #tpu.memory_space<semaphore_mem>>) src(%arg14 : memref<64xf32, #tpu.memory_space<vmem>>) dst(%dma_wait3A_585 : memref<10112xf32, #tpu.memory_space<vmem_shared>>)
      %add3A_586 = arith.constant 1 : i32
      %add3A_587 = arith.addi %add3A_572, %add3A_586 : i32
      %mul3A_588 = arith.constant 32 : i32
      %mul3A_589 = arith.muli %mul3A_588, %add3A_587 : i32
      %add3A_590 = arith.addi %add3A, %mul3A_589 : i32
      %mul3A_591 = arith.constant 64 : i32
      %mul3A_592 = arith.muli %add3A_590, %mul3A_591 : i32
      "tpu.region"() ({
        %run_scoped3A_883 = tpu.sem_alloc : memref<!tpu.dma_semaphore, #tpu.memory_space<semaphore_mem>>
        %dma_start3A_884 = arith.constant 0 : i32
        %dma_start3A_885 = tpu.memref_slice %arg5[%dma_start3A_884, %mul3A_592] : memref<2x325632xi32, #tpu.memory_space<hbm>> -> memref<2x64xi32, #tpu.memory_space<hbm>>
        %dma_start3A_886 = arith.constant 0 : i32
        %dma_start3A_887 = tpu.memref_slice %arg5[%dma_start3A_886, %mul3A_592] : memref<2x325632xi32, #tpu.memory_space<hbm>> -> memref<2x64xi32, #tpu.memory_space<hbm>>
        tpu.enqueue_dma source(%dma_start3A_887 : memref<2x64xi32, #tpu.memory_space<hbm>>) target(%arg11 : memref<2x64xi32, #tpu.memory_space<vmem>>) target_semaphore(%run_scoped3A_883 : memref<!tpu.dma_semaphore, #tpu.memory_space<semaphore_mem>>)
        %dma_wait3A_888 = arith.constant 0 : i32
        %dma_wait3A_889 = tpu.memref_slice %arg5[%dma_wait3A_888, %mul3A_592] : memref<2x325632xi32, #tpu.memory_space<hbm>> -> memref<2x64xi32, #tpu.memory_space<hbm>>
        %dma_wait3A_890 = arith.constant 0 : i32
        %dma_wait3A_891 = tpu.memref_slice %arg5[%dma_wait3A_890, %mul3A_592] : memref<2x325632xi32, #tpu.memory_space<hbm>> -> memref<2x64xi32, #tpu.memory_space<hbm>>
        tpu.wait_dma2 semaphore(%run_scoped3A_883 : memref<!tpu.dma_semaphore, #tpu.memory_space<semaphore_mem>>) src(%dma_wait3A_891 : memref<2x64xi32, #tpu.memory_space<hbm>>) dst(%arg11 : memref<2x64xi32, #tpu.memory_space<vmem>>)
        tpu.yield
      }) : () -> ()
      %dma_start3A_593 = arith.constant 0 : i32
      %dma_start3A_594 = arith.constant 0 : i32
      %dma_start3A_595 = tpu.memref_slice %arg11[%dma_start3A_593, %dma_start3A_594] : memref<2x64xi32, #tpu.memory_space<vmem>> -> memref<1x64xi32, #tpu.memory_space<vmem>>
      %dma_start3A_596 = tpu.memref_squeeze %dma_start3A_595 : memref<1x64xi32, #tpu.memory_space<vmem>> -> memref<64xi32, #tpu.memory_space<vmem>>
      %dma_start3A_597 = arith.constant 0 : i32
      %dma_start3A_598 = arith.constant 0 : i32
      %dma_start3A_599 = tpu.memref_slice %arg2[%dma_start3A_597, %dma_start3A_598] : memref<10240x128xf32, #tpu.memory_space<hbm>> -> memref<10240x128xf32, #tpu.memory_space<hbm>>
      tpu.enqueue_indirect_dma source(%dma_start3A_599 : memref<10240x128xf32, #tpu.memory_space<hbm>>) target(%arg17 : memref<64x128xf32, #tpu.memory_space<vmem>>) offsets(%dma_start3A_596 : memref<64xi32, #tpu.memory_space<vmem>>) semaphore(%arg22 : memref<!tpu.dma_semaphore, #tpu.memory_space<semaphore_mem>>)
      %dma_wait3A_600 = arith.constant 0 : i32
      %dma_wait3A_601 = arith.constant 0 : i32
      %dma_wait3A_602 = tpu.memref_slice %arg10[%dma_wait3A_600, %dma_wait3A_601] : memref<2x64xi32, #tpu.memory_space<vmem>> -> memref<1x64xi32, #tpu.memory_space<vmem>>
      %dma_wait3A_603 = tpu.memref_squeeze %dma_wait3A_602 : memref<1x64xi32, #tpu.memory_space<vmem>> -> memref<64xi32, #tpu.memory_space<vmem>>
      %dma_wait3A_604 = arith.constant 0 : i32
      %dma_wait3A_605 = arith.constant 0 : i32
      %dma_wait3A_606 = tpu.memref_slice %arg2[%dma_wait3A_604, %dma_wait3A_605] : memref<10240x128xf32, #tpu.memory_space<hbm>> -> memref<10240x128xf32, #tpu.memory_space<hbm>>
      tpu.wait_indirect_dma semaphore(%arg21 : memref<!tpu.dma_semaphore, #tpu.memory_space<semaphore_mem>>) src(%dma_wait3A_606 : memref<10240x128xf32, #tpu.memory_space<hbm>>) dst(%arg16 : memref<64x128xf32, #tpu.memory_space<vmem>>)
      %get3A_607 = arith.constant 0 : i32
      %get3A_608 = arith.index_cast %get3A_607 : i32 to index
      %get3A_609 = arith.constant 0 : index
      %get3A_610 = tpu.vector_load %arg10[%get3A_608, %get3A_609] {strides = array<i32>} : memref<2x64xi32, #tpu.memory_space<vmem>>, vector<16xi32>,
      %get3A_611 = arith.constant 1 : i32
      %get3A_612 = arith.index_cast %get3A_611 : i32 to index
      %get3A_613 = arith.constant 0 : index
      %get3A_614 = tpu.vector_load %arg10[%get3A_612, %get3A_613] {strides = array<i32>} : memref<2x64xi32, #tpu.memory_space<vmem>>, vector<16xi32>,
      %gather3A_615 = tpu.vector_load_idx %arg8[%get3A_610] : memref<10000xf32, #tpu.memory_space<vmem>>[vector<16xi32>], vector<16xf32>,
      %gather3A_616 = tpu.vector_load_idx %arg9[%get3A_614] : memref<10000xf32, #tpu.memory_space<vmem>>[vector<16xi32>], vector<16xf32>,
      %add3A_617 = arith.addf %gather3A_615, %gather3A_616 : vector<16xf32>
      %ge3A_618 = arith.constant 0.000000e+00 : f32
      %ge3A_619 = vector.broadcast %ge3A_618 : f32 to vector<16xf32>
      %ge3A_620 = arith.cmpf oge, %add3A_617, %ge3A_619 : vector<16xf32>
      %mul3A_621 = arith.constant 2.000000e-01 : f32
      %mul3A_622 = vector.broadcast %mul3A_621 : f32 to vector<16xf32>
      %mul3A_623 = arith.mulf %mul3A_622, %add3A_617 : vector<16xf32>
      %select_n3A_624 = arith.select %ge3A_620, %add3A_617, %mul3A_623 : vector<16xi1>, vector<16xf32>
      %ne3A_625 = arith.cmpi ne, %get3A_610, %get3A_614 : vector<16xi32>
      %exp3A_626 = math.exp %select_n3A_624 : vector<16xf32>
      %jit3A_627 = arith.constant 0.000000e+00 : f32
      %broadcast_in_dim3A_628 = vector.broadcast %jit3A_627 : f32 to vector<16xf32>
      %select_n3A_629 = arith.select %ne3A_625, %exp3A_626, %broadcast_in_dim3A_628 : vector<16xi1>, vector<16xf32>
      %swap3A_630 = arith.constant 0 : index
      %swap3A_631 = tpu.vector_load %arg13[%swap3A_630] {strides = array<i32>} : memref<64xf32, #tpu.memory_space<vmem>>, vector<16xf32>,
      tpu.vector_store %arg13[%swap3A_630], %select_n3A_629 {strides = array<i32>} : memref<64xf32, #tpu.memory_space<vmem>>, vector<16xf32>,
      %get3A_632 = arith.constant 0 : i32
      %get3A_633 = arith.index_cast %get3A_632 : i32 to index
      %get3A_634 = arith.constant 16 : index
      %get3A_635 = tpu.vector_load %arg10[%get3A_633, %get3A_634] {strides = array<i32>} : memref<2x64xi32, #tpu.memory_space<vmem>>, vector<16xi32>,
      %get3A_636 = arith.constant 1 : i32
      %get3A_637 = arith.index_cast %get3A_636 : i32 to index
      %get3A_638 = arith.constant 16 : index
      %get3A_639 = tpu.vector_load %arg10[%get3A_637, %get3A_638] {strides = array<i32>} : memref<2x64xi32, #tpu.memory_space<vmem>>, vector<16xi32>,
      %gather3A_640 = tpu.vector_load_idx %arg8[%get3A_635] : memref<10000xf32, #tpu.memory_space<vmem>>[vector<16xi32>], vector<16xf32>,
      %gather3A_641 = tpu.vector_load_idx %arg9[%get3A_639] : memref<10000xf32, #tpu.memory_space<vmem>>[vector<16xi32>], vector<16xf32>,
      %add3A_642 = arith.addf %gather3A_640, %gather3A_641 : vector<16xf32>
      %ge3A_643 = arith.constant 0.000000e+00 : f32
      %ge3A_644 = vector.broadcast %ge3A_643 : f32 to vector<16xf32>
      %ge3A_645 = arith.cmpf oge, %add3A_642, %ge3A_644 : vector<16xf32>
      %mul3A_646 = arith.constant 2.000000e-01 : f32
      %mul3A_647 = vector.broadcast %mul3A_646 : f32 to vector<16xf32>
      %mul3A_648 = arith.mulf %mul3A_647, %add3A_642 : vector<16xf32>
      %select_n3A_649 = arith.select %ge3A_645, %add3A_642, %mul3A_648 : vector<16xi1>, vector<16xf32>
      %ne3A_650 = arith.cmpi ne, %get3A_635, %get3A_639 : vector<16xi32>
      %exp3A_651 = math.exp %select_n3A_649 : vector<16xf32>
      %jit3A_652 = arith.constant 0.000000e+00 : f32
      %broadcast_in_dim3A_653 = vector.broadcast %jit3A_652 : f32 to vector<16xf32>
      %select_n3A_654 = arith.select %ne3A_650, %exp3A_651, %broadcast_in_dim3A_653 : vector<16xi1>, vector<16xf32>
      %swap3A_655 = arith.constant 16 : index
      %swap3A_656 = tpu.vector_load %arg13[%swap3A_655] {strides = array<i32>} : memref<64xf32, #tpu.memory_space<vmem>>, vector<16xf32>,
      tpu.vector_store %arg13[%swap3A_655], %select_n3A_654 {strides = array<i32>} : memref<64xf32, #tpu.memory_space<vmem>>, vector<16xf32>,
      %get3A_657 = arith.constant 0 : i32
      %get3A_658 = arith.index_cast %get3A_657 : i32 to index
      %get3A_659 = arith.constant 32 : index
      %get3A_660 = tpu.vector_load %arg10[%get3A_658, %get3A_659] {strides = array<i32>} : memref<2x64xi32, #tpu.memory_space<vmem>>, vector<16xi32>,
      %get3A_661 = arith.constant 1 : i32
      %get3A_662 = arith.index_cast %get3A_661 : i32 to index
      %get3A_663 = arith.constant 32 : index
      %get3A_664 = tpu.vector_load %arg10[%get3A_662, %get3A_663] {strides = array<i32>} : memref<2x64xi32, #tpu.memory_space<vmem>>, vector<16xi32>,
      %gather3A_665 = tpu.vector_load_idx %arg8[%get3A_660] : memref<10000xf32, #tpu.memory_space<vmem>>[vector<16xi32>], vector<16xf32>,
      %gather3A_666 = tpu.vector_load_idx %arg9[%get3A_664] : memref<10000xf32, #tpu.memory_space<vmem>>[vector<16xi32>], vector<16xf32>,
      %add3A_667 = arith.addf %gather3A_665, %gather3A_666 : vector<16xf32>
      %ge3A_668 = arith.constant 0.000000e+00 : f32
      %ge3A_669 = vector.broadcast %ge3A_668 : f32 to vector<16xf32>
      %ge3A_670 = arith.cmpf oge, %add3A_667, %ge3A_669 : vector<16xf32>
      %mul3A_671 = arith.constant 2.000000e-01 : f32
      %mul3A_672 = vector.broadcast %mul3A_671 : f32 to vector<16xf32>
      %mul3A_673 = arith.mulf %mul3A_672, %add3A_667 : vector<16xf32>
      %select_n3A_674 = arith.select %ge3A_670, %add3A_667, %mul3A_673 : vector<16xi1>, vector<16xf32>
      %ne3A_675 = arith.cmpi ne, %get3A_660, %get3A_664 : vector<16xi32>
      %exp3A_676 = math.exp %select_n3A_674 : vector<16xf32>
      %jit3A_677 = arith.constant 0.000000e+00 : f32
      %broadcast_in_dim3A_678 = vector.broadcast %jit3A_677 : f32 to vector<16xf32>
      %select_n3A_679 = arith.select %ne3A_675, %exp3A_676, %broadcast_in_dim3A_678 : vector<16xi1>, vector<16xf32>
      %swap3A_680 = arith.constant 32 : index
      %swap3A_681 = tpu.vector_load %arg13[%swap3A_680] {strides = array<i32>} : memref<64xf32, #tpu.memory_space<vmem>>, vector<16xf32>,
      tpu.vector_store %arg13[%swap3A_680], %select_n3A_679 {strides = array<i32>} : memref<64xf32, #tpu.memory_space<vmem>>, vector<16xf32>,
      %get3A_682 = arith.constant 0 : i32
      %get3A_683 = arith.index_cast %get3A_682 : i32 to index
      %get3A_684 = arith.constant 48 : index
      %get3A_685 = tpu.vector_load %arg10[%get3A_683, %get3A_684] {strides = array<i32>} : memref<2x64xi32, #tpu.memory_space<vmem>>, vector<16xi32>,
      %get3A_686 = arith.constant 1 : i32
      %get3A_687 = arith.index_cast %get3A_686 : i32 to index
      %get3A_688 = arith.constant 48 : index
      %get3A_689 = tpu.vector_load %arg10[%get3A_687, %get3A_688] {strides = array<i32>} : memref<2x64xi32, #tpu.memory_space<vmem>>, vector<16xi32>,
      %gather3A_690 = tpu.vector_load_idx %arg8[%get3A_685] : memref<10000xf32, #tpu.memory_space<vmem>>[vector<16xi32>], vector<16xf32>,
      %gather3A_691 = tpu.vector_load_idx %arg9[%get3A_689] : memref<10000xf32, #tpu.memory_space<vmem>>[vector<16xi32>], vector<16xf32>,
      %add3A_692 = arith.addf %gather3A_690, %gather3A_691 : vector<16xf32>
      %ge3A_693 = arith.constant 0.000000e+00 : f32
      %ge3A_694 = vector.broadcast %ge3A_693 : f32 to vector<16xf32>
      %ge3A_695 = arith.cmpf oge, %add3A_692, %ge3A_694 : vector<16xf32>
      %mul3A_696 = arith.constant 2.000000e-01 : f32
      %mul3A_697 = vector.broadcast %mul3A_696 : f32 to vector<16xf32>
      %mul3A_698 = arith.mulf %mul3A_697, %add3A_692 : vector<16xf32>
      %select_n3A_699 = arith.select %ge3A_695, %add3A_692, %mul3A_698 : vector<16xi1>, vector<16xf32>
      %ne3A_700 = arith.cmpi ne, %get3A_685, %get3A_689 : vector<16xi32>
      %exp3A_701 = math.exp %select_n3A_699 : vector<16xf32>
      %jit3A_702 = arith.constant 0.000000e+00 : f32
      %broadcast_in_dim3A_703 = vector.broadcast %jit3A_702 : f32 to vector<16xf32>
      %select_n3A_704 = arith.select %ne3A_700, %exp3A_701, %broadcast_in_dim3A_703 : vector<16xi1>, vector<16xf32>
      %swap3A_705 = arith.constant 48 : index
      %swap3A_706 = tpu.vector_load %arg13[%swap3A_705] {strides = array<i32>} : memref<64xf32, #tpu.memory_space<vmem>>, vector<16xf32>,
      tpu.vector_store %arg13[%swap3A_705], %select_n3A_704 {strides = array<i32>} : memref<64xf32, #tpu.memory_space<vmem>>, vector<16xf32>,
      %scan3A_707 = arith.constant 0 : i32
      %scan3A_708 = arith.constant 0 : i32
      %scan3A_709 = arith.constant 16 : i32
      %scan3A_710 = arith.addi %scan3A_708, %scan3A_709 : i32
      %scan3A_711 = arith.constant 1 : i32
      scf.for %scan3A_883 = %scan3A_708 to %scan3A_710 step %scan3A_711  : i32 {
        %mul3A_884 = arith.constant 4 : i32
        %mul3A_885 = arith.muli %scan3A_883, %mul3A_884 : i32
        %add3A_886 = arith.constant 0 : i32
        %add3A_887 = arith.addi %mul3A_885, %add3A_886 : i32
        %broadcast_in_dim3A_888 = arith.constant 0 : i32
        %broadcast_in_dim3A_889 = vector.broadcast %broadcast_in_dim3A_888 : i32 to vector<16xi32>
        %add3A_890 = vector.broadcast %add3A_887 : i32 to vector<16xi32>
        %add3A_891 = arith.addi %broadcast_in_dim3A_889, %add3A_890 : vector<16xi32>
        %gather3A_892 = tpu.vector_load_idx %arg13[%add3A_891] : memref<64xf32, #tpu.memory_space<vmem>>[vector<16xi32>], vector<16xf32>,
        %get3A_893 = arith.index_cast %add3A_887 : i32 to index
        %get3A_894 = arith.constant 0 : index
        %get3A_895 = tpu.vector_load %arg16[%get3A_893, %get3A_894] {strides = array<i32>} : memref<64x128xf32, #tpu.memory_space<vmem>>, vector<16xf32>,
        %mul3A_896 = arith.mulf %get3A_895, %gather3A_892 : vector<16xf32>
        %swap3A_897 = arith.index_cast %add3A_887 : i32 to index
        %swap3A_898 = arith.constant 0 : index
        %swap3A_899 = tpu.vector_load %arg16[%swap3A_897, %swap3A_898] {strides = array<i32>} : memref<64x128xf32, #tpu.memory_space<vmem>>, vector<16xf32>,
        tpu.vector_store %arg16[%swap3A_897, %swap3A_898], %mul3A_896 {strides = array<i32>} : memref<64x128xf32, #tpu.memory_space<vmem>>, vector<16xf32>,
        %get3A_900 = arith.index_cast %add3A_887 : i32 to index
        %get3A_901 = arith.constant 16 : index
        %get3A_902 = tpu.vector_load %arg16[%get3A_900, %get3A_901] {strides = array<i32>} : memref<64x128xf32, #tpu.memory_space<vmem>>, vector<16xf32>,
        %mul3A_903 = arith.mulf %get3A_902, %gather3A_892 : vector<16xf32>
        %swap3A_904 = arith.index_cast %add3A_887 : i32 to index
        %swap3A_905 = arith.constant 16 : index
        %swap3A_906 = tpu.vector_load %arg16[%swap3A_904, %swap3A_905] {strides = array<i32>} : memref<64x128xf32, #tpu.memory_space<vmem>>, vector<16xf32>,
        tpu.vector_store %arg16[%swap3A_904, %swap3A_905], %mul3A_903 {strides = array<i32>} : memref<64x128xf32, #tpu.memory_space<vmem>>, vector<16xf32>,
        %get3A_907 = arith.index_cast %add3A_887 : i32 to index
        %get3A_908 = arith.constant 32 : index
        %get3A_909 = tpu.vector_load %arg16[%get3A_907, %get3A_908] {strides = array<i32>} : memref<64x128xf32, #tpu.memory_space<vmem>>, vector<16xf32>,
        %mul3A_910 = arith.mulf %get3A_909, %gather3A_892 : vector<16xf32>
        %swap3A_911 = arith.index_cast %add3A_887 : i32 to index
        %swap3A_912 = arith.constant 32 : index
        %swap3A_913 = tpu.vector_load %arg16[%swap3A_911, %swap3A_912] {strides = array<i32>} : memref<64x128xf32, #tpu.memory_space<vmem>>, vector<16xf32>,
        tpu.vector_store %arg16[%swap3A_911, %swap3A_912], %mul3A_910 {strides = array<i32>} : memref<64x128xf32, #tpu.memory_space<vmem>>, vector<16xf32>,
        %get3A_914 = arith.index_cast %add3A_887 : i32 to index
        %get3A_915 = arith.constant 48 : index
        %get3A_916 = tpu.vector_load %arg16[%get3A_914, %get3A_915] {strides = array<i32>} : memref<64x128xf32, #tpu.memory_space<vmem>>, vector<16xf32>,
        %mul3A_917 = arith.mulf %get3A_916, %gather3A_892 : vector<16xf32>
        %swap3A_918 = arith.index_cast %add3A_887 : i32 to index
        %swap3A_919 = arith.constant 48 : index
        %swap3A_920 = tpu.vector_load %arg16[%swap3A_918, %swap3A_919] {strides = array<i32>} : memref<64x128xf32, #tpu.memory_space<vmem>>, vector<16xf32>,
        tpu.vector_store %arg16[%swap3A_918, %swap3A_919], %mul3A_917 {strides = array<i32>} : memref<64x128xf32, #tpu.memory_space<vmem>>, vector<16xf32>,
        %get3A_921 = arith.index_cast %add3A_887 : i32 to index
        %get3A_922 = arith.constant 64 : index
        %get3A_923 = tpu.vector_load %arg16[%get3A_921, %get3A_922] {strides = array<i32>} : memref<64x128xf32, #tpu.memory_space<vmem>>, vector<16xf32>,
        %mul3A_924 = arith.mulf %get3A_923, %gather3A_892 : vector<16xf32>
        %swap3A_925 = arith.index_cast %add3A_887 : i32 to index
        %swap3A_926 = arith.constant 64 : index
        %swap3A_927 = tpu.vector_load %arg16[%swap3A_925, %swap3A_926] {strides = array<i32>} : memref<64x128xf32, #tpu.memory_space<vmem>>, vector<16xf32>,
        tpu.vector_store %arg16[%swap3A_925, %swap3A_926], %mul3A_924 {strides = array<i32>} : memref<64x128xf32, #tpu.memory_space<vmem>>, vector<16xf32>,
        %get3A_928 = arith.index_cast %add3A_887 : i32 to index
        %get3A_929 = arith.constant 80 : index
        %get3A_930 = tpu.vector_load %arg16[%get3A_928, %get3A_929] {strides = array<i32>} : memref<64x128xf32, #tpu.memory_space<vmem>>, vector<16xf32>,
        %mul3A_931 = arith.mulf %get3A_930, %gather3A_892 : vector<16xf32>
        %swap3A_932 = arith.index_cast %add3A_887 : i32 to index
        %swap3A_933 = arith.constant 80 : index
        %swap3A_934 = tpu.vector_load %arg16[%swap3A_932, %swap3A_933] {strides = array<i32>} : memref<64x128xf32, #tpu.memory_space<vmem>>, vector<16xf32>,
        tpu.vector_store %arg16[%swap3A_932, %swap3A_933], %mul3A_931 {strides = array<i32>} : memref<64x128xf32, #tpu.memory_space<vmem>>, vector<16xf32>,
        %get3A_935 = arith.index_cast %add3A_887 : i32 to index
        %get3A_936 = arith.constant 96 : index
        %get3A_937 = tpu.vector_load %arg16[%get3A_935, %get3A_936] {strides = array<i32>} : memref<64x128xf32, #tpu.memory_space<vmem>>, vector<16xf32>,
        %mul3A_938 = arith.mulf %get3A_937, %gather3A_892 : vector<16xf32>
        %swap3A_939 = arith.index_cast %add3A_887 : i32 to index
        %swap3A_940 = arith.constant 96 : index
        %swap3A_941 = tpu.vector_load %arg16[%swap3A_939, %swap3A_940] {strides = array<i32>} : memref<64x128xf32, #tpu.memory_space<vmem>>, vector<16xf32>,
        tpu.vector_store %arg16[%swap3A_939, %swap3A_940], %mul3A_938 {strides = array<i32>} : memref<64x128xf32, #tpu.memory_space<vmem>>, vector<16xf32>,
        %get3A_942 = arith.index_cast %add3A_887 : i32 to index
        %get3A_943 = arith.constant 112 : index
        %get3A_944 = tpu.vector_load %arg16[%get3A_942, %get3A_943] {strides = array<i32>} : memref<64x128xf32, #tpu.memory_space<vmem>>, vector<16xf32>,
        %mul3A_945 = arith.mulf %get3A_944, %gather3A_892 : vector<16xf32>
        %swap3A_946 = arith.index_cast %add3A_887 : i32 to index
        %swap3A_947 = arith.constant 112 : index
        %swap3A_948 = tpu.vector_load %arg16[%swap3A_946, %swap3A_947] {strides = array<i32>} : memref<64x128xf32, #tpu.memory_space<vmem>>, vector<16xf32>,
        tpu.vector_store %arg16[%swap3A_946, %swap3A_947], %mul3A_945 {strides = array<i32>} : memref<64x128xf32, #tpu.memory_space<vmem>>, vector<16xf32>,
        %mul3A_949 = arith.constant 4 : i32
        %mul3A_950 = arith.muli %scan3A_883, %mul3A_949 : i32
        %add3A_951 = arith.constant 1 : i32
        %add3A_952 = arith.addi %mul3A_950, %add3A_951 : i32
        %broadcast_in_dim3A_953 = arith.constant 0 : i32
        %broadcast_in_dim3A_954 = vector.broadcast %broadcast_in_dim3A_953 : i32 to vector<16xi32>
        %add3A_955 = vector.broadcast %add3A_952 : i32 to vector<16xi32>
        %add3A_956 = arith.addi %broadcast_in_dim3A_954, %add3A_955 : vector<16xi32>
        %gather3A_957 = tpu.vector_load_idx %arg13[%add3A_956] : memref<64xf32, #tpu.memory_space<vmem>>[vector<16xi32>], vector<16xf32>,
        %get3A_958 = arith.index_cast %add3A_952 : i32 to index
        %get3A_959 = arith.constant 0 : index
        %get3A_960 = tpu.vector_load %arg16[%get3A_958, %get3A_959] {strides = array<i32>} : memref<64x128xf32, #tpu.memory_space<vmem>>, vector<16xf32>,
        %mul3A_961 = arith.mulf %get3A_960, %gather3A_957 : vector<16xf32>
        %swap3A_962 = arith.index_cast %add3A_952 : i32 to index
        %swap3A_963 = arith.constant 0 : index
        %swap3A_964 = tpu.vector_load %arg16[%swap3A_962, %swap3A_963] {strides = array<i32>} : memref<64x128xf32, #tpu.memory_space<vmem>>, vector<16xf32>,
        tpu.vector_store %arg16[%swap3A_962, %swap3A_963], %mul3A_961 {strides = array<i32>} : memref<64x128xf32, #tpu.memory_space<vmem>>, vector<16xf32>,
        %get3A_965 = arith.index_cast %add3A_952 : i32 to index
        %get3A_966 = arith.constant 16 : index
        %get3A_967 = tpu.vector_load %arg16[%get3A_965, %get3A_966] {strides = array<i32>} : memref<64x128xf32, #tpu.memory_space<vmem>>, vector<16xf32>,
        %mul3A_968 = arith.mulf %get3A_967, %gather3A_957 : vector<16xf32>
        %swap3A_969 = arith.index_cast %add3A_952 : i32 to index
        %swap3A_970 = arith.constant 16 : index
        %swap3A_971 = tpu.vector_load %arg16[%swap3A_969, %swap3A_970] {strides = array<i32>} : memref<64x128xf32, #tpu.memory_space<vmem>>, vector<16xf32>,
        tpu.vector_store %arg16[%swap3A_969, %swap3A_970], %mul3A_968 {strides = array<i32>} : memref<64x128xf32, #tpu.memory_space<vmem>>, vector<16xf32>,
        %get3A_972 = arith.index_cast %add3A_952 : i32 to index
        %get3A_973 = arith.constant 32 : index
        %get3A_974 = tpu.vector_load %arg16[%get3A_972, %get3A_973] {strides = array<i32>} : memref<64x128xf32, #tpu.memory_space<vmem>>, vector<16xf32>,
        %mul3A_975 = arith.mulf %get3A_974, %gather3A_957 : vector<16xf32>
        %swap3A_976 = arith.index_cast %add3A_952 : i32 to index
        %swap3A_977 = arith.constant 32 : index
        %swap3A_978 = tpu.vector_load %arg16[%swap3A_976, %swap3A_977] {strides = array<i32>} : memref<64x128xf32, #tpu.memory_space<vmem>>, vector<16xf32>,
        tpu.vector_store %arg16[%swap3A_976, %swap3A_977], %mul3A_975 {strides = array<i32>} : memref<64x128xf32, #tpu.memory_space<vmem>>, vector<16xf32>,
        %get3A_979 = arith.index_cast %add3A_952 : i32 to index
        %get3A_980 = arith.constant 48 : index
        %get3A_981 = tpu.vector_load %arg16[%get3A_979, %get3A_980] {strides = array<i32>} : memref<64x128xf32, #tpu.memory_space<vmem>>, vector<16xf32>,
        %mul3A_982 = arith.mulf %get3A_981, %gather3A_957 : vector<16xf32>
        %swap3A_983 = arith.index_cast %add3A_952 : i32 to index
        %swap3A_984 = arith.constant 48 : index
        %swap3A_985 = tpu.vector_load %arg16[%swap3A_983, %swap3A_984] {strides = array<i32>} : memref<64x128xf32, #tpu.memory_space<vmem>>, vector<16xf32>,
        tpu.vector_store %arg16[%swap3A_983, %swap3A_984], %mul3A_982 {strides = array<i32>} : memref<64x128xf32, #tpu.memory_space<vmem>>, vector<16xf32>,
        %get3A_986 = arith.index_cast %add3A_952 : i32 to index
        %get3A_987 = arith.constant 64 : index
        %get3A_988 = tpu.vector_load %arg16[%get3A_986, %get3A_987] {strides = array<i32>} : memref<64x128xf32, #tpu.memory_space<vmem>>, vector<16xf32>,
        %mul3A_989 = arith.mulf %get3A_988, %gather3A_957 : vector<16xf32>
        %swap3A_990 = arith.index_cast %add3A_952 : i32 to index
        %swap3A_991 = arith.constant 64 : index
        %swap3A_992 = tpu.vector_load %arg16[%swap3A_990, %swap3A_991] {strides = array<i32>} : memref<64x128xf32, #tpu.memory_space<vmem>>, vector<16xf32>,
        tpu.vector_store %arg16[%swap3A_990, %swap3A_991], %mul3A_989 {strides = array<i32>} : memref<64x128xf32, #tpu.memory_space<vmem>>, vector<16xf32>,
        %get3A_993 = arith.index_cast %add3A_952 : i32 to index
        %get3A_994 = arith.constant 80 : index
        %get3A_995 = tpu.vector_load %arg16[%get3A_993, %get3A_994] {strides = array<i32>} : memref<64x128xf32, #tpu.memory_space<vmem>>, vector<16xf32>,
        %mul3A_996 = arith.mulf %get3A_995, %gather3A_957 : vector<16xf32>
        %swap3A_997 = arith.index_cast %add3A_952 : i32 to index
        %swap3A_998 = arith.constant 80 : index
        %swap3A_999 = tpu.vector_load %arg16[%swap3A_997, %swap3A_998] {strides = array<i32>} : memref<64x128xf32, #tpu.memory_space<vmem>>, vector<16xf32>,
        tpu.vector_store %arg16[%swap3A_997, %swap3A_998], %mul3A_996 {strides = array<i32>} : memref<64x128xf32, #tpu.memory_space<vmem>>, vector<16xf32>,
        %get3A_1000 = arith.index_cast %add3A_952 : i32 to index
        %get3A_1001 = arith.constant 96 : index
        %get3A_1002 = tpu.vector_load %arg16[%get3A_1000, %get3A_1001] {strides = array<i32>} : memref<64x128xf32, #tpu.memory_space<vmem>>, vector<16xf32>,
        %mul3A_1003 = arith.mulf %get3A_1002, %gather3A_957 : vector<16xf32>
        %swap3A_1004 = arith.index_cast %add3A_952 : i32 to index
        %swap3A_1005 = arith.constant 96 : index
        %swap3A_1006 = tpu.vector_load %arg16[%swap3A_1004, %swap3A_1005] {strides = array<i32>} : memref<64x128xf32, #tpu.memory_space<vmem>>, vector<16xf32>,
        tpu.vector_store %arg16[%swap3A_1004, %swap3A_1005], %mul3A_1003 {strides = array<i32>} : memref<64x128xf32, #tpu.memory_space<vmem>>, vector<16xf32>,
        %get3A_1007 = arith.index_cast %add3A_952 : i32 to index
        %get3A_1008 = arith.constant 112 : index
        %get3A_1009 = tpu.vector_load %arg16[%get3A_1007, %get3A_1008] {strides = array<i32>} : memref<64x128xf32, #tpu.memory_space<vmem>>, vector<16xf32>,
        %mul3A_1010 = arith.mulf %get3A_1009, %gather3A_957 : vector<16xf32>
        %swap3A_1011 = arith.index_cast %add3A_952 : i32 to index
        %swap3A_1012 = arith.constant 112 : index
        %swap3A_1013 = tpu.vector_load %arg16[%swap3A_1011, %swap3A_1012] {strides = array<i32>} : memref<64x128xf32, #tpu.memory_space<vmem>>, vector<16xf32>,
        tpu.vector_store %arg16[%swap3A_1011, %swap3A_1012], %mul3A_1010 {strides = array<i32>} : memref<64x128xf32, #tpu.memory_space<vmem>>, vector<16xf32>,
        %mul3A_1014 = arith.constant 4 : i32
        %mul3A_1015 = arith.muli %scan3A_883, %mul3A_1014 : i32
        %add3A_1016 = arith.constant 2 : i32
        %add3A_1017 = arith.addi %mul3A_1015, %add3A_1016 : i32
        %broadcast_in_dim3A_1018 = arith.constant 0 : i32
        %broadcast_in_dim3A_1019 = vector.broadcast %broadcast_in_dim3A_1018 : i32 to vector<16xi32>
        %add3A_1020 = vector.broadcast %add3A_1017 : i32 to vector<16xi32>
        %add3A_1021 = arith.addi %broadcast_in_dim3A_1019, %add3A_1020 : vector<16xi32>
        %gather3A_1022 = tpu.vector_load_idx %arg13[%add3A_1021] : memref<64xf32, #tpu.memory_space<vmem>>[vector<16xi32>], vector<16xf32>,
        %get3A_1023 = arith.index_cast %add3A_1017 : i32 to index
        %get3A_1024 = arith.constant 0 : index
        %get3A_1025 = tpu.vector_load %arg16[%get3A_1023, %get3A_1024] {strides = array<i32>} : memref<64x128xf32, #tpu.memory_space<vmem>>, vector<16xf32>,
        %mul3A_1026 = arith.mulf %get3A_1025, %gather3A_1022 : vector<16xf32>
        %swap3A_1027 = arith.index_cast %add3A_1017 : i32 to index
        %swap3A_1028 = arith.constant 0 : index
        %swap3A_1029 = tpu.vector_load %arg16[%swap3A_1027, %swap3A_1028] {strides = array<i32>} : memref<64x128xf32, #tpu.memory_space<vmem>>, vector<16xf32>,
        tpu.vector_store %arg16[%swap3A_1027, %swap3A_1028], %mul3A_1026 {strides = array<i32>} : memref<64x128xf32, #tpu.memory_space<vmem>>, vector<16xf32>,
        %get3A_1030 = arith.index_cast %add3A_1017 : i32 to index
        %get3A_1031 = arith.constant 16 : index
        %get3A_1032 = tpu.vector_load %arg16[%get3A_1030, %get3A_1031] {strides = array<i32>} : memref<64x128xf32, #tpu.memory_space<vmem>>, vector<16xf32>,
        %mul3A_1033 = arith.mulf %get3A_1032, %gather3A_1022 : vector<16xf32>
        %swap3A_1034 = arith.index_cast %add3A_1017 : i32 to index
        %swap3A_1035 = arith.constant 16 : index
        %swap3A_1036 = tpu.vector_load %arg16[%swap3A_1034, %swap3A_1035] {strides = array<i32>} : memref<64x128xf32, #tpu.memory_space<vmem>>, vector<16xf32>,
        tpu.vector_store %arg16[%swap3A_1034, %swap3A_1035], %mul3A_1033 {strides = array<i32>} : memref<64x128xf32, #tpu.memory_space<vmem>>, vector<16xf32>,
        %get3A_1037 = arith.index_cast %add3A_1017 : i32 to index
        %get3A_1038 = arith.constant 32 : index
        %get3A_1039 = tpu.vector_load %arg16[%get3A_1037, %get3A_1038] {strides = array<i32>} : memref<64x128xf32, #tpu.memory_space<vmem>>, vector<16xf32>,
        %mul3A_1040 = arith.mulf %get3A_1039, %gather3A_1022 : vector<16xf32>
        %swap3A_1041 = arith.index_cast %add3A_1017 : i32 to index
        %swap3A_1042 = arith.constant 32 : index
        %swap3A_1043 = tpu.vector_load %arg16[%swap3A_1041, %swap3A_1042] {strides = array<i32>} : memref<64x128xf32, #tpu.memory_space<vmem>>, vector<16xf32>,
        tpu.vector_store %arg16[%swap3A_1041, %swap3A_1042], %mul3A_1040 {strides = array<i32>} : memref<64x128xf32, #tpu.memory_space<vmem>>, vector<16xf32>,
        %get3A_1044 = arith.index_cast %add3A_1017 : i32 to index
        %get3A_1045 = arith.constant 48 : index
        %get3A_1046 = tpu.vector_load %arg16[%get3A_1044, %get3A_1045] {strides = array<i32>} : memref<64x128xf32, #tpu.memory_space<vmem>>, vector<16xf32>,
        %mul3A_1047 = arith.mulf %get3A_1046, %gather3A_1022 : vector<16xf32>
        %swap3A_1048 = arith.index_cast %add3A_1017 : i32 to index
        %swap3A_1049 = arith.constant 48 : index
        %swap3A_1050 = tpu.vector_load %arg16[%swap3A_1048, %swap3A_1049] {strides = array<i32>} : memref<64x128xf32, #tpu.memory_space<vmem>>, vector<16xf32>,
        tpu.vector_store %arg16[%swap3A_1048, %swap3A_1049], %mul3A_1047 {strides = array<i32>} : memref<64x128xf32, #tpu.memory_space<vmem>>, vector<16xf32>,
        %get3A_1051 = arith.index_cast %add3A_1017 : i32 to index
        %get3A_1052 = arith.constant 64 : index
        %get3A_1053 = tpu.vector_load %arg16[%get3A_1051, %get3A_1052] {strides = array<i32>} : memref<64x128xf32, #tpu.memory_space<vmem>>, vector<16xf32>,
        %mul3A_1054 = arith.mulf %get3A_1053, %gather3A_1022 : vector<16xf32>
        %swap3A_1055 = arith.index_cast %add3A_1017 : i32 to index
        %swap3A_1056 = arith.constant 64 : index
        %swap3A_1057 = tpu.vector_load %arg16[%swap3A_1055, %swap3A_1056] {strides = array<i32>} : memref<64x128xf32, #tpu.memory_space<vmem>>, vector<16xf32>,
        tpu.vector_store %arg16[%swap3A_1055, %swap3A_1056], %mul3A_1054 {strides = array<i32>} : memref<64x128xf32, #tpu.memory_space<vmem>>, vector<16xf32>,
        %get3A_1058 = arith.index_cast %add3A_1017 : i32 to index
        %get3A_1059 = arith.constant 80 : index
        %get3A_1060 = tpu.vector_load %arg16[%get3A_1058, %get3A_1059] {strides = array<i32>} : memref<64x128xf32, #tpu.memory_space<vmem>>, vector<16xf32>,
        %mul3A_1061 = arith.mulf %get3A_1060, %gather3A_1022 : vector<16xf32>
        %swap3A_1062 = arith.index_cast %add3A_1017 : i32 to index
        %swap3A_1063 = arith.constant 80 : index
        %swap3A_1064 = tpu.vector_load %arg16[%swap3A_1062, %swap3A_1063] {strides = array<i32>} : memref<64x128xf32, #tpu.memory_space<vmem>>, vector<16xf32>,
        tpu.vector_store %arg16[%swap3A_1062, %swap3A_1063], %mul3A_1061 {strides = array<i32>} : memref<64x128xf32, #tpu.memory_space<vmem>>, vector<16xf32>,
        %get3A_1065 = arith.index_cast %add3A_1017 : i32 to index
        %get3A_1066 = arith.constant 96 : index
        %get3A_1067 = tpu.vector_load %arg16[%get3A_1065, %get3A_1066] {strides = array<i32>} : memref<64x128xf32, #tpu.memory_space<vmem>>, vector<16xf32>,
        %mul3A_1068 = arith.mulf %get3A_1067, %gather3A_1022 : vector<16xf32>
        %swap3A_1069 = arith.index_cast %add3A_1017 : i32 to index
        %swap3A_1070 = arith.constant 96 : index
        %swap3A_1071 = tpu.vector_load %arg16[%swap3A_1069, %swap3A_1070] {strides = array<i32>} : memref<64x128xf32, #tpu.memory_space<vmem>>, vector<16xf32>,
        tpu.vector_store %arg16[%swap3A_1069, %swap3A_1070], %mul3A_1068 {strides = array<i32>} : memref<64x128xf32, #tpu.memory_space<vmem>>, vector<16xf32>,
        %get3A_1072 = arith.index_cast %add3A_1017 : i32 to index
        %get3A_1073 = arith.constant 112 : index
        %get3A_1074 = tpu.vector_load %arg16[%get3A_1072, %get3A_1073] {strides = array<i32>} : memref<64x128xf32, #tpu.memory_space<vmem>>, vector<16xf32>,
        %mul3A_1075 = arith.mulf %get3A_1074, %gather3A_1022 : vector<16xf32>
        %swap3A_1076 = arith.index_cast %add3A_1017 : i32 to index
        %swap3A_1077 = arith.constant 112 : index
        %swap3A_1078 = tpu.vector_load %arg16[%swap3A_1076, %swap3A_1077] {strides = array<i32>} : memref<64x128xf32, #tpu.memory_space<vmem>>, vector<16xf32>,
        tpu.vector_store %arg16[%swap3A_1076, %swap3A_1077], %mul3A_1075 {strides = array<i32>} : memref<64x128xf32, #tpu.memory_space<vmem>>, vector<16xf32>,
        %mul3A_1079 = arith.constant 4 : i32
        %mul3A_1080 = arith.muli %scan3A_883, %mul3A_1079 : i32
        %add3A_1081 = arith.constant 3 : i32
        %add3A_1082 = arith.addi %mul3A_1080, %add3A_1081 : i32
        %broadcast_in_dim3A_1083 = arith.constant 0 : i32
        %broadcast_in_dim3A_1084 = vector.broadcast %broadcast_in_dim3A_1083 : i32 to vector<16xi32>
        %add3A_1085 = vector.broadcast %add3A_1082 : i32 to vector<16xi32>
        %add3A_1086 = arith.addi %broadcast_in_dim3A_1084, %add3A_1085 : vector<16xi32>
        %gather3A_1087 = tpu.vector_load_idx %arg13[%add3A_1086] : memref<64xf32, #tpu.memory_space<vmem>>[vector<16xi32>], vector<16xf32>,
        %get3A_1088 = arith.index_cast %add3A_1082 : i32 to index
        %get3A_1089 = arith.constant 0 : index
        %get3A_1090 = tpu.vector_load %arg16[%get3A_1088, %get3A_1089] {strides = array<i32>} : memref<64x128xf32, #tpu.memory_space<vmem>>, vector<16xf32>,
        %mul3A_1091 = arith.mulf %get3A_1090, %gather3A_1087 : vector<16xf32>
        %swap3A_1092 = arith.index_cast %add3A_1082 : i32 to index
        %swap3A_1093 = arith.constant 0 : index
        %swap3A_1094 = tpu.vector_load %arg16[%swap3A_1092, %swap3A_1093] {strides = array<i32>} : memref<64x128xf32, #tpu.memory_space<vmem>>, vector<16xf32>,
        tpu.vector_store %arg16[%swap3A_1092, %swap3A_1093], %mul3A_1091 {strides = array<i32>} : memref<64x128xf32, #tpu.memory_space<vmem>>, vector<16xf32>,
        %get3A_1095 = arith.index_cast %add3A_1082 : i32 to index
        %get3A_1096 = arith.constant 16 : index
        %get3A_1097 = tpu.vector_load %arg16[%get3A_1095, %get3A_1096] {strides = array<i32>} : memref<64x128xf32, #tpu.memory_space<vmem>>, vector<16xf32>,
        %mul3A_1098 = arith.mulf %get3A_1097, %gather3A_1087 : vector<16xf32>
        %swap3A_1099 = arith.index_cast %add3A_1082 : i32 to index
        %swap3A_1100 = arith.constant 16 : index
        %swap3A_1101 = tpu.vector_load %arg16[%swap3A_1099, %swap3A_1100] {strides = array<i32>} : memref<64x128xf32, #tpu.memory_space<vmem>>, vector<16xf32>,
        tpu.vector_store %arg16[%swap3A_1099, %swap3A_1100], %mul3A_1098 {strides = array<i32>} : memref<64x128xf32, #tpu.memory_space<vmem>>, vector<16xf32>,
        %get3A_1102 = arith.index_cast %add3A_1082 : i32 to index
        %get3A_1103 = arith.constant 32 : index
        %get3A_1104 = tpu.vector_load %arg16[%get3A_1102, %get3A_1103] {strides = array<i32>} : memref<64x128xf32, #tpu.memory_space<vmem>>, vector<16xf32>,
        %mul3A_1105 = arith.mulf %get3A_1104, %gather3A_1087 : vector<16xf32>
        %swap3A_1106 = arith.index_cast %add3A_1082 : i32 to index
        %swap3A_1107 = arith.constant 32 : index
        %swap3A_1108 = tpu.vector_load %arg16[%swap3A_1106, %swap3A_1107] {strides = array<i32>} : memref<64x128xf32, #tpu.memory_space<vmem>>, vector<16xf32>,
        tpu.vector_store %arg16[%swap3A_1106, %swap3A_1107], %mul3A_1105 {strides = array<i32>} : memref<64x128xf32, #tpu.memory_space<vmem>>, vector<16xf32>,
        %get3A_1109 = arith.index_cast %add3A_1082 : i32 to index
        %get3A_1110 = arith.constant 48 : index
        %get3A_1111 = tpu.vector_load %arg16[%get3A_1109, %get3A_1110] {strides = array<i32>} : memref<64x128xf32, #tpu.memory_space<vmem>>, vector<16xf32>,
        %mul3A_1112 = arith.mulf %get3A_1111, %gather3A_1087 : vector<16xf32>
        %swap3A_1113 = arith.index_cast %add3A_1082 : i32 to index
        %swap3A_1114 = arith.constant 48 : index
        %swap3A_1115 = tpu.vector_load %arg16[%swap3A_1113, %swap3A_1114] {strides = array<i32>} : memref<64x128xf32, #tpu.memory_space<vmem>>, vector<16xf32>,
        tpu.vector_store %arg16[%swap3A_1113, %swap3A_1114], %mul3A_1112 {strides = array<i32>} : memref<64x128xf32, #tpu.memory_space<vmem>>, vector<16xf32>,
        %get3A_1116 = arith.index_cast %add3A_1082 : i32 to index
        %get3A_1117 = arith.constant 64 : index
        %get3A_1118 = tpu.vector_load %arg16[%get3A_1116, %get3A_1117] {strides = array<i32>} : memref<64x128xf32, #tpu.memory_space<vmem>>, vector<16xf32>,
        %mul3A_1119 = arith.mulf %get3A_1118, %gather3A_1087 : vector<16xf32>
        %swap3A_1120 = arith.index_cast %add3A_1082 : i32 to index
        %swap3A_1121 = arith.constant 64 : index
        %swap3A_1122 = tpu.vector_load %arg16[%swap3A_1120, %swap3A_1121] {strides = array<i32>} : memref<64x128xf32, #tpu.memory_space<vmem>>, vector<16xf32>,
        tpu.vector_store %arg16[%swap3A_1120, %swap3A_1121], %mul3A_1119 {strides = array<i32>} : memref<64x128xf32, #tpu.memory_space<vmem>>, vector<16xf32>,
        %get3A_1123 = arith.index_cast %add3A_1082 : i32 to index
        %get3A_1124 = arith.constant 80 : index
        %get3A_1125 = tpu.vector_load %arg16[%get3A_1123, %get3A_1124] {strides = array<i32>} : memref<64x128xf32, #tpu.memory_space<vmem>>, vector<16xf32>,
        %mul3A_1126 = arith.mulf %get3A_1125, %gather3A_1087 : vector<16xf32>
        %swap3A_1127 = arith.index_cast %add3A_1082 : i32 to index
        %swap3A_1128 = arith.constant 80 : index
        %swap3A_1129 = tpu.vector_load %arg16[%swap3A_1127, %swap3A_1128] {strides = array<i32>} : memref<64x128xf32, #tpu.memory_space<vmem>>, vector<16xf32>,
        tpu.vector_store %arg16[%swap3A_1127, %swap3A_1128], %mul3A_1126 {strides = array<i32>} : memref<64x128xf32, #tpu.memory_space<vmem>>, vector<16xf32>,
        %get3A_1130 = arith.index_cast %add3A_1082 : i32 to index
        %get3A_1131 = arith.constant 96 : index
        %get3A_1132 = tpu.vector_load %arg16[%get3A_1130, %get3A_1131] {strides = array<i32>} : memref<64x128xf32, #tpu.memory_space<vmem>>, vector<16xf32>,
        %mul3A_1133 = arith.mulf %get3A_1132, %gather3A_1087 : vector<16xf32>
        %swap3A_1134 = arith.index_cast %add3A_1082 : i32 to index
        %swap3A_1135 = arith.constant 96 : index
        %swap3A_1136 = tpu.vector_load %arg16[%swap3A_1134, %swap3A_1135] {strides = array<i32>} : memref<64x128xf32, #tpu.memory_space<vmem>>, vector<16xf32>,
        tpu.vector_store %arg16[%swap3A_1134, %swap3A_1135], %mul3A_1133 {strides = array<i32>} : memref<64x128xf32, #tpu.memory_space<vmem>>, vector<16xf32>,
        %get3A_1137 = arith.index_cast %add3A_1082 : i32 to index
        %get3A_1138 = arith.constant 112 : index
        %get3A_1139 = tpu.vector_load %arg16[%get3A_1137, %get3A_1138] {strides = array<i32>} : memref<64x128xf32, #tpu.memory_space<vmem>>, vector<16xf32>,
        %mul3A_1140 = arith.mulf %get3A_1139, %gather3A_1087 : vector<16xf32>
        %swap3A_1141 = arith.index_cast %add3A_1082 : i32 to index
        %swap3A_1142 = arith.constant 112 : index
        %swap3A_1143 = tpu.vector_load %arg16[%swap3A_1141, %swap3A_1142] {strides = array<i32>} : memref<64x128xf32, #tpu.memory_space<vmem>>, vector<16xf32>,
        tpu.vector_store %arg16[%swap3A_1141, %swap3A_1142], %mul3A_1140 {strides = array<i32>} : memref<64x128xf32, #tpu.memory_space<vmem>>, vector<16xf32>,
      }
      %scan3A_712 = arith.constant 16 : i32
      %dma_start3A_713 = arith.constant 1 : i32
      %dma_start3A_714 = arith.constant 0 : i32
      %dma_start3A_715 = tpu.memref_slice %arg10[%dma_start3A_713, %dma_start3A_714] : memref<2x64xi32, #tpu.memory_space<vmem>> -> memref<1x64xi32, #tpu.memory_space<vmem>>
      %dma_start3A_716 = tpu.memref_squeeze %dma_start3A_715 : memref<1x64xi32, #tpu.memory_space<vmem>> -> memref<64xi32, #tpu.memory_space<vmem>>
      %dma_start3A_717 = arith.constant 0 : i32
      %dma_start3A_718 = arith.constant 0 : i32
      %dma_start3A_719 = tpu.memref_slice %arg19[%dma_start3A_717, %dma_start3A_718] : memref<10112x128xf32, #tpu.memory_space<vmem_shared>> -> memref<10112x128xf32, #tpu.memory_space<vmem_shared>>
      tpu.enqueue_indirect_dma source(%arg16 : memref<64x128xf32, #tpu.memory_space<vmem>>) target(%dma_start3A_719 : memref<10112x128xf32, #tpu.memory_space<vmem_shared>>) offsets(%dma_start3A_716 : memref<64xi32, #tpu.memory_space<vmem>>) semaphore(%arg24 : memref<!tpu.dma_semaphore, #tpu.memory_space<semaphore_mem>>) {add = true}
      %dma_start3A_720 = arith.constant 1 : i32
      %dma_start3A_721 = arith.constant 0 : i32
      %dma_start3A_722 = tpu.memref_slice %arg10[%dma_start3A_720, %dma_start3A_721] : memref<2x64xi32, #tpu.memory_space<vmem>> -> memref<1x64xi32, #tpu.memory_space<vmem>>
      %dma_start3A_723 = tpu.memref_squeeze %dma_start3A_722 : memref<1x64xi32, #tpu.memory_space<vmem>> -> memref<64xi32, #tpu.memory_space<vmem>>
      %dma_start3A_724 = arith.constant 0 : i32
      %dma_start3A_725 = tpu.memref_slice %arg20[%dma_start3A_724] : memref<10112xf32, #tpu.memory_space<vmem_shared>> -> memref<10112xf32, #tpu.memory_space<vmem_shared>>
      tpu.enqueue_indirect_dma source(%arg13 : memref<64xf32, #tpu.memory_space<vmem>>) target(%dma_start3A_725 : memref<10112xf32, #tpu.memory_space<vmem_shared>>) offsets(%dma_start3A_723 : memref<64xi32, #tpu.memory_space<vmem>>) semaphore(%arg24 : memref<!tpu.dma_semaphore, #tpu.memory_space<semaphore_mem>>) {add = true}
      %mul3A_726 = arith.constant 3 : i32
      %mul3A_727 = arith.muli %mul3A_726, %scan3A_411 : i32
      %add3A_728 = arith.constant 4 : i32
      %add3A_729 = arith.addi %mul3A_727, %add3A_728 : i32
      %dma_wait3A_730 = arith.constant 1 : i32
      %dma_wait3A_731 = arith.constant 0 : i32
      %dma_wait3A_732 = tpu.memref_slice %arg12[%dma_wait3A_730, %dma_wait3A_731] : memref<2x64xi32, #tpu.memory_space<vmem>> -> memref<1x64xi32, #tpu.memory_space<vmem>>
      %dma_wait3A_733 = tpu.memref_squeeze %dma_wait3A_732 : memref<1x64xi32, #tpu.memory_space<vmem>> -> memref<64xi32, #tpu.memory_space<vmem>>
      %dma_wait3A_734 = arith.constant 0 : i32
      %dma_wait3A_735 = arith.constant 0 : i32
      %dma_wait3A_736 = tpu.memref_slice %arg19[%dma_wait3A_734, %dma_wait3A_735] : memref<10112x128xf32, #tpu.memory_space<vmem_shared>> -> memref<10112x128xf32, #tpu.memory_space<vmem_shared>>
      tpu.wait_indirect_dma semaphore(%arg26 : memref<!tpu.dma_semaphore, #tpu.memory_space<semaphore_mem>>) src(%arg18 : memref<64x128xf32, #tpu.memory_space<vmem>>) dst(%dma_wait3A_736 : memref<10112x128xf32, #tpu.memory_space<vmem_shared>>)
      %dma_wait3A_737 = arith.constant 1 : i32
      %dma_wait3A_738 = arith.constant 0 : i32
      %dma_wait3A_739 = tpu.memref_slice %arg12[%dma_wait3A_737, %dma_wait3A_738] : memref<2x64xi32, #tpu.memory_space<vmem>> -> memref<1x64xi32, #tpu.memory_space<vmem>>
      %dma_wait3A_740 = tpu.memref_squeeze %dma_wait3A_739 : memref<1x64xi32, #tpu.memory_space<vmem>> -> memref<64xi32, #tpu.memory_space<vmem>>
      %dma_wait3A_741 = arith.constant 0 : i32
      %dma_wait3A_742 = tpu.memref_slice %arg20[%dma_wait3A_741] : memref<10112xf32, #tpu.memory_space<vmem_shared>> -> memref<10112xf32, #tpu.memory_space<vmem_shared>>
      tpu.wait_indirect_dma semaphore(%arg26 : memref<!tpu.dma_semaphore, #tpu.memory_space<semaphore_mem>>) src(%arg15 : memref<64xf32, #tpu.memory_space<vmem>>) dst(%dma_wait3A_742 : memref<10112xf32, #tpu.memory_space<vmem_shared>>)
      %add3A_743 = arith.constant 1 : i32
      %add3A_744 = arith.addi %add3A_729, %add3A_743 : i32
      %mul3A_745 = arith.constant 32 : i32
      %mul3A_746 = arith.muli %mul3A_745, %add3A_744 : i32
      %add3A_747 = arith.addi %add3A, %mul3A_746 : i32
      %mul3A_748 = arith.constant 64 : i32
      %mul3A_749 = arith.muli %add3A_747, %mul3A_748 : i32
      "tpu.region"() ({
        %run_scoped3A_883 = tpu.sem_alloc : memref<!tpu.dma_semaphore, #tpu.memory_space<semaphore_mem>>
        %dma_start3A_884 = arith.constant 0 : i32
        %dma_start3A_885 = tpu.memref_slice %arg5[%dma_start3A_884, %mul3A_749] : memref<2x325632xi32, #tpu.memory_space<hbm>> -> memref<2x64xi32, #tpu.memory_space<hbm>>
        %dma_start3A_886 = arith.constant 0 : i32
        %dma_start3A_887 = tpu.memref_slice %arg5[%dma_start3A_886, %mul3A_749] : memref<2x325632xi32, #tpu.memory_space<hbm>> -> memref<2x64xi32, #tpu.memory_space<hbm>>
        tpu.enqueue_dma source(%dma_start3A_887 : memref<2x64xi32, #tpu.memory_space<hbm>>) target(%arg12 : memref<2x64xi32, #tpu.memory_space<vmem>>) target_semaphore(%run_scoped3A_883 : memref<!tpu.dma_semaphore, #tpu.memory_space<semaphore_mem>>)
        %dma_wait3A_888 = arith.constant 0 : i32
        %dma_wait3A_889 = tpu.memref_slice %arg5[%dma_wait3A_888, %mul3A_749] : memref<2x325632xi32, #tpu.memory_space<hbm>> -> memref<2x64xi32, #tpu.memory_space<hbm>>
        %dma_wait3A_890 = arith.constant 0 : i32
        %dma_wait3A_891 = tpu.memref_slice %arg5[%dma_wait3A_890, %mul3A_749] : memref<2x325632xi32, #tpu.memory_space<hbm>> -> memref<2x64xi32, #tpu.memory_space<hbm>>
        tpu.wait_dma2 semaphore(%run_scoped3A_883 : memref<!tpu.dma_semaphore, #tpu.memory_space<semaphore_mem>>) src(%dma_wait3A_891 : memref<2x64xi32, #tpu.memory_space<hbm>>) dst(%arg12 : memref<2x64xi32, #tpu.memory_space<vmem>>)
        tpu.yield
      }) : () -> ()
      %dma_start3A_750 = arith.constant 0 : i32
      %dma_start3A_751 = arith.constant 0 : i32
      %dma_start3A_752 = tpu.memref_slice %arg12[%dma_start3A_750, %dma_start3A_751] : memref<2x64xi32, #tpu.memory_space<vmem>> -> memref<1x64xi32, #tpu.memory_space<vmem>>
      %dma_start3A_753 = tpu.memref_squeeze %dma_start3A_752 : memref<1x64xi32, #tpu.memory_space<vmem>> -> memref<64xi32, #tpu.memory_space<vmem>>
      %dma_start3A_754 = arith.constant 0 : i32
      %dma_start3A_755 = arith.constant 0 : i32
      %dma_start3A_756 = tpu.memref_slice %arg2[%dma_start3A_754, %dma_start3A_755] : memref<10240x128xf32, #tpu.memory_space<hbm>> -> memref<10240x128xf32, #tpu.memory_space<hbm>>
      tpu.enqueue_indirect_dma source(%dma_start3A_756 : memref<10240x128xf32, #tpu.memory_space<hbm>>) target(%arg18 : memref<64x128xf32, #tpu.memory_space<vmem>>) offsets(%dma_start3A_753 : memref<64xi32, #tpu.memory_space<vmem>>) semaphore(%arg23 : memref<!tpu.dma_semaphore, #tpu.memory_space<semaphore_mem>>)
      %dma_wait3A_757 = arith.constant 0 : i32
      %dma_wait3A_758 = arith.constant 0 : i32
      %dma_wait3A_759 = tpu.memref_slice %arg11[%dma_wait3A_757, %dma_wait3A_758] : memref<2x64xi32, #tpu.memory_space<vmem>> -> memref<1x64xi32, #tpu.memory_space<vmem>>
      %dma_wait3A_760 = tpu.memref_squeeze %dma_wait3A_759 : memref<1x64xi32, #tpu.memory_space<vmem>> -> memref<64xi32, #tpu.memory_space<vmem>>
      %dma_wait3A_761 = arith.constant 0 : i32
      %dma_wait3A_762 = arith.constant 0 : i32
      %dma_wait3A_763 = tpu.memref_slice %arg2[%dma_wait3A_761, %dma_wait3A_762] : memref<10240x128xf32, #tpu.memory_space<hbm>> -> memref<10240x128xf32, #tpu.memory_space<hbm>>
      tpu.wait_indirect_dma semaphore(%arg22 : memref<!tpu.dma_semaphore, #tpu.memory_space<semaphore_mem>>) src(%dma_wait3A_763 : memref<10240x128xf32, #tpu.memory_space<hbm>>) dst(%arg17 : memref<64x128xf32, #tpu.memory_space<vmem>>)
      %get3A_764 = arith.constant 0 : i32
      %get3A_765 = arith.index_cast %get3A_764 : i32 to index
      %get3A_766 = arith.constant 0 : index
      %get3A_767 = tpu.vector_load %arg11[%get3A_765, %get3A_766] {strides = array<i32>} : memref<2x64xi32, #tpu.memory_space<vmem>>, vector<16xi32>,
      %get3A_768 = arith.constant 1 : i32
      %get3A_769 = arith.index_cast %get3A_768 : i32 to index
      %get3A_770 = arith.constant 0 : index
      %get3A_771 = tpu.vector_load %arg11[%get3A_769, %get3A_770] {strides = array<i32>} : memref<2x64xi32, #tpu.memory_space<vmem>>, vector<16xi32>,
      %gather3A_772 = tpu.vector_load_idx %arg8[%get3A_767] : memref<10000xf32, #tpu.memory_space<vmem>>[vector<16xi32>], vector<16xf32>,
      %gather3A_773 = tpu.vector_load_idx %arg9[%get3A_771] : memref<10000xf32, #tpu.memory_space<vmem>>[vector<16xi32>], vector<16xf32>,
      %add3A_774 = arith.addf %gather3A_772, %gather3A_773 : vector<16xf32>
      %ge3A_775 = arith.constant 0.000000e+00 : f32
      %ge3A_776 = vector.broadcast %ge3A_775 : f32 to vector<16xf32>
      %ge3A_777 = arith.cmpf oge, %add3A_774, %ge3A_776 : vector<16xf32>
      %mul3A_778 = arith.constant 2.000000e-01 : f32
      %mul3A_779 = vector.broadcast %mul3A_778 : f32 to vector<16xf32>
      %mul3A_780 = arith.mulf %mul3A_779, %add3A_774 : vector<16xf32>
      %select_n3A_781 = arith.select %ge3A_777, %add3A_774, %mul3A_780 : vector<16xi1>, vector<16xf32>
      %ne3A_782 = arith.cmpi ne, %get3A_767, %get3A_771 : vector<16xi32>
      %exp3A_783 = math.exp %select_n3A_781 : vector<16xf32>
      %jit3A_784 = arith.constant 0.000000e+00 : f32
      %broadcast_in_dim3A_785 = vector.broadcast %jit3A_784 : f32 to vector<16xf32>
      %select_n3A_786 = arith.select %ne3A_782, %exp3A_783, %broadcast_in_dim3A_785 : vector<16xi1>, vector<16xf32>
      %swap3A_787 = arith.constant 0 : index
      %swap3A_788 = tpu.vector_load %arg14[%swap3A_787] {strides = array<i32>} : memref<64xf32, #tpu.memory_space<vmem>>, vector<16xf32>,
      tpu.vector_store %arg14[%swap3A_787], %select_n3A_786 {strides = array<i32>} : memref<64xf32, #tpu.memory_space<vmem>>, vector<16xf32>,
      %get3A_789 = arith.constant 0 : i32
      %get3A_790 = arith.index_cast %get3A_789 : i32 to index
      %get3A_791 = arith.constant 16 : index
      %get3A_792 = tpu.vector_load %arg11[%get3A_790, %get3A_791] {strides = array<i32>} : memref<2x64xi32, #tpu.memory_space<vmem>>, vector<16xi32>,
      %get3A_793 = arith.constant 1 : i32
      %get3A_794 = arith.index_cast %get3A_793 : i32 to index
      %get3A_795 = arith.constant 16 : index
      %get3A_796 = tpu.vector_load %arg11[%get3A_794, %get3A_795] {strides = array<i32>} : memref<2x64xi32, #tpu.memory_space<vmem>>, vector<16xi32>,
      %gather3A_797 = tpu.vector_load_idx %arg8[%get3A_792] : memref<10000xf32, #tpu.memory_space<vmem>>[vector<16xi32>], vector<16xf32>,
      %gather3A_798 = tpu.vector_load_idx %arg9[%get3A_796] : memref<10000xf32, #tpu.memory_space<vmem>>[vector<16xi32>], vector<16xf32>,
      %add3A_799 = arith.addf %gather3A_797, %gather3A_798 : vector<16xf32>
      %ge3A_800 = arith.constant 0.000000e+00 : f32
      %ge3A_801 = vector.broadcast %ge3A_800 : f32 to vector<16xf32>
      %ge3A_802 = arith.cmpf oge, %add3A_799, %ge3A_801 : vector<16xf32>
      %mul3A_803 = arith.constant 2.000000e-01 : f32
      %mul3A_804 = vector.broadcast %mul3A_803 : f32 to vector<16xf32>
      %mul3A_805 = arith.mulf %mul3A_804, %add3A_799 : vector<16xf32>
      %select_n3A_806 = arith.select %ge3A_802, %add3A_799, %mul3A_805 : vector<16xi1>, vector<16xf32>
      %ne3A_807 = arith.cmpi ne, %get3A_792, %get3A_796 : vector<16xi32>
      %exp3A_808 = math.exp %select_n3A_806 : vector<16xf32>
      %jit3A_809 = arith.constant 0.000000e+00 : f32
      %broadcast_in_dim3A_810 = vector.broadcast %jit3A_809 : f32 to vector<16xf32>
      %select_n3A_811 = arith.select %ne3A_807, %exp3A_808, %broadcast_in_dim3A_810 : vector<16xi1>, vector<16xf32>
      %swap3A_812 = arith.constant 16 : index
      %swap3A_813 = tpu.vector_load %arg14[%swap3A_812] {strides = array<i32>} : memref<64xf32, #tpu.memory_space<vmem>>, vector<16xf32>,
      tpu.vector_store %arg14[%swap3A_812], %select_n3A_811 {strides = array<i32>} : memref<64xf32, #tpu.memory_space<vmem>>, vector<16xf32>,
      %get3A_814 = arith.constant 0 : i32
      %get3A_815 = arith.index_cast %get3A_814 : i32 to index
      %get3A_816 = arith.constant 32 : index
      %get3A_817 = tpu.vector_load %arg11[%get3A_815, %get3A_816] {strides = array<i32>} : memref<2x64xi32, #tpu.memory_space<vmem>>, vector<16xi32>,
      %get3A_818 = arith.constant 1 : i32
      %get3A_819 = arith.index_cast %get3A_818 : i32 to index
      %get3A_820 = arith.constant 32 : index
      %get3A_821 = tpu.vector_load %arg11[%get3A_819, %get3A_820] {strides = array<i32>} : memref<2x64xi32, #tpu.memory_space<vmem>>, vector<16xi32>,
      %gather3A_822 = tpu.vector_load_idx %arg8[%get3A_817] : memref<10000xf32, #tpu.memory_space<vmem>>[vector<16xi32>], vector<16xf32>,
      %gather3A_823 = tpu.vector_load_idx %arg9[%get3A_821] : memref<10000xf32, #tpu.memory_space<vmem>>[vector<16xi32>], vector<16xf32>,
      %add3A_824 = arith.addf %gather3A_822, %gather3A_823 : vector<16xf32>
      %ge3A_825 = arith.constant 0.000000e+00 : f32
      %ge3A_826 = vector.broadcast %ge3A_825 : f32 to vector<16xf32>
      %ge3A_827 = arith.cmpf oge, %add3A_824, %ge3A_826 : vector<16xf32>
      %mul3A_828 = arith.constant 2.000000e-01 : f32
      %mul3A_829 = vector.broadcast %mul3A_828 : f32 to vector<16xf32>
      %mul3A_830 = arith.mulf %mul3A_829, %add3A_824 : vector<16xf32>
      %select_n3A_831 = arith.select %ge3A_827, %add3A_824, %mul3A_830 : vector<16xi1>, vector<16xf32>
      %ne3A_832 = arith.cmpi ne, %get3A_817, %get3A_821 : vector<16xi32>
      %exp3A_833 = math.exp %select_n3A_831 : vector<16xf32>
      %jit3A_834 = arith.constant 0.000000e+00 : f32
      %broadcast_in_dim3A_835 = vector.broadcast %jit3A_834 : f32 to vector<16xf32>
      %select_n3A_836 = arith.select %ne3A_832, %exp3A_833, %broadcast_in_dim3A_835 : vector<16xi1>, vector<16xf32>
      %swap3A_837 = arith.constant 32 : index
      %swap3A_838 = tpu.vector_load %arg14[%swap3A_837] {strides = array<i32>} : memref<64xf32, #tpu.memory_space<vmem>>, vector<16xf32>,
      tpu.vector_store %arg14[%swap3A_837], %select_n3A_836 {strides = array<i32>} : memref<64xf32, #tpu.memory_space<vmem>>, vector<16xf32>,
      %get3A_839 = arith.constant 0 : i32
      %get3A_840 = arith.index_cast %get3A_839 : i32 to index
      %get3A_841 = arith.constant 48 : index
      %get3A_842 = tpu.vector_load %arg11[%get3A_840, %get3A_841] {strides = array<i32>} : memref<2x64xi32, #tpu.memory_space<vmem>>, vector<16xi32>,
      %get3A_843 = arith.constant 1 : i32
      %get3A_844 = arith.index_cast %get3A_843 : i32 to index
      %get3A_845 = arith.constant 48 : index
      %get3A_846 = tpu.vector_load %arg11[%get3A_844, %get3A_845] {strides = array<i32>} : memref<2x64xi32, #tpu.memory_space<vmem>>, vector<16xi32>,
      %gather3A_847 = tpu.vector_load_idx %arg8[%get3A_842] : memref<10000xf32, #tpu.memory_space<vmem>>[vector<16xi32>], vector<16xf32>,
      %gather3A_848 = tpu.vector_load_idx %arg9[%get3A_846] : memref<10000xf32, #tpu.memory_space<vmem>>[vector<16xi32>], vector<16xf32>,
      %add3A_849 = arith.addf %gather3A_847, %gather3A_848 : vector<16xf32>
      %ge3A_850 = arith.constant 0.000000e+00 : f32
      %ge3A_851 = vector.broadcast %ge3A_850 : f32 to vector<16xf32>
      %ge3A_852 = arith.cmpf oge, %add3A_849, %ge3A_851 : vector<16xf32>
      %mul3A_853 = arith.constant 2.000000e-01 : f32
      %mul3A_854 = vector.broadcast %mul3A_853 : f32 to vector<16xf32>
      %mul3A_855 = arith.mulf %mul3A_854, %add3A_849 : vector<16xf32>
      %select_n3A_856 = arith.select %ge3A_852, %add3A_849, %mul3A_855 : vector<16xi1>, vector<16xf32>
      %ne3A_857 = arith.cmpi ne, %get3A_842, %get3A_846 : vector<16xi32>
      %exp3A_858 = math.exp %select_n3A_856 : vector<16xf32>
      %jit3A_859 = arith.constant 0.000000e+00 : f32
      %broadcast_in_dim3A_860 = vector.broadcast %jit3A_859 : f32 to vector<16xf32>
      %select_n3A_861 = arith.select %ne3A_857, %exp3A_858, %broadcast_in_dim3A_860 : vector<16xi1>, vector<16xf32>
      %swap3A_862 = arith.constant 48 : index
      %swap3A_863 = tpu.vector_load %arg14[%swap3A_862] {strides = array<i32>} : memref<64xf32, #tpu.memory_space<vmem>>, vector<16xf32>,
      tpu.vector_store %arg14[%swap3A_862], %select_n3A_861 {strides = array<i32>} : memref<64xf32, #tpu.memory_space<vmem>>, vector<16xf32>,
      %scan3A_864 = arith.constant 0 : i32
      %scan3A_865 = arith.constant 0 : i32
      %scan3A_866 = arith.constant 16 : i32
      %scan3A_867 = arith.addi %scan3A_865, %scan3A_866 : i32
      %scan3A_868 = arith.constant 1 : i32
      scf.for %scan3A_883 = %scan3A_865 to %scan3A_867 step %scan3A_868  : i32 {
        %mul3A_884 = arith.constant 4 : i32
        %mul3A_885 = arith.muli %scan3A_883, %mul3A_884 : i32
        %add3A_886 = arith.constant 0 : i32
        %add3A_887 = arith.addi %mul3A_885, %add3A_886 : i32
        %broadcast_in_dim3A_888 = arith.constant 0 : i32
        %broadcast_in_dim3A_889 = vector.broadcast %broadcast_in_dim3A_888 : i32 to vector<16xi32>
        %add3A_890 = vector.broadcast %add3A_887 : i32 to vector<16xi32>
        %add3A_891 = arith.addi %broadcast_in_dim3A_889, %add3A_890 : vector<16xi32>
        %gather3A_892 = tpu.vector_load_idx %arg14[%add3A_891] : memref<64xf32, #tpu.memory_space<vmem>>[vector<16xi32>], vector<16xf32>,
        %get3A_893 = arith.index_cast %add3A_887 : i32 to index
        %get3A_894 = arith.constant 0 : index
        %get3A_895 = tpu.vector_load %arg17[%get3A_893, %get3A_894] {strides = array<i32>} : memref<64x128xf32, #tpu.memory_space<vmem>>, vector<16xf32>,
        %mul3A_896 = arith.mulf %get3A_895, %gather3A_892 : vector<16xf32>
        %swap3A_897 = arith.index_cast %add3A_887 : i32 to index
        %swap3A_898 = arith.constant 0 : index
        %swap3A_899 = tpu.vector_load %arg17[%swap3A_897, %swap3A_898] {strides = array<i32>} : memref<64x128xf32, #tpu.memory_space<vmem>>, vector<16xf32>,
        tpu.vector_store %arg17[%swap3A_897, %swap3A_898], %mul3A_896 {strides = array<i32>} : memref<64x128xf32, #tpu.memory_space<vmem>>, vector<16xf32>,
        %get3A_900 = arith.index_cast %add3A_887 : i32 to index
        %get3A_901 = arith.constant 16 : index
        %get3A_902 = tpu.vector_load %arg17[%get3A_900, %get3A_901] {strides = array<i32>} : memref<64x128xf32, #tpu.memory_space<vmem>>, vector<16xf32>,
        %mul3A_903 = arith.mulf %get3A_902, %gather3A_892 : vector<16xf32>
        %swap3A_904 = arith.index_cast %add3A_887 : i32 to index
        %swap3A_905 = arith.constant 16 : index
        %swap3A_906 = tpu.vector_load %arg17[%swap3A_904, %swap3A_905] {strides = array<i32>} : memref<64x128xf32, #tpu.memory_space<vmem>>, vector<16xf32>,
        tpu.vector_store %arg17[%swap3A_904, %swap3A_905], %mul3A_903 {strides = array<i32>} : memref<64x128xf32, #tpu.memory_space<vmem>>, vector<16xf32>,
        %get3A_907 = arith.index_cast %add3A_887 : i32 to index
        %get3A_908 = arith.constant 32 : index
        %get3A_909 = tpu.vector_load %arg17[%get3A_907, %get3A_908] {strides = array<i32>} : memref<64x128xf32, #tpu.memory_space<vmem>>, vector<16xf32>,
        %mul3A_910 = arith.mulf %get3A_909, %gather3A_892 : vector<16xf32>
        %swap3A_911 = arith.index_cast %add3A_887 : i32 to index
        %swap3A_912 = arith.constant 32 : index
        %swap3A_913 = tpu.vector_load %arg17[%swap3A_911, %swap3A_912] {strides = array<i32>} : memref<64x128xf32, #tpu.memory_space<vmem>>, vector<16xf32>,
        tpu.vector_store %arg17[%swap3A_911, %swap3A_912], %mul3A_910 {strides = array<i32>} : memref<64x128xf32, #tpu.memory_space<vmem>>, vector<16xf32>,
        %get3A_914 = arith.index_cast %add3A_887 : i32 to index
        %get3A_915 = arith.constant 48 : index
        %get3A_916 = tpu.vector_load %arg17[%get3A_914, %get3A_915] {strides = array<i32>} : memref<64x128xf32, #tpu.memory_space<vmem>>, vector<16xf32>,
        %mul3A_917 = arith.mulf %get3A_916, %gather3A_892 : vector<16xf32>
        %swap3A_918 = arith.index_cast %add3A_887 : i32 to index
        %swap3A_919 = arith.constant 48 : index
        %swap3A_920 = tpu.vector_load %arg17[%swap3A_918, %swap3A_919] {strides = array<i32>} : memref<64x128xf32, #tpu.memory_space<vmem>>, vector<16xf32>,
        tpu.vector_store %arg17[%swap3A_918, %swap3A_919], %mul3A_917 {strides = array<i32>} : memref<64x128xf32, #tpu.memory_space<vmem>>, vector<16xf32>,
        %get3A_921 = arith.index_cast %add3A_887 : i32 to index
        %get3A_922 = arith.constant 64 : index
        %get3A_923 = tpu.vector_load %arg17[%get3A_921, %get3A_922] {strides = array<i32>} : memref<64x128xf32, #tpu.memory_space<vmem>>, vector<16xf32>,
        %mul3A_924 = arith.mulf %get3A_923, %gather3A_892 : vector<16xf32>
        %swap3A_925 = arith.index_cast %add3A_887 : i32 to index
        %swap3A_926 = arith.constant 64 : index
        %swap3A_927 = tpu.vector_load %arg17[%swap3A_925, %swap3A_926] {strides = array<i32>} : memref<64x128xf32, #tpu.memory_space<vmem>>, vector<16xf32>,
        tpu.vector_store %arg17[%swap3A_925, %swap3A_926], %mul3A_924 {strides = array<i32>} : memref<64x128xf32, #tpu.memory_space<vmem>>, vector<16xf32>,
        %get3A_928 = arith.index_cast %add3A_887 : i32 to index
        %get3A_929 = arith.constant 80 : index
        %get3A_930 = tpu.vector_load %arg17[%get3A_928, %get3A_929] {strides = array<i32>} : memref<64x128xf32, #tpu.memory_space<vmem>>, vector<16xf32>,
        %mul3A_931 = arith.mulf %get3A_930, %gather3A_892 : vector<16xf32>
        %swap3A_932 = arith.index_cast %add3A_887 : i32 to index
        %swap3A_933 = arith.constant 80 : index
        %swap3A_934 = tpu.vector_load %arg17[%swap3A_932, %swap3A_933] {strides = array<i32>} : memref<64x128xf32, #tpu.memory_space<vmem>>, vector<16xf32>,
        tpu.vector_store %arg17[%swap3A_932, %swap3A_933], %mul3A_931 {strides = array<i32>} : memref<64x128xf32, #tpu.memory_space<vmem>>, vector<16xf32>,
        %get3A_935 = arith.index_cast %add3A_887 : i32 to index
        %get3A_936 = arith.constant 96 : index
        %get3A_937 = tpu.vector_load %arg17[%get3A_935, %get3A_936] {strides = array<i32>} : memref<64x128xf32, #tpu.memory_space<vmem>>, vector<16xf32>,
        %mul3A_938 = arith.mulf %get3A_937, %gather3A_892 : vector<16xf32>
        %swap3A_939 = arith.index_cast %add3A_887 : i32 to index
        %swap3A_940 = arith.constant 96 : index
        %swap3A_941 = tpu.vector_load %arg17[%swap3A_939, %swap3A_940] {strides = array<i32>} : memref<64x128xf32, #tpu.memory_space<vmem>>, vector<16xf32>,
        tpu.vector_store %arg17[%swap3A_939, %swap3A_940], %mul3A_938 {strides = array<i32>} : memref<64x128xf32, #tpu.memory_space<vmem>>, vector<16xf32>,
        %get3A_942 = arith.index_cast %add3A_887 : i32 to index
        %get3A_943 = arith.constant 112 : index
        %get3A_944 = tpu.vector_load %arg17[%get3A_942, %get3A_943] {strides = array<i32>} : memref<64x128xf32, #tpu.memory_space<vmem>>, vector<16xf32>,
        %mul3A_945 = arith.mulf %get3A_944, %gather3A_892 : vector<16xf32>
        %swap3A_946 = arith.index_cast %add3A_887 : i32 to index
        %swap3A_947 = arith.constant 112 : index
        %swap3A_948 = tpu.vector_load %arg17[%swap3A_946, %swap3A_947] {strides = array<i32>} : memref<64x128xf32, #tpu.memory_space<vmem>>, vector<16xf32>,
        tpu.vector_store %arg17[%swap3A_946, %swap3A_947], %mul3A_945 {strides = array<i32>} : memref<64x128xf32, #tpu.memory_space<vmem>>, vector<16xf32>,
        %mul3A_949 = arith.constant 4 : i32
        %mul3A_950 = arith.muli %scan3A_883, %mul3A_949 : i32
        %add3A_951 = arith.constant 1 : i32
        %add3A_952 = arith.addi %mul3A_950, %add3A_951 : i32
        %broadcast_in_dim3A_953 = arith.constant 0 : i32
        %broadcast_in_dim3A_954 = vector.broadcast %broadcast_in_dim3A_953 : i32 to vector<16xi32>
        %add3A_955 = vector.broadcast %add3A_952 : i32 to vector<16xi32>
        %add3A_956 = arith.addi %broadcast_in_dim3A_954, %add3A_955 : vector<16xi32>
        %gather3A_957 = tpu.vector_load_idx %arg14[%add3A_956] : memref<64xf32, #tpu.memory_space<vmem>>[vector<16xi32>], vector<16xf32>,
        %get3A_958 = arith.index_cast %add3A_952 : i32 to index
        %get3A_959 = arith.constant 0 : index
        %get3A_960 = tpu.vector_load %arg17[%get3A_958, %get3A_959] {strides = array<i32>} : memref<64x128xf32, #tpu.memory_space<vmem>>, vector<16xf32>,
        %mul3A_961 = arith.mulf %get3A_960, %gather3A_957 : vector<16xf32>
        %swap3A_962 = arith.index_cast %add3A_952 : i32 to index
        %swap3A_963 = arith.constant 0 : index
        %swap3A_964 = tpu.vector_load %arg17[%swap3A_962, %swap3A_963] {strides = array<i32>} : memref<64x128xf32, #tpu.memory_space<vmem>>, vector<16xf32>,
        tpu.vector_store %arg17[%swap3A_962, %swap3A_963], %mul3A_961 {strides = array<i32>} : memref<64x128xf32, #tpu.memory_space<vmem>>, vector<16xf32>,
        %get3A_965 = arith.index_cast %add3A_952 : i32 to index
        %get3A_966 = arith.constant 16 : index
        %get3A_967 = tpu.vector_load %arg17[%get3A_965, %get3A_966] {strides = array<i32>} : memref<64x128xf32, #tpu.memory_space<vmem>>, vector<16xf32>,
        %mul3A_968 = arith.mulf %get3A_967, %gather3A_957 : vector<16xf32>
        %swap3A_969 = arith.index_cast %add3A_952 : i32 to index
        %swap3A_970 = arith.constant 16 : index
        %swap3A_971 = tpu.vector_load %arg17[%swap3A_969, %swap3A_970] {strides = array<i32>} : memref<64x128xf32, #tpu.memory_space<vmem>>, vector<16xf32>,
        tpu.vector_store %arg17[%swap3A_969, %swap3A_970], %mul3A_968 {strides = array<i32>} : memref<64x128xf32, #tpu.memory_space<vmem>>, vector<16xf32>,
        %get3A_972 = arith.index_cast %add3A_952 : i32 to index
        %get3A_973 = arith.constant 32 : index
        %get3A_974 = tpu.vector_load %arg17[%get3A_972, %get3A_973] {strides = array<i32>} : memref<64x128xf32, #tpu.memory_space<vmem>>, vector<16xf32>,
        %mul3A_975 = arith.mulf %get3A_974, %gather3A_957 : vector<16xf32>
        %swap3A_976 = arith.index_cast %add3A_952 : i32 to index
        %swap3A_977 = arith.constant 32 : index
        %swap3A_978 = tpu.vector_load %arg17[%swap3A_976, %swap3A_977] {strides = array<i32>} : memref<64x128xf32, #tpu.memory_space<vmem>>, vector<16xf32>,
        tpu.vector_store %arg17[%swap3A_976, %swap3A_977], %mul3A_975 {strides = array<i32>} : memref<64x128xf32, #tpu.memory_space<vmem>>, vector<16xf32>,
        %get3A_979 = arith.index_cast %add3A_952 : i32 to index
        %get3A_980 = arith.constant 48 : index
        %get3A_981 = tpu.vector_load %arg17[%get3A_979, %get3A_980] {strides = array<i32>} : memref<64x128xf32, #tpu.memory_space<vmem>>, vector<16xf32>,
        %mul3A_982 = arith.mulf %get3A_981, %gather3A_957 : vector<16xf32>
        %swap3A_983 = arith.index_cast %add3A_952 : i32 to index
        %swap3A_984 = arith.constant 48 : index
        %swap3A_985 = tpu.vector_load %arg17[%swap3A_983, %swap3A_984] {strides = array<i32>} : memref<64x128xf32, #tpu.memory_space<vmem>>, vector<16xf32>,
        tpu.vector_store %arg17[%swap3A_983, %swap3A_984], %mul3A_982 {strides = array<i32>} : memref<64x128xf32, #tpu.memory_space<vmem>>, vector<16xf32>,
        %get3A_986 = arith.index_cast %add3A_952 : i32 to index
        %get3A_987 = arith.constant 64 : index
        %get3A_988 = tpu.vector_load %arg17[%get3A_986, %get3A_987] {strides = array<i32>} : memref<64x128xf32, #tpu.memory_space<vmem>>, vector<16xf32>,
        %mul3A_989 = arith.mulf %get3A_988, %gather3A_957 : vector<16xf32>
        %swap3A_990 = arith.index_cast %add3A_952 : i32 to index
        %swap3A_991 = arith.constant 64 : index
        %swap3A_992 = tpu.vector_load %arg17[%swap3A_990, %swap3A_991] {strides = array<i32>} : memref<64x128xf32, #tpu.memory_space<vmem>>, vector<16xf32>,
        tpu.vector_store %arg17[%swap3A_990, %swap3A_991], %mul3A_989 {strides = array<i32>} : memref<64x128xf32, #tpu.memory_space<vmem>>, vector<16xf32>,
        %get3A_993 = arith.index_cast %add3A_952 : i32 to index
        %get3A_994 = arith.constant 80 : index
        %get3A_995 = tpu.vector_load %arg17[%get3A_993, %get3A_994] {strides = array<i32>} : memref<64x128xf32, #tpu.memory_space<vmem>>, vector<16xf32>,
        %mul3A_996 = arith.mulf %get3A_995, %gather3A_957 : vector<16xf32>
        %swap3A_997 = arith.index_cast %add3A_952 : i32 to index
        %swap3A_998 = arith.constant 80 : index
        %swap3A_999 = tpu.vector_load %arg17[%swap3A_997, %swap3A_998] {strides = array<i32>} : memref<64x128xf32, #tpu.memory_space<vmem>>, vector<16xf32>,
        tpu.vector_store %arg17[%swap3A_997, %swap3A_998], %mul3A_996 {strides = array<i32>} : memref<64x128xf32, #tpu.memory_space<vmem>>, vector<16xf32>,
        %get3A_1000 = arith.index_cast %add3A_952 : i32 to index
        %get3A_1001 = arith.constant 96 : index
        %get3A_1002 = tpu.vector_load %arg17[%get3A_1000, %get3A_1001] {strides = array<i32>} : memref<64x128xf32, #tpu.memory_space<vmem>>, vector<16xf32>,
        %mul3A_1003 = arith.mulf %get3A_1002, %gather3A_957 : vector<16xf32>
        %swap3A_1004 = arith.index_cast %add3A_952 : i32 to index
        %swap3A_1005 = arith.constant 96 : index
        %swap3A_1006 = tpu.vector_load %arg17[%swap3A_1004, %swap3A_1005] {strides = array<i32>} : memref<64x128xf32, #tpu.memory_space<vmem>>, vector<16xf32>,
        tpu.vector_store %arg17[%swap3A_1004, %swap3A_1005], %mul3A_1003 {strides = array<i32>} : memref<64x128xf32, #tpu.memory_space<vmem>>, vector<16xf32>,
        %get3A_1007 = arith.index_cast %add3A_952 : i32 to index
        %get3A_1008 = arith.constant 112 : index
        %get3A_1009 = tpu.vector_load %arg17[%get3A_1007, %get3A_1008] {strides = array<i32>} : memref<64x128xf32, #tpu.memory_space<vmem>>, vector<16xf32>,
        %mul3A_1010 = arith.mulf %get3A_1009, %gather3A_957 : vector<16xf32>
        %swap3A_1011 = arith.index_cast %add3A_952 : i32 to index
        %swap3A_1012 = arith.constant 112 : index
        %swap3A_1013 = tpu.vector_load %arg17[%swap3A_1011, %swap3A_1012] {strides = array<i32>} : memref<64x128xf32, #tpu.memory_space<vmem>>, vector<16xf32>,
        tpu.vector_store %arg17[%swap3A_1011, %swap3A_1012], %mul3A_1010 {strides = array<i32>} : memref<64x128xf32, #tpu.memory_space<vmem>>, vector<16xf32>,
        %mul3A_1014 = arith.constant 4 : i32
        %mul3A_1015 = arith.muli %scan3A_883, %mul3A_1014 : i32
        %add3A_1016 = arith.constant 2 : i32
        %add3A_1017 = arith.addi %mul3A_1015, %add3A_1016 : i32
        %broadcast_in_dim3A_1018 = arith.constant 0 : i32
        %broadcast_in_dim3A_1019 = vector.broadcast %broadcast_in_dim3A_1018 : i32 to vector<16xi32>
        %add3A_1020 = vector.broadcast %add3A_1017 : i32 to vector<16xi32>
        %add3A_1021 = arith.addi %broadcast_in_dim3A_1019, %add3A_1020 : vector<16xi32>
        %gather3A_1022 = tpu.vector_load_idx %arg14[%add3A_1021] : memref<64xf32, #tpu.memory_space<vmem>>[vector<16xi32>], vector<16xf32>,
        %get3A_1023 = arith.index_cast %add3A_1017 : i32 to index
        %get3A_1024 = arith.constant 0 : index
        %get3A_1025 = tpu.vector_load %arg17[%get3A_1023, %get3A_1024] {strides = array<i32>} : memref<64x128xf32, #tpu.memory_space<vmem>>, vector<16xf32>,
        %mul3A_1026 = arith.mulf %get3A_1025, %gather3A_1022 : vector<16xf32>
        %swap3A_1027 = arith.index_cast %add3A_1017 : i32 to index
        %swap3A_1028 = arith.constant 0 : index
        %swap3A_1029 = tpu.vector_load %arg17[%swap3A_1027, %swap3A_1028] {strides = array<i32>} : memref<64x128xf32, #tpu.memory_space<vmem>>, vector<16xf32>,
        tpu.vector_store %arg17[%swap3A_1027, %swap3A_1028], %mul3A_1026 {strides = array<i32>} : memref<64x128xf32, #tpu.memory_space<vmem>>, vector<16xf32>,
        %get3A_1030 = arith.index_cast %add3A_1017 : i32 to index
        %get3A_1031 = arith.constant 16 : index
        %get3A_1032 = tpu.vector_load %arg17[%get3A_1030, %get3A_1031] {strides = array<i32>} : memref<64x128xf32, #tpu.memory_space<vmem>>, vector<16xf32>,
        %mul3A_1033 = arith.mulf %get3A_1032, %gather3A_1022 : vector<16xf32>
        %swap3A_1034 = arith.index_cast %add3A_1017 : i32 to index
        %swap3A_1035 = arith.constant 16 : index
        %swap3A_1036 = tpu.vector_load %arg17[%swap3A_1034, %swap3A_1035] {strides = array<i32>} : memref<64x128xf32, #tpu.memory_space<vmem>>, vector<16xf32>,
        tpu.vector_store %arg17[%swap3A_1034, %swap3A_1035], %mul3A_1033 {strides = array<i32>} : memref<64x128xf32, #tpu.memory_space<vmem>>, vector<16xf32>,
        %get3A_1037 = arith.index_cast %add3A_1017 : i32 to index
        %get3A_1038 = arith.constant 32 : index
        %get3A_1039 = tpu.vector_load %arg17[%get3A_1037, %get3A_1038] {strides = array<i32>} : memref<64x128xf32, #tpu.memory_space<vmem>>, vector<16xf32>,
        %mul3A_1040 = arith.mulf %get3A_1039, %gather3A_1022 : vector<16xf32>
        %swap3A_1041 = arith.index_cast %add3A_1017 : i32 to index
        %swap3A_1042 = arith.constant 32 : index
        %swap3A_1043 = tpu.vector_load %arg17[%swap3A_1041, %swap3A_1042] {strides = array<i32>} : memref<64x128xf32, #tpu.memory_space<vmem>>, vector<16xf32>,
        tpu.vector_store %arg17[%swap3A_1041, %swap3A_1042], %mul3A_1040 {strides = array<i32>} : memref<64x128xf32, #tpu.memory_space<vmem>>, vector<16xf32>,
        %get3A_1044 = arith.index_cast %add3A_1017 : i32 to index
        %get3A_1045 = arith.constant 48 : index
        %get3A_1046 = tpu.vector_load %arg17[%get3A_1044, %get3A_1045] {strides = array<i32>} : memref<64x128xf32, #tpu.memory_space<vmem>>, vector<16xf32>,
        %mul3A_1047 = arith.mulf %get3A_1046, %gather3A_1022 : vector<16xf32>
        %swap3A_1048 = arith.index_cast %add3A_1017 : i32 to index
        %swap3A_1049 = arith.constant 48 : index
        %swap3A_1050 = tpu.vector_load %arg17[%swap3A_1048, %swap3A_1049] {strides = array<i32>} : memref<64x128xf32, #tpu.memory_space<vmem>>, vector<16xf32>,
        tpu.vector_store %arg17[%swap3A_1048, %swap3A_1049], %mul3A_1047 {strides = array<i32>} : memref<64x128xf32, #tpu.memory_space<vmem>>, vector<16xf32>,
        %get3A_1051 = arith.index_cast %add3A_1017 : i32 to index
        %get3A_1052 = arith.constant 64 : index
        %get3A_1053 = tpu.vector_load %arg17[%get3A_1051, %get3A_1052] {strides = array<i32>} : memref<64x128xf32, #tpu.memory_space<vmem>>, vector<16xf32>,
        %mul3A_1054 = arith.mulf %get3A_1053, %gather3A_1022 : vector<16xf32>
        %swap3A_1055 = arith.index_cast %add3A_1017 : i32 to index
        %swap3A_1056 = arith.constant 64 : index
        %swap3A_1057 = tpu.vector_load %arg17[%swap3A_1055, %swap3A_1056] {strides = array<i32>} : memref<64x128xf32, #tpu.memory_space<vmem>>, vector<16xf32>,
        tpu.vector_store %arg17[%swap3A_1055, %swap3A_1056], %mul3A_1054 {strides = array<i32>} : memref<64x128xf32, #tpu.memory_space<vmem>>, vector<16xf32>,
        %get3A_1058 = arith.index_cast %add3A_1017 : i32 to index
        %get3A_1059 = arith.constant 80 : index
        %get3A_1060 = tpu.vector_load %arg17[%get3A_1058, %get3A_1059] {strides = array<i32>} : memref<64x128xf32, #tpu.memory_space<vmem>>, vector<16xf32>,
        %mul3A_1061 = arith.mulf %get3A_1060, %gather3A_1022 : vector<16xf32>
        %swap3A_1062 = arith.index_cast %add3A_1017 : i32 to index
        %swap3A_1063 = arith.constant 80 : index
        %swap3A_1064 = tpu.vector_load %arg17[%swap3A_1062, %swap3A_1063] {strides = array<i32>} : memref<64x128xf32, #tpu.memory_space<vmem>>, vector<16xf32>,
        tpu.vector_store %arg17[%swap3A_1062, %swap3A_1063], %mul3A_1061 {strides = array<i32>} : memref<64x128xf32, #tpu.memory_space<vmem>>, vector<16xf32>,
        %get3A_1065 = arith.index_cast %add3A_1017 : i32 to index
        %get3A_1066 = arith.constant 96 : index
        %get3A_1067 = tpu.vector_load %arg17[%get3A_1065, %get3A_1066] {strides = array<i32>} : memref<64x128xf32, #tpu.memory_space<vmem>>, vector<16xf32>,
        %mul3A_1068 = arith.mulf %get3A_1067, %gather3A_1022 : vector<16xf32>
        %swap3A_1069 = arith.index_cast %add3A_1017 : i32 to index
        %swap3A_1070 = arith.constant 96 : index
        %swap3A_1071 = tpu.vector_load %arg17[%swap3A_1069, %swap3A_1070] {strides = array<i32>} : memref<64x128xf32, #tpu.memory_space<vmem>>, vector<16xf32>,
        tpu.vector_store %arg17[%swap3A_1069, %swap3A_1070], %mul3A_1068 {strides = array<i32>} : memref<64x128xf32, #tpu.memory_space<vmem>>, vector<16xf32>,
        %get3A_1072 = arith.index_cast %add3A_1017 : i32 to index
        %get3A_1073 = arith.constant 112 : index
        %get3A_1074 = tpu.vector_load %arg17[%get3A_1072, %get3A_1073] {strides = array<i32>} : memref<64x128xf32, #tpu.memory_space<vmem>>, vector<16xf32>,
        %mul3A_1075 = arith.mulf %get3A_1074, %gather3A_1022 : vector<16xf32>
        %swap3A_1076 = arith.index_cast %add3A_1017 : i32 to index
        %swap3A_1077 = arith.constant 112 : index
        %swap3A_1078 = tpu.vector_load %arg17[%swap3A_1076, %swap3A_1077] {strides = array<i32>} : memref<64x128xf32, #tpu.memory_space<vmem>>, vector<16xf32>,
        tpu.vector_store %arg17[%swap3A_1076, %swap3A_1077], %mul3A_1075 {strides = array<i32>} : memref<64x128xf32, #tpu.memory_space<vmem>>, vector<16xf32>,
        %mul3A_1079 = arith.constant 4 : i32
        %mul3A_1080 = arith.muli %scan3A_883, %mul3A_1079 : i32
        %add3A_1081 = arith.constant 3 : i32
        %add3A_1082 = arith.addi %mul3A_1080, %add3A_1081 : i32
        %broadcast_in_dim3A_1083 = arith.constant 0 : i32
        %broadcast_in_dim3A_1084 = vector.broadcast %broadcast_in_dim3A_1083 : i32 to vector<16xi32>
        %add3A_1085 = vector.broadcast %add3A_1082 : i32 to vector<16xi32>
        %add3A_1086 = arith.addi %broadcast_in_dim3A_1084, %add3A_1085 : vector<16xi32>
        %gather3A_1087 = tpu.vector_load_idx %arg14[%add3A_1086] : memref<64xf32, #tpu.memory_space<vmem>>[vector<16xi32>], vector<16xf32>,
        %get3A_1088 = arith.index_cast %add3A_1082 : i32 to index
        %get3A_1089 = arith.constant 0 : index
        %get3A_1090 = tpu.vector_load %arg17[%get3A_1088, %get3A_1089] {strides = array<i32>} : memref<64x128xf32, #tpu.memory_space<vmem>>, vector<16xf32>,
        %mul3A_1091 = arith.mulf %get3A_1090, %gather3A_1087 : vector<16xf32>
        %swap3A_1092 = arith.index_cast %add3A_1082 : i32 to index
        %swap3A_1093 = arith.constant 0 : index
        %swap3A_1094 = tpu.vector_load %arg17[%swap3A_1092, %swap3A_1093] {strides = array<i32>} : memref<64x128xf32, #tpu.memory_space<vmem>>, vector<16xf32>,
        tpu.vector_store %arg17[%swap3A_1092, %swap3A_1093], %mul3A_1091 {strides = array<i32>} : memref<64x128xf32, #tpu.memory_space<vmem>>, vector<16xf32>,
        %get3A_1095 = arith.index_cast %add3A_1082 : i32 to index
        %get3A_1096 = arith.constant 16 : index
        %get3A_1097 = tpu.vector_load %arg17[%get3A_1095, %get3A_1096] {strides = array<i32>} : memref<64x128xf32, #tpu.memory_space<vmem>>, vector<16xf32>,
        %mul3A_1098 = arith.mulf %get3A_1097, %gather3A_1087 : vector<16xf32>
        %swap3A_1099 = arith.index_cast %add3A_1082 : i32 to index
        %swap3A_1100 = arith.constant 16 : index
        %swap3A_1101 = tpu.vector_load %arg17[%swap3A_1099, %swap3A_1100] {strides = array<i32>} : memref<64x128xf32, #tpu.memory_space<vmem>>, vector<16xf32>,
        tpu.vector_store %arg17[%swap3A_1099, %swap3A_1100], %mul3A_1098 {strides = array<i32>} : memref<64x128xf32, #tpu.memory_space<vmem>>, vector<16xf32>,
        %get3A_1102 = arith.index_cast %add3A_1082 : i32 to index
        %get3A_1103 = arith.constant 32 : index
        %get3A_1104 = tpu.vector_load %arg17[%get3A_1102, %get3A_1103] {strides = array<i32>} : memref<64x128xf32, #tpu.memory_space<vmem>>, vector<16xf32>,
        %mul3A_1105 = arith.mulf %get3A_1104, %gather3A_1087 : vector<16xf32>
        %swap3A_1106 = arith.index_cast %add3A_1082 : i32 to index
        %swap3A_1107 = arith.constant 32 : index
        %swap3A_1108 = tpu.vector_load %arg17[%swap3A_1106, %swap3A_1107] {strides = array<i32>} : memref<64x128xf32, #tpu.memory_space<vmem>>, vector<16xf32>,
        tpu.vector_store %arg17[%swap3A_1106, %swap3A_1107], %mul3A_1105 {strides = array<i32>} : memref<64x128xf32, #tpu.memory_space<vmem>>, vector<16xf32>,
        %get3A_1109 = arith.index_cast %add3A_1082 : i32 to index
        %get3A_1110 = arith.constant 48 : index
        %get3A_1111 = tpu.vector_load %arg17[%get3A_1109, %get3A_1110] {strides = array<i32>} : memref<64x128xf32, #tpu.memory_space<vmem>>, vector<16xf32>,
        %mul3A_1112 = arith.mulf %get3A_1111, %gather3A_1087 : vector<16xf32>
        %swap3A_1113 = arith.index_cast %add3A_1082 : i32 to index
        %swap3A_1114 = arith.constant 48 : index
        %swap3A_1115 = tpu.vector_load %arg17[%swap3A_1113, %swap3A_1114] {strides = array<i32>} : memref<64x128xf32, #tpu.memory_space<vmem>>, vector<16xf32>,
        tpu.vector_store %arg17[%swap3A_1113, %swap3A_1114], %mul3A_1112 {strides = array<i32>} : memref<64x128xf32, #tpu.memory_space<vmem>>, vector<16xf32>,
        %get3A_1116 = arith.index_cast %add3A_1082 : i32 to index
        %get3A_1117 = arith.constant 64 : index
        %get3A_1118 = tpu.vector_load %arg17[%get3A_1116, %get3A_1117] {strides = array<i32>} : memref<64x128xf32, #tpu.memory_space<vmem>>, vector<16xf32>,
        %mul3A_1119 = arith.mulf %get3A_1118, %gather3A_1087 : vector<16xf32>
        %swap3A_1120 = arith.index_cast %add3A_1082 : i32 to index
        %swap3A_1121 = arith.constant 64 : index
        %swap3A_1122 = tpu.vector_load %arg17[%swap3A_1120, %swap3A_1121] {strides = array<i32>} : memref<64x128xf32, #tpu.memory_space<vmem>>, vector<16xf32>,
        tpu.vector_store %arg17[%swap3A_1120, %swap3A_1121], %mul3A_1119 {strides = array<i32>} : memref<64x128xf32, #tpu.memory_space<vmem>>, vector<16xf32>,
        %get3A_1123 = arith.index_cast %add3A_1082 : i32 to index
        %get3A_1124 = arith.constant 80 : index
        %get3A_1125 = tpu.vector_load %arg17[%get3A_1123, %get3A_1124] {strides = array<i32>} : memref<64x128xf32, #tpu.memory_space<vmem>>, vector<16xf32>,
        %mul3A_1126 = arith.mulf %get3A_1125, %gather3A_1087 : vector<16xf32>
        %swap3A_1127 = arith.index_cast %add3A_1082 : i32 to index
        %swap3A_1128 = arith.constant 80 : index
        %swap3A_1129 = tpu.vector_load %arg17[%swap3A_1127, %swap3A_1128] {strides = array<i32>} : memref<64x128xf32, #tpu.memory_space<vmem>>, vector<16xf32>,
        tpu.vector_store %arg17[%swap3A_1127, %swap3A_1128], %mul3A_1126 {strides = array<i32>} : memref<64x128xf32, #tpu.memory_space<vmem>>, vector<16xf32>,
        %get3A_1130 = arith.index_cast %add3A_1082 : i32 to index
        %get3A_1131 = arith.constant 96 : index
        %get3A_1132 = tpu.vector_load %arg17[%get3A_1130, %get3A_1131] {strides = array<i32>} : memref<64x128xf32, #tpu.memory_space<vmem>>, vector<16xf32>,
        %mul3A_1133 = arith.mulf %get3A_1132, %gather3A_1087 : vector<16xf32>
        %swap3A_1134 = arith.index_cast %add3A_1082 : i32 to index
        %swap3A_1135 = arith.constant 96 : index
        %swap3A_1136 = tpu.vector_load %arg17[%swap3A_1134, %swap3A_1135] {strides = array<i32>} : memref<64x128xf32, #tpu.memory_space<vmem>>, vector<16xf32>,
        tpu.vector_store %arg17[%swap3A_1134, %swap3A_1135], %mul3A_1133 {strides = array<i32>} : memref<64x128xf32, #tpu.memory_space<vmem>>, vector<16xf32>,
        %get3A_1137 = arith.index_cast %add3A_1082 : i32 to index
        %get3A_1138 = arith.constant 112 : index
        %get3A_1139 = tpu.vector_load %arg17[%get3A_1137, %get3A_1138] {strides = array<i32>} : memref<64x128xf32, #tpu.memory_space<vmem>>, vector<16xf32>,
        %mul3A_1140 = arith.mulf %get3A_1139, %gather3A_1087 : vector<16xf32>
        %swap3A_1141 = arith.index_cast %add3A_1082 : i32 to index
        %swap3A_1142 = arith.constant 112 : index
        %swap3A_1143 = tpu.vector_load %arg17[%swap3A_1141, %swap3A_1142] {strides = array<i32>} : memref<64x128xf32, #tpu.memory_space<vmem>>, vector<16xf32>,
        tpu.vector_store %arg17[%swap3A_1141, %swap3A_1142], %mul3A_1140 {strides = array<i32>} : memref<64x128xf32, #tpu.memory_space<vmem>>, vector<16xf32>,
      }
      %scan3A_869 = arith.constant 16 : i32
      %dma_start3A_870 = arith.constant 1 : i32
      %dma_start3A_871 = arith.constant 0 : i32
      %dma_start3A_872 = tpu.memref_slice %arg11[%dma_start3A_870, %dma_start3A_871] : memref<2x64xi32, #tpu.memory_space<vmem>> -> memref<1x64xi32, #tpu.memory_space<vmem>>
      %dma_start3A_873 = tpu.memref_squeeze %dma_start3A_872 : memref<1x64xi32, #tpu.memory_space<vmem>> -> memref<64xi32, #tpu.memory_space<vmem>>
      %dma_start3A_874 = arith.constant 0 : i32
      %dma_start3A_875 = arith.constant 0 : i32
      %dma_start3A_876 = tpu.memref_slice %arg19[%dma_start3A_874, %dma_start3A_875] : memref<10112x128xf32, #tpu.memory_space<vmem_shared>> -> memref<10112x128xf32, #tpu.memory_space<vmem_shared>>
      tpu.enqueue_indirect_dma source(%arg17 : memref<64x128xf32, #tpu.memory_space<vmem>>) target(%dma_start3A_876 : memref<10112x128xf32, #tpu.memory_space<vmem_shared>>) offsets(%dma_start3A_873 : memref<64xi32, #tpu.memory_space<vmem>>) semaphore(%arg25 : memref<!tpu.dma_semaphore, #tpu.memory_space<semaphore_mem>>) {add = true}
      %dma_start3A_877 = arith.constant 1 : i32
      %dma_start3A_878 = arith.constant 0 : i32
      %dma_start3A_879 = tpu.memref_slice %arg11[%dma_start3A_877, %dma_start3A_878] : memref<2x64xi32, #tpu.memory_space<vmem>> -> memref<1x64xi32, #tpu.memory_space<vmem>>
      %dma_start3A_880 = tpu.memref_squeeze %dma_start3A_879 : memref<1x64xi32, #tpu.memory_space<vmem>> -> memref<64xi32, #tpu.memory_space<vmem>>
      %dma_start3A_881 = arith.constant 0 : i32
      %dma_start3A_882 = tpu.memref_slice %arg20[%dma_start3A_881] : memref<10112xf32, #tpu.memory_space<vmem_shared>> -> memref<10112xf32, #tpu.memory_space<vmem_shared>>
      tpu.enqueue_indirect_dma source(%arg14 : memref<64xf32, #tpu.memory_space<vmem>>) target(%dma_start3A_882 : memref<10112xf32, #tpu.memory_space<vmem_shared>>) offsets(%dma_start3A_880 : memref<64xi32, #tpu.memory_space<vmem>>) semaphore(%arg25 : memref<!tpu.dma_semaphore, #tpu.memory_space<semaphore_mem>>) {add = true}
    }
    %scan3A_337 = arith.constant 52 : i32
    %dma_wait3A_338 = arith.constant 0 : i32
    %dma_wait3A_339 = arith.constant 0 : i32
    %dma_wait3A_340 = tpu.memref_slice %arg12[%dma_wait3A_338, %dma_wait3A_339] : memref<2x64xi32, #tpu.memory_space<vmem>> -> memref<1x64xi32, #tpu.memory_space<vmem>>
    %dma_wait3A_341 = tpu.memref_squeeze %dma_wait3A_340 : memref<1x64xi32, #tpu.memory_space<vmem>> -> memref<64xi32, #tpu.memory_space<vmem>>
    %dma_wait3A_342 = arith.constant 0 : i32
    %dma_wait3A_343 = arith.constant 0 : i32
    %dma_wait3A_344 = tpu.memref_slice %arg2[%dma_wait3A_342, %dma_wait3A_343] : memref<10240x128xf32, #tpu.memory_space<hbm>> -> memref<10240x128xf32, #tpu.memory_space<hbm>>
    tpu.wait_indirect_dma semaphore(%arg23 : memref<!tpu.dma_semaphore, #tpu.memory_space<semaphore_mem>>) src(%dma_wait3A_344 : memref<10240x128xf32, #tpu.memory_space<hbm>>) dst(%arg18 : memref<64x128xf32, #tpu.memory_space<vmem>>)
    %dma_wait3A_345 = arith.constant 1 : i32
    %dma_wait3A_346 = arith.constant 0 : i32
    %dma_wait3A_347 = tpu.memref_slice %arg10[%dma_wait3A_345, %dma_wait3A_346] : memref<2x64xi32, #tpu.memory_space<vmem>> -> memref<1x64xi32, #tpu.memory_space<vmem>>
    %dma_wait3A_348 = tpu.memref_squeeze %dma_wait3A_347 : memref<1x64xi32, #tpu.memory_space<vmem>> -> memref<64xi32, #tpu.memory_space<vmem>>
    %dma_wait3A_349 = arith.constant 0 : i32
    %dma_wait3A_350 = arith.constant 0 : i32
    %dma_wait3A_351 = tpu.memref_slice %arg19[%dma_wait3A_349, %dma_wait3A_350] : memref<10112x128xf32, #tpu.memory_space<vmem_shared>> -> memref<10112x128xf32, #tpu.memory_space<vmem_shared>>
    tpu.wait_indirect_dma semaphore(%arg24 : memref<!tpu.dma_semaphore, #tpu.memory_space<semaphore_mem>>) src(%arg16 : memref<64x128xf32, #tpu.memory_space<vmem>>) dst(%dma_wait3A_351 : memref<10112x128xf32, #tpu.memory_space<vmem_shared>>)
    %dma_wait3A_352 = arith.constant 1 : i32
    %dma_wait3A_353 = arith.constant 0 : i32
    %dma_wait3A_354 = tpu.memref_slice %arg10[%dma_wait3A_352, %dma_wait3A_353] : memref<2x64xi32, #tpu.memory_space<vmem>> -> memref<1x64xi32, #tpu.memory_space<vmem>>
    %dma_wait3A_355 = tpu.memref_squeeze %dma_wait3A_354 : memref<1x64xi32, #tpu.memory_space<vmem>> -> memref<64xi32, #tpu.memory_space<vmem>>
    %dma_wait3A_356 = arith.constant 0 : i32
    %dma_wait3A_357 = tpu.memref_slice %arg20[%dma_wait3A_356] : memref<10112xf32, #tpu.memory_space<vmem_shared>> -> memref<10112xf32, #tpu.memory_space<vmem_shared>>
    tpu.wait_indirect_dma semaphore(%arg24 : memref<!tpu.dma_semaphore, #tpu.memory_space<semaphore_mem>>) src(%arg13 : memref<64xf32, #tpu.memory_space<vmem>>) dst(%dma_wait3A_357 : memref<10112xf32, #tpu.memory_space<vmem_shared>>)
    %dma_wait3A_358 = arith.constant 1 : i32
    %dma_wait3A_359 = arith.constant 0 : i32
    %dma_wait3A_360 = tpu.memref_slice %arg11[%dma_wait3A_358, %dma_wait3A_359] : memref<2x64xi32, #tpu.memory_space<vmem>> -> memref<1x64xi32, #tpu.memory_space<vmem>>
    %dma_wait3A_361 = tpu.memref_squeeze %dma_wait3A_360 : memref<1x64xi32, #tpu.memory_space<vmem>> -> memref<64xi32, #tpu.memory_space<vmem>>
    %dma_wait3A_362 = arith.constant 0 : i32
    %dma_wait3A_363 = arith.constant 0 : i32
    %dma_wait3A_364 = tpu.memref_slice %arg19[%dma_wait3A_362, %dma_wait3A_363] : memref<10112x128xf32, #tpu.memory_space<vmem_shared>> -> memref<10112x128xf32, #tpu.memory_space<vmem_shared>>
    tpu.wait_indirect_dma semaphore(%arg25 : memref<!tpu.dma_semaphore, #tpu.memory_space<semaphore_mem>>) src(%arg17 : memref<64x128xf32, #tpu.memory_space<vmem>>) dst(%dma_wait3A_364 : memref<10112x128xf32, #tpu.memory_space<vmem_shared>>)
    %dma_wait3A_365 = arith.constant 1 : i32
    %dma_wait3A_366 = arith.constant 0 : i32
    %dma_wait3A_367 = tpu.memref_slice %arg11[%dma_wait3A_365, %dma_wait3A_366] : memref<2x64xi32, #tpu.memory_space<vmem>> -> memref<1x64xi32, #tpu.memory_space<vmem>>
    %dma_wait3A_368 = tpu.memref_squeeze %dma_wait3A_367 : memref<1x64xi32, #tpu.memory_space<vmem>> -> memref<64xi32, #tpu.memory_space<vmem>>
    %dma_wait3A_369 = arith.constant 0 : i32
    %dma_wait3A_370 = tpu.memref_slice %arg20[%dma_wait3A_369] : memref<10112xf32, #tpu.memory_space<vmem_shared>> -> memref<10112xf32, #tpu.memory_space<vmem_shared>>
    tpu.wait_indirect_dma semaphore(%arg25 : memref<!tpu.dma_semaphore, #tpu.memory_space<semaphore_mem>>) src(%arg14 : memref<64xf32, #tpu.memory_space<vmem>>) dst(%dma_wait3A_370 : memref<10112xf32, #tpu.memory_space<vmem_shared>>)
    %barrier3A_371 = arith.constant 0 : index
    tpu.barrier barrier_id(%barrier3A_371)
    %add3A_372 = arith.constant 0 : i32
    %add3A_373 = arith.addi %mul3A_15, %add3A_372 : i32
    "tpu.region"() ({
      %run_scoped3A_411 = tpu.sem_alloc : memref<!tpu.dma_semaphore, #tpu.memory_space<semaphore_mem>>
      %dma_start3A_412 = arith.constant 0 : i32
      %dma_start3A_413 = tpu.memref_slice %arg19[%add3A_373, %dma_start3A_412] : memref<10112x128xf32, #tpu.memory_space<vmem_shared>> -> memref<64x128xf32, #tpu.memory_space<vmem_shared>>
      %dma_start3A_414 = arith.constant 0 : i32
      %dma_start3A_415 = tpu.memref_slice %arg19[%add3A_373, %dma_start3A_414] : memref<10112x128xf32, #tpu.memory_space<vmem_shared>> -> memref<64x128xf32, #tpu.memory_space<vmem_shared>>
      tpu.enqueue_dma source(%dma_start3A_415 : memref<64x128xf32, #tpu.memory_space<vmem_shared>>) target(%arg16 : memref<64x128xf32, #tpu.memory_space<vmem>>) target_semaphore(%run_scoped3A_411 : memref<!tpu.dma_semaphore, #tpu.memory_space<semaphore_mem>>)
      %dma_wait3A_416 = arith.constant 0 : i32
      %dma_wait3A_417 = tpu.memref_slice %arg19[%add3A_373, %dma_wait3A_416] : memref<10112x128xf32, #tpu.memory_space<vmem_shared>> -> memref<64x128xf32, #tpu.memory_space<vmem_shared>>
      %dma_wait3A_418 = arith.constant 0 : i32
      %dma_wait3A_419 = tpu.memref_slice %arg19[%add3A_373, %dma_wait3A_418] : memref<10112x128xf32, #tpu.memory_space<vmem_shared>> -> memref<64x128xf32, #tpu.memory_space<vmem_shared>>
      tpu.wait_dma2 semaphore(%run_scoped3A_411 : memref<!tpu.dma_semaphore, #tpu.memory_space<semaphore_mem>>) src(%dma_wait3A_419 : memref<64x128xf32, #tpu.memory_space<vmem_shared>>) dst(%arg16 : memref<64x128xf32, #tpu.memory_space<vmem>>)
      tpu.yield
    }) : () -> ()
    "tpu.region"() ({
      %run_scoped3A_411 = tpu.sem_alloc : memref<!tpu.dma_semaphore, #tpu.memory_space<semaphore_mem>>
      %dma_start3A_412 = arith.constant 0 : i32
      %dma_start3A_413 = tpu.memref_slice %arg6[%arg0, %add3A_373, %dma_start3A_412] : memref<2x10112x128xf32, #tpu.memory_space<hbm>> -> memref<1x64x128xf32, #tpu.memory_space<hbm>>
      %dma_start3A_414 = tpu.memref_squeeze %dma_start3A_413 : memref<1x64x128xf32, #tpu.memory_space<hbm>> -> memref<64x128xf32, #tpu.memory_space<hbm>>
      %dma_start3A_415 = arith.constant 0 : i32
      %dma_start3A_416 = tpu.memref_slice %arg6[%arg0, %add3A_373, %dma_start3A_415] : memref<2x10112x128xf32, #tpu.memory_space<hbm>> -> memref<1x64x128xf32, #tpu.memory_space<hbm>>
      %dma_start3A_417 = tpu.memref_squeeze %dma_start3A_416 : memref<1x64x128xf32, #tpu.memory_space<hbm>> -> memref<64x128xf32, #tpu.memory_space<hbm>>
      tpu.enqueue_dma source(%arg16 : memref<64x128xf32, #tpu.memory_space<vmem>>) target(%dma_start3A_417 : memref<64x128xf32, #tpu.memory_space<hbm>>) target_semaphore(%run_scoped3A_411 : memref<!tpu.dma_semaphore, #tpu.memory_space<semaphore_mem>>)
      %dma_wait3A_418 = arith.constant 0 : i32
      %dma_wait3A_419 = tpu.memref_slice %arg6[%arg0, %add3A_373, %dma_wait3A_418] : memref<2x10112x128xf32, #tpu.memory_space<hbm>> -> memref<1x64x128xf32, #tpu.memory_space<hbm>>
      %dma_wait3A_420 = tpu.memref_squeeze %dma_wait3A_419 : memref<1x64x128xf32, #tpu.memory_space<hbm>> -> memref<64x128xf32, #tpu.memory_space<hbm>>
      %dma_wait3A_421 = arith.constant 0 : i32
      %dma_wait3A_422 = tpu.memref_slice %arg6[%arg0, %add3A_373, %dma_wait3A_421] : memref<2x10112x128xf32, #tpu.memory_space<hbm>> -> memref<1x64x128xf32, #tpu.memory_space<hbm>>
      %dma_wait3A_423 = tpu.memref_squeeze %dma_wait3A_422 : memref<1x64x128xf32, #tpu.memory_space<hbm>> -> memref<64x128xf32, #tpu.memory_space<hbm>>
      tpu.wait_dma2 semaphore(%run_scoped3A_411 : memref<!tpu.dma_semaphore, #tpu.memory_space<semaphore_mem>>) src(%arg16 : memref<64x128xf32, #tpu.memory_space<vmem>>) dst(%dma_wait3A_423 : memref<64x128xf32, #tpu.memory_space<hbm>>)
      tpu.yield
    }) : () -> ()
    %add3A_374 = arith.constant 64 : i32
    %add3A_375 = arith.addi %mul3A_15, %add3A_374 : i32
    "tpu.region"() ({
      %run_scoped3A_411 = tpu.sem_alloc : memref<!tpu.dma_semaphore, #tpu.memory_space<semaphore_mem>>
      %dma_start3A_412 = arith.constant 0 : i32
      %dma_start3A_413 = tpu.memref_slice %arg19[%add3A_375, %dma_start3A_412] : memref<10112x128xf32, #tpu.memory_space<vmem_shared>> -> memref<64x128xf32, #tpu.memory_space<vmem_shared>>
      %dma_start3A_414 = arith.constant 0 : i32
      %dma_start3A_415 = tpu.memref_slice %arg19[%add3A_375, %dma_start3A_414] : memref<10112x128xf32, #tpu.memory_space<vmem_shared>> -> memref<64x128xf32, #tpu.memory_space<vmem_shared>>
      tpu.enqueue_dma source(%dma_start3A_415 : memref<64x128xf32, #tpu.memory_space<vmem_shared>>) target(%arg17 : memref<64x128xf32, #tpu.memory_space<vmem>>) target_semaphore(%run_scoped3A_411 : memref<!tpu.dma_semaphore, #tpu.memory_space<semaphore_mem>>)
      %dma_wait3A_416 = arith.constant 0 : i32
      %dma_wait3A_417 = tpu.memref_slice %arg19[%add3A_375, %dma_wait3A_416] : memref<10112x128xf32, #tpu.memory_space<vmem_shared>> -> memref<64x128xf32, #tpu.memory_space<vmem_shared>>
      %dma_wait3A_418 = arith.constant 0 : i32
      %dma_wait3A_419 = tpu.memref_slice %arg19[%add3A_375, %dma_wait3A_418] : memref<10112x128xf32, #tpu.memory_space<vmem_shared>> -> memref<64x128xf32, #tpu.memory_space<vmem_shared>>
      tpu.wait_dma2 semaphore(%run_scoped3A_411 : memref<!tpu.dma_semaphore, #tpu.memory_space<semaphore_mem>>) src(%dma_wait3A_419 : memref<64x128xf32, #tpu.memory_space<vmem_shared>>) dst(%arg17 : memref<64x128xf32, #tpu.memory_space<vmem>>)
      tpu.yield
    }) : () -> ()
    "tpu.region"() ({
      %run_scoped3A_411 = tpu.sem_alloc : memref<!tpu.dma_semaphore, #tpu.memory_space<semaphore_mem>>
      %dma_start3A_412 = arith.constant 0 : i32
      %dma_start3A_413 = tpu.memref_slice %arg6[%arg0, %add3A_375, %dma_start3A_412] : memref<2x10112x128xf32, #tpu.memory_space<hbm>> -> memref<1x64x128xf32, #tpu.memory_space<hbm>>
      %dma_start3A_414 = tpu.memref_squeeze %dma_start3A_413 : memref<1x64x128xf32, #tpu.memory_space<hbm>> -> memref<64x128xf32, #tpu.memory_space<hbm>>
      %dma_start3A_415 = arith.constant 0 : i32
      %dma_start3A_416 = tpu.memref_slice %arg6[%arg0, %add3A_375, %dma_start3A_415] : memref<2x10112x128xf32, #tpu.memory_space<hbm>> -> memref<1x64x128xf32, #tpu.memory_space<hbm>>
      %dma_start3A_417 = tpu.memref_squeeze %dma_start3A_416 : memref<1x64x128xf32, #tpu.memory_space<hbm>> -> memref<64x128xf32, #tpu.memory_space<hbm>>
      tpu.enqueue_dma source(%arg17 : memref<64x128xf32, #tpu.memory_space<vmem>>) target(%dma_start3A_417 : memref<64x128xf32, #tpu.memory_space<hbm>>) target_semaphore(%run_scoped3A_411 : memref<!tpu.dma_semaphore, #tpu.memory_space<semaphore_mem>>)
      %dma_wait3A_418 = arith.constant 0 : i32
      %dma_wait3A_419 = tpu.memref_slice %arg6[%arg0, %add3A_375, %dma_wait3A_418] : memref<2x10112x128xf32, #tpu.memory_space<hbm>> -> memref<1x64x128xf32, #tpu.memory_space<hbm>>
      %dma_wait3A_420 = tpu.memref_squeeze %dma_wait3A_419 : memref<1x64x128xf32, #tpu.memory_space<hbm>> -> memref<64x128xf32, #tpu.memory_space<hbm>>
      %dma_wait3A_421 = arith.constant 0 : i32
      %dma_wait3A_422 = tpu.memref_slice %arg6[%arg0, %add3A_375, %dma_wait3A_421] : memref<2x10112x128xf32, #tpu.memory_space<hbm>> -> memref<1x64x128xf32, #tpu.memory_space<hbm>>
      %dma_wait3A_423 = tpu.memref_squeeze %dma_wait3A_422 : memref<1x64x128xf32, #tpu.memory_space<hbm>> -> memref<64x128xf32, #tpu.memory_space<hbm>>
      tpu.wait_dma2 semaphore(%run_scoped3A_411 : memref<!tpu.dma_semaphore, #tpu.memory_space<semaphore_mem>>) src(%arg17 : memref<64x128xf32, #tpu.memory_space<vmem>>) dst(%dma_wait3A_423 : memref<64x128xf32, #tpu.memory_space<hbm>>)
      tpu.yield
    }) : () -> ()
    %add3A_376 = arith.constant 128 : i32
    %add3A_377 = arith.addi %mul3A_15, %add3A_376 : i32
    "tpu.region"() ({
      %run_scoped3A_411 = tpu.sem_alloc : memref<!tpu.dma_semaphore, #tpu.memory_space<semaphore_mem>>
      %dma_start3A_412 = arith.constant 0 : i32
      %dma_start3A_413 = tpu.memref_slice %arg19[%add3A_377, %dma_start3A_412] : memref<10112x128xf32, #tpu.memory_space<vmem_shared>> -> memref<64x128xf32, #tpu.memory_space<vmem_shared>>
      %dma_start3A_414 = arith.constant 0 : i32
      %dma_start3A_415 = tpu.memref_slice %arg19[%add3A_377, %dma_start3A_414] : memref<10112x128xf32, #tpu.memory_space<vmem_shared>> -> memref<64x128xf32, #tpu.memory_space<vmem_shared>>
      tpu.enqueue_dma source(%dma_start3A_415 : memref<64x128xf32, #tpu.memory_space<vmem_shared>>) target(%arg18 : memref<64x128xf32, #tpu.memory_space<vmem>>) target_semaphore(%run_scoped3A_411 : memref<!tpu.dma_semaphore, #tpu.memory_space<semaphore_mem>>)
      %dma_wait3A_416 = arith.constant 0 : i32
      %dma_wait3A_417 = tpu.memref_slice %arg19[%add3A_377, %dma_wait3A_416] : memref<10112x128xf32, #tpu.memory_space<vmem_shared>> -> memref<64x128xf32, #tpu.memory_space<vmem_shared>>
      %dma_wait3A_418 = arith.constant 0 : i32
      %dma_wait3A_419 = tpu.memref_slice %arg19[%add3A_377, %dma_wait3A_418] : memref<10112x128xf32, #tpu.memory_space<vmem_shared>> -> memref<64x128xf32, #tpu.memory_space<vmem_shared>>
      tpu.wait_dma2 semaphore(%run_scoped3A_411 : memref<!tpu.dma_semaphore, #tpu.memory_space<semaphore_mem>>) src(%dma_wait3A_419 : memref<64x128xf32, #tpu.memory_space<vmem_shared>>) dst(%arg18 : memref<64x128xf32, #tpu.memory_space<vmem>>)
      tpu.yield
    }) : () -> ()
    "tpu.region"() ({
      %run_scoped3A_411 = tpu.sem_alloc : memref<!tpu.dma_semaphore, #tpu.memory_space<semaphore_mem>>
      %dma_start3A_412 = arith.constant 0 : i32
      %dma_start3A_413 = tpu.memref_slice %arg6[%arg0, %add3A_377, %dma_start3A_412] : memref<2x10112x128xf32, #tpu.memory_space<hbm>> -> memref<1x64x128xf32, #tpu.memory_space<hbm>>
      %dma_start3A_414 = tpu.memref_squeeze %dma_start3A_413 : memref<1x64x128xf32, #tpu.memory_space<hbm>> -> memref<64x128xf32, #tpu.memory_space<hbm>>
      %dma_start3A_415 = arith.constant 0 : i32
      %dma_start3A_416 = tpu.memref_slice %arg6[%arg0, %add3A_377, %dma_start3A_415] : memref<2x10112x128xf32, #tpu.memory_space<hbm>> -> memref<1x64x128xf32, #tpu.memory_space<hbm>>
      %dma_start3A_417 = tpu.memref_squeeze %dma_start3A_416 : memref<1x64x128xf32, #tpu.memory_space<hbm>> -> memref<64x128xf32, #tpu.memory_space<hbm>>
      tpu.enqueue_dma source(%arg18 : memref<64x128xf32, #tpu.memory_space<vmem>>) target(%dma_start3A_417 : memref<64x128xf32, #tpu.memory_space<hbm>>) target_semaphore(%run_scoped3A_411 : memref<!tpu.dma_semaphore, #tpu.memory_space<semaphore_mem>>)
      %dma_wait3A_418 = arith.constant 0 : i32
      %dma_wait3A_419 = tpu.memref_slice %arg6[%arg0, %add3A_377, %dma_wait3A_418] : memref<2x10112x128xf32, #tpu.memory_space<hbm>> -> memref<1x64x128xf32, #tpu.memory_space<hbm>>
      %dma_wait3A_420 = tpu.memref_squeeze %dma_wait3A_419 : memref<1x64x128xf32, #tpu.memory_space<hbm>> -> memref<64x128xf32, #tpu.memory_space<hbm>>
      %dma_wait3A_421 = arith.constant 0 : i32
      %dma_wait3A_422 = tpu.memref_slice %arg6[%arg0, %add3A_377, %dma_wait3A_421] : memref<2x10112x128xf32, #tpu.memory_space<hbm>> -> memref<1x64x128xf32, #tpu.memory_space<hbm>>
      %dma_wait3A_423 = tpu.memref_squeeze %dma_wait3A_422 : memref<1x64x128xf32, #tpu.memory_space<hbm>> -> memref<64x128xf32, #tpu.memory_space<hbm>>
      tpu.wait_dma2 semaphore(%run_scoped3A_411 : memref<!tpu.dma_semaphore, #tpu.memory_space<semaphore_mem>>) src(%arg18 : memref<64x128xf32, #tpu.memory_space<vmem>>) dst(%dma_wait3A_423 : memref<64x128xf32, #tpu.memory_space<hbm>>)
      tpu.yield
    }) : () -> ()
    %add3A_378 = arith.constant 192 : i32
    %add3A_379 = arith.addi %mul3A_15, %add3A_378 : i32
    "tpu.region"() ({
      %run_scoped3A_411 = tpu.sem_alloc : memref<!tpu.dma_semaphore, #tpu.memory_space<semaphore_mem>>
      %dma_start3A_412 = arith.constant 0 : i32
      %dma_start3A_413 = tpu.memref_slice %arg19[%add3A_379, %dma_start3A_412] : memref<10112x128xf32, #tpu.memory_space<vmem_shared>> -> memref<64x128xf32, #tpu.memory_space<vmem_shared>>
      %dma_start3A_414 = arith.constant 0 : i32
      %dma_start3A_415 = tpu.memref_slice %arg19[%add3A_379, %dma_start3A_414] : memref<10112x128xf32, #tpu.memory_space<vmem_shared>> -> memref<64x128xf32, #tpu.memory_space<vmem_shared>>
      tpu.enqueue_dma source(%dma_start3A_415 : memref<64x128xf32, #tpu.memory_space<vmem_shared>>) target(%arg16 : memref<64x128xf32, #tpu.memory_space<vmem>>) target_semaphore(%run_scoped3A_411 : memref<!tpu.dma_semaphore, #tpu.memory_space<semaphore_mem>>)
      %dma_wait3A_416 = arith.constant 0 : i32
      %dma_wait3A_417 = tpu.memref_slice %arg19[%add3A_379, %dma_wait3A_416] : memref<10112x128xf32, #tpu.memory_space<vmem_shared>> -> memref<64x128xf32, #tpu.memory_space<vmem_shared>>
      %dma_wait3A_418 = arith.constant 0 : i32
      %dma_wait3A_419 = tpu.memref_slice %arg19[%add3A_379, %dma_wait3A_418] : memref<10112x128xf32, #tpu.memory_space<vmem_shared>> -> memref<64x128xf32, #tpu.memory_space<vmem_shared>>
      tpu.wait_dma2 semaphore(%run_scoped3A_411 : memref<!tpu.dma_semaphore, #tpu.memory_space<semaphore_mem>>) src(%dma_wait3A_419 : memref<64x128xf32, #tpu.memory_space<vmem_shared>>) dst(%arg16 : memref<64x128xf32, #tpu.memory_space<vmem>>)
      tpu.yield
    }) : () -> ()
    "tpu.region"() ({
      %run_scoped3A_411 = tpu.sem_alloc : memref<!tpu.dma_semaphore, #tpu.memory_space<semaphore_mem>>
      %dma_start3A_412 = arith.constant 0 : i32
      %dma_start3A_413 = tpu.memref_slice %arg6[%arg0, %add3A_379, %dma_start3A_412] : memref<2x10112x128xf32, #tpu.memory_space<hbm>> -> memref<1x64x128xf32, #tpu.memory_space<hbm>>
      %dma_start3A_414 = tpu.memref_squeeze %dma_start3A_413 : memref<1x64x128xf32, #tpu.memory_space<hbm>> -> memref<64x128xf32, #tpu.memory_space<hbm>>
      %dma_start3A_415 = arith.constant 0 : i32
      %dma_start3A_416 = tpu.memref_slice %arg6[%arg0, %add3A_379, %dma_start3A_415] : memref<2x10112x128xf32, #tpu.memory_space<hbm>> -> memref<1x64x128xf32, #tpu.memory_space<hbm>>
      %dma_start3A_417 = tpu.memref_squeeze %dma_start3A_416 : memref<1x64x128xf32, #tpu.memory_space<hbm>> -> memref<64x128xf32, #tpu.memory_space<hbm>>
      tpu.enqueue_dma source(%arg16 : memref<64x128xf32, #tpu.memory_space<vmem>>) target(%dma_start3A_417 : memref<64x128xf32, #tpu.memory_space<hbm>>) target_semaphore(%run_scoped3A_411 : memref<!tpu.dma_semaphore, #tpu.memory_space<semaphore_mem>>)
      %dma_wait3A_418 = arith.constant 0 : i32
      %dma_wait3A_419 = tpu.memref_slice %arg6[%arg0, %add3A_379, %dma_wait3A_418] : memref<2x10112x128xf32, #tpu.memory_space<hbm>> -> memref<1x64x128xf32, #tpu.memory_space<hbm>>
      %dma_wait3A_420 = tpu.memref_squeeze %dma_wait3A_419 : memref<1x64x128xf32, #tpu.memory_space<hbm>> -> memref<64x128xf32, #tpu.memory_space<hbm>>
      %dma_wait3A_421 = arith.constant 0 : i32
      %dma_wait3A_422 = tpu.memref_slice %arg6[%arg0, %add3A_379, %dma_wait3A_421] : memref<2x10112x128xf32, #tpu.memory_space<hbm>> -> memref<1x64x128xf32, #tpu.memory_space<hbm>>
      %dma_wait3A_423 = tpu.memref_squeeze %dma_wait3A_422 : memref<1x64x128xf32, #tpu.memory_space<hbm>> -> memref<64x128xf32, #tpu.memory_space<hbm>>
      tpu.wait_dma2 semaphore(%run_scoped3A_411 : memref<!tpu.dma_semaphore, #tpu.memory_space<semaphore_mem>>) src(%arg16 : memref<64x128xf32, #tpu.memory_space<vmem>>) dst(%dma_wait3A_423 : memref<64x128xf32, #tpu.memory_space<hbm>>)
      tpu.yield
    }) : () -> ()
    %add3A_380 = arith.constant 256 : i32
    %add3A_381 = arith.addi %mul3A_15, %add3A_380 : i32
    "tpu.region"() ({
      %run_scoped3A_411 = tpu.sem_alloc : memref<!tpu.dma_semaphore, #tpu.memory_space<semaphore_mem>>
      %dma_start3A_412 = arith.constant 0 : i32
      %dma_start3A_413 = tpu.memref_slice %arg19[%add3A_381, %dma_start3A_412] : memref<10112x128xf32, #tpu.memory_space<vmem_shared>> -> memref<64x128xf32, #tpu.memory_space<vmem_shared>>
      %dma_start3A_414 = arith.constant 0 : i32
      %dma_start3A_415 = tpu.memref_slice %arg19[%add3A_381, %dma_start3A_414] : memref<10112x128xf32, #tpu.memory_space<vmem_shared>> -> memref<64x128xf32, #tpu.memory_space<vmem_shared>>
      tpu.enqueue_dma source(%dma_start3A_415 : memref<64x128xf32, #tpu.memory_space<vmem_shared>>) target(%arg17 : memref<64x128xf32, #tpu.memory_space<vmem>>) target_semaphore(%run_scoped3A_411 : memref<!tpu.dma_semaphore, #tpu.memory_space<semaphore_mem>>)
      %dma_wait3A_416 = arith.constant 0 : i32
      %dma_wait3A_417 = tpu.memref_slice %arg19[%add3A_381, %dma_wait3A_416] : memref<10112x128xf32, #tpu.memory_space<vmem_shared>> -> memref<64x128xf32, #tpu.memory_space<vmem_shared>>
      %dma_wait3A_418 = arith.constant 0 : i32
      %dma_wait3A_419 = tpu.memref_slice %arg19[%add3A_381, %dma_wait3A_418] : memref<10112x128xf32, #tpu.memory_space<vmem_shared>> -> memref<64x128xf32, #tpu.memory_space<vmem_shared>>
      tpu.wait_dma2 semaphore(%run_scoped3A_411 : memref<!tpu.dma_semaphore, #tpu.memory_space<semaphore_mem>>) src(%dma_wait3A_419 : memref<64x128xf32, #tpu.memory_space<vmem_shared>>) dst(%arg17 : memref<64x128xf32, #tpu.memory_space<vmem>>)
      tpu.yield
    }) : () -> ()
    "tpu.region"() ({
      %run_scoped3A_411 = tpu.sem_alloc : memref<!tpu.dma_semaphore, #tpu.memory_space<semaphore_mem>>
      %dma_start3A_412 = arith.constant 0 : i32
      %dma_start3A_413 = tpu.memref_slice %arg6[%arg0, %add3A_381, %dma_start3A_412] : memref<2x10112x128xf32, #tpu.memory_space<hbm>> -> memref<1x64x128xf32, #tpu.memory_space<hbm>>
      %dma_start3A_414 = tpu.memref_squeeze %dma_start3A_413 : memref<1x64x128xf32, #tpu.memory_space<hbm>> -> memref<64x128xf32, #tpu.memory_space<hbm>>
      %dma_start3A_415 = arith.constant 0 : i32
      %dma_start3A_416 = tpu.memref_slice %arg6[%arg0, %add3A_381, %dma_start3A_415] : memref<2x10112x128xf32, #tpu.memory_space<hbm>> -> memref<1x64x128xf32, #tpu.memory_space<hbm>>
      %dma_start3A_417 = tpu.memref_squeeze %dma_start3A_416 : memref<1x64x128xf32, #tpu.memory_space<hbm>> -> memref<64x128xf32, #tpu.memory_space<hbm>>
      tpu.enqueue_dma source(%arg17 : memref<64x128xf32, #tpu.memory_space<vmem>>) target(%dma_start3A_417 : memref<64x128xf32, #tpu.memory_space<hbm>>) target_semaphore(%run_scoped3A_411 : memref<!tpu.dma_semaphore, #tpu.memory_space<semaphore_mem>>)
      %dma_wait3A_418 = arith.constant 0 : i32
      %dma_wait3A_419 = tpu.memref_slice %arg6[%arg0, %add3A_381, %dma_wait3A_418] : memref<2x10112x128xf32, #tpu.memory_space<hbm>> -> memref<1x64x128xf32, #tpu.memory_space<hbm>>
      %dma_wait3A_420 = tpu.memref_squeeze %dma_wait3A_419 : memref<1x64x128xf32, #tpu.memory_space<hbm>> -> memref<64x128xf32, #tpu.memory_space<hbm>>
      %dma_wait3A_421 = arith.constant 0 : i32
      %dma_wait3A_422 = tpu.memref_slice %arg6[%arg0, %add3A_381, %dma_wait3A_421] : memref<2x10112x128xf32, #tpu.memory_space<hbm>> -> memref<1x64x128xf32, #tpu.memory_space<hbm>>
      %dma_wait3A_423 = tpu.memref_squeeze %dma_wait3A_422 : memref<1x64x128xf32, #tpu.memory_space<hbm>> -> memref<64x128xf32, #tpu.memory_space<hbm>>
      tpu.wait_dma2 semaphore(%run_scoped3A_411 : memref<!tpu.dma_semaphore, #tpu.memory_space<semaphore_mem>>) src(%arg17 : memref<64x128xf32, #tpu.memory_space<vmem>>) dst(%dma_wait3A_423 : memref<64x128xf32, #tpu.memory_space<hbm>>)
      tpu.yield
    }) : () -> ()
    %add3A_382 = arith.constant 320 : i32
    %add3A_383 = arith.addi %mul3A_15, %add3A_382 : i32
    "tpu.region"() ({
      %run_scoped3A_411 = tpu.sem_alloc : memref<!tpu.dma_semaphore, #tpu.memory_space<semaphore_mem>>
      %dma_start3A_412 = arith.constant 0 : i32
      %dma_start3A_413 = tpu.memref_slice %arg19[%add3A_383, %dma_start3A_412] : memref<10112x128xf32, #tpu.memory_space<vmem_shared>> -> memref<64x128xf32, #tpu.memory_space<vmem_shared>>
      %dma_start3A_414 = arith.constant 0 : i32
      %dma_start3A_415 = tpu.memref_slice %arg19[%add3A_383, %dma_start3A_414] : memref<10112x128xf32, #tpu.memory_space<vmem_shared>> -> memref<64x128xf32, #tpu.memory_space<vmem_shared>>
      tpu.enqueue_dma source(%dma_start3A_415 : memref<64x128xf32, #tpu.memory_space<vmem_shared>>) target(%arg18 : memref<64x128xf32, #tpu.memory_space<vmem>>) target_semaphore(%run_scoped3A_411 : memref<!tpu.dma_semaphore, #tpu.memory_space<semaphore_mem>>)
      %dma_wait3A_416 = arith.constant 0 : i32
      %dma_wait3A_417 = tpu.memref_slice %arg19[%add3A_383, %dma_wait3A_416] : memref<10112x128xf32, #tpu.memory_space<vmem_shared>> -> memref<64x128xf32, #tpu.memory_space<vmem_shared>>
      %dma_wait3A_418 = arith.constant 0 : i32
      %dma_wait3A_419 = tpu.memref_slice %arg19[%add3A_383, %dma_wait3A_418] : memref<10112x128xf32, #tpu.memory_space<vmem_shared>> -> memref<64x128xf32, #tpu.memory_space<vmem_shared>>
      tpu.wait_dma2 semaphore(%run_scoped3A_411 : memref<!tpu.dma_semaphore, #tpu.memory_space<semaphore_mem>>) src(%dma_wait3A_419 : memref<64x128xf32, #tpu.memory_space<vmem_shared>>) dst(%arg18 : memref<64x128xf32, #tpu.memory_space<vmem>>)
      tpu.yield
    }) : () -> ()
    "tpu.region"() ({
      %run_scoped3A_411 = tpu.sem_alloc : memref<!tpu.dma_semaphore, #tpu.memory_space<semaphore_mem>>
      %dma_start3A_412 = arith.constant 0 : i32
      %dma_start3A_413 = tpu.memref_slice %arg6[%arg0, %add3A_383, %dma_start3A_412] : memref<2x10112x128xf32, #tpu.memory_space<hbm>> -> memref<1x64x128xf32, #tpu.memory_space<hbm>>
      %dma_start3A_414 = tpu.memref_squeeze %dma_start3A_413 : memref<1x64x128xf32, #tpu.memory_space<hbm>> -> memref<64x128xf32, #tpu.memory_space<hbm>>
      %dma_start3A_415 = arith.constant 0 : i32
      %dma_start3A_416 = tpu.memref_slice %arg6[%arg0, %add3A_383, %dma_start3A_415] : memref<2x10112x128xf32, #tpu.memory_space<hbm>> -> memref<1x64x128xf32, #tpu.memory_space<hbm>>
      %dma_start3A_417 = tpu.memref_squeeze %dma_start3A_416 : memref<1x64x128xf32, #tpu.memory_space<hbm>> -> memref<64x128xf32, #tpu.memory_space<hbm>>
      tpu.enqueue_dma source(%arg18 : memref<64x128xf32, #tpu.memory_space<vmem>>) target(%dma_start3A_417 : memref<64x128xf32, #tpu.memory_space<hbm>>) target_semaphore(%run_scoped3A_411 : memref<!tpu.dma_semaphore, #tpu.memory_space<semaphore_mem>>)
      %dma_wait3A_418 = arith.constant 0 : i32
      %dma_wait3A_419 = tpu.memref_slice %arg6[%arg0, %add3A_383, %dma_wait3A_418] : memref<2x10112x128xf32, #tpu.memory_space<hbm>> -> memref<1x64x128xf32, #tpu.memory_space<hbm>>
      %dma_wait3A_420 = tpu.memref_squeeze %dma_wait3A_419 : memref<1x64x128xf32, #tpu.memory_space<hbm>> -> memref<64x128xf32, #tpu.memory_space<hbm>>
      %dma_wait3A_421 = arith.constant 0 : i32
      %dma_wait3A_422 = tpu.memref_slice %arg6[%arg0, %add3A_383, %dma_wait3A_421] : memref<2x10112x128xf32, #tpu.memory_space<hbm>> -> memref<1x64x128xf32, #tpu.memory_space<hbm>>
      %dma_wait3A_423 = tpu.memref_squeeze %dma_wait3A_422 : memref<1x64x128xf32, #tpu.memory_space<hbm>> -> memref<64x128xf32, #tpu.memory_space<hbm>>
      tpu.wait_dma2 semaphore(%run_scoped3A_411 : memref<!tpu.dma_semaphore, #tpu.memory_space<semaphore_mem>>) src(%arg18 : memref<64x128xf32, #tpu.memory_space<vmem>>) dst(%dma_wait3A_423 : memref<64x128xf32, #tpu.memory_space<hbm>>)
      tpu.yield
    }) : () -> ()
    %add3A_384 = arith.constant 384 : i32
    %add3A_385 = arith.addi %mul3A_15, %add3A_384 : i32
    "tpu.region"() ({
      %run_scoped3A_411 = tpu.sem_alloc : memref<!tpu.dma_semaphore, #tpu.memory_space<semaphore_mem>>
      %dma_start3A_412 = arith.constant 0 : i32
      %dma_start3A_413 = tpu.memref_slice %arg19[%add3A_385, %dma_start3A_412] : memref<10112x128xf32, #tpu.memory_space<vmem_shared>> -> memref<64x128xf32, #tpu.memory_space<vmem_shared>>
      %dma_start3A_414 = arith.constant 0 : i32
      %dma_start3A_415 = tpu.memref_slice %arg19[%add3A_385, %dma_start3A_414] : memref<10112x128xf32, #tpu.memory_space<vmem_shared>> -> memref<64x128xf32, #tpu.memory_space<vmem_shared>>
      tpu.enqueue_dma source(%dma_start3A_415 : memref<64x128xf32, #tpu.memory_space<vmem_shared>>) target(%arg16 : memref<64x128xf32, #tpu.memory_space<vmem>>) target_semaphore(%run_scoped3A_411 : memref<!tpu.dma_semaphore, #tpu.memory_space<semaphore_mem>>)
      %dma_wait3A_416 = arith.constant 0 : i32
      %dma_wait3A_417 = tpu.memref_slice %arg19[%add3A_385, %dma_wait3A_416] : memref<10112x128xf32, #tpu.memory_space<vmem_shared>> -> memref<64x128xf32, #tpu.memory_space<vmem_shared>>
      %dma_wait3A_418 = arith.constant 0 : i32
      %dma_wait3A_419 = tpu.memref_slice %arg19[%add3A_385, %dma_wait3A_418] : memref<10112x128xf32, #tpu.memory_space<vmem_shared>> -> memref<64x128xf32, #tpu.memory_space<vmem_shared>>
      tpu.wait_dma2 semaphore(%run_scoped3A_411 : memref<!tpu.dma_semaphore, #tpu.memory_space<semaphore_mem>>) src(%dma_wait3A_419 : memref<64x128xf32, #tpu.memory_space<vmem_shared>>) dst(%arg16 : memref<64x128xf32, #tpu.memory_space<vmem>>)
      tpu.yield
    }) : () -> ()
    "tpu.region"() ({
      %run_scoped3A_411 = tpu.sem_alloc : memref<!tpu.dma_semaphore, #tpu.memory_space<semaphore_mem>>
      %dma_start3A_412 = arith.constant 0 : i32
      %dma_start3A_413 = tpu.memref_slice %arg6[%arg0, %add3A_385, %dma_start3A_412] : memref<2x10112x128xf32, #tpu.memory_space<hbm>> -> memref<1x64x128xf32, #tpu.memory_space<hbm>>
      %dma_start3A_414 = tpu.memref_squeeze %dma_start3A_413 : memref<1x64x128xf32, #tpu.memory_space<hbm>> -> memref<64x128xf32, #tpu.memory_space<hbm>>
      %dma_start3A_415 = arith.constant 0 : i32
      %dma_start3A_416 = tpu.memref_slice %arg6[%arg0, %add3A_385, %dma_start3A_415] : memref<2x10112x128xf32, #tpu.memory_space<hbm>> -> memref<1x64x128xf32, #tpu.memory_space<hbm>>
      %dma_start3A_417 = tpu.memref_squeeze %dma_start3A_416 : memref<1x64x128xf32, #tpu.memory_space<hbm>> -> memref<64x128xf32, #tpu.memory_space<hbm>>
      tpu.enqueue_dma source(%arg16 : memref<64x128xf32, #tpu.memory_space<vmem>>) target(%dma_start3A_417 : memref<64x128xf32, #tpu.memory_space<hbm>>) target_semaphore(%run_scoped3A_411 : memref<!tpu.dma_semaphore, #tpu.memory_space<semaphore_mem>>)
      %dma_wait3A_418 = arith.constant 0 : i32
      %dma_wait3A_419 = tpu.memref_slice %arg6[%arg0, %add3A_385, %dma_wait3A_418] : memref<2x10112x128xf32, #tpu.memory_space<hbm>> -> memref<1x64x128xf32, #tpu.memory_space<hbm>>
      %dma_wait3A_420 = tpu.memref_squeeze %dma_wait3A_419 : memref<1x64x128xf32, #tpu.memory_space<hbm>> -> memref<64x128xf32, #tpu.memory_space<hbm>>
      %dma_wait3A_421 = arith.constant 0 : i32
      %dma_wait3A_422 = tpu.memref_slice %arg6[%arg0, %add3A_385, %dma_wait3A_421] : memref<2x10112x128xf32, #tpu.memory_space<hbm>> -> memref<1x64x128xf32, #tpu.memory_space<hbm>>
      %dma_wait3A_423 = tpu.memref_squeeze %dma_wait3A_422 : memref<1x64x128xf32, #tpu.memory_space<hbm>> -> memref<64x128xf32, #tpu.memory_space<hbm>>
      tpu.wait_dma2 semaphore(%run_scoped3A_411 : memref<!tpu.dma_semaphore, #tpu.memory_space<semaphore_mem>>) src(%arg16 : memref<64x128xf32, #tpu.memory_space<vmem>>) dst(%dma_wait3A_423 : memref<64x128xf32, #tpu.memory_space<hbm>>)
      tpu.yield
    }) : () -> ()
    %add3A_386 = arith.constant 448 : i32
    %add3A_387 = arith.addi %mul3A_15, %add3A_386 : i32
    "tpu.region"() ({
      %run_scoped3A_411 = tpu.sem_alloc : memref<!tpu.dma_semaphore, #tpu.memory_space<semaphore_mem>>
      %dma_start3A_412 = arith.constant 0 : i32
      %dma_start3A_413 = tpu.memref_slice %arg19[%add3A_387, %dma_start3A_412] : memref<10112x128xf32, #tpu.memory_space<vmem_shared>> -> memref<64x128xf32, #tpu.memory_space<vmem_shared>>
      %dma_start3A_414 = arith.constant 0 : i32
      %dma_start3A_415 = tpu.memref_slice %arg19[%add3A_387, %dma_start3A_414] : memref<10112x128xf32, #tpu.memory_space<vmem_shared>> -> memref<64x128xf32, #tpu.memory_space<vmem_shared>>
      tpu.enqueue_dma source(%dma_start3A_415 : memref<64x128xf32, #tpu.memory_space<vmem_shared>>) target(%arg17 : memref<64x128xf32, #tpu.memory_space<vmem>>) target_semaphore(%run_scoped3A_411 : memref<!tpu.dma_semaphore, #tpu.memory_space<semaphore_mem>>)
      %dma_wait3A_416 = arith.constant 0 : i32
      %dma_wait3A_417 = tpu.memref_slice %arg19[%add3A_387, %dma_wait3A_416] : memref<10112x128xf32, #tpu.memory_space<vmem_shared>> -> memref<64x128xf32, #tpu.memory_space<vmem_shared>>
      %dma_wait3A_418 = arith.constant 0 : i32
      %dma_wait3A_419 = tpu.memref_slice %arg19[%add3A_387, %dma_wait3A_418] : memref<10112x128xf32, #tpu.memory_space<vmem_shared>> -> memref<64x128xf32, #tpu.memory_space<vmem_shared>>
      tpu.wait_dma2 semaphore(%run_scoped3A_411 : memref<!tpu.dma_semaphore, #tpu.memory_space<semaphore_mem>>) src(%dma_wait3A_419 : memref<64x128xf32, #tpu.memory_space<vmem_shared>>) dst(%arg17 : memref<64x128xf32, #tpu.memory_space<vmem>>)
      tpu.yield
    }) : () -> ()
    "tpu.region"() ({
      %run_scoped3A_411 = tpu.sem_alloc : memref<!tpu.dma_semaphore, #tpu.memory_space<semaphore_mem>>
      %dma_start3A_412 = arith.constant 0 : i32
      %dma_start3A_413 = tpu.memref_slice %arg6[%arg0, %add3A_387, %dma_start3A_412] : memref<2x10112x128xf32, #tpu.memory_space<hbm>> -> memref<1x64x128xf32, #tpu.memory_space<hbm>>
      %dma_start3A_414 = tpu.memref_squeeze %dma_start3A_413 : memref<1x64x128xf32, #tpu.memory_space<hbm>> -> memref<64x128xf32, #tpu.memory_space<hbm>>
      %dma_start3A_415 = arith.constant 0 : i32
      %dma_start3A_416 = tpu.memref_slice %arg6[%arg0, %add3A_387, %dma_start3A_415] : memref<2x10112x128xf32, #tpu.memory_space<hbm>> -> memref<1x64x128xf32, #tpu.memory_space<hbm>>
      %dma_start3A_417 = tpu.memref_squeeze %dma_start3A_416 : memref<1x64x128xf32, #tpu.memory_space<hbm>> -> memref<64x128xf32, #tpu.memory_space<hbm>>
      tpu.enqueue_dma source(%arg17 : memref<64x128xf32, #tpu.memory_space<vmem>>) target(%dma_start3A_417 : memref<64x128xf32, #tpu.memory_space<hbm>>) target_semaphore(%run_scoped3A_411 : memref<!tpu.dma_semaphore, #tpu.memory_space<semaphore_mem>>)
      %dma_wait3A_418 = arith.constant 0 : i32
      %dma_wait3A_419 = tpu.memref_slice %arg6[%arg0, %add3A_387, %dma_wait3A_418] : memref<2x10112x128xf32, #tpu.memory_space<hbm>> -> memref<1x64x128xf32, #tpu.memory_space<hbm>>
      %dma_wait3A_420 = tpu.memref_squeeze %dma_wait3A_419 : memref<1x64x128xf32, #tpu.memory_space<hbm>> -> memref<64x128xf32, #tpu.memory_space<hbm>>
      %dma_wait3A_421 = arith.constant 0 : i32
      %dma_wait3A_422 = tpu.memref_slice %arg6[%arg0, %add3A_387, %dma_wait3A_421] : memref<2x10112x128xf32, #tpu.memory_space<hbm>> -> memref<1x64x128xf32, #tpu.memory_space<hbm>>
      %dma_wait3A_423 = tpu.memref_squeeze %dma_wait3A_422 : memref<1x64x128xf32, #tpu.memory_space<hbm>> -> memref<64x128xf32, #tpu.memory_space<hbm>>
      tpu.wait_dma2 semaphore(%run_scoped3A_411 : memref<!tpu.dma_semaphore, #tpu.memory_space<semaphore_mem>>) src(%arg17 : memref<64x128xf32, #tpu.memory_space<vmem>>) dst(%dma_wait3A_423 : memref<64x128xf32, #tpu.memory_space<hbm>>)
      tpu.yield
    }) : () -> ()
    %add3A_388 = arith.constant 512 : i32
    %add3A_389 = arith.addi %mul3A_15, %add3A_388 : i32
    "tpu.region"() ({
      %run_scoped3A_411 = tpu.sem_alloc : memref<!tpu.dma_semaphore, #tpu.memory_space<semaphore_mem>>
      %dma_start3A_412 = arith.constant 0 : i32
      %dma_start3A_413 = tpu.memref_slice %arg19[%add3A_389, %dma_start3A_412] : memref<10112x128xf32, #tpu.memory_space<vmem_shared>> -> memref<64x128xf32, #tpu.memory_space<vmem_shared>>
      %dma_start3A_414 = arith.constant 0 : i32
      %dma_start3A_415 = tpu.memref_slice %arg19[%add3A_389, %dma_start3A_414] : memref<10112x128xf32, #tpu.memory_space<vmem_shared>> -> memref<64x128xf32, #tpu.memory_space<vmem_shared>>
      tpu.enqueue_dma source(%dma_start3A_415 : memref<64x128xf32, #tpu.memory_space<vmem_shared>>) target(%arg18 : memref<64x128xf32, #tpu.memory_space<vmem>>) target_semaphore(%run_scoped3A_411 : memref<!tpu.dma_semaphore, #tpu.memory_space<semaphore_mem>>)
      %dma_wait3A_416 = arith.constant 0 : i32
      %dma_wait3A_417 = tpu.memref_slice %arg19[%add3A_389, %dma_wait3A_416] : memref<10112x128xf32, #tpu.memory_space<vmem_shared>> -> memref<64x128xf32, #tpu.memory_space<vmem_shared>>
      %dma_wait3A_418 = arith.constant 0 : i32
      %dma_wait3A_419 = tpu.memref_slice %arg19[%add3A_389, %dma_wait3A_418] : memref<10112x128xf32, #tpu.memory_space<vmem_shared>> -> memref<64x128xf32, #tpu.memory_space<vmem_shared>>
      tpu.wait_dma2 semaphore(%run_scoped3A_411 : memref<!tpu.dma_semaphore, #tpu.memory_space<semaphore_mem>>) src(%dma_wait3A_419 : memref<64x128xf32, #tpu.memory_space<vmem_shared>>) dst(%arg18 : memref<64x128xf32, #tpu.memory_space<vmem>>)
      tpu.yield
    }) : () -> ()
    "tpu.region"() ({
      %run_scoped3A_411 = tpu.sem_alloc : memref<!tpu.dma_semaphore, #tpu.memory_space<semaphore_mem>>
      %dma_start3A_412 = arith.constant 0 : i32
      %dma_start3A_413 = tpu.memref_slice %arg6[%arg0, %add3A_389, %dma_start3A_412] : memref<2x10112x128xf32, #tpu.memory_space<hbm>> -> memref<1x64x128xf32, #tpu.memory_space<hbm>>
      %dma_start3A_414 = tpu.memref_squeeze %dma_start3A_413 : memref<1x64x128xf32, #tpu.memory_space<hbm>> -> memref<64x128xf32, #tpu.memory_space<hbm>>
      %dma_start3A_415 = arith.constant 0 : i32
      %dma_start3A_416 = tpu.memref_slice %arg6[%arg0, %add3A_389, %dma_start3A_415] : memref<2x10112x128xf32, #tpu.memory_space<hbm>> -> memref<1x64x128xf32, #tpu.memory_space<hbm>>
      %dma_start3A_417 = tpu.memref_squeeze %dma_start3A_416 : memref<1x64x128xf32, #tpu.memory_space<hbm>> -> memref<64x128xf32, #tpu.memory_space<hbm>>
      tpu.enqueue_dma source(%arg18 : memref<64x128xf32, #tpu.memory_space<vmem>>) target(%dma_start3A_417 : memref<64x128xf32, #tpu.memory_space<hbm>>) target_semaphore(%run_scoped3A_411 : memref<!tpu.dma_semaphore, #tpu.memory_space<semaphore_mem>>)
      %dma_wait3A_418 = arith.constant 0 : i32
      %dma_wait3A_419 = tpu.memref_slice %arg6[%arg0, %add3A_389, %dma_wait3A_418] : memref<2x10112x128xf32, #tpu.memory_space<hbm>> -> memref<1x64x128xf32, #tpu.memory_space<hbm>>
      %dma_wait3A_420 = tpu.memref_squeeze %dma_wait3A_419 : memref<1x64x128xf32, #tpu.memory_space<hbm>> -> memref<64x128xf32, #tpu.memory_space<hbm>>
      %dma_wait3A_421 = arith.constant 0 : i32
      %dma_wait3A_422 = tpu.memref_slice %arg6[%arg0, %add3A_389, %dma_wait3A_421] : memref<2x10112x128xf32, #tpu.memory_space<hbm>> -> memref<1x64x128xf32, #tpu.memory_space<hbm>>
      %dma_wait3A_423 = tpu.memref_squeeze %dma_wait3A_422 : memref<1x64x128xf32, #tpu.memory_space<hbm>> -> memref<64x128xf32, #tpu.memory_space<hbm>>
      tpu.wait_dma2 semaphore(%run_scoped3A_411 : memref<!tpu.dma_semaphore, #tpu.memory_space<semaphore_mem>>) src(%arg18 : memref<64x128xf32, #tpu.memory_space<vmem>>) dst(%dma_wait3A_423 : memref<64x128xf32, #tpu.memory_space<hbm>>)
      tpu.yield
    }) : () -> ()
    %add3A_390 = arith.constant 576 : i32
    %add3A_391 = arith.addi %mul3A_15, %add3A_390 : i32
    "tpu.region"() ({
      %run_scoped3A_411 = tpu.sem_alloc : memref<!tpu.dma_semaphore, #tpu.memory_space<semaphore_mem>>
      %dma_start3A_412 = arith.constant 0 : i32
      %dma_start3A_413 = arith.constant 0 : i32
      %dma_start3A_414 = tpu.memref_slice %arg17[%dma_start3A_412, %dma_start3A_413] : memref<64x128xf32, #tpu.memory_space<vmem>> -> memref<56x128xf32, #tpu.memory_space<vmem>>
      %dma_start3A_415 = arith.constant 0 : i32
      %dma_start3A_416 = tpu.memref_slice %arg19[%add3A_391, %dma_start3A_415] : memref<10112x128xf32, #tpu.memory_space<vmem_shared>> -> memref<56x128xf32, #tpu.memory_space<vmem_shared>>
      %dma_start3A_417 = arith.constant 0 : i32
      %dma_start3A_418 = arith.constant 0 : i32
      %dma_start3A_419 = tpu.memref_slice %arg17[%dma_start3A_417, %dma_start3A_418] : memref<64x128xf32, #tpu.memory_space<vmem>> -> memref<56x128xf32, #tpu.memory_space<vmem>>
      %dma_start3A_420 = arith.constant 0 : i32
      %dma_start3A_421 = tpu.memref_slice %arg19[%add3A_391, %dma_start3A_420] : memref<10112x128xf32, #tpu.memory_space<vmem_shared>> -> memref<56x128xf32, #tpu.memory_space<vmem_shared>>
      tpu.enqueue_dma source(%dma_start3A_421 : memref<56x128xf32, #tpu.memory_space<vmem_shared>>) target(%dma_start3A_419 : memref<56x128xf32, #tpu.memory_space<vmem>>) target_semaphore(%run_scoped3A_411 : memref<!tpu.dma_semaphore, #tpu.memory_space<semaphore_mem>>)
      %dma_wait3A_422 = arith.constant 0 : i32
      %dma_wait3A_423 = arith.constant 0 : i32
      %dma_wait3A_424 = tpu.memref_slice %arg17[%dma_wait3A_422, %dma_wait3A_423] : memref<64x128xf32, #tpu.memory_space<vmem>> -> memref<56x128xf32, #tpu.memory_space<vmem>>
      %dma_wait3A_425 = arith.constant 0 : i32
      %dma_wait3A_426 = tpu.memref_slice %arg19[%add3A_391, %dma_wait3A_425] : memref<10112x128xf32, #tpu.memory_space<vmem_shared>> -> memref<56x128xf32, #tpu.memory_space<vmem_shared>>
      %dma_wait3A_427 = arith.constant 0 : i32
      %dma_wait3A_428 = arith.constant 0 : i32
      %dma_wait3A_429 = tpu.memref_slice %arg17[%dma_wait3A_427, %dma_wait3A_428] : memref<64x128xf32, #tpu.memory_space<vmem>> -> memref<56x128xf32, #tpu.memory_space<vmem>>
      %dma_wait3A_430 = arith.constant 0 : i32
      %dma_wait3A_431 = tpu.memref_slice %arg19[%add3A_391, %dma_wait3A_430] : memref<10112x128xf32, #tpu.memory_space<vmem_shared>> -> memref<56x128xf32, #tpu.memory_space<vmem_shared>>
      tpu.wait_dma2 semaphore(%run_scoped3A_411 : memref<!tpu.dma_semaphore, #tpu.memory_space<semaphore_mem>>) src(%dma_wait3A_431 : memref<56x128xf32, #tpu.memory_space<vmem_shared>>) dst(%dma_wait3A_429 : memref<56x128xf32, #tpu.memory_space<vmem>>)
      tpu.yield
    }) : () -> ()
    "tpu.region"() ({
      %run_scoped3A_411 = tpu.sem_alloc : memref<!tpu.dma_semaphore, #tpu.memory_space<semaphore_mem>>
      %dma_start3A_412 = arith.constant 0 : i32
      %dma_start3A_413 = arith.constant 0 : i32
      %dma_start3A_414 = tpu.memref_slice %arg17[%dma_start3A_412, %dma_start3A_413] : memref<64x128xf32, #tpu.memory_space<vmem>> -> memref<56x128xf32, #tpu.memory_space<vmem>>
      %dma_start3A_415 = arith.constant 0 : i32
      %dma_start3A_416 = tpu.memref_slice %arg6[%arg0, %add3A_391, %dma_start3A_415] : memref<2x10112x128xf32, #tpu.memory_space<hbm>> -> memref<1x56x128xf32, #tpu.memory_space<hbm>>
      %dma_start3A_417 = tpu.memref_squeeze %dma_start3A_416 : memref<1x56x128xf32, #tpu.memory_space<hbm>> -> memref<56x128xf32, #tpu.memory_space<hbm>>
      %dma_start3A_418 = arith.constant 0 : i32
      %dma_start3A_419 = tpu.memref_slice %arg6[%arg0, %add3A_391, %dma_start3A_418] : memref<2x10112x128xf32, #tpu.memory_space<hbm>> -> memref<1x56x128xf32, #tpu.memory_space<hbm>>
      %dma_start3A_420 = tpu.memref_squeeze %dma_start3A_419 : memref<1x56x128xf32, #tpu.memory_space<hbm>> -> memref<56x128xf32, #tpu.memory_space<hbm>>
      %dma_start3A_421 = arith.constant 0 : i32
      %dma_start3A_422 = arith.constant 0 : i32
      %dma_start3A_423 = tpu.memref_slice %arg17[%dma_start3A_421, %dma_start3A_422] : memref<64x128xf32, #tpu.memory_space<vmem>> -> memref<56x128xf32, #tpu.memory_space<vmem>>
      tpu.enqueue_dma source(%dma_start3A_423 : memref<56x128xf32, #tpu.memory_space<vmem>>) target(%dma_start3A_420 : memref<56x128xf32, #tpu.memory_space<hbm>>) target_semaphore(%run_scoped3A_411 : memref<!tpu.dma_semaphore, #tpu.memory_space<semaphore_mem>>)
      %dma_wait3A_424 = arith.constant 0 : i32
      %dma_wait3A_425 = arith.constant 0 : i32
      %dma_wait3A_426 = tpu.memref_slice %arg17[%dma_wait3A_424, %dma_wait3A_425] : memref<64x128xf32, #tpu.memory_space<vmem>> -> memref<56x128xf32, #tpu.memory_space<vmem>>
      %dma_wait3A_427 = arith.constant 0 : i32
      %dma_wait3A_428 = tpu.memref_slice %arg6[%arg0, %add3A_391, %dma_wait3A_427] : memref<2x10112x128xf32, #tpu.memory_space<hbm>> -> memref<1x56x128xf32, #tpu.memory_space<hbm>>
      %dma_wait3A_429 = tpu.memref_squeeze %dma_wait3A_428 : memref<1x56x128xf32, #tpu.memory_space<hbm>> -> memref<56x128xf32, #tpu.memory_space<hbm>>
      %dma_wait3A_430 = arith.constant 0 : i32
      %dma_wait3A_431 = tpu.memref_slice %arg6[%arg0, %add3A_391, %dma_wait3A_430] : memref<2x10112x128xf32, #tpu.memory_space<hbm>> -> memref<1x56x128xf32, #tpu.memory_space<hbm>>
      %dma_wait3A_432 = tpu.memref_squeeze %dma_wait3A_431 : memref<1x56x128xf32, #tpu.memory_space<hbm>> -> memref<56x128xf32, #tpu.memory_space<hbm>>
      %dma_wait3A_433 = arith.constant 0 : i32
      %dma_wait3A_434 = arith.constant 0 : i32
      %dma_wait3A_435 = tpu.memref_slice %arg17[%dma_wait3A_433, %dma_wait3A_434] : memref<64x128xf32, #tpu.memory_space<vmem>> -> memref<56x128xf32, #tpu.memory_space<vmem>>
      tpu.wait_dma2 semaphore(%run_scoped3A_411 : memref<!tpu.dma_semaphore, #tpu.memory_space<semaphore_mem>>) src(%dma_wait3A_435 : memref<56x128xf32, #tpu.memory_space<vmem>>) dst(%dma_wait3A_432 : memref<56x128xf32, #tpu.memory_space<hbm>>)
      tpu.yield
    }) : () -> ()
    %add3A_392 = arith.constant 0 : i32
    %add3A_393 = arith.addi %mul3A_15, %add3A_392 : i32
    %run_scoped3A = arith.constant 0 : i32
    "tpu.region"() ({
      %run_scoped3A_411 = tpu.sem_alloc : memref<!tpu.dma_semaphore, #tpu.memory_space<semaphore_mem>>
      %dma_start3A_412 = arith.constant 0 : i32
      %dma_start3A_413 = tpu.memref_slice %arg16[%run_scoped3A, %dma_start3A_412] : memref<64x128xf32, #tpu.memory_space<vmem>> -> memref<1x128xf32, #tpu.memory_space<vmem>>
      %dma_start3A_414 = tpu.memref_squeeze %dma_start3A_413 : memref<1x128xf32, #tpu.memory_space<vmem>> -> memref<128xf32, #tpu.memory_space<vmem>>
      %dma_start3A_415 = tpu.memref_slice %arg20[%add3A_393] : memref<10112xf32, #tpu.memory_space<vmem_shared>> -> memref<128xf32, #tpu.memory_space<vmem_shared>>
      %dma_start3A_416 = arith.constant 0 : i32
      %dma_start3A_417 = tpu.memref_slice %arg16[%run_scoped3A, %dma_start3A_416] : memref<64x128xf32, #tpu.memory_space<vmem>> -> memref<1x128xf32, #tpu.memory_space<vmem>>
      %dma_start3A_418 = tpu.memref_squeeze %dma_start3A_417 : memref<1x128xf32, #tpu.memory_space<vmem>> -> memref<128xf32, #tpu.memory_space<vmem>>
      %dma_start3A_419 = tpu.memref_slice %arg20[%add3A_393] : memref<10112xf32, #tpu.memory_space<vmem_shared>> -> memref<128xf32, #tpu.memory_space<vmem_shared>>
      tpu.enqueue_dma source(%dma_start3A_419 : memref<128xf32, #tpu.memory_space<vmem_shared>>) target(%dma_start3A_418 : memref<128xf32, #tpu.memory_space<vmem>>) target_semaphore(%run_scoped3A_411 : memref<!tpu.dma_semaphore, #tpu.memory_space<semaphore_mem>>)
      %dma_wait3A_420 = arith.constant 0 : i32
      %dma_wait3A_421 = tpu.memref_slice %arg16[%run_scoped3A, %dma_wait3A_420] : memref<64x128xf32, #tpu.memory_space<vmem>> -> memref<1x128xf32, #tpu.memory_space<vmem>>
      %dma_wait3A_422 = tpu.memref_squeeze %dma_wait3A_421 : memref<1x128xf32, #tpu.memory_space<vmem>> -> memref<128xf32, #tpu.memory_space<vmem>>
      %dma_wait3A_423 = tpu.memref_slice %arg20[%add3A_393] : memref<10112xf32, #tpu.memory_space<vmem_shared>> -> memref<128xf32, #tpu.memory_space<vmem_shared>>
      %dma_wait3A_424 = arith.constant 0 : i32
      %dma_wait3A_425 = tpu.memref_slice %arg16[%run_scoped3A, %dma_wait3A_424] : memref<64x128xf32, #tpu.memory_space<vmem>> -> memref<1x128xf32, #tpu.memory_space<vmem>>
      %dma_wait3A_426 = tpu.memref_squeeze %dma_wait3A_425 : memref<1x128xf32, #tpu.memory_space<vmem>> -> memref<128xf32, #tpu.memory_space<vmem>>
      %dma_wait3A_427 = tpu.memref_slice %arg20[%add3A_393] : memref<10112xf32, #tpu.memory_space<vmem_shared>> -> memref<128xf32, #tpu.memory_space<vmem_shared>>
      tpu.wait_dma2 semaphore(%run_scoped3A_411 : memref<!tpu.dma_semaphore, #tpu.memory_space<semaphore_mem>>) src(%dma_wait3A_427 : memref<128xf32, #tpu.memory_space<vmem_shared>>) dst(%dma_wait3A_426 : memref<128xf32, #tpu.memory_space<vmem>>)
      tpu.yield
    }) : () -> ()
    %run_scoped3A_394 = arith.constant 0 : i32
    "tpu.region"() ({
      %run_scoped3A_411 = tpu.sem_alloc : memref<!tpu.dma_semaphore, #tpu.memory_space<semaphore_mem>>
      %dma_start3A_412 = arith.constant 0 : i32
      %dma_start3A_413 = tpu.memref_slice %arg16[%run_scoped3A_394, %dma_start3A_412] : memref<64x128xf32, #tpu.memory_space<vmem>> -> memref<1x128xf32, #tpu.memory_space<vmem>>
      %dma_start3A_414 = tpu.memref_squeeze %dma_start3A_413 : memref<1x128xf32, #tpu.memory_space<vmem>> -> memref<128xf32, #tpu.memory_space<vmem>>
      %dma_start3A_415 = tpu.memref_slice %arg7[%arg0, %add3A_393] : memref<2x10112xf32, #tpu.memory_space<hbm>> -> memref<1x128xf32, #tpu.memory_space<hbm>>
      %dma_start3A_416 = tpu.memref_squeeze %dma_start3A_415 : memref<1x128xf32, #tpu.memory_space<hbm>> -> memref<128xf32, #tpu.memory_space<hbm>>
      %dma_start3A_417 = tpu.memref_slice %arg7[%arg0, %add3A_393] : memref<2x10112xf32, #tpu.memory_space<hbm>> -> memref<1x128xf32, #tpu.memory_space<hbm>>
      %dma_start3A_418 = tpu.memref_squeeze %dma_start3A_417 : memref<1x128xf32, #tpu.memory_space<hbm>> -> memref<128xf32, #tpu.memory_space<hbm>>
      %dma_start3A_419 = arith.constant 0 : i32
      %dma_start3A_420 = tpu.memref_slice %arg16[%run_scoped3A_394, %dma_start3A_419] : memref<64x128xf32, #tpu.memory_space<vmem>> -> memref<1x128xf32, #tpu.memory_space<vmem>>
      %dma_start3A_421 = tpu.memref_squeeze %dma_start3A_420 : memref<1x128xf32, #tpu.memory_space<vmem>> -> memref<128xf32, #tpu.memory_space<vmem>>
      tpu.enqueue_dma source(%dma_start3A_421 : memref<128xf32, #tpu.memory_space<vmem>>) target(%dma_start3A_418 : memref<128xf32, #tpu.memory_space<hbm>>) target_semaphore(%run_scoped3A_411 : memref<!tpu.dma_semaphore, #tpu.memory_space<semaphore_mem>>)
      %dma_wait3A_422 = arith.constant 0 : i32
      %dma_wait3A_423 = tpu.memref_slice %arg16[%run_scoped3A_394, %dma_wait3A_422] : memref<64x128xf32, #tpu.memory_space<vmem>> -> memref<1x128xf32, #tpu.memory_space<vmem>>
      %dma_wait3A_424 = tpu.memref_squeeze %dma_wait3A_423 : memref<1x128xf32, #tpu.memory_space<vmem>> -> memref<128xf32, #tpu.memory_space<vmem>>
      %dma_wait3A_425 = tpu.memref_slice %arg7[%arg0, %add3A_393] : memref<2x10112xf32, #tpu.memory_space<hbm>> -> memref<1x128xf32, #tpu.memory_space<hbm>>
      %dma_wait3A_426 = tpu.memref_squeeze %dma_wait3A_425 : memref<1x128xf32, #tpu.memory_space<hbm>> -> memref<128xf32, #tpu.memory_space<hbm>>
      %dma_wait3A_427 = tpu.memref_slice %arg7[%arg0, %add3A_393] : memref<2x10112xf32, #tpu.memory_space<hbm>> -> memref<1x128xf32, #tpu.memory_space<hbm>>
      %dma_wait3A_428 = tpu.memref_squeeze %dma_wait3A_427 : memref<1x128xf32, #tpu.memory_space<hbm>> -> memref<128xf32, #tpu.memory_space<hbm>>
      %dma_wait3A_429 = arith.constant 0 : i32
      %dma_wait3A_430 = tpu.memref_slice %arg16[%run_scoped3A_394, %dma_wait3A_429] : memref<64x128xf32, #tpu.memory_space<vmem>> -> memref<1x128xf32, #tpu.memory_space<vmem>>
      %dma_wait3A_431 = tpu.memref_squeeze %dma_wait3A_430 : memref<1x128xf32, #tpu.memory_space<vmem>> -> memref<128xf32, #tpu.memory_space<vmem>>
      tpu.wait_dma2 semaphore(%run_scoped3A_411 : memref<!tpu.dma_semaphore, #tpu.memory_space<semaphore_mem>>) src(%dma_wait3A_431 : memref<128xf32, #tpu.memory_space<vmem>>) dst(%dma_wait3A_428 : memref<128xf32, #tpu.memory_space<hbm>>)
      tpu.yield
    }) : () -> ()
    %add3A_395 = arith.constant 128 : i32
    %add3A_396 = arith.addi %mul3A_15, %add3A_395 : i32
    %run_scoped3A_397 = arith.constant 0 : i32
    "tpu.region"() ({
      %run_scoped3A_411 = tpu.sem_alloc : memref<!tpu.dma_semaphore, #tpu.memory_space<semaphore_mem>>
      %dma_start3A_412 = arith.constant 0 : i32
      %dma_start3A_413 = tpu.memref_slice %arg16[%run_scoped3A_397, %dma_start3A_412] : memref<64x128xf32, #tpu.memory_space<vmem>> -> memref<1x128xf32, #tpu.memory_space<vmem>>
      %dma_start3A_414 = tpu.memref_squeeze %dma_start3A_413 : memref<1x128xf32, #tpu.memory_space<vmem>> -> memref<128xf32, #tpu.memory_space<vmem>>
      %dma_start3A_415 = tpu.memref_slice %arg20[%add3A_396] : memref<10112xf32, #tpu.memory_space<vmem_shared>> -> memref<128xf32, #tpu.memory_space<vmem_shared>>
      %dma_start3A_416 = arith.constant 0 : i32
      %dma_start3A_417 = tpu.memref_slice %arg16[%run_scoped3A_397, %dma_start3A_416] : memref<64x128xf32, #tpu.memory_space<vmem>> -> memref<1x128xf32, #tpu.memory_space<vmem>>
      %dma_start3A_418 = tpu.memref_squeeze %dma_start3A_417 : memref<1x128xf32, #tpu.memory_space<vmem>> -> memref<128xf32, #tpu.memory_space<vmem>>
      %dma_start3A_419 = tpu.memref_slice %arg20[%add3A_396] : memref<10112xf32, #tpu.memory_space<vmem_shared>> -> memref<128xf32, #tpu.memory_space<vmem_shared>>
      tpu.enqueue_dma source(%dma_start3A_419 : memref<128xf32, #tpu.memory_space<vmem_shared>>) target(%dma_start3A_418 : memref<128xf32, #tpu.memory_space<vmem>>) target_semaphore(%run_scoped3A_411 : memref<!tpu.dma_semaphore, #tpu.memory_space<semaphore_mem>>)
      %dma_wait3A_420 = arith.constant 0 : i32
      %dma_wait3A_421 = tpu.memref_slice %arg16[%run_scoped3A_397, %dma_wait3A_420] : memref<64x128xf32, #tpu.memory_space<vmem>> -> memref<1x128xf32, #tpu.memory_space<vmem>>
      %dma_wait3A_422 = tpu.memref_squeeze %dma_wait3A_421 : memref<1x128xf32, #tpu.memory_space<vmem>> -> memref<128xf32, #tpu.memory_space<vmem>>
      %dma_wait3A_423 = tpu.memref_slice %arg20[%add3A_396] : memref<10112xf32, #tpu.memory_space<vmem_shared>> -> memref<128xf32, #tpu.memory_space<vmem_shared>>
      %dma_wait3A_424 = arith.constant 0 : i32
      %dma_wait3A_425 = tpu.memref_slice %arg16[%run_scoped3A_397, %dma_wait3A_424] : memref<64x128xf32, #tpu.memory_space<vmem>> -> memref<1x128xf32, #tpu.memory_space<vmem>>
      %dma_wait3A_426 = tpu.memref_squeeze %dma_wait3A_425 : memref<1x128xf32, #tpu.memory_space<vmem>> -> memref<128xf32, #tpu.memory_space<vmem>>
      %dma_wait3A_427 = tpu.memref_slice %arg20[%add3A_396] : memref<10112xf32, #tpu.memory_space<vmem_shared>> -> memref<128xf32, #tpu.memory_space<vmem_shared>>
      tpu.wait_dma2 semaphore(%run_scoped3A_411 : memref<!tpu.dma_semaphore, #tpu.memory_space<semaphore_mem>>) src(%dma_wait3A_427 : memref<128xf32, #tpu.memory_space<vmem_shared>>) dst(%dma_wait3A_426 : memref<128xf32, #tpu.memory_space<vmem>>)
      tpu.yield
    }) : () -> ()
    %run_scoped3A_398 = arith.constant 0 : i32
    "tpu.region"() ({
      %run_scoped3A_411 = tpu.sem_alloc : memref<!tpu.dma_semaphore, #tpu.memory_space<semaphore_mem>>
      %dma_start3A_412 = arith.constant 0 : i32
      %dma_start3A_413 = tpu.memref_slice %arg16[%run_scoped3A_398, %dma_start3A_412] : memref<64x128xf32, #tpu.memory_space<vmem>> -> memref<1x128xf32, #tpu.memory_space<vmem>>
      %dma_start3A_414 = tpu.memref_squeeze %dma_start3A_413 : memref<1x128xf32, #tpu.memory_space<vmem>> -> memref<128xf32, #tpu.memory_space<vmem>>
      %dma_start3A_415 = tpu.memref_slice %arg7[%arg0, %add3A_396] : memref<2x10112xf32, #tpu.memory_space<hbm>> -> memref<1x128xf32, #tpu.memory_space<hbm>>
      %dma_start3A_416 = tpu.memref_squeeze %dma_start3A_415 : memref<1x128xf32, #tpu.memory_space<hbm>> -> memref<128xf32, #tpu.memory_space<hbm>>
      %dma_start3A_417 = tpu.memref_slice %arg7[%arg0, %add3A_396] : memref<2x10112xf32, #tpu.memory_space<hbm>> -> memref<1x128xf32, #tpu.memory_space<hbm>>
      %dma_start3A_418 = tpu.memref_squeeze %dma_start3A_417 : memref<1x128xf32, #tpu.memory_space<hbm>> -> memref<128xf32, #tpu.memory_space<hbm>>
      %dma_start3A_419 = arith.constant 0 : i32
      %dma_start3A_420 = tpu.memref_slice %arg16[%run_scoped3A_398, %dma_start3A_419] : memref<64x128xf32, #tpu.memory_space<vmem>> -> memref<1x128xf32, #tpu.memory_space<vmem>>
      %dma_start3A_421 = tpu.memref_squeeze %dma_start3A_420 : memref<1x128xf32, #tpu.memory_space<vmem>> -> memref<128xf32, #tpu.memory_space<vmem>>
      tpu.enqueue_dma source(%dma_start3A_421 : memref<128xf32, #tpu.memory_space<vmem>>) target(%dma_start3A_418 : memref<128xf32, #tpu.memory_space<hbm>>) target_semaphore(%run_scoped3A_411 : memref<!tpu.dma_semaphore, #tpu.memory_space<semaphore_mem>>)
      %dma_wait3A_422 = arith.constant 0 : i32
      %dma_wait3A_423 = tpu.memref_slice %arg16[%run_scoped3A_398, %dma_wait3A_422] : memref<64x128xf32, #tpu.memory_space<vmem>> -> memref<1x128xf32, #tpu.memory_space<vmem>>
      %dma_wait3A_424 = tpu.memref_squeeze %dma_wait3A_423 : memref<1x128xf32, #tpu.memory_space<vmem>> -> memref<128xf32, #tpu.memory_space<vmem>>
      %dma_wait3A_425 = tpu.memref_slice %arg7[%arg0, %add3A_396] : memref<2x10112xf32, #tpu.memory_space<hbm>> -> memref<1x128xf32, #tpu.memory_space<hbm>>
      %dma_wait3A_426 = tpu.memref_squeeze %dma_wait3A_425 : memref<1x128xf32, #tpu.memory_space<hbm>> -> memref<128xf32, #tpu.memory_space<hbm>>
      %dma_wait3A_427 = tpu.memref_slice %arg7[%arg0, %add3A_396] : memref<2x10112xf32, #tpu.memory_space<hbm>> -> memref<1x128xf32, #tpu.memory_space<hbm>>
      %dma_wait3A_428 = tpu.memref_squeeze %dma_wait3A_427 : memref<1x128xf32, #tpu.memory_space<hbm>> -> memref<128xf32, #tpu.memory_space<hbm>>
      %dma_wait3A_429 = arith.constant 0 : i32
      %dma_wait3A_430 = tpu.memref_slice %arg16[%run_scoped3A_398, %dma_wait3A_429] : memref<64x128xf32, #tpu.memory_space<vmem>> -> memref<1x128xf32, #tpu.memory_space<vmem>>
      %dma_wait3A_431 = tpu.memref_squeeze %dma_wait3A_430 : memref<1x128xf32, #tpu.memory_space<vmem>> -> memref<128xf32, #tpu.memory_space<vmem>>
      tpu.wait_dma2 semaphore(%run_scoped3A_411 : memref<!tpu.dma_semaphore, #tpu.memory_space<semaphore_mem>>) src(%dma_wait3A_431 : memref<128xf32, #tpu.memory_space<vmem>>) dst(%dma_wait3A_428 : memref<128xf32, #tpu.memory_space<hbm>>)
      tpu.yield
    }) : () -> ()
    %add3A_399 = arith.constant 256 : i32
    %add3A_400 = arith.addi %mul3A_15, %add3A_399 : i32
    %run_scoped3A_401 = arith.constant 0 : i32
    "tpu.region"() ({
      %run_scoped3A_411 = tpu.sem_alloc : memref<!tpu.dma_semaphore, #tpu.memory_space<semaphore_mem>>
      %dma_start3A_412 = arith.constant 0 : i32
      %dma_start3A_413 = tpu.memref_slice %arg16[%run_scoped3A_401, %dma_start3A_412] : memref<64x128xf32, #tpu.memory_space<vmem>> -> memref<1x128xf32, #tpu.memory_space<vmem>>
      %dma_start3A_414 = tpu.memref_squeeze %dma_start3A_413 : memref<1x128xf32, #tpu.memory_space<vmem>> -> memref<128xf32, #tpu.memory_space<vmem>>
      %dma_start3A_415 = tpu.memref_slice %arg20[%add3A_400] : memref<10112xf32, #tpu.memory_space<vmem_shared>> -> memref<128xf32, #tpu.memory_space<vmem_shared>>
      %dma_start3A_416 = arith.constant 0 : i32
      %dma_start3A_417 = tpu.memref_slice %arg16[%run_scoped3A_401, %dma_start3A_416] : memref<64x128xf32, #tpu.memory_space<vmem>> -> memref<1x128xf32, #tpu.memory_space<vmem>>
      %dma_start3A_418 = tpu.memref_squeeze %dma_start3A_417 : memref<1x128xf32, #tpu.memory_space<vmem>> -> memref<128xf32, #tpu.memory_space<vmem>>
      %dma_start3A_419 = tpu.memref_slice %arg20[%add3A_400] : memref<10112xf32, #tpu.memory_space<vmem_shared>> -> memref<128xf32, #tpu.memory_space<vmem_shared>>
      tpu.enqueue_dma source(%dma_start3A_419 : memref<128xf32, #tpu.memory_space<vmem_shared>>) target(%dma_start3A_418 : memref<128xf32, #tpu.memory_space<vmem>>) target_semaphore(%run_scoped3A_411 : memref<!tpu.dma_semaphore, #tpu.memory_space<semaphore_mem>>)
      %dma_wait3A_420 = arith.constant 0 : i32
      %dma_wait3A_421 = tpu.memref_slice %arg16[%run_scoped3A_401, %dma_wait3A_420] : memref<64x128xf32, #tpu.memory_space<vmem>> -> memref<1x128xf32, #tpu.memory_space<vmem>>
      %dma_wait3A_422 = tpu.memref_squeeze %dma_wait3A_421 : memref<1x128xf32, #tpu.memory_space<vmem>> -> memref<128xf32, #tpu.memory_space<vmem>>
      %dma_wait3A_423 = tpu.memref_slice %arg20[%add3A_400] : memref<10112xf32, #tpu.memory_space<vmem_shared>> -> memref<128xf32, #tpu.memory_space<vmem_shared>>
      %dma_wait3A_424 = arith.constant 0 : i32
      %dma_wait3A_425 = tpu.memref_slice %arg16[%run_scoped3A_401, %dma_wait3A_424] : memref<64x128xf32, #tpu.memory_space<vmem>> -> memref<1x128xf32, #tpu.memory_space<vmem>>
      %dma_wait3A_426 = tpu.memref_squeeze %dma_wait3A_425 : memref<1x128xf32, #tpu.memory_space<vmem>> -> memref<128xf32, #tpu.memory_space<vmem>>
      %dma_wait3A_427 = tpu.memref_slice %arg20[%add3A_400] : memref<10112xf32, #tpu.memory_space<vmem_shared>> -> memref<128xf32, #tpu.memory_space<vmem_shared>>
      tpu.wait_dma2 semaphore(%run_scoped3A_411 : memref<!tpu.dma_semaphore, #tpu.memory_space<semaphore_mem>>) src(%dma_wait3A_427 : memref<128xf32, #tpu.memory_space<vmem_shared>>) dst(%dma_wait3A_426 : memref<128xf32, #tpu.memory_space<vmem>>)
      tpu.yield
    }) : () -> ()
    %run_scoped3A_402 = arith.constant 0 : i32
    "tpu.region"() ({
      %run_scoped3A_411 = tpu.sem_alloc : memref<!tpu.dma_semaphore, #tpu.memory_space<semaphore_mem>>
      %dma_start3A_412 = arith.constant 0 : i32
      %dma_start3A_413 = tpu.memref_slice %arg16[%run_scoped3A_402, %dma_start3A_412] : memref<64x128xf32, #tpu.memory_space<vmem>> -> memref<1x128xf32, #tpu.memory_space<vmem>>
      %dma_start3A_414 = tpu.memref_squeeze %dma_start3A_413 : memref<1x128xf32, #tpu.memory_space<vmem>> -> memref<128xf32, #tpu.memory_space<vmem>>
      %dma_start3A_415 = tpu.memref_slice %arg7[%arg0, %add3A_400] : memref<2x10112xf32, #tpu.memory_space<hbm>> -> memref<1x128xf32, #tpu.memory_space<hbm>>
      %dma_start3A_416 = tpu.memref_squeeze %dma_start3A_415 : memref<1x128xf32, #tpu.memory_space<hbm>> -> memref<128xf32, #tpu.memory_space<hbm>>
      %dma_start3A_417 = tpu.memref_slice %arg7[%arg0, %add3A_400] : memref<2x10112xf32, #tpu.memory_space<hbm>> -> memref<1x128xf32, #tpu.memory_space<hbm>>
      %dma_start3A_418 = tpu.memref_squeeze %dma_start3A_417 : memref<1x128xf32, #tpu.memory_space<hbm>> -> memref<128xf32, #tpu.memory_space<hbm>>
      %dma_start3A_419 = arith.constant 0 : i32
      %dma_start3A_420 = tpu.memref_slice %arg16[%run_scoped3A_402, %dma_start3A_419] : memref<64x128xf32, #tpu.memory_space<vmem>> -> memref<1x128xf32, #tpu.memory_space<vmem>>
      %dma_start3A_421 = tpu.memref_squeeze %dma_start3A_420 : memref<1x128xf32, #tpu.memory_space<vmem>> -> memref<128xf32, #tpu.memory_space<vmem>>
      tpu.enqueue_dma source(%dma_start3A_421 : memref<128xf32, #tpu.memory_space<vmem>>) target(%dma_start3A_418 : memref<128xf32, #tpu.memory_space<hbm>>) target_semaphore(%run_scoped3A_411 : memref<!tpu.dma_semaphore, #tpu.memory_space<semaphore_mem>>)
      %dma_wait3A_422 = arith.constant 0 : i32
      %dma_wait3A_423 = tpu.memref_slice %arg16[%run_scoped3A_402, %dma_wait3A_422] : memref<64x128xf32, #tpu.memory_space<vmem>> -> memref<1x128xf32, #tpu.memory_space<vmem>>
      %dma_wait3A_424 = tpu.memref_squeeze %dma_wait3A_423 : memref<1x128xf32, #tpu.memory_space<vmem>> -> memref<128xf32, #tpu.memory_space<vmem>>
      %dma_wait3A_425 = tpu.memref_slice %arg7[%arg0, %add3A_400] : memref<2x10112xf32, #tpu.memory_space<hbm>> -> memref<1x128xf32, #tpu.memory_space<hbm>>
      %dma_wait3A_426 = tpu.memref_squeeze %dma_wait3A_425 : memref<1x128xf32, #tpu.memory_space<hbm>> -> memref<128xf32, #tpu.memory_space<hbm>>
      %dma_wait3A_427 = tpu.memref_slice %arg7[%arg0, %add3A_400] : memref<2x10112xf32, #tpu.memory_space<hbm>> -> memref<1x128xf32, #tpu.memory_space<hbm>>
      %dma_wait3A_428 = tpu.memref_squeeze %dma_wait3A_427 : memref<1x128xf32, #tpu.memory_space<hbm>> -> memref<128xf32, #tpu.memory_space<hbm>>
      %dma_wait3A_429 = arith.constant 0 : i32
      %dma_wait3A_430 = tpu.memref_slice %arg16[%run_scoped3A_402, %dma_wait3A_429] : memref<64x128xf32, #tpu.memory_space<vmem>> -> memref<1x128xf32, #tpu.memory_space<vmem>>
      %dma_wait3A_431 = tpu.memref_squeeze %dma_wait3A_430 : memref<1x128xf32, #tpu.memory_space<vmem>> -> memref<128xf32, #tpu.memory_space<vmem>>
      tpu.wait_dma2 semaphore(%run_scoped3A_411 : memref<!tpu.dma_semaphore, #tpu.memory_space<semaphore_mem>>) src(%dma_wait3A_431 : memref<128xf32, #tpu.memory_space<vmem>>) dst(%dma_wait3A_428 : memref<128xf32, #tpu.memory_space<hbm>>)
      tpu.yield
    }) : () -> ()
    %add3A_403 = arith.constant 384 : i32
    %add3A_404 = arith.addi %mul3A_15, %add3A_403 : i32
    %run_scoped3A_405 = arith.constant 0 : i32
    "tpu.region"() ({
      %run_scoped3A_411 = tpu.sem_alloc : memref<!tpu.dma_semaphore, #tpu.memory_space<semaphore_mem>>
      %dma_start3A_412 = arith.constant 0 : i32
      %dma_start3A_413 = tpu.memref_slice %arg16[%run_scoped3A_405, %dma_start3A_412] : memref<64x128xf32, #tpu.memory_space<vmem>> -> memref<1x128xf32, #tpu.memory_space<vmem>>
      %dma_start3A_414 = tpu.memref_squeeze %dma_start3A_413 : memref<1x128xf32, #tpu.memory_space<vmem>> -> memref<128xf32, #tpu.memory_space<vmem>>
      %dma_start3A_415 = tpu.memref_slice %arg20[%add3A_404] : memref<10112xf32, #tpu.memory_space<vmem_shared>> -> memref<128xf32, #tpu.memory_space<vmem_shared>>
      %dma_start3A_416 = arith.constant 0 : i32
      %dma_start3A_417 = tpu.memref_slice %arg16[%run_scoped3A_405, %dma_start3A_416] : memref<64x128xf32, #tpu.memory_space<vmem>> -> memref<1x128xf32, #tpu.memory_space<vmem>>
      %dma_start3A_418 = tpu.memref_squeeze %dma_start3A_417 : memref<1x128xf32, #tpu.memory_space<vmem>> -> memref<128xf32, #tpu.memory_space<vmem>>
      %dma_start3A_419 = tpu.memref_slice %arg20[%add3A_404] : memref<10112xf32, #tpu.memory_space<vmem_shared>> -> memref<128xf32, #tpu.memory_space<vmem_shared>>
      tpu.enqueue_dma source(%dma_start3A_419 : memref<128xf32, #tpu.memory_space<vmem_shared>>) target(%dma_start3A_418 : memref<128xf32, #tpu.memory_space<vmem>>) target_semaphore(%run_scoped3A_411 : memref<!tpu.dma_semaphore, #tpu.memory_space<semaphore_mem>>)
      %dma_wait3A_420 = arith.constant 0 : i32
      %dma_wait3A_421 = tpu.memref_slice %arg16[%run_scoped3A_405, %dma_wait3A_420] : memref<64x128xf32, #tpu.memory_space<vmem>> -> memref<1x128xf32, #tpu.memory_space<vmem>>
      %dma_wait3A_422 = tpu.memref_squeeze %dma_wait3A_421 : memref<1x128xf32, #tpu.memory_space<vmem>> -> memref<128xf32, #tpu.memory_space<vmem>>
      %dma_wait3A_423 = tpu.memref_slice %arg20[%add3A_404] : memref<10112xf32, #tpu.memory_space<vmem_shared>> -> memref<128xf32, #tpu.memory_space<vmem_shared>>
      %dma_wait3A_424 = arith.constant 0 : i32
      %dma_wait3A_425 = tpu.memref_slice %arg16[%run_scoped3A_405, %dma_wait3A_424] : memref<64x128xf32, #tpu.memory_space<vmem>> -> memref<1x128xf32, #tpu.memory_space<vmem>>
      %dma_wait3A_426 = tpu.memref_squeeze %dma_wait3A_425 : memref<1x128xf32, #tpu.memory_space<vmem>> -> memref<128xf32, #tpu.memory_space<vmem>>
      %dma_wait3A_427 = tpu.memref_slice %arg20[%add3A_404] : memref<10112xf32, #tpu.memory_space<vmem_shared>> -> memref<128xf32, #tpu.memory_space<vmem_shared>>
      tpu.wait_dma2 semaphore(%run_scoped3A_411 : memref<!tpu.dma_semaphore, #tpu.memory_space<semaphore_mem>>) src(%dma_wait3A_427 : memref<128xf32, #tpu.memory_space<vmem_shared>>) dst(%dma_wait3A_426 : memref<128xf32, #tpu.memory_space<vmem>>)
      tpu.yield
    }) : () -> ()
    %run_scoped3A_406 = arith.constant 0 : i32
    "tpu.region"() ({
      %run_scoped3A_411 = tpu.sem_alloc : memref<!tpu.dma_semaphore, #tpu.memory_space<semaphore_mem>>
      %dma_start3A_412 = arith.constant 0 : i32
      %dma_start3A_413 = tpu.memref_slice %arg16[%run_scoped3A_406, %dma_start3A_412] : memref<64x128xf32, #tpu.memory_space<vmem>> -> memref<1x128xf32, #tpu.memory_space<vmem>>
      %dma_start3A_414 = tpu.memref_squeeze %dma_start3A_413 : memref<1x128xf32, #tpu.memory_space<vmem>> -> memref<128xf32, #tpu.memory_space<vmem>>
      %dma_start3A_415 = tpu.memref_slice %arg7[%arg0, %add3A_404] : memref<2x10112xf32, #tpu.memory_space<hbm>> -> memref<1x128xf32, #tpu.memory_space<hbm>>
      %dma_start3A_416 = tpu.memref_squeeze %dma_start3A_415 : memref<1x128xf32, #tpu.memory_space<hbm>> -> memref<128xf32, #tpu.memory_space<hbm>>
      %dma_start3A_417 = tpu.memref_slice %arg7[%arg0, %add3A_404] : memref<2x10112xf32, #tpu.memory_space<hbm>> -> memref<1x128xf32, #tpu.memory_space<hbm>>
      %dma_start3A_418 = tpu.memref_squeeze %dma_start3A_417 : memref<1x128xf32, #tpu.memory_space<hbm>> -> memref<128xf32, #tpu.memory_space<hbm>>
      %dma_start3A_419 = arith.constant 0 : i32
      %dma_start3A_420 = tpu.memref_slice %arg16[%run_scoped3A_406, %dma_start3A_419] : memref<64x128xf32, #tpu.memory_space<vmem>> -> memref<1x128xf32, #tpu.memory_space<vmem>>
      %dma_start3A_421 = tpu.memref_squeeze %dma_start3A_420 : memref<1x128xf32, #tpu.memory_space<vmem>> -> memref<128xf32, #tpu.memory_space<vmem>>
      tpu.enqueue_dma source(%dma_start3A_421 : memref<128xf32, #tpu.memory_space<vmem>>) target(%dma_start3A_418 : memref<128xf32, #tpu.memory_space<hbm>>) target_semaphore(%run_scoped3A_411 : memref<!tpu.dma_semaphore, #tpu.memory_space<semaphore_mem>>)
      %dma_wait3A_422 = arith.constant 0 : i32
      %dma_wait3A_423 = tpu.memref_slice %arg16[%run_scoped3A_406, %dma_wait3A_422] : memref<64x128xf32, #tpu.memory_space<vmem>> -> memref<1x128xf32, #tpu.memory_space<vmem>>
      %dma_wait3A_424 = tpu.memref_squeeze %dma_wait3A_423 : memref<1x128xf32, #tpu.memory_space<vmem>> -> memref<128xf32, #tpu.memory_space<vmem>>
      %dma_wait3A_425 = tpu.memref_slice %arg7[%arg0, %add3A_404] : memref<2x10112xf32, #tpu.memory_space<hbm>> -> memref<1x128xf32, #tpu.memory_space<hbm>>
      %dma_wait3A_426 = tpu.memref_squeeze %dma_wait3A_425 : memref<1x128xf32, #tpu.memory_space<hbm>> -> memref<128xf32, #tpu.memory_space<hbm>>
      %dma_wait3A_427 = tpu.memref_slice %arg7[%arg0, %add3A_404] : memref<2x10112xf32, #tpu.memory_space<hbm>> -> memref<1x128xf32, #tpu.memory_space<hbm>>
      %dma_wait3A_428 = tpu.memref_squeeze %dma_wait3A_427 : memref<1x128xf32, #tpu.memory_space<hbm>> -> memref<128xf32, #tpu.memory_space<hbm>>
      %dma_wait3A_429 = arith.constant 0 : i32
      %dma_wait3A_430 = tpu.memref_slice %arg16[%run_scoped3A_406, %dma_wait3A_429] : memref<64x128xf32, #tpu.memory_space<vmem>> -> memref<1x128xf32, #tpu.memory_space<vmem>>
      %dma_wait3A_431 = tpu.memref_squeeze %dma_wait3A_430 : memref<1x128xf32, #tpu.memory_space<vmem>> -> memref<128xf32, #tpu.memory_space<vmem>>
      tpu.wait_dma2 semaphore(%run_scoped3A_411 : memref<!tpu.dma_semaphore, #tpu.memory_space<semaphore_mem>>) src(%dma_wait3A_431 : memref<128xf32, #tpu.memory_space<vmem>>) dst(%dma_wait3A_428 : memref<128xf32, #tpu.memory_space<hbm>>)
      tpu.yield
    }) : () -> ()
    %add3A_407 = arith.constant 512 : i32
    %add3A_408 = arith.addi %mul3A_15, %add3A_407 : i32
    %run_scoped3A_409 = arith.constant 0 : i32
    "tpu.region"() ({
      %run_scoped3A_411 = tpu.sem_alloc : memref<!tpu.dma_semaphore, #tpu.memory_space<semaphore_mem>>
      %dma_start3A_412 = arith.constant 0 : i32
      %dma_start3A_413 = tpu.memref_slice %arg16[%run_scoped3A_409, %dma_start3A_412] : memref<64x128xf32, #tpu.memory_space<vmem>> -> memref<1x120xf32, #tpu.memory_space<vmem>>
      %dma_start3A_414 = tpu.memref_squeeze %dma_start3A_413 : memref<1x120xf32, #tpu.memory_space<vmem>> -> memref<120xf32, #tpu.memory_space<vmem>>
      %dma_start3A_415 = tpu.memref_slice %arg20[%add3A_408] : memref<10112xf32, #tpu.memory_space<vmem_shared>> -> memref<120xf32, #tpu.memory_space<vmem_shared>>
      %dma_start3A_416 = arith.constant 0 : i32
      %dma_start3A_417 = tpu.memref_slice %arg16[%run_scoped3A_409, %dma_start3A_416] : memref<64x128xf32, #tpu.memory_space<vmem>> -> memref<1x120xf32, #tpu.memory_space<vmem>>
      %dma_start3A_418 = tpu.memref_squeeze %dma_start3A_417 : memref<1x120xf32, #tpu.memory_space<vmem>> -> memref<120xf32, #tpu.memory_space<vmem>>
      %dma_start3A_419 = tpu.memref_slice %arg20[%add3A_408] : memref<10112xf32, #tpu.memory_space<vmem_shared>> -> memref<120xf32, #tpu.memory_space<vmem_shared>>
      tpu.enqueue_dma source(%dma_start3A_419 : memref<120xf32, #tpu.memory_space<vmem_shared>>) target(%dma_start3A_418 : memref<120xf32, #tpu.memory_space<vmem>>) target_semaphore(%run_scoped3A_411 : memref<!tpu.dma_semaphore, #tpu.memory_space<semaphore_mem>>)
      %dma_wait3A_420 = arith.constant 0 : i32
      %dma_wait3A_421 = tpu.memref_slice %arg16[%run_scoped3A_409, %dma_wait3A_420] : memref<64x128xf32, #tpu.memory_space<vmem>> -> memref<1x120xf32, #tpu.memory_space<vmem>>
      %dma_wait3A_422 = tpu.memref_squeeze %dma_wait3A_421 : memref<1x120xf32, #tpu.memory_space<vmem>> -> memref<120xf32, #tpu.memory_space<vmem>>
      %dma_wait3A_423 = tpu.memref_slice %arg20[%add3A_408] : memref<10112xf32, #tpu.memory_space<vmem_shared>> -> memref<120xf32, #tpu.memory_space<vmem_shared>>
      %dma_wait3A_424 = arith.constant 0 : i32
      %dma_wait3A_425 = tpu.memref_slice %arg16[%run_scoped3A_409, %dma_wait3A_424] : memref<64x128xf32, #tpu.memory_space<vmem>> -> memref<1x120xf32, #tpu.memory_space<vmem>>
      %dma_wait3A_426 = tpu.memref_squeeze %dma_wait3A_425 : memref<1x120xf32, #tpu.memory_space<vmem>> -> memref<120xf32, #tpu.memory_space<vmem>>
      %dma_wait3A_427 = tpu.memref_slice %arg20[%add3A_408] : memref<10112xf32, #tpu.memory_space<vmem_shared>> -> memref<120xf32, #tpu.memory_space<vmem_shared>>
      tpu.wait_dma2 semaphore(%run_scoped3A_411 : memref<!tpu.dma_semaphore, #tpu.memory_space<semaphore_mem>>) src(%dma_wait3A_427 : memref<120xf32, #tpu.memory_space<vmem_shared>>) dst(%dma_wait3A_426 : memref<120xf32, #tpu.memory_space<vmem>>)
      tpu.yield
    }) : () -> ()
    %run_scoped3A_410 = arith.constant 0 : i32
    "tpu.region"() ({
      %run_scoped3A_411 = tpu.sem_alloc : memref<!tpu.dma_semaphore, #tpu.memory_space<semaphore_mem>>
      %dma_start3A_412 = arith.constant 0 : i32
      %dma_start3A_413 = tpu.memref_slice %arg16[%run_scoped3A_410, %dma_start3A_412] : memref<64x128xf32, #tpu.memory_space<vmem>> -> memref<1x120xf32, #tpu.memory_space<vmem>>
      %dma_start3A_414 = tpu.memref_squeeze %dma_start3A_413 : memref<1x120xf32, #tpu.memory_space<vmem>> -> memref<120xf32, #tpu.memory_space<vmem>>
      %dma_start3A_415 = tpu.memref_slice %arg7[%arg0, %add3A_408] : memref<2x10112xf32, #tpu.memory_space<hbm>> -> memref<1x120xf32, #tpu.memory_space<hbm>>
      %dma_start3A_416 = tpu.memref_squeeze %dma_start3A_415 : memref<1x120xf32, #tpu.memory_space<hbm>> -> memref<120xf32, #tpu.memory_space<hbm>>
      %dma_start3A_417 = tpu.memref_slice %arg7[%arg0, %add3A_408] : memref<2x10112xf32, #tpu.memory_space<hbm>> -> memref<1x120xf32, #tpu.memory_space<hbm>>
      %dma_start3A_418 = tpu.memref_squeeze %dma_start3A_417 : memref<1x120xf32, #tpu.memory_space<hbm>> -> memref<120xf32, #tpu.memory_space<hbm>>
      %dma_start3A_419 = arith.constant 0 : i32
      %dma_start3A_420 = tpu.memref_slice %arg16[%run_scoped3A_410, %dma_start3A_419] : memref<64x128xf32, #tpu.memory_space<vmem>> -> memref<1x120xf32, #tpu.memory_space<vmem>>
      %dma_start3A_421 = tpu.memref_squeeze %dma_start3A_420 : memref<1x120xf32, #tpu.memory_space<vmem>> -> memref<120xf32, #tpu.memory_space<vmem>>
      tpu.enqueue_dma source(%dma_start3A_421 : memref<120xf32, #tpu.memory_space<vmem>>) target(%dma_start3A_418 : memref<120xf32, #tpu.memory_space<hbm>>) target_semaphore(%run_scoped3A_411 : memref<!tpu.dma_semaphore, #tpu.memory_space<semaphore_mem>>)
      %dma_wait3A_422 = arith.constant 0 : i32
      %dma_wait3A_423 = tpu.memref_slice %arg16[%run_scoped3A_410, %dma_wait3A_422] : memref<64x128xf32, #tpu.memory_space<vmem>> -> memref<1x120xf32, #tpu.memory_space<vmem>>
      %dma_wait3A_424 = tpu.memref_squeeze %dma_wait3A_423 : memref<1x120xf32, #tpu.memory_space<vmem>> -> memref<120xf32, #tpu.memory_space<vmem>>
      %dma_wait3A_425 = tpu.memref_slice %arg7[%arg0, %add3A_408] : memref<2x10112xf32, #tpu.memory_space<hbm>> -> memref<1x120xf32, #tpu.memory_space<hbm>>
      %dma_wait3A_426 = tpu.memref_squeeze %dma_wait3A_425 : memref<1x120xf32, #tpu.memory_space<hbm>> -> memref<120xf32, #tpu.memory_space<hbm>>
      %dma_wait3A_427 = tpu.memref_slice %arg7[%arg0, %add3A_408] : memref<2x10112xf32, #tpu.memory_space<hbm>> -> memref<1x120xf32, #tpu.memory_space<hbm>>
      %dma_wait3A_428 = tpu.memref_squeeze %dma_wait3A_427 : memref<1x120xf32, #tpu.memory_space<hbm>> -> memref<120xf32, #tpu.memory_space<hbm>>
      %dma_wait3A_429 = arith.constant 0 : i32
      %dma_wait3A_430 = tpu.memref_slice %arg16[%run_scoped3A_410, %dma_wait3A_429] : memref<64x128xf32, #tpu.memory_space<vmem>> -> memref<1x120xf32, #tpu.memory_space<vmem>>
      %dma_wait3A_431 = tpu.memref_squeeze %dma_wait3A_430 : memref<1x120xf32, #tpu.memory_space<vmem>> -> memref<120xf32, #tpu.memory_space<vmem>>
      tpu.wait_dma2 semaphore(%run_scoped3A_411 : memref<!tpu.dma_semaphore, #tpu.memory_space<semaphore_mem>>) src(%dma_wait3A_431 : memref<120xf32, #tpu.memory_space<vmem>>) dst(%dma_wait3A_428 : memref<120xf32, #tpu.memory_space<hbm>>)
      tpu.yield
    }) : () -> ()
    return
  }
}

module attributes {stable_mosaic.version = 14 : i64} {
  func.func @_prep_body(%arg0: i32, %arg1: memref<1024x128xf32, #tpu.memory_space<vmem>>, %arg2: memref<128x128xf32, #tpu.memory_space<vmem>>, %arg3: memref<128xf32, #tpu.memory_space<vmem>>, %arg4: memref<128xf32, #tpu.memory_space<vmem>>, %arg5: memref<1024x128xf32, #tpu.memory_space<vmem>>, %arg6: memref<1024xf32, #tpu.memory_space<vmem>>, %arg7: memref<1024xf32, #tpu.memory_space<vmem>>) attributes {dimension_semantics = [#tpu.dimension_semantics<arbitrary>], iteration_bounds = array<i64: 10>, scalar_prefetch = 0 : i64, scratch_operands = 0 : i64, tpu.core_type = #tpu.core_type<tc>, window_params = [{transform_indices = @transform_0, window_bounds = array<i64: 1024, 128>}, {pipeline_mode = #tpu.pipeline_mode<synchronous>, transform_indices = @transform_1, window_bounds = array<i64: 128, 128>}, {pipeline_mode = #tpu.pipeline_mode<synchronous>, transform_indices = @transform_2, window_bounds = array<i64: 128>}, {pipeline_mode = #tpu.pipeline_mode<synchronous>, transform_indices = @transform_3, window_bounds = array<i64: 128>}, {transform_indices = @transform_4, window_bounds = array<i64: 1024, 128>}, {transform_indices = @transform_5, window_bounds = array<i64: 1024>}, {transform_indices = @transform_6, window_bounds = array<i64: 1024>}]} {
    %get3A = arith.constant 0 : index
    %get3A_0 = arith.constant 0 : index
    %get3A_1 = vector.load %arg1[%get3A, %get3A_0] : memref<1024x128xf32, #tpu.memory_space<vmem>>, vector<1024x128xf32>
    %get3A_2 = arith.constant 0 : index
    %get3A_3 = arith.constant 0 : index
    %get3A_4 = vector.load %arg2[%get3A_2, %get3A_3] : memref<128x128xf32, #tpu.memory_space<vmem>>, vector<128x128xf32>
    %dot_general3A = arith.constant dense<0.000000e+00> : vector<1024x128xf32>
    %dot_general3A_5 = tpu.matmul %get3A_1, %get3A_4, %dot_general3A {dimension_numbers = #tpu.dot_dimension_numbers<[1], [0], [0], [1], [0, 0, 1, 1], [], []>, transpose_lhs_hint = false} : vector<1024x128xf32>, vector<128x128xf32>, vector<1024x128xf32> -> vector<1024x128xf32>
    %swap3A = arith.constant 0 : index
    %swap3A_6 = arith.constant 0 : index
    %swap3A_7 = vector.load %arg5[%swap3A, %swap3A_6] : memref<1024x128xf32, #tpu.memory_space<vmem>>, vector<1024x128xf32>
    tpu.vector_store %arg5[%swap3A, %swap3A_6], %dot_general3A_5 {strides = array<i32>} : memref<1024x128xf32, #tpu.memory_space<vmem>>, vector<1024x128xf32>,
    %get3A_8 = arith.constant 0 : index
    %get3A_9 = vector.load %arg3[%get3A_8] : memref<128xf32, #tpu.memory_space<vmem>>, vector<128xf32>
    %broadcast_in_dim3A = vector.shape_cast %get3A_9 : vector<128xf32> to vector<1x128xf32>
    %mul3A = vector.broadcast %broadcast_in_dim3A : vector<1x128xf32> to vector<1024x128xf32>
    %mul3A_10 = arith.mulf %dot_general3A_5, %mul3A : vector<1024x128xf32>
    %reduce_sum3A = arith.constant dense<0.000000e+00> : vector<1024xf32>
    %reduce_sum3A_11 = vector.multi_reduction <add>, %mul3A_10, %reduce_sum3A [1] : vector<1024x128xf32> to vector<1024xf32>
    %swap3A_12 = arith.constant 0 : index
    %swap3A_13 = vector.load %arg6[%swap3A_12] : memref<1024xf32, #tpu.memory_space<vmem>>, vector<1024xf32>
    tpu.vector_store %arg6[%swap3A_12], %reduce_sum3A_11 {strides = array<i32>} : memref<1024xf32, #tpu.memory_space<vmem>>, vector<1024xf32>,
    %get3A_14 = arith.constant 0 : index
    %get3A_15 = vector.load %arg4[%get3A_14] : memref<128xf32, #tpu.memory_space<vmem>>, vector<128xf32>
    %broadcast_in_dim3A_16 = vector.shape_cast %get3A_15 : vector<128xf32> to vector<1x128xf32>
    %mul3A_17 = vector.broadcast %broadcast_in_dim3A_16 : vector<1x128xf32> to vector<1024x128xf32>
    %mul3A_18 = arith.mulf %dot_general3A_5, %mul3A_17 : vector<1024x128xf32>
    %reduce_sum3A_19 = arith.constant dense<0.000000e+00> : vector<1024xf32>
    %reduce_sum3A_20 = vector.multi_reduction <add>, %mul3A_18, %reduce_sum3A_19 [1] : vector<1024x128xf32> to vector<1024xf32>
    %swap3A_21 = arith.constant 0 : index
    %swap3A_22 = vector.load %arg7[%swap3A_21] : memref<1024xf32, #tpu.memory_space<vmem>>, vector<1024xf32>
    tpu.vector_store %arg7[%swap3A_21], %reduce_sum3A_20 {strides = array<i32>} : memref<1024xf32, #tpu.memory_space<vmem>>, vector<1024xf32>,
    return
  }
  func.func @transform_0(%arg0: i32) -> (i32, i32) {
    %c0_i32 = arith.constant 0 : i32
    %c0_i32_0 = arith.constant 0 : i32
    return %arg0, %c0_i32 : i32, i32
  }
  func.func @transform_1(%arg0: i32) -> (i32, i32) {
    %c0_i32 = arith.constant 0 : i32
    %c0_i32_0 = arith.constant 0 : i32
    %c0_i32_1 = arith.constant 0 : i32
    return %c0_i32, %c0_i32_0 : i32, i32
  }
  func.func @transform_2(%arg0: i32) -> i32 {
    %c0_i32 = arith.constant 0 : i32
    %c0_i32_0 = arith.constant 0 : i32
    return %c0_i32 : i32
  }
  func.func @transform_3(%arg0: i32) -> i32 {
    %c0_i32 = arith.constant 0 : i32
    %c0_i32_0 = arith.constant 0 : i32
    return %c0_i32 : i32
  }
  func.func @transform_4(%arg0: i32) -> (i32, i32) {
    %c0_i32 = arith.constant 0 : i32
    %c0_i32_0 = arith.constant 0 : i32
    return %arg0, %c0_i32 : i32, i32
  }
  func.func @transform_5(%arg0: i32) -> i32 {
    %c0_i32 = arith.constant 0 : i32
    return %arg0 : i32
  }
  func.func @transform_6(%arg0: i32) -> i32 {
    %c0_i32 = arith.constant 0 : i32
    return %arg0 : i32
  }
}

module attributes {stable_mosaic.version = 14 : i64} {
  func.func @_combine_body(%arg0: i32, %arg1: memref<1024x128xf32, #tpu.memory_space<vmem>>, %arg2: memref<1024x128xf32, #tpu.memory_space<vmem>>, %arg3: memref<1024xf32, #tpu.memory_space<vmem>>, %arg4: memref<1024xf32, #tpu.memory_space<vmem>>, %arg5: memref<1024xf32, #tpu.memory_space<vmem>>, %arg6: memref<1024xf32, #tpu.memory_space<vmem>>, %arg7: memref<1024x128xf32, #tpu.memory_space<vmem>>, %arg8: memref<128xf32, #tpu.memory_space<vmem>>, %arg9: memref<1024x128xf32, #tpu.memory_space<vmem>>) attributes {dimension_semantics = [#tpu.dimension_semantics<arbitrary>], iteration_bounds = array<i64: 10>, scalar_prefetch = 0 : i64, scratch_operands = 0 : i64, tpu.core_type = #tpu.core_type<tc>, window_params = [{transform_indices = @transform_0, window_bounds = array<i64: 1024, 128>}, {transform_indices = @transform_1, window_bounds = array<i64: 1024, 128>}, {transform_indices = @transform_2, window_bounds = array<i64: 1024>}, {transform_indices = @transform_3, window_bounds = array<i64: 1024>}, {transform_indices = @transform_4, window_bounds = array<i64: 1024>}, {transform_indices = @transform_5, window_bounds = array<i64: 1024>}, {transform_indices = @transform_6, window_bounds = array<i64: 1024, 128>}, {pipeline_mode = #tpu.pipeline_mode<synchronous>, transform_indices = @transform_7, window_bounds = array<i64: 128>}, {transform_indices = @transform_8, window_bounds = array<i64: 1024, 128>}]} {
    %get3A = arith.constant 0 : index
    %get3A_0 = vector.load %arg5[%get3A] : memref<1024xf32, #tpu.memory_space<vmem>>, vector<1024xf32>
    %get3A_1 = arith.constant 0 : index
    %get3A_2 = vector.load %arg6[%get3A_1] : memref<1024xf32, #tpu.memory_space<vmem>>, vector<1024xf32>
    %add3A = arith.addf %get3A_0, %get3A_2 : vector<1024xf32>
    %ge3A = arith.constant 0.000000e+00 : f32
    %ge3A_3 = vector.broadcast %ge3A : f32 to vector<1024xf32>
    %ge3A_4 = arith.cmpf oge, %add3A, %ge3A_3 : vector<1024xf32>
    %mul3A = arith.constant 2.000000e-01 : f32
    %mul3A_5 = vector.broadcast %mul3A : f32 to vector<1024xf32>
    %mul3A_6 = arith.mulf %mul3A_5, %add3A : vector<1024xf32>
    %select_n3A = arith.select %ge3A_4, %add3A, %mul3A_6 : vector<1024xi1>, vector<1024xf32>
    %exp3A = math.exp %select_n3A : vector<1024xf32>
    %get3A_7 = arith.constant 0 : index
    %get3A_8 = vector.load %arg3[%get3A_7] : memref<1024xf32, #tpu.memory_space<vmem>>, vector<1024xf32>
    %get3A_9 = arith.constant 0 : index
    %get3A_10 = vector.load %arg4[%get3A_9] : memref<1024xf32, #tpu.memory_space<vmem>>, vector<1024xf32>
    %add3A_11 = arith.addf %get3A_8, %get3A_10 : vector<1024xf32>
    %add3A_12 = arith.addf %add3A_11, %exp3A : vector<1024xf32>
    %get3A_13 = arith.constant 0 : index
    %get3A_14 = arith.constant 0 : index
    %get3A_15 = vector.load %arg1[%get3A_13, %get3A_14] : memref<1024x128xf32, #tpu.memory_space<vmem>>, vector<1024x128xf32>
    %get3A_16 = arith.constant 0 : index
    %get3A_17 = arith.constant 0 : index
    %get3A_18 = vector.load %arg2[%get3A_16, %get3A_17] : memref<1024x128xf32, #tpu.memory_space<vmem>>, vector<1024x128xf32>
    %add3A_19 = arith.addf %get3A_15, %get3A_18 : vector<1024x128xf32>
    %broadcast_in_dim3A = vector.shape_cast %exp3A : vector<1024xf32> to vector<1024x1xf32>
    %get3A_20 = arith.constant 0 : index
    %get3A_21 = arith.constant 0 : index
    %get3A_22 = vector.load %arg7[%get3A_20, %get3A_21] : memref<1024x128xf32, #tpu.memory_space<vmem>>, vector<1024x128xf32>
    %mul3A_23 = vector.broadcast %broadcast_in_dim3A : vector<1024x1xf32> to vector<1024x128xf32>
    %mul3A_24 = arith.mulf %mul3A_23, %get3A_22 : vector<1024x128xf32>
    %add3A_25 = arith.addf %add3A_19, %mul3A_24 : vector<1024x128xf32>
    %broadcast_in_dim3A_26 = vector.shape_cast %add3A_12 : vector<1024xf32> to vector<1024x1xf32>
    %add3A_27 = arith.constant 1.000000e-16 : f32
    %add3A_28 = vector.broadcast %add3A_27 : f32 to vector<1024x1xf32>
    %add3A_29 = arith.addf %broadcast_in_dim3A_26, %add3A_28 : vector<1024x1xf32>
    %div3A = vector.broadcast %add3A_29 : vector<1024x1xf32> to vector<1024x128xf32>
    %div3A_30 = arith.divf %add3A_25, %div3A : vector<1024x128xf32>
    %get3A_31 = arith.constant 0 : index
    %get3A_32 = vector.load %arg8[%get3A_31] : memref<128xf32, #tpu.memory_space<vmem>>, vector<128xf32>
    %broadcast_in_dim3A_33 = vector.shape_cast %get3A_32 : vector<128xf32> to vector<1x128xf32>
    %add3A_34 = vector.broadcast %broadcast_in_dim3A_33 : vector<1x128xf32> to vector<1024x128xf32>
    %add3A_35 = arith.addf %div3A_30, %add3A_34 : vector<1024x128xf32>
    %swap3A = arith.constant 0 : index
    %swap3A_36 = arith.constant 0 : index
    %swap3A_37 = vector.load %arg9[%swap3A, %swap3A_36] : memref<1024x128xf32, #tpu.memory_space<vmem>>, vector<1024x128xf32>
    tpu.vector_store %arg9[%swap3A, %swap3A_36], %add3A_35 {strides = array<i32>} : memref<1024x128xf32, #tpu.memory_space<vmem>>, vector<1024x128xf32>,
    return
  }
  func.func @transform_0(%arg0: i32) -> (i32, i32) {
    %c0_i32 = arith.constant 0 : i32
    %c0_i32_0 = arith.constant 0 : i32
    return %arg0, %c0_i32 : i32, i32
  }
  func.func @transform_1(%arg0: i32) -> (i32, i32) {
    %c0_i32 = arith.constant 0 : i32
    %c0_i32_0 = arith.constant 0 : i32
    return %arg0, %c0_i32 : i32, i32
  }
  func.func @transform_2(%arg0: i32) -> i32 {
    %c0_i32 = arith.constant 0 : i32
    return %arg0 : i32
  }
  func.func @transform_3(%arg0: i32) -> i32 {
    %c0_i32 = arith.constant 0 : i32
    return %arg0 : i32
  }
  func.func @transform_4(%arg0: i32) -> i32 {
    %c0_i32 = arith.constant 0 : i32
    return %arg0 : i32
  }
  func.func @transform_5(%arg0: i32) -> i32 {
    %c0_i32 = arith.constant 0 : i32
    return %arg0 : i32
  }
  func.func @transform_6(%arg0: i32) -> (i32, i32) {
    %c0_i32 = arith.constant 0 : i32
    %c0_i32_0 = arith.constant 0 : i32
    return %arg0, %c0_i32 : i32, i32
  }
  func.func @transform_7(%arg0: i32) -> i32 {
    %c0_i32 = arith.constant 0 : i32
    %c0_i32_0 = arith.constant 0 : i32
    return %c0_i32 : i32
  }
  func.func @transform_8(%arg0: i32) -> (i32, i32) {
    %c0_i32 = arith.constant 0 : i32
    %c0_i32_0 = arith.constant 0 : i32
    return %arg0, %c0_i32 : i32, i32
  }
}

</mosaic_0001>

<sc_bundles>
// kernel: kernel.5.cloned.1.call-start
scs
__scs_entry_jumppad:
0x0: {  	(pc) =	sbr.rel $0x88, $3  }
0x1: {  	(tag) =	ssettag $0x0;
	lr =	simm.s32 $0x1  }
0x2: {  	[smem:$0x3F9A] =	sst lr;
	_ =	strace $0xD0000000  }
0x3: {  	_ = 	snop  }
0x4: {  	_ = 	snop  }
0x5: {  	_ = 	snop  }
0x6: {  	_ = 	snop  }
0x7: {  	_ = 	snop  }
__scs_overlays_trampoline_lowered:
0x8: {  	[smem:$0x3FA9] =	sst s0  }
0x9: {  	[smem:$0x3FAA] =	sst s1  }
0xa: {  	[smem:$0x3FAB] =	sst s2  }
0xb: {  	[smem:$0x3FAC] =	sst s3  }
0xc: {  	[smem:$0x3FAD] =	sst s4  }
0xd: {  	[smem:$0x3FAE] =	sst s5  }
0xe: {  	[smem:$0x3FAF] =	sst s6  }
0xf: {  	[smem:$0x3FB0] =	sst s7  }
0x10: {  	[smem:$0x3FB1] =	sst s8  }
0x11: {  	[smem:$0x3FB2] =	sst s9;
	s0 =	simm.s32 @!p0 $0x0  }
0x12: {  	s1 =	sld [smem:$0x3F98];
	s0 =	simm.s32 @p0 $0x1  }
0x13: {  	[smem:$0x3FB3] =	sst s0;
	s0 =	simm.s32 @!p1 $0x0  }
0x14: {  	s2 =	sld [smem:$0x3F97];
	s0 =	simm.s32 @p1 $0x1  }
0x15: {  	[smem:$0x3FB4] =	sst s0;
	s0 =	simm.s32 @!p2 $0x0  }
0x16: {  	s3 =	sld [smem:$0x3FDB];
	s0 =	simm.s32 @p2 $0x1  }
0x17: {  	s4 =	simm.s32 $0x1BF5;
	[smem:$0x3FB6] =	sst s0  }
0x18: {  	s0 =	sld [smem:$0x3F99];
	_ =	swait.ge [sflag:s4], $0x0  }
0x19: {  	s7 =	sld [smem:$0x3F9A]  }
0x1a: {  	s8 =	sadd.s32 $0xFFFFE003, lr  }
0x1b: {  	s9 =	sadd.s32 $0xFFFFFEF7, lr;
	s5 =	simm.s32 $0xFFFFFFFF;
	p2 =	slt.u32 s8, $0xFFFFF086  }
0x1c: {  	p1 =	slt.u32 s9, $0xF7A;
	s5 =	simm.s32 @!p2 $0x0  }
0x1d: {  	s5 =	simm.s32 @p1 $0x1;
	p0 =	seq.s32 s7, s2  }
0x1e: {  	s7 =	smul.u32 @!p0 $0xF7A, s2;
	p2 =	seq.s32 @!p0 s5, $0x0  }
0x1f: {  	s9 =	smul.u32 $0xF7A, s1;
	s8 =	simm.s32 @!p0 $0x1BF5;
	p2 =	por !p2, p0  }
0x20: {  	[sflag:s8] =	ssyncset.s32 @!p0 $0xFFFFF086;
	s6 =	sadd.s32 @!p0 s3, s7;
	s7 =	simm.s32 @!p0 $0x108  }
0x21: {  	s3 =	sadd.s32 s3, s9;
	s6 =	sadd.s32 @!p0 $0x88, s6;
	s7 =	simm.s32 @p2 $0x1082  }
0x22: {  	[simem:s7], [sflag:s8] =	dma.local @!p0 [hbm:s6], $0xF7A  }
0x23: {  	s9 =	sor.u32 $0xD0000000, s2;
	s6 =	simm.s32 $0x108;
	_ =	swait.ge @!p0 [sflag:s8], $0x0  }
0x24: {  	s3 =	sadd.s32 $0x88, s3;
	s6 =	simm.s32 @!p1 $0x1082;
	[sflag:s4] =	ssyncset.s32 $0xFFFFF086  }
0x25: {  	[simem:s6], [sflag:s4] =	dma.local [hbm:s3], $0xF7A  }
0x26: {  	[smem:$0x3F9A] =	sst s1;
	(tag) =	ssettag s2;
	_ =	strace s9  }
0x27: {  	s1 =	sld [smem:$0x3FAA]  }
0x28: {  	s2 =	sld [smem:$0x3FAB]  }
0x29: {  	s4 =	sld [smem:$0x3FAD]  }
0x2a: {  	p0 =	seq.s32 s5, $0x0;
	s5 =	sld [smem:$0x3FAE]  }
0x2b: {  	s6 =	sld [smem:$0x3FAF]  }
0x2c: {  	s7 =	sld [smem:$0x3FB0]  }
0x2d: {  	s3 =	simm.s32 $0x108;
	s8 =	sld [smem:$0x3FB1]  }
0x2e: {  	s3 =	simm.s32 @!p0 $0x1082;
	s9 =	sld [smem:$0x3FB2]  }
0x2f: {  	lr =	sadd.s32 s0, s3;
	s0 =	sld [smem:$0x3FA9]  }
0x30: {  	s3 =	sld [smem:$0x3FAC]  }
0x31: {  	[smem:$0x3FB5] =	sst s10  }
0x32: {  	s10 =	sld [smem:$0x3FB3];
	_ =	sdelay $0x3  }
0x33: {  	p0 =	seq.s32 s10, $0x1;
	s10 =	sld [smem:$0x3FB5];
	_ =	sdelay $0x3  }
0x34: {  	[smem:$0x3FB5] =	sst s10  }
0x35: {  	s10 =	sld [smem:$0x3FB4];
	_ =	sdelay $0x3  }
0x36: {  	p1 =	seq.s32 s10, $0x1;
	s10 =	sld [smem:$0x3FB5];
	_ =	sdelay $0x3  }
0x37: {  	[smem:$0x3FB5] =	sst s10  }
0x38: {  	s10 =	sld [smem:$0x3FB6]  }
0x39: {  	_ = 	snop;
	(pc) =	sbr.ind lr, $3  }
0x3a: {  	_ = 	snop  }
0x3b: {  	_ = 	snop  }
0x3c: {  	p2 =	seq.s32 s10, $0x1;
	s10 =	sld [smem:$0x3FB5]  }
0x3d: {  	_ =	shalt  }
0x3e: {  	_ =	shalt  }
0x3f: {  	_ =	shalt  }
0x40: {  	_ =	shalt  }
0x41: {  	_ =	shalt  }
0x42: {  	_ =	shalt  }
0x43: {  	_ =	shalt  }
0x44: {  	_ =	shalt  }
0x45: {  	_ =	shalt  }
0x46: {  	_ =	shalt  }
0x47: {  	_ =	shalt  }
0x48: {  	_ =	shalt  }
0x49: {  	_ =	shalt  }
0x4a: {  	_ =	shalt  }
0x4b: {  	_ =	shalt  }
0x4c: {  	_ =	shalt  }
0x4d: {  	_ =	shalt  }
0x4e: {  	_ =	shalt  }
0x4f: {  	_ =	shalt  }
0x50: {  	_ =	shalt  }
0x51: {  	_ =	shalt  }
0x52: {  	_ =	shalt  }
0x53: {  	_ =	shalt  }
0x54: {  	_ =	shalt  }
0x55: {  	_ =	shalt  }
0x56: {  	_ =	shalt  }
0x57: {  	_ =	shalt  }
0x58: {  	_ =	shalt  }
0x59: {  	_ =	shalt  }
0x5a: {  	_ =	shalt  }
0x5b: {  	_ =	shalt  }
0x5c: {  	_ =	shalt  }
0x5d: {  	_ =	shalt  }
0x5e: {  	_ =	shalt  }
0x5f: {  	_ =	shalt  }
0x60: {  	_ =	shalt  }
0x61: {  	_ =	shalt  }
0x62: {  	_ =	shalt  }
0x63: {  	_ =	shalt  }
0x64: {  	_ =	shalt  }
0x65: {  	_ =	shalt  }
0x66: {  	_ =	shalt  }
0x67: {  	_ =	shalt  }
0x68: {  	_ =	shalt  }
0x69: {  	_ =	shalt  }
0x6a: {  	_ =	shalt  }
0x6b: {  	_ =	shalt  }
0x6c: {  	_ =	shalt  }
0x6d: {  	_ =	shalt  }
0x6e: {  	_ =	shalt  }
0x6f: {  	_ =	shalt  }
0x70: {  	_ =	shalt  }
0x71: {  	_ =	shalt  }
0x72: {  	_ =	shalt  }
0x73: {  	_ =	shalt  }
0x74: {  	_ =	shalt  }
0x75: {  	_ =	shalt  }
0x76: {  	_ =	shalt  }
0x77: {  	_ =	shalt  }
0x78: {  	_ =	shalt  }
0x79: {  	_ =	shalt  }
0x7a: {  	_ =	shalt  }
0x7b: {  	_ =	shalt  }
0x7c: {  	_ =	shalt  }
0x7d: {  	_ =	shalt  }
0x7e: {  	_ =	shalt  }
0x7f: {  	_ =	shalt  }
0x80: {  	_ =	shalt  }
0x81: {  	_ =	shalt  }
0x82: {  	_ =	shalt  }
0x83: {  	_ =	shalt  }
0x84: {  	_ =	shalt  }
0x85: {  	_ =	shalt  }
0x86: {  	_ =	shalt  }
0x87: {  	_ =	shalt  }
.Lfunc_end0:
.L_simem_size_0:
called_computation_lowered:
.L_overlay_start_0:
0x88: {  	s2 =	sld [smem:$0x3FD9]  }
0x89: {  	s3 =	sld [smem:$0x3FFE];
	_ =	sdelay $0x1  }
0x8a: {  	s1 =	srdreg.scid  }
0x8b: {  	s0 =	sand.u32 $0x1, s1  }
0x8c: {  	s17 =	sshll.u32 s0, $0xA;
	s2 =	sadd.s32 s3, s2  }
0x8d: {  	s2 =	sadd.s32 s2, s17  }
0x8e: {  	[smem:$0x3FC1] =	sst s2  }
0x8f: {  	_ = 	snop  }
0x90: {  	s2 =	sld [smem:$0x3FD0];
	(tm) =	ssettm $0x1  }
0x91: {  	s18 =	sld [smem:$0x3FFB];
	_ =	sdelay $0x3  }
0x92: {  	_ =	strace s18  }
0x93: {  	s3 =	sld [smem:$0x3FFC];
	_ =	sdelay $0x3  }
0x94: {  	_ =	strace s3  }
0x95: {  	s3 =	sld [smem:$0x3FFD];
	_ =	sdelay $0x3  }
0x96: {  	_ =	strace s3  }
0x97: {  	_ =	strace $0x8FFFFFFF  }
0x98: {  	s19 =	sld [smem:$0x3FDB];
	_ =	sdelay $0x1  }
0x99: {  	s4 =	simm.s32 $_scs_section_size  }
0x9a: {  	s5 =	simm.s32 $_size__tile_overlayer_lowered;
	s6 =	simm.s32 $_tile_overlayer_lowered  }
0x9b: {  	s22 =	simm.s32 $0x1BFF;
	s21 =	sshll.u32 s6, $0x1;
	s3 =	sadd.s32 s4, s19  }
0x9c: {  	s7 =	simm.s32 $0x0;
	s20 =	sshll.u32 s5, $0x1;
	s5 =	sadd.s32 s21, s3  }
0x9d: {  	[timem:s7], [sflag:s22] =	dma.local [hbm:s5], s20  }
0x9e: {  	_ =	swait.ge [sflag:s22], s20  }
0x9f: {  	s4 =	ssub.s32 $0x0, s20;
	[sflag:s22] =	ssyncset.done $0x0  }
0xa0: {  	[sflag:s22] =	ssyncadd.s32 s4;
	_ =	sdelay $0x1  }
0xa1: {  	s23 =	simm.s32 $0x1B8B  }
0xa2: {  	_ =	swait.ge [sflag:s23], $0x1  }
0xa3: {  	[sflag:s23] =	ssyncset.done $0x0  }
0xa4: {  	s25 =	simm.s32 $0x1B8E;
	s24 =	sld [smem:$0x3FFE];
	[sflag:s23] =	ssyncadd.s32 $0xFFFFFFFF  }
0xa5: {  	s26 =	simm.s32 $execute0_lowered;
	[smem:$0x3FD2] =	sst s25  }
0xa6: {  	s5 =	sshll.u32 s26, $0x1;
	_ =	strace $0x80000046;
	[dreg:$0x1] =	wrdreg $0xFFFFFFFF  }
0xa7: {  	s28 =	simm.s32 $_size_execute0_lowered;
	s3 =	sadd.s32 s3, s5;
	[dreg:$0x0] =	wrdreg $0x0  }
0xa8: {  	s5 =	sshll.u32 s28, $0x1;
	[dreg:$0x2] =	wrdreg s3  }
0xa9: {  	[dreg:$0x3] =	wrdreg s5  }
0xaa: {  	[dreg:$0x4] =	wrdreg $0xC0  }
0xab: {  	_ =	task [dreg:s7], $0x5FFFF  }
0xac: {  	[dreg:$0x1] =	wrdreg $0xFFFFFFFF  }
0xad: {  	[dreg:$0x0] =	wrdreg $0x60  }
0xae: {  	[dreg:$0x2] =	wrdreg s24  }
0xaf: {  	[dreg:$0x3] =	wrdreg s2  }
0xb0: {  	[dreg:$0x4] =	wrdreg $0xB0600  }
0xb1: {  	[dreg:$0x5] =	wrdreg $0x1EC600  }
0xb2: {  	[dreg:$0x6] =	wrdreg $0x9  }
0xb3: {  	_ =	task.clear_ibuf [dreg:s7], $0x7FFFF;
	_ =	strace $0x90000046  }
0xb4: {  	s29 =	simm.s32 $0x9;
	_ =	strace $0x80000048  }
0xb5: {  	_ =	swait.ge [sflag:s29], $0x1  }
0xb6: {  	[sflag:s29] =	ssyncadd.s32 $0xFFFFFFFF  }
0xb7: {  	_ =	strace $0x90000048  }
0xb8: {  	_ =	sfence  }
0xb9: {  	s30 =	sld [smem:$0x0];
	_ =	sdelay $0x2  }
0xba: {  	s31 =	sshll.u32 s1, $0xD;
	s1 =	sshrl.u32 s1, $0x2  }
0xbb: {  	s3 =	sand.u32 $0x4000, s31;
	s1 =	sadd.s32 s1, s30  }
0xbc: {  	s0 =	sor.u32 s3, s0;
	s1 =	sshll.u32 s1, $0x11  }
0xbd: {  	s0 =	sor.u32 s1, s0  }
0xbe: {  	s0 =	sadd.s32 $0x8F2B, s0  }
0xbf: {  	[sflag:s0] =	ssyncadd.remote.s32 $0x1  }
0xc0: {  	_ =	sfence.sel $0xFFFF  }
0xc1: {  	[dreg:$0x0] =	wrdreg $0xFFFFFFFF;
	(pc) =	sbr.abs _section_cstart, $3  }
0xc2: {  	[dreg:$0x1] =	wrdreg $0xFFFFFFFF  }
0xc3: {  	_ =	task.clear_ibuf [dreg:s7], $0x2FFFF;
	_ =	strace $0x9FFFFFFF  }
0xc4: {  	(tm) =	ssettm $0x7FFFFFFF  }
0xc5: {  	_ =	shalt  }
tec
execute0_lowered:
.L_overlay_start_1:
0x0: {  	(tag) =	ssettag $0x1  }
0x1: {  	s30 =	stileid.u32  }
0x2: {  	s0 =	srdreg.scid;
	s1 =	smul.u32 $0x278, s30  }
0x3: {  	s3 =	rddreg [dreg:$0x0];
	s4 =	sand.u32 $0x1, s0;
	s10 =	smul.u32 $0x13C00, s30  }
0x4: {  	s15 =	sadd.s32 $0x2C000, s3;
	s0 =	ssub.s32 $0x2, s4;
	s17 =	smul.u32 $0x13C000, s4  }
0x5: {  	s2 =	sshrl.u32 s0, $0x1;
	s7 =	sadd.s32 $0x40, s1;
	s5 =	sadd.s32 $0x80, s1  }
0x6: {  	s8 =	sadd.s32 $0x100, s1;
	s6 =	sadd.s32 $0x140, s1;
	s9 =	sadd.s32 $0x180, s1  }
0x7: {  	s0 =	ssub.s32 s0, s2;
	s2 =	sadd.s32 $0xC0, s1;
	s16 =	sshll.u32 s7, $0x7  }
0x8: {  	s12 =	sshll.u32 s5, $0x7;
	s19 =	sshll.u32 s8, $0x7;
	s31 =	sshll.u32 s6, $0x7  }
0x9: {  	s14 =	sshll.u32 s9, $0x7;
	s18 =	sadd.s32 s10, s17;
	[smem:$0x7F4] =	sst s0  }
0xa: {  	s11 =	sshll.u32 s2, $0x7;
	s20 =	sadd.s32 s17, s16;
	s18 =	sshrl.u32 s18, $0x3  }
0xb: {  	s21 =	sadd.s32 s17, s12;
	s23 =	sadd.s32 s17, s19;
	s24 =	sadd.s32 s17, s31  }
0xc: {  	s28 =	sadd.s32 s17, s14;
	s20 =	sshrl.u32 s20, $0x3;
	s18 =	sadd.s32 s15, s18  }
0xd: {  	s21 =	sshrl.u32 s21, $0x3;
	[dreg:$0x5] =	wrdreg s18;
	s20 =	sadd.s32 s15, s20  }
0xe: {  	s22 =	sadd.s32 s17, s11;
	s18 =	sadd.s32 s15, s21;
	[dreg:$0x6] =	wrdreg s20  }
0xf: {  	s26 =	sshrl.u32 s24, $0x3;
	[dreg:$0x7] =	wrdreg s18;
	s18 =	sshrl.u32 s22, $0x3  }
0x10: {  	s20 =	sshrl.u32 s23, $0x3;
	s23 =	sadd.s32 $0x200, s1;
	s18 =	sadd.s32 s15, s18  }
0x11: {  	s25 =	sadd.s32 s15, s20;
	s20 =	sadd.s32 $0x1C0, s1;
	[dreg:$0x8] =	wrdreg s18  }
0x12: {  	s24 =	sshll.u32 s23, $0x7;
	[dreg:$0x9] =	wrdreg s25;
	s18 =	sadd.s32 s15, s26  }
0x13: {  	s22 =	sshll.u32 s20, $0x7;
	s25 =	sadd.s32 $0x240, s1;
	s13 =	sadd.s32 s17, s24  }
0x14: {  	s26 =	simm.s32 $0x0;
	[dreg:$0xa] =	wrdreg s18;
	s18 =	sshrl.u32 s28, $0x3  }
0x15: {  	s0 =	sadd.s32 s17, s22;
	s21 =	sshrl.u32 s13, $0x3;
	s28 =	smul.u32 $0x2780, s4  }
0x16: {  	[smem:$0x7FF] =	sst s26;
	s18 =	sadd.s32 s15, s18;
	s21 =	sadd.s32 s15, s21  }
0x17: {  	[dreg:$0xb] =	wrdreg s18;
	s18 =	sshrl.u32 s0, $0x3;
	s0 =	sshll.u32 s25, $0x7  }
0x18: {  	[dreg:$0xd] =	wrdreg s21;
	s13 =	sadd.s32 s1, s28;
	s17 =	sadd.s32 s17, s0  }
0x19: {  	s21 =	sadd.s32 $0x2B600, s3;
	s18 =	sadd.s32 s15, s18;
	s17 =	sshrl.u32 s17, $0x3  }
0x1a: {  	[dreg:$0xc] =	wrdreg s18;
	s18 =	sshrl.u32 s13, $0x3;
	s15 =	sadd.s32 s15, s17  }
0x1b: {  	s26 =	sadd.s32 s28, s5;
	[dreg:$0xe] =	wrdreg s15;
	s15 =	sadd.s32 s21, s18  }
0x1c: {  	s13 =	sadd.s32 s28, s8;
	s17 =	sshrl.u32 s26, $0x3;
	[dreg:$0xf] =	wrdreg s15  }
0x1d: {  	s18 =	sshrl.u32 s13, $0x3;
	s15 =	sadd.s32 s21, s17;
	s17 =	rddreg [dreg:$0x2]  }
0x1e: {  	s26 =	sadd.s32 s21, s18;
	s18 =	rddreg [dreg:$0x3]  }
0x1f: {  	s13 =	sadd.s32 s28, s9;
	[dreg:$0x10] =	wrdreg s15  }
0x20: {  	s28 =	sadd.s32 s28, s23;
	s29 =	sshrl.u32 s13, $0x3;
	[dreg:$0x11] =	wrdreg s26  }
0x21: {  	s28 =	sshrl.u32 s28, $0x3;
	s15 =	rddreg [dreg:$0x1];
	s29 =	sadd.s32 s21, s29  }
0x22: {  	s21 =	sadd.s32 s21, s28;
	[dreg:$0x12] =	wrdreg s29  }
0x23: {  	s26 =	sadd.s32 $0x2AA00, s3;
	[dreg:$0x13] =	wrdreg s21;
	s21 =	sadd.s32 $0x2A00, s3  }
0x24: {  	s3 =	sadd.s32 $0x2B000, s3;
	_ =	strace $0x80000047;
	[dreg:$0x14] =	wrdreg s26  }
0x25: {  	s1 =	sadd.s32 s1, s18;
	[dreg:$0x15] =	wrdreg s3  }
0x26: {  	s7 =	sadd.s32 s7, s18;
	[dreg:$0x17] =	wrdreg s1  }
0x27: {  	s13 =	sadd.s32 s12, s17;
	[dreg:$0x19] =	wrdreg s7  }
0x28: {  	s28 =	sadd.s32 s8, s18;
	[dreg:$0x1a] =	wrdreg s13  }
0x29: {  	s8 =	sadd.s32 s25, s18;
	[dreg:$0x1f] =	wrdreg s28  }
0x2a: {  	s29 =	sadd.s32 s10, s17;
	[smem:$0x7F0] =	sst s8  }
0x2b: {  	s11 =	sadd.s32 s11, s17;
	[dreg:$0x16] =	wrdreg s29  }
0x2c: {  	s19 =	sadd.s32 s19, s17;
	[dreg:$0x1c] =	wrdreg s11  }
0x2d: {  	s4 =	sshll.u32 s4, $0x4;
	s14 =	sadd.s32 s14, s17;
	[dreg:$0x1e] =	wrdreg s19  }
0x2e: {  	s3 =	sor.u32 s30, s4;
	s4 =	sadd.s32 s16, s17;
	[smem:$0x7FB] =	sst s14  }
0x2f: {  	s16 =	sadd.s32 s5, s18;
	[dreg:$0x18] =	wrdreg s4  }
0x30: {  	s26 =	sadd.s32 s2, s18;
	[dreg:$0x1b] =	wrdreg s16  }
0x31: {  	s2 =	sadd.s32 s6, s18;
	[dreg:$0x1d] =	wrdreg s26  }
0x32: {  	s5 =	sadd.s32 s22, s17;
	[smem:$0x7EB] =	sst s2  }
0x33: {  	s6 =	sadd.s32 s20, s18;
	[smem:$0x7ED] =	sst s5  }
0x34: {  	s7 =	sadd.s32 s23, s18;
	[smem:$0x7EE] =	sst s6  }
0x35: {  	s10 =	simm.s32 $0x0;
	s13 =	sadd.s32 s31, s17;
	[smem:$0x7EF] =	sst s7  }
0x36: {  	s20 =	sadd.s32 s24, s17;
	s28 =	simm.s32 $0x0;
	s23 =	sld [smem:$0x7F4]  }
0x37: {  	s30 =	simm.s32 $0x9060;
	s31 =	simm.s32 $0x2;
	[smem:$0x7F9] =	sst s28  }
0x38: {  	s8 =	simm.s32 $0x5;
	s4 =	sadd.s32 s9, s18;
	[smem:$0x7FA] =	sst s13  }
0x39: {  	s26 =	sadd.s32 s0, s17;
	s9 =	sshll.u32 s3, $0x3;
	[smem:$0x7FC] =	sst s20  }
0x3a: {  	s12 =	sor.u32 $0x60, s3;
	s16 =	sor.u32 $0x80, s3;
	[smem:$0x7EC] =	sst s4  }
0x3b: {  	s22 =	sor.u32 $0xA0, s3;
	s3 =	simm.s32 $0x2710;
	[smem:$0x7F1] =	sst s12  }
0x3c: {  	s7 =	simm.s32 $0x5060;
	s2 =	simm.s32 $0x4;
	[smem:$0x7F2] =	sst s16  }
0x3d: {  	s5 =	simm.s32 $0x5020;
	s1 =	sadd.s32 s15, s9;
	[smem:$0x7F3] =	sst s22  }
0x3e: {  	s16 =	simm.s32 $0x7;
	s12 =	simm.s32 $0x4FA0;
	s22 =	simm.s32 $0x40  }
0x3f: {  	s4 =	simm.s32 $0x3;
	s9 =	simm.s32 $0x6;
	[smem:$0x7FD] =	sst s26  }
0x40: {  	s24 =	sadd.s32 $0x100, s1;
	[smem:$0x7F7] =	sst s1;
	s25 =	sadd.s32 $0x200, s1  }
0x41: {  	s1 =	simm.s32 $0x4EE0;
	s0 =	smax.u32 s23, $0x1;
	[smem:$0x7F6] =	sst s24  }
0x42: {  	[smem:$0x7F8] =	sst s25;
	s23 =	simm.s32 $0x4F800;
	s24 =	simm.s32 $0x7060  }
0x43: {  	v0 =	vimm.f32 $0.0e+00;
	s25 =	simm.s32 $0x1;
	[smem:$0x7F5] =	sst s0;
	s0 =	simm.s32 $0x4FE0  }
.LBB2_1:
0x44: {  	s6 =	rddreg [dreg:$0x14]  }
0x45: {  	[tilespmem:s10], [sflag:$0x7] =	stream.linear.gather [hbm4b:s6+s10], $0x2710, $0x38;
	[tilespmem:$0x1EED8] =	vst v63  }
0x46: {  	_ =	swait.ge [sflag:s16], $0x2710  }
0x47: {  	[sflag:s16] =	ssyncset.done $0x0  }
0x48: {  	s28 =	rddreg [dreg:$0x15];
	[sflag:s16] =	ssyncadd.s32 $0xFFFFD8F0  }
0x49: {  	[tilespmem:s3], [sflag:$0x7] =	stream.linear.gather [hbm4b:s28+s10], $0x2710, $0x38;
	[tilespmem:$0x1EED8] =	vst v63  }
0x4a: {  	_ =	swait.ge [sflag:s16], $0x2710  }
0x4b: {  	[sflag:s16] =	ssyncset.done $0x0  }
0x4c: {  	s6 =	simm.s32 $0x0;
	s10 =	simm.s32 $0x200;
	[sflag:s16] =	ssyncadd.s32 $0xFFFFD8F0  }
.LBB2_2:
0x4d: {  	p0 =	sne.s32 s10, $0x7E00;
	[tilespmem:s6+$0x50D0] =	vst v0  }
0x4e: {  	[tilespmem:s6+$0x5060] =	vst v0  }
0x4f: {  	[tilespmem:s6+$0x5070] =	vst v0  }
.Ltmp0:
0x50: {  	[tilespmem:s6+$0x5080] =	vst v0;
	(pc) =	sbr.rel @p0 .LBB2_2-.Ltmp0, $4  }
0x51: {  	[tilespmem:s6+$0x5090] =	vst v0  }
0x52: {  	[tilespmem:s6+$0x50A0] =	vst v0  }
0x53: {  	[tilespmem:s6+$0x50B0] =	vst v0  }
0x54: {  	[tilespmem:s6+$0x50C0] =	vst v0;
	s6 =	sshra.s32 s10, $0x2;
	s10 =	sadd.s32 $0x200, s10  }
0x55: {  	[tilespmem:s6+$0x50D0] =	vst v0  }
0x56: {  	[tilespmem:s6+$0x5060] =	vst v0  }
0x57: {  	[tilespmem:s6+$0x5070] =	vst v0  }
0x58: {  	[tilespmem:s6+$0x5080] =	vst v0  }
0x59: {  	[tilespmem:s6+$0x5090] =	vst v0  }
0x5a: {  	[tilespmem:s6+$0x50A0] =	vst v0  }
0x5b: {  	[tilespmem:s6+$0x50B0] =	vst v0  }
0x5c: {  	[tilespmem:s6+$0x50C0] =	vst v0  }
0x5d: {  	[tilespmem:$0x4FA0] =	vst v0  }
0x5e: {  	[tilespmem:$0x4FB0] =	vst v0  }
0x5f: {  	[tilespmem:$0x4FC0] =	vst v0  }
0x60: {  	[tilespmem:$0x4FD0] =	vst v0  }
0x61: {  	[spmem:s29] =	stream.linear.scatter [tilespmem:s7], [sflag:$0x7], $0x2000, $0x38;
	[tilespmem:$0x1EED8] =	vst v63  }
0x62: {  	_ =	swait.ge [sflag:s16], $0x2000  }
0x63: {  	[sflag:s16] =	ssyncset.done $0x0  }
0x64: {  	s29 =	rddreg [dreg:$0x17];
	[sflag:s16] =	ssyncadd.s32 $0xFFFFE000  }
0x65: {  	[spmem:s29] =	stream.linear.scatter [tilespmem:s12], [sflag:$0x7], $0x40, $0x38;
	[tilespmem:$0x1EED8] =	vst v63  }
0x66: {  	_ =	swait.ge [sflag:s16], $0x40  }
0x67: {  	[sflag:s16] =	ssyncset.done $0x0  }
0x68: {  	s10 =	rddreg [dreg:$0x18];
	[sflag:s16] =	ssyncadd.s32 $0xFFFFFFC0  }
0x69: {  	[spmem:s10] =	stream.linear.scatter [tilespmem:s7], [sflag:$0x7], $0x2000, $0x38;
	[tilespmem:$0x1EED8] =	vst v63  }
0x6a: {  	_ =	swait.ge [sflag:s16], $0x2000  }
0x6b: {  	[sflag:s16] =	ssyncset.done $0x0  }
0x6c: {  	s28 =	rddreg [dreg:$0x19];
	[sflag:s16] =	ssyncadd.s32 $0xFFFFE000  }
0x6d: {  	[spmem:s28] =	stream.linear.scatter [tilespmem:s12], [sflag:$0x7], $0x40, $0x38;
	[tilespmem:$0x1EED8] =	vst v63  }
0x6e: {  	_ =	swait.ge [sflag:s16], $0x40  }
0x6f: {  	[sflag:s16] =	ssyncset.done $0x0  }
0x70: {  	s29 =	rddreg [dreg:$0x1a];
	[sflag:s16] =	ssyncadd.s32 $0xFFFFFFC0  }
0x71: {  	[spmem:s29] =	stream.linear.scatter [tilespmem:s7], [sflag:$0x7], $0x2000, $0x38;
	[tilespmem:$0x1EED8] =	vst v63  }
0x72: {  	_ =	swait.ge [sflag:s16], $0x2000  }
0x73: {  	[sflag:s16] =	ssyncset.done $0x0  }
0x74: {  	s10 =	rddreg [dreg:$0x1b];
	[sflag:s16] =	ssyncadd.s32 $0xFFFFE000  }
0x75: {  	[spmem:s10] =	stream.linear.scatter [tilespmem:s12], [sflag:$0x7], $0x40, $0x38;
	[tilespmem:$0x1EED8] =	vst v63  }
0x76: {  	_ =	swait.ge [sflag:s16], $0x40  }
0x77: {  	[sflag:s16] =	ssyncset.done $0x0  }
0x78: {  	[sflag:s16] =	ssyncadd.s32 $0xFFFFFFC0  }
0x79: {  	[spmem:s11] =	stream.linear.scatter [tilespmem:s7], [sflag:$0x7], $0x2000, $0x38;
	[tilespmem:$0x1EED8] =	vst v63  }
0x7a: {  	_ =	swait.ge [sflag:s16], $0x2000  }
0x7b: {  	[sflag:s16] =	ssyncset.done $0x0  }
0x7c: {  	s11 =	rddreg [dreg:$0x1d];
	[sflag:s16] =	ssyncadd.s32 $0xFFFFE000  }
0x7d: {  	[spmem:s11] =	stream.linear.scatter [tilespmem:s12], [sflag:$0x7], $0x40, $0x38;
	[tilespmem:$0x1EED8] =	vst v63  }
0x7e: {  	_ =	swait.ge [sflag:s16], $0x40  }
0x7f: {  	[sflag:s16] =	ssyncset.done $0x0  }
0x80: {  	[sflag:s16] =	ssyncadd.s32 $0xFFFFFFC0  }
0x81: {  	[spmem:s19] =	stream.linear.scatter [tilespmem:s7], [sflag:$0x7], $0x2000, $0x38;
	[tilespmem:$0x1EED8] =	vst v63  }
0x82: {  	_ =	swait.ge [sflag:s16], $0x2000  }
0x83: {  	[sflag:s16] =	ssyncset.done $0x0  }
0x84: {  	s19 =	rddreg [dreg:$0x1f];
	[sflag:s16] =	ssyncadd.s32 $0xFFFFE000  }
0x85: {  	[spmem:s19] =	stream.linear.scatter [tilespmem:s12], [sflag:$0x7], $0x40, $0x38;
	[tilespmem:$0x1EED8] =	vst v63  }
0x86: {  	_ =	swait.ge [sflag:s16], $0x40  }
0x87: {  	[sflag:s16] =	ssyncset.done $0x0  }
0x88: {  	[sflag:s16] =	ssyncadd.s32 $0xFFFFFFC0  }
0x89: {  	[spmem:s13] =	stream.linear.scatter [tilespmem:s7], [sflag:$0x7], $0x2000, $0x38;
	[tilespmem:$0x1EED8] =	vst v63  }
0x8a: {  	_ =	swait.ge [sflag:s16], $0x2000  }
0x8b: {  	s28 =	sld [smem:$0x7EB]  }
0x8c: {  	[sflag:s16] =	ssyncset.done $0x0  }
0x8d: {  	[sflag:s16] =	ssyncadd.s32 $0xFFFFE000  }
0x8e: {  	[spmem:s28] =	stream.linear.scatter [tilespmem:s12], [sflag:$0x7], $0x40, $0x38;
	[tilespmem:$0x1EED8] =	vst v63  }
0x8f: {  	_ =	swait.ge [sflag:s16], $0x40  }
0x90: {  	[sflag:s16] =	ssyncset.done $0x0  }
0x91: {  	[sflag:s16] =	ssyncadd.s32 $0xFFFFFFC0  }
0x92: {  	[spmem:s14] =	stream.linear.scatter [tilespmem:s7], [sflag:$0x7], $0x2000, $0x38;
	[tilespmem:$0x1EED8] =	vst v63  }
0x93: {  	_ =	swait.ge [sflag:s16], $0x2000  }
0x94: {  	s29 =	sld [smem:$0x7EC]  }
0x95: {  	[sflag:s16] =	ssyncset.done $0x0  }
0x96: {  	[sflag:s16] =	ssyncadd.s32 $0xFFFFE000  }
0x97: {  	[spmem:s29] =	stream.linear.scatter [tilespmem:s12], [sflag:$0x7], $0x40, $0x38;
	[tilespmem:$0x1EED8] =	vst v63  }
0x98: {  	_ =	swait.ge [sflag:s16], $0x40  }
0x99: {  	s10 =	sld [smem:$0x7ED]  }
0x9a: {  	[sflag:s16] =	ssyncset.done $0x0  }
0x9b: {  	[sflag:s16] =	ssyncadd.s32 $0xFFFFFFC0  }
0x9c: {  	[spmem:s10] =	stream.linear.scatter [tilespmem:s7], [sflag:$0x7], $0x2000, $0x38;
	[tilespmem:$0x1EED8] =	vst v63  }
0x9d: {  	_ =	swait.ge [sflag:s16], $0x2000  }
0x9e: {  	s11 =	sld [smem:$0x7EE]  }
0x9f: {  	[sflag:s16] =	ssyncset.done $0x0  }
0xa0: {  	[sflag:s16] =	ssyncadd.s32 $0xFFFFE000  }
0xa1: {  	[spmem:s11] =	stream.linear.scatter [tilespmem:s12], [sflag:$0x7], $0x40, $0x38;
	[tilespmem:$0x1EED8] =	vst v63  }
0xa2: {  	_ =	swait.ge [sflag:s16], $0x40  }
0xa3: {  	[sflag:s16] =	ssyncset.done $0x0  }
0xa4: {  	[sflag:s16] =	ssyncadd.s32 $0xFFFFFFC0  }
0xa5: {  	[spmem:s20] =	stream.linear.scatter [tilespmem:s7], [sflag:$0x7], $0x2000, $0x38;
	[tilespmem:$0x1EED8] =	vst v63  }
0xa6: {  	_ =	swait.ge [sflag:s16], $0x2000  }
0xa7: {  	s13 =	sld [smem:$0x7EF]  }
0xa8: {  	[sflag:s16] =	ssyncset.done $0x0  }
0xa9: {  	[sflag:s16] =	ssyncadd.s32 $0xFFFFE000  }
0xaa: {  	[spmem:s13] =	stream.linear.scatter [tilespmem:s12], [sflag:$0x7], $0x40, $0x38;
	[tilespmem:$0x1EED8] =	vst v63  }
0xab: {  	_ =	swait.ge [sflag:s16], $0x40  }
0xac: {  	[sflag:s16] =	ssyncset.done $0x0  }
0xad: {  	[sflag:s16] =	ssyncadd.s32 $0xFFFFFFC0  }
0xae: {  	[spmem:s26] =	stream.linear.scatter [tilespmem:s7], [sflag:$0x7], $0x1C00, $0x38;
	[tilespmem:$0x1EED8] =	vst v63  }
0xaf: {  	_ =	swait.ge [sflag:s16], $0x1C00  }
0xb0: {  	s14 =	sld [smem:$0x7F0]  }
0xb1: {  	[sflag:s16] =	ssyncset.done $0x0  }
0xb2: {  	[sflag:s16] =	ssyncadd.s32 $0xFFFFE400  }
0xb3: {  	[spmem:s14] =	stream.linear.scatter [tilespmem:s12], [sflag:$0x7], $0x38, $0x38;
	[tilespmem:$0x1EED8] =	vst v63  }
0xb4: {  	_ =	swait.ge [sflag:s16], $0x38  }
0xb5: {  	[sflag:s16] =	ssyncset.done $0x0  }
0xb6: {  	[sflag:s16] =	ssyncadd.s32 $0xFFFFFFC8  }
0xb7: {  	[bflag:$0x0] =	sbarrier.arrive $0xFFFF  }
0xb8: {  	s19 =	sld [smem:$0x7F7];
	_ =	sdelay $0x1  }
0xb9: {  	s10 =	simm.s32 $0x4E20  }
0xba: {  	[tilespmem:s10], [sflag:$0x7] =	stream.strided.gather [hbm4b:s19+s22], $0x80, s23, s22, $0x38;
	[tilespmem:$0x1EED8] =	vst v63  }
0xbb: {  	_ =	swait.ge [sflag:s16], $0x80  }
0xbc: {  	[sflag:s16] =	ssyncset.done $0x0  }
0xbd: {  	s20 =	sld [smem:$0x7F6];
	[sflag:s16] =	ssyncadd.s32 $0xFFFFFF80  }
0xbe: {  	[tilespmem:s7], [sflag:$0x1] =	stream.indirect.gather [hbm4b:s21+s22], $0x80, s10, s22, $0xb8;
	[tilespmem:$0x1EED8] =	vst v63  }
0xbf: {  	s26 =	simm.s32 $0x4EA0  }
0xc0: {  	[tilespmem:s26], [sflag:$0x7] =	stream.strided.gather [hbm4b:s20+s22], $0x80, s23, s22, $0x38;
	[tilespmem:$0x1EED8] =	vst v63  }
0xc1: {  	_ =	swait.ge [sflag:s16], $0x80  }
0xc2: {  	[sflag:s16] =	ssyncset.done $0x0  }
0xc3: {  	[sflag:s16] =	ssyncadd.s32 $0xFFFFFF80  }
0xc4: {  	[tilespmem:s24], [sflag:$0x2] =	stream.indirect.gather [hbm4b:s21+s22], $0x80, s26, s22, $0xb8;
	[tilespmem:$0x1EED8] =	vst v63  }
0xc5: {  	_ =	swait.ge [sflag:s25], $0x2000  }
0xc6: {  	[sflag:s25] =	ssyncset.done $0x0  }
0xc7: {  	[sflag:s25] =	ssyncadd.s32 $0xFFFFE000  }
0xc8: {  	v1 =	vld [tilespmem:$0x4E20]  }
0xc9: {  	v2 =	vld [tilespmem:$0x4E60];
	_ =	sdelay $0x5  }
0xca: {  	s10 =	simm.s32 $0x0  }
0xcb: {  	v3 =	vld.idx.msk [tilespmem:v1+s10+$0x0], $0xffff  }
0xcc: {  	v4 =	vld.idx.msk [tilespmem:v2+s3+$0x0], $0xffff;
	_ =	sdelay $0x4  }
0xcd: {  	v3 =	vadd.f32 v4, v3;
	_ =	sdelay $0x1  }
0xce: {  	v4 =	vmul.f32 $2.000000030e-01, v3  }
0xcf: {  	vm0 =	vge.f32 v3, $0.0e+00  }
0xd0: {  	v3 =	vsel vm0, v3, v4  }
0xd1: {  	v3 =	vmul.f32 $1.442695020e+00, v3;
	_ =	sdelay $0x1  }
0xd2: {  	(erf) = vpow2.f32 v3;
	_ =	sdelay $0x3  }
0xd3: {  	v3 =	vld [tilespmem:$0x4E30]  }
0xd4: {  	v4 =	vld [tilespmem:$0x4E70];
	_ =	sdelay $0x3  }
0xd5: {  	vm9 =	veq.s32 v1, v2;
	v1 =	vpop (erf)  }
0xd6: {  	v1 =	vsel vm9, $0x0, v1  }
0xd7: {  	[tilespmem:$0x4FA0] =	vst v1  }
0xd8: {  	v1 =	vld.idx.msk [tilespmem:v3+s10+$0x0], $0xffff  }
0xd9: {  	v2 =	vld.idx.msk [tilespmem:v4+s3+$0x0], $0xffff;
	_ =	sdelay $0x4  }
0xda: {  	v1 =	vadd.f32 v2, v1;
	_ =	sdelay $0x1  }
0xdb: {  	v2 =	vmul.f32 $2.000000030e-01, v1  }
0xdc: {  	vm10 =	vge.f32 v1, $0.0e+00  }
0xdd: {  	v1 =	vsel vm10, v1, v2  }
0xde: {  	v1 =	vmul.f32 $1.442695020e+00, v1;
	_ =	sdelay $0x1  }
0xdf: {  	(erf) = vpow2.f32 v1;
	_ =	sdelay $0x3  }
0xe0: {  	v1 =	vld [tilespmem:$0x4E40]  }
0xe1: {  	v2 =	vld [tilespmem:$0x4E80];
	_ =	sdelay $0x3  }
0xe2: {  	vm11 =	veq.s32 v3, v4;
	v3 =	vpop (erf)  }
0xe3: {  	v3 =	vsel vm11, $0x0, v3  }
0xe4: {  	[tilespmem:$0x4FB0] =	vst v3  }
0xe5: {  	v3 =	vld.idx.msk [tilespmem:v1+s10+$0x0], $0xffff  }
0xe6: {  	v4 =	vld.idx.msk [tilespmem:v2+s3+$0x0], $0xffff;
	_ =	sdelay $0x4  }
0xe7: {  	v3 =	vadd.f32 v4, v3;
	_ =	sdelay $0x1  }
0xe8: {  	v4 =	vmul.f32 $2.000000030e-01, v3  }
0xe9: {  	vm12 =	vge.f32 v3, $0.0e+00  }
0xea: {  	v3 =	vsel vm12, v3, v4  }
0xeb: {  	v3 =	vmul.f32 $1.442695020e+00, v3;
	_ =	sdelay $0x1  }
0xec: {  	(erf) = vpow2.f32 v3;
	_ =	sdelay $0x3  }
0xed: {  	v3 =	vld [tilespmem:$0x4E50]  }
0xee: {  	v4 =	vld [tilespmem:$0x4E90];
	_ =	sdelay $0x3  }
0xef: {  	vm13 =	veq.s32 v1, v2;
	v1 =	vpop (erf)  }
0xf0: {  	v1 =	vsel vm13, $0x0, v1  }
0xf1: {  	[tilespmem:$0x4FC0] =	vst v1  }
0xf2: {  	v1 =	vld.idx.msk [tilespmem:v3+s10+$0x0], $0xffff  }
0xf3: {  	v2 =	vld.idx.msk [tilespmem:v4+s3+$0x0], $0xffff;
	_ =	sdelay $0x4  }
0xf4: {  	v1 =	vadd.f32 v2, v1;
	_ =	sdelay $0x1  }
0xf5: {  	v2 =	vmul.f32 $2.000000030e-01, v1  }
0xf6: {  	vm14 =	vge.f32 v1, $0.0e+00  }
0xf7: {  	v1 =	vsel vm14, v1, v2  }
0xf8: {  	v1 =	vmul.f32 $1.442695020e+00, v1;
	_ =	sdelay $0x1  }
0xf9: {  	(erf) = vpow2.f32 v1;
	_ =	sdelay $0x4  }
0xfa: {  	v1 =	vmov s10  }
0xfb: {  	v1 =	vand.u32 $0xFFFFFFFC, v1  }
0xfc: {  	v1 =	vbroadcast v1, $0x0;
	_ =	sdelay $0x1  }
0xfd: {  	vm15 =	veq.s32 v3, v4;
	v2 =	vpop (erf)  }
0xfe: {  	v2 =	vsel vm15, $0x0, v2  }
0xff: {  	s11 =	simm.s32 $0x5160;
	[tilespmem:$0x4FD0] =	vst v2  }
0x100: {  	v2 =	vld [tilespmem:s11+$0xFFFFFF70]  }
0x101: {  	v1 =	vld.idx.msk [tilespmem:v1+s12+$0x0], $0xffff  }
0x102: {  	v3 =	vld [tilespmem:s11+$0xFFFFFF00]  }
0x103: {  	v4 =	vld [tilespmem:s11+$0xFFFFFF20]  }
0x104: {  	v5 =	vld [tilespmem:s11+$0xFFFFFF50]  }
0x105: {  	v6 =	vld [tilespmem:s11+$0xFFFFFF40]  }
0x106: {  	v7 =	vld [tilespmem:s11+$0xFFFFFF60];
	v2 =	vmul.f32 v2, v1  }
0x107: {  	s28 =	simm.s32 $0x1;
	v8 =	vld [tilespmem:s11+$0xFFFFFF30];
	v3 =	vmul.f32 v3, v1  }
0x108: {  	v9 =	vld [tilespmem:s11+$0xFFFFFF10];
	v4 =	vmul.f32 v4, v1;
	[tilespmem:s11+$0xFFFFFF70] =	vst v2;
	v2 =	vmov s28  }
0x109: {  	v5 =	vmul.f32 v5, v1;
	[tilespmem:s11+$0xFFFFFF00] =	vst v3;
	v2 =	vand.u32 $0xFFFFFFFD, v2  }
0x10a: {  	v3 =	vmul.f32 v6, v1;
	[tilespmem:s11+$0xFFFFFF20] =	vst v4;
	v2 =	vbroadcast v2, $0x0  }
0x10b: {  	v4 =	vmul.f32 v7, v1;
	[tilespmem:s11+$0xFFFFFF50] =	vst v5  }
0x10c: {  	v5 =	vmul.f32 v8, v1;
	[tilespmem:s11+$0xFFFFFF40] =	vst v3  }
0x10d: {  	v1 =	vmul.f32 v9, v1;
	[tilespmem:s11+$0xFFFFFF60] =	vst v4  }
0x10e: {  	[tilespmem:s11+$0xFFFFFF30] =	vst v5  }
0x10f: {  	[tilespmem:s11+$0xFFFFFF10] =	vst v1;
	v1 =	vld [tilespmem:s11+$0xFFFFFF90]  }
0x110: {  	v3 =	vld.idx.msk [tilespmem:v2+s12+$0x0], $0xffff  }
0x111: {  	v2 =	vld [tilespmem:s11+$0xFFFFFFA0]  }
0x112: {  	v4 =	vld [tilespmem:s11+$0xFFFFFF80]  }
0x113: {  	v5 =	vld [tilespmem:s11+$0xFFFFFFB0]  }
0x114: {  	v6 =	vld [tilespmem:s11+$0xFFFFFFC0]  }
0x115: {  	v7 =	vld [tilespmem:s11+$0xFFFFFFD0];
	v1 =	vmul.f32 v1, v3  }
0x116: {  	s29 =	simm.s32 $0x2;
	v8 =	vld [tilespmem:s11+$0xFFFFFFF0];
	v2 =	vmul.f32 v2, v3  }
0x117: {  	v63 =	vld [tilespmem:s11+$0xFFFFFFE0];
	v4 =	vmul.f32 v4, v3;
	[tilespmem:s11+$0xFFFFFF90] =	vst v1;
	v1 =	vmov s29  }
0x118: {  	v5 =	vmul.f32 v5, v3;
	[tilespmem:s11+$0xFFFFFFA0] =	vst v2;
	v1 =	vand.u32 $0xFFFFFFFE, v1  }
0x119: {  	v2 =	vmul.f32 v6, v3;
	[tilespmem:s11+$0xFFFFFF80] =	vst v4;
	v6 =	vld [tilespmem:s11+$0x60];
	v10 =	vbroadcast v1, $0x0  }
0x11a: {  	v4 =	vmul.f32 v7, v3;
	[tilespmem:s11+$0xFFFFFFB0] =	vst v5;
	v7 =	vld [tilespmem:s11+$0x0]  }
0x11b: {  	v5 =	vmul.f32 v8, v3;
	v1 =	vld [tilespmem:s11+$0x20];
	[tilespmem:s11+$0xFFFFFFC0] =	vst v2  }
0x11c: {  	v3 =	vmul.f32 v63, v3;
	v2 =	vld [tilespmem:s11+$0x30];
	[tilespmem:s11+$0xFFFFFFD0] =	vst v4  }
0x11d: {  	[tilespmem:s11+$0xFFFFFFF0] =	vst v5;
	v4 =	vld [tilespmem:s11+$0x40]  }
0x11e: {  	[tilespmem:s11+$0xFFFFFFE0] =	vst v3;
	v5 =	vld [tilespmem:s11+$0x10]  }
0x11f: {  	s6 =	simm.s32 $0x4;
	s14 =	simm.s32 $0x5160;
	v3 =	vld.idx.msk [tilespmem:v10+s12+$0x0], $0xffff  }
.LBB2_4:
0x120: {  	p0 =	sne.s32 s6, $0x3C  }
0x121: {  	v8 =	vld [tilespmem:s11+$0x50];
	s14 =	sadd.s32 $0x200, s14;
	s19 =	smov.u32 s6;
	s6 =	sadd.s32 $0x4, s6  }
0x122: {  	v9 =	vld [tilespmem:s11+$0x70];
	_ =	sdelay $0x1  }
0x123: {  	v6 =	vmul.f32 v6, v3;
	v7 =	vmul.f32 v7, v3  }
0x124: {  	v4 =	vmul.f32 v4, v3;
	v5 =	vmul.f32 v5, v3  }
0x125: {  	v1 =	vmul.f32 v1, v3;
	v2 =	vmul.f32 v2, v3;
	[tilespmem:s11+$0x60] =	vst v6  }
0x126: {  	[tilespmem:s11+$0x40] =	vst v4;
	v4 =	vmul.f32 v8, v3;
	v3 =	vmul.f32 v9, v3  }
0x127: {  	s20 =	sadd.s32 $0x3, s10;
	s10 =	smov.u32 s19;
	[tilespmem:s11+$0x20] =	vst v1;
	v6 =	vld [tilespmem:s11+$0x80]  }
0x128: {  	v1 =	vld [tilespmem:s14+$0x20];
	[tilespmem:s11+$0x0] =	vst v7;
	v7 =	vmov s20  }
0x129: {  	[tilespmem:s11+$0x50] =	vst v4;
	v4 =	vld [tilespmem:s11+$0xE0]  }
0x12a: {  	[tilespmem:s11+$0x30] =	vst v2;
	v8 =	vld [tilespmem:s11+$0xC0]  }
0x12b: {  	v2 =	vld [tilespmem:s14+$0x30];
	[tilespmem:s11+$0x10] =	vst v5  }
0x12c: {  	[tilespmem:s11+$0x70] =	vst v3;
	v3 =	vld [tilespmem:s11+$0xA0]  }
0x12d: {  	v5 =	vld.idx.msk [tilespmem:v7+s12+$0x0], $0xffff  }
0x12e: {  	v7 =	vld [tilespmem:s11+$0x90]  }
0x12f: {  	v9 =	vld [tilespmem:s11+$0xB0]  }
0x130: {  	v10 =	vld [tilespmem:s11+$0xD0]  }
0x131: {  	v11 =	vld [tilespmem:s11+$0xF0];
	_ =	sdelay $0x1  }
0x132: {  	v6 =	vmul.f32 v6, v5;
	v7 =	vmul.f32 v7, v5  }
0x133: {  	v3 =	vmul.f32 v3, v5;
	v9 =	vmul.f32 v9, v5  }
0x134: {  	v12 =	vmov s10;
	[tilespmem:s11+$0x80] =	vst v6;
	v6 =	vmul.f32 v8, v5;
	v8 =	vmul.f32 v10, v5  }
0x135: {  	v10 =	vand.u32 $0xFFFFFFFC, v12;
	[tilespmem:s11+$0xA0] =	vst v3;
	v3 =	vmul.f32 v4, v5;
	v4 =	vmul.f32 v11, v5  }
0x136: {  	v5 =	vbroadcast v10, $0x0;
	[tilespmem:s11+$0xC0] =	vst v6  }
0x137: {  	[tilespmem:s11+$0xF0] =	vst v4  }
0x138: {  	v4 =	vld [tilespmem:s14+$0xFFFFFF40];
	[tilespmem:s11+$0xE0] =	vst v3  }
0x139: {  	v3 =	vld [tilespmem:s14+$0xFFFFFF50];
	[tilespmem:s11+$0x90] =	vst v7  }
0x13a: {  	v6 =	vld [tilespmem:s14+$0xFFFFFF60];
	[tilespmem:s11+$0xB0] =	vst v9  }
0x13b: {  	v7 =	vld [tilespmem:s14+$0xFFFFFF70];
	[tilespmem:s11+$0xD0] =	vst v8;
	s11 =	smov.u32 s14  }
0x13c: {  	v5 =	vld.idx.msk [tilespmem:v5+s12+$0x0], $0xffff  }
0x13d: {  	v8 =	vld [tilespmem:s14+$0xFFFFFF00]  }
0x13e: {  	v9 =	vld [tilespmem:s14+$0xFFFFFF20]  }
0x13f: {  	v10 =	vld [tilespmem:s14+$0xFFFFFF10]  }
0x140: {  	v11 =	vld [tilespmem:s14+$0xFFFFFF30];
	_ =	sdelay $0x1  }
0x141: {  	v7 =	vmul.f32 v7, v5;
	v8 =	vmul.f32 v8, v5  }
0x142: {  	s19 =	sadd.s32 $0x1, s10;
	v6 =	vmul.f32 v6, v5;
	v9 =	vmul.f32 v9, v5  }
0x143: {  	v3 =	vmul.f32 v3, v5;
	v10 =	vmul.f32 v10, v5;
	[tilespmem:s14+$0xFFFFFF70] =	vst v7;
	v7 =	vmov s19  }
0x144: {  	v4 =	vmul.f32 v4, v5;
	[tilespmem:s14+$0xFFFFFF00] =	vst v8;
	v8 =	vmul.f32 v11, v5;
	v5 =	vand.u32 $0xFFFFFFFD, v7  }
0x145: {  	[tilespmem:s14+$0xFFFFFF20] =	vst v9;
	v5 =	vbroadcast v5, $0x0  }
0x146: {  	[tilespmem:s14+$0xFFFFFF50] =	vst v3  }
0x147: {  	[tilespmem:s14+$0xFFFFFF40] =	vst v4;
	v3 =	vld [tilespmem:s14+$0xFFFFFFF0]  }
0x148: {  	[tilespmem:s14+$0xFFFFFF60] =	vst v6;
	v4 =	vld [tilespmem:s14+$0xFFFFFFC0]  }
0x149: {  	[tilespmem:s14+$0xFFFFFF30] =	vst v8;
	v6 =	vld [tilespmem:s14+$0xFFFFFFD0]  }
0x14a: {  	[tilespmem:s14+$0xFFFFFF10] =	vst v10;
	v7 =	vld [tilespmem:s14+$0xFFFFFF90]  }
0x14b: {  	v5 =	vld.idx.msk [tilespmem:v5+s12+$0x0], $0xffff  }
0x14c: {  	v8 =	vld [tilespmem:s14+$0xFFFFFF80]  }
0x14d: {  	v9 =	vld [tilespmem:s14+$0xFFFFFFA0]  }
0x14e: {  	v10 =	vld [tilespmem:s14+$0xFFFFFFB0]  }
0x14f: {  	v11 =	vld [tilespmem:s14+$0xFFFFFFE0];
	_ =	sdelay $0x1  }
0x150: {  	v7 =	vmul.f32 v7, v5;
	v8 =	vmul.f32 v8, v5  }
0x151: {  	s19 =	sadd.s32 $0x2, s10;
	v6 =	vmul.f32 v6, v5;
	v9 =	vmul.f32 v9, v5  }
0x152: {  	v4 =	vmul.f32 v4, v5;
	[tilespmem:s14+$0xFFFFFF90] =	vst v7;
	v7 =	vmul.f32 v10, v5;
	v10 =	vmov s19  }
0x153: {  	v3 =	vmul.f32 v3, v5;
	[tilespmem:s14+$0xFFFFFFA0] =	vst v9;
	v9 =	vmul.f32 v11, v5;
	v5 =	vand.u32 $0xFFFFFFFE, v10  }
0x154: {  	[tilespmem:s14+$0xFFFFFF80] =	vst v8;
	v5 =	vbroadcast v5, $0x0  }
0x155: {  	[tilespmem:s14+$0xFFFFFFB0] =	vst v7  }
0x156: {  	[tilespmem:s14+$0xFFFFFFC0] =	vst v4  }
0x157: {  	[tilespmem:s14+$0xFFFFFFD0] =	vst v6  }
.Ltmp1:
0x158: {  	[tilespmem:s14+$0xFFFFFFF0] =	vst v3;
	v4 =	vld [tilespmem:s14+$0x40];
	(pc) =	sbr.rel @p0 .LBB2_4-.Ltmp1, $4  }
0x159: {  	[tilespmem:s14+$0xFFFFFFE0] =	vst v9;
	v6 =	vld [tilespmem:s14+$0x60]  }
0x15a: {  	v3 =	vld.idx.msk [tilespmem:v5+s12+$0x0], $0xffff  }
0x15b: {  	v7 =	vld [tilespmem:s14+$0x0]  }
0x15c: {  	v5 =	vld [tilespmem:s14+$0x10]  }
0x15d: {  	_ =	sdelay $0x1  }
0x15e: {  	v6 =	vmul.f32 v6, v3  }
0x15f: {  	v8 =	vld [tilespmem:s11+$0x50];
	v4 =	vmul.f32 v4, v3  }
0x160: {  	v9 =	vld [tilespmem:s11+$0x70];
	v1 =	vmul.f32 v1, v3;
	[tilespmem:s11+$0x60] =	vst v6  }
0x161: {  	v6 =	vmul.f32 v7, v3;
	[tilespmem:s11+$0x40] =	vst v4  }
0x162: {  	s6 =	sadd.s32 $0x3, s10;
	[tilespmem:s11+$0x20] =	vst v1;
	v1 =	vmul.f32 v2, v3  }
0x163: {  	v5 =	vmul.f32 v5, v3;
	[tilespmem:s11+$0x0] =	vst v6;
	v6 =	vmov s6  }
0x164: {  	v4 =	vmul.f32 v8, v3;
	[tilespmem:s11+$0x30] =	vst v1  }
0x165: {  	v3 =	vmul.f32 v9, v3;
	[tilespmem:s11+$0x10] =	vst v5  }
0x166: {  	[tilespmem:s11+$0x50] =	vst v4  }
0x167: {  	v2 =	vld [tilespmem:s11+$0x80];
	[tilespmem:s11+$0x70] =	vst v3  }
0x168: {  	v1 =	vld.idx.msk [tilespmem:v6+s12+$0x0], $0xffff  }
0x169: {  	v3 =	vld [tilespmem:s11+$0xA0]  }
0x16a: {  	v4 =	vld [tilespmem:s11+$0xC0]  }
0x16b: {  	v5 =	vld [tilespmem:s11+$0xF0]  }
0x16c: {  	v6 =	vld [tilespmem:s11+$0xE0]  }
0x16d: {  	v7 =	vld [tilespmem:s11+$0x90];
	v2 =	vmul.f32 v2, v1  }
0x16e: {  	v8 =	vld [tilespmem:s11+$0xB0];
	v3 =	vmul.f32 v3, v1  }
0x16f: {  	v61 =	vld [tilespmem:s11+$0xD0];
	[tilespmem:s11+$0x80] =	vst v2;
	v2 =	vmul.f32 v4, v1  }
0x170: {  	[tilespmem:s11+$0xA0] =	vst v3;
	v3 =	vmul.f32 v5, v1  }
0x171: {  	v4 =	vmul.f32 v6, v1;
	[tilespmem:s11+$0xC0] =	vst v2  }
0x172: {  	v2 =	vmul.f32 v7, v1;
	[tilespmem:s11+$0xF0] =	vst v3  }
0x173: {  	v3 =	vmul.f32 v8, v1;
	[tilespmem:s11+$0xE0] =	vst v4  }
0x174: {  	v1 =	vmul.f32 v61, v1;
	[tilespmem:s11+$0x90] =	vst v2  }
0x175: {  	[tilespmem:s11+$0xB0] =	vst v3  }
0x176: {  	s19 =	simm.s32 $0x4E60;
	[tilespmem:s11+$0xD0] =	vst v1  }
0x177: {  	[spmem:s17] =	stream.indirect.scatter.add.f32 [tilespmem:s7], [sflag:$0x4], $0x80, s19, s22, $0xb8;
	[tilespmem:$0x1EED8] =	vst v63  }
0x178: {  	s20 =	sld [smem:$0x7F8]  }
0x179: {  	[spmem:s18] =	stream.indirect.scatter.add.f32 [tilespmem:s12], [sflag:$0x4], $0x1, s19, s22, $0xb8;
	[tilespmem:$0x1EED8] =	vst v63  }
0x17a: {  	s29 =	simm.s32 $0x4F20  }
0x17b: {  	[tilespmem:s29], [sflag:$0x7] =	stream.strided.gather [hbm4b:s20+s22], $0x80, s23, s22, $0x38;
	[tilespmem:$0x1EED8] =	vst v63  }
0x17c: {  	_ =	swait.ge [sflag:s16], $0x80  }
0x17d: {  	[sflag:s16] =	ssyncset.done $0x0  }
0x17e: {  	[sflag:s16] =	ssyncadd.s32 $0xFFFFFF80  }
0x17f: {  	[tilespmem:s30], [sflag:$0x3] =	stream.indirect.gather [hbm4b:s21+s22], $0x80, s29, s22, $0xb8;
	[tilespmem:$0x1EED8] =	vst v63  }
0x180: {  	_ =	swait.ge [sflag:s31], $0x2000  }
0x181: {  	[sflag:s31] =	ssyncset.done $0x0  }
0x182: {  	[sflag:s31] =	ssyncadd.s32 $0xFFFFE000  }
0x183: {  	v1 =	vld [tilespmem:$0x4EA0]  }
0x184: {  	v2 =	vld [tilespmem:$0x4EE0];
	_ =	sdelay $0x5  }
0x185: {  	s10 =	simm.s32 $0x0  }
0x186: {  	v3 =	vld.idx.msk [tilespmem:v1+s10+$0x0], $0xffff  }
0x187: {  	v4 =	vld.idx.msk [tilespmem:v2+s3+$0x0], $0xffff;
	_ =	sdelay $0x4  }
0x188: {  	v3 =	vadd.f32 v4, v3;
	_ =	sdelay $0x1  }
0x189: {  	v4 =	vmul.f32 $2.000000030e-01, v3  }
0x18a: {  	vm0 =	vge.f32 v3, $0.0e+00  }
0x18b: {  	v3 =	vsel vm0, v3, v4  }
0x18c: {  	v3 =	vmul.f32 $1.442695020e+00, v3;
	_ =	sdelay $0x1  }
0x18d: {  	(erf) = vpow2.f32 v3;
	_ =	sdelay $0x3  }
0x18e: {  	v3 =	vld [tilespmem:$0x4EB0]  }
0x18f: {  	v4 =	vld [tilespmem:$0x4EF0];
	_ =	sdelay $0x3  }
0x190: {  	vm9 =	veq.s32 v1, v2;
	v1 =	vpop (erf)  }
0x191: {  	v1 =	vsel vm9, $0x0, v1  }
0x192: {  	[tilespmem:$0x4FE0] =	vst v1  }
0x193: {  	v1 =	vld.idx.msk [tilespmem:v3+s10+$0x0], $0xffff  }
0x194: {  	v2 =	vld.idx.msk [tilespmem:v4+s3+$0x0], $0xffff;
	_ =	sdelay $0x4  }
0x195: {  	v1 =	vadd.f32 v2, v1;
	_ =	sdelay $0x1  }
0x196: {  	v2 =	vmul.f32 $2.000000030e-01, v1  }
0x197: {  	vm10 =	vge.f32 v1, $0.0e+00  }
0x198: {  	v1 =	vsel vm10, v1, v2  }
0x199: {  	v1 =	vmul.f32 $1.442695020e+00, v1;
	_ =	sdelay $0x1  }
0x19a: {  	(erf) = vpow2.f32 v1;
	_ =	sdelay $0x3  }
0x19b: {  	v1 =	vld [tilespmem:$0x4EC0]  }
0x19c: {  	v2 =	vld [tilespmem:$0x4F00];
	_ =	sdelay $0x3  }
0x19d: {  	vm11 =	veq.s32 v3, v4;
	v3 =	vpop (erf)  }
0x19e: {  	v3 =	vsel vm11, $0x0, v3  }
0x19f: {  	[tilespmem:$0x4FF0] =	vst v3  }
0x1a0: {  	v3 =	vld.idx.msk [tilespmem:v1+s10+$0x0], $0xffff  }
0x1a1: {  	v4 =	vld.idx.msk [tilespmem:v2+s3+$0x0], $0xffff;
	_ =	sdelay $0x4  }
0x1a2: {  	v3 =	vadd.f32 v4, v3;
	_ =	sdelay $0x1  }
0x1a3: {  	v4 =	vmul.f32 $2.000000030e-01, v3  }
0x1a4: {  	vm12 =	vge.f32 v3, $0.0e+00  }
0x1a5: {  	v3 =	vsel vm12, v3, v4  }
0x1a6: {  	v3 =	vmul.f32 $1.442695020e+00, v3;
	_ =	sdelay $0x1  }
0x1a7: {  	(erf) = vpow2.f32 v3;
	_ =	sdelay $0x3  }
0x1a8: {  	v3 =	vld [tilespmem:$0x4ED0]  }
0x1a9: {  	v4 =	vld [tilespmem:$0x4F10];
	_ =	sdelay $0x3  }
0x1aa: {  	vm13 =	veq.s32 v1, v2;
	v1 =	vpop (erf)  }
0x1ab: {  	v1 =	vsel vm13, $0x0, v1  }
0x1ac: {  	[tilespmem:$0x5000] =	vst v1  }
0x1ad: {  	v1 =	vld.idx.msk [tilespmem:v3+s10+$0x0], $0xffff  }
0x1ae: {  	v2 =	vld.idx.msk [tilespmem:v4+s3+$0x0], $0xffff;
	_ =	sdelay $0x4  }
0x1af: {  	v1 =	vadd.f32 v2, v1;
	_ =	sdelay $0x1  }
0x1b0: {  	v2 =	vmul.f32 $2.000000030e-01, v1  }
0x1b1: {  	vm14 =	vge.f32 v1, $0.0e+00  }
0x1b2: {  	v1 =	vsel vm14, v1, v2  }
0x1b3: {  	v1 =	vmul.f32 $1.442695020e+00, v1;
	_ =	sdelay $0x1  }
0x1b4: {  	(erf) = vpow2.f32 v1;
	_ =	sdelay $0x4  }
0x1b5: {  	v1 =	vmov s10  }
0x1b6: {  	v1 =	vand.u32 $0xFFFFFFFC, v1  }
0x1b7: {  	v1 =	vbroadcast v1, $0x0;
	_ =	sdelay $0x1  }
0x1b8: {  	vm15 =	veq.s32 v3, v4;
	v2 =	vpop (erf)  }
0x1b9: {  	v2 =	vsel vm15, $0x0, v2  }
0x1ba: {  	s11 =	simm.s32 $0x7160;
	[tilespmem:$0x5010] =	vst v2  }
0x1bb: {  	v2 =	vld [tilespmem:s11+$0xFFFFFF70]  }
0x1bc: {  	v1 =	vld.idx.msk [tilespmem:v1+s0+$0x0], $0xffff  }
0x1bd: {  	v3 =	vld [tilespmem:s11+$0xFFFFFF00]  }
0x1be: {  	v4 =	vld [tilespmem:s11+$0xFFFFFF20]  }
0x1bf: {  	v5 =	vld [tilespmem:s11+$0xFFFFFF50]  }
0x1c0: {  	v6 =	vld [tilespmem:s11+$0xFFFFFF40]  }
0x1c1: {  	v7 =	vld [tilespmem:s11+$0xFFFFFF60];
	v2 =	vmul.f32 v2, v1  }
0x1c2: {  	s26 =	simm.s32 $0x1;
	v8 =	vld [tilespmem:s11+$0xFFFFFF30];
	v3 =	vmul.f32 v3, v1  }
0x1c3: {  	v62 =	vld [tilespmem:s11+$0xFFFFFF10];
	v4 =	vmul.f32 v4, v1;
	[tilespmem:s11+$0xFFFFFF70] =	vst v2;
	v2 =	vmov s26  }
0x1c4: {  	v5 =	vmul.f32 v5, v1;
	[tilespmem:s11+$0xFFFFFF00] =	vst v3;
	v2 =	vand.u32 $0xFFFFFFFD, v2  }
0x1c5: {  	v3 =	vmul.f32 v6, v1;
	[tilespmem:s11+$0xFFFFFF20] =	vst v4;
	v2 =	vbroadcast v2, $0x0  }
0x1c6: {  	v4 =	vmul.f32 v7, v1;
	[tilespmem:s11+$0xFFFFFF50] =	vst v5  }
0x1c7: {  	v5 =	vmul.f32 v8, v1;
	[tilespmem:s11+$0xFFFFFF40] =	vst v3  }
0x1c8: {  	v1 =	vmul.f32 v62, v1;
	[tilespmem:s11+$0xFFFFFF60] =	vst v4  }
0x1c9: {  	[tilespmem:s11+$0xFFFFFF30] =	vst v5  }
0x1ca: {  	[tilespmem:s11+$0xFFFFFF10] =	vst v1;
	v1 =	vld [tilespmem:s11+$0xFFFFFF90]  }
0x1cb: {  	v3 =	vld.idx.msk [tilespmem:v2+s0+$0x0], $0xffff  }
0x1cc: {  	v2 =	vld [tilespmem:s11+$0xFFFFFFA0]  }
0x1cd: {  	v4 =	vld [tilespmem:s11+$0xFFFFFF80]  }
0x1ce: {  	v5 =	vld [tilespmem:s11+$0xFFFFFFB0]  }
0x1cf: {  	v6 =	vld [tilespmem:s11+$0xFFFFFFC0]  }
0x1d0: {  	v7 =	vld [tilespmem:s11+$0xFFFFFFD0];
	v1 =	vmul.f32 v1, v3  }
0x1d1: {  	s28 =	simm.s32 $0x2;
	v8 =	vld [tilespmem:s11+$0xFFFFFFF0];
	v2 =	vmul.f32 v2, v3  }
0x1d2: {  	v63 =	vld [tilespmem:s11+$0xFFFFFFE0];
	v4 =	vmul.f32 v4, v3;
	[tilespmem:s11+$0xFFFFFF90] =	vst v1;
	v1 =	vmov s28  }
0x1d3: {  	v5 =	vmul.f32 v5, v3;
	[tilespmem:s11+$0xFFFFFFA0] =	vst v2;
	v1 =	vand.u32 $0xFFFFFFFE, v1  }
0x1d4: {  	v2 =	vmul.f32 v6, v3;
	[tilespmem:s11+$0xFFFFFF80] =	vst v4;
	v6 =	vld [tilespmem:s11+$0x60];
	v10 =	vbroadcast v1, $0x0  }
0x1d5: {  	v4 =	vmul.f32 v7, v3;
	[tilespmem:s11+$0xFFFFFFB0] =	vst v5;
	v7 =	vld [tilespmem:s11+$0x0]  }
0x1d6: {  	v5 =	vmul.f32 v8, v3;
	v1 =	vld [tilespmem:s11+$0x20];
	[tilespmem:s11+$0xFFFFFFC0] =	vst v2  }
0x1d7: {  	v3 =	vmul.f32 v63, v3;
	v2 =	vld [tilespmem:s11+$0x30];
	[tilespmem:s11+$0xFFFFFFD0] =	vst v4  }
0x1d8: {  	[tilespmem:s11+$0xFFFFFFF0] =	vst v5;
	v4 =	vld [tilespmem:s11+$0x40]  }
0x1d9: {  	[tilespmem:s11+$0xFFFFFFE0] =	vst v3;
	v5 =	vld [tilespmem:s11+$0x10]  }
0x1da: {  	s14 =	simm.s32 $0x7160;
	s6 =	simm.s32 $0x4;
	v3 =	vld.idx.msk [tilespmem:v10+s0+$0x0], $0xffff  }
.LBB2_6:
0x1db: {  	p0 =	sne.s32 s6, $0x3C  }
0x1dc: {  	v8 =	vld [tilespmem:s11+$0x50];
	s14 =	sadd.s32 $0x200, s14;
	s19 =	smov.u32 s6;
	s6 =	sadd.s32 $0x4, s6  }
0x1dd: {  	v9 =	vld [tilespmem:s11+$0x70];
	_ =	sdelay $0x1  }
0x1de: {  	v6 =	vmul.f32 v6, v3;
	v7 =	vmul.f32 v7, v3  }
0x1df: {  	v4 =	vmul.f32 v4, v3;
	v5 =	vmul.f32 v5, v3  }
0x1e0: {  	v1 =	vmul.f32 v1, v3;
	v2 =	vmul.f32 v2, v3;
	[tilespmem:s11+$0x60] =	vst v6  }
0x1e1: {  	[tilespmem:s11+$0x40] =	vst v4;
	v4 =	vmul.f32 v8, v3;
	v3 =	vmul.f32 v9, v3  }
0x1e2: {  	s20 =	sadd.s32 $0x3, s10;
	s10 =	smov.u32 s19;
	[tilespmem:s11+$0x20] =	vst v1;
	v6 =	vld [tilespmem:s11+$0x80]  }
0x1e3: {  	v1 =	vld [tilespmem:s14+$0x20];
	[tilespmem:s11+$0x0] =	vst v7;
	v7 =	vmov s20  }
0x1e4: {  	[tilespmem:s11+$0x50] =	vst v4;
	v4 =	vld [tilespmem:s11+$0xE0]  }
0x1e5: {  	[tilespmem:s11+$0x30] =	vst v2;
	v8 =	vld [tilespmem:s11+$0xC0]  }
0x1e6: {  	v2 =	vld [tilespmem:s14+$0x30];
	[tilespmem:s11+$0x10] =	vst v5  }
0x1e7: {  	[tilespmem:s11+$0x70] =	vst v3;
	v3 =	vld [tilespmem:s11+$0xA0]  }
0x1e8: {  	v5 =	vld.idx.msk [tilespmem:v7+s0+$0x0], $0xffff  }
0x1e9: {  	v7 =	vld [tilespmem:s11+$0x90]  }
0x1ea: {  	v9 =	vld [tilespmem:s11+$0xB0]  }
0x1eb: {  	v10 =	vld [tilespmem:s11+$0xD0]  }
0x1ec: {  	v11 =	vld [tilespmem:s11+$0xF0];
	_ =	sdelay $0x1  }
0x1ed: {  	v6 =	vmul.f32 v6, v5;
	v7 =	vmul.f32 v7, v5  }
0x1ee: {  	v3 =	vmul.f32 v3, v5;
	v9 =	vmul.f32 v9, v5  }
0x1ef: {  	v12 =	vmov s10;
	[tilespmem:s11+$0x80] =	vst v6;
	v6 =	vmul.f32 v8, v5;
	v8 =	vmul.f32 v10, v5  }
0x1f0: {  	v10 =	vand.u32 $0xFFFFFFFC, v12;
	[tilespmem:s11+$0xA0] =	vst v3;
	v3 =	vmul.f32 v4, v5;
	v4 =	vmul.f32 v11, v5  }
0x1f1: {  	v5 =	vbroadcast v10, $0x0;
	[tilespmem:s11+$0xC0] =	vst v6  }
0x1f2: {  	[tilespmem:s11+$0xF0] =	vst v4  }
0x1f3: {  	v4 =	vld [tilespmem:s14+$0xFFFFFF40];
	[tilespmem:s11+$0xE0] =	vst v3  }
0x1f4: {  	v3 =	vld [tilespmem:s14+$0xFFFFFF50];
	[tilespmem:s11+$0x90] =	vst v7  }
0x1f5: {  	v6 =	vld [tilespmem:s14+$0xFFFFFF60];
	[tilespmem:s11+$0xB0] =	vst v9  }
0x1f6: {  	v7 =	vld [tilespmem:s14+$0xFFFFFF70];
	[tilespmem:s11+$0xD0] =	vst v8;
	s11 =	smov.u32 s14  }
0x1f7: {  	v5 =	vld.idx.msk [tilespmem:v5+s0+$0x0], $0xffff  }
0x1f8: {  	v8 =	vld [tilespmem:s14+$0xFFFFFF00]  }
0x1f9: {  	v9 =	vld [tilespmem:s14+$0xFFFFFF20]  }
0x1fa: {  	v10 =	vld [tilespmem:s14+$0xFFFFFF10]  }
0x1fb: {  	v11 =	vld [tilespmem:s14+$0xFFFFFF30];
	_ =	sdelay $0x1  }
0x1fc: {  	v7 =	vmul.f32 v7, v5;
	v8 =	vmul.f32 v8, v5  }
0x1fd: {  	s19 =	sadd.s32 $0x1, s10;
	v6 =	vmul.f32 v6, v5;
	v9 =	vmul.f32 v9, v5  }
0x1fe: {  	v3 =	vmul.f32 v3, v5;
	v10 =	vmul.f32 v10, v5;
	[tilespmem:s14+$0xFFFFFF70] =	vst v7;
	v7 =	vmov s19  }
0x1ff: {  	v4 =	vmul.f32 v4, v5;
	[tilespmem:s14+$0xFFFFFF00] =	vst v8;
	v8 =	vmul.f32 v11, v5;
	v5 =	vand.u32 $0xFFFFFFFD, v7  }
0x200: {  	[tilespmem:s14+$0xFFFFFF20] =	vst v9;
	v5 =	vbroadcast v5, $0x0  }
0x201: {  	[tilespmem:s14+$0xFFFFFF50] =	vst v3  }
0x202: {  	[tilespmem:s14+$0xFFFFFF40] =	vst v4;
	v3 =	vld [tilespmem:s14+$0xFFFFFFF0]  }
0x203: {  	[tilespmem:s14+$0xFFFFFF60] =	vst v6;
	v4 =	vld [tilespmem:s14+$0xFFFFFFC0]  }
0x204: {  	[tilespmem:s14+$0xFFFFFF30] =	vst v8;
	v6 =	vld [tilespmem:s14+$0xFFFFFFD0]  }
0x205: {  	[tilespmem:s14+$0xFFFFFF10] =	vst v10;
	v7 =	vld [tilespmem:s14+$0xFFFFFF90]  }
0x206: {  	v5 =	vld.idx.msk [tilespmem:v5+s0+$0x0], $0xffff  }
0x207: {  	v8 =	vld [tilespmem:s14+$0xFFFFFF80]  }
0x208: {  	v9 =	vld [tilespmem:s14+$0xFFFFFFA0]  }
0x209: {  	v10 =	vld [tilespmem:s14+$0xFFFFFFB0]  }
0x20a: {  	v11 =	vld [tilespmem:s14+$0xFFFFFFE0];
	_ =	sdelay $0x1  }
0x20b: {  	v7 =	vmul.f32 v7, v5;
	v8 =	vmul.f32 v8, v5  }
0x20c: {  	s19 =	sadd.s32 $0x2, s10;
	v6 =	vmul.f32 v6, v5;
	v9 =	vmul.f32 v9, v5  }
0x20d: {  	v4 =	vmul.f32 v4, v5;
	[tilespmem:s14+$0xFFFFFF90] =	vst v7;
	v7 =	vmul.f32 v10, v5;
	v10 =	vmov s19  }
0x20e: {  	v3 =	vmul.f32 v3, v5;
	[tilespmem:s14+$0xFFFFFFA0] =	vst v9;
	v9 =	vmul.f32 v11, v5;
	v5 =	vand.u32 $0xFFFFFFFE, v10  }
0x20f: {  	[tilespmem:s14+$0xFFFFFF80] =	vst v8;
	v5 =	vbroadcast v5, $0x0  }
0x210: {  	[tilespmem:s14+$0xFFFFFFB0] =	vst v7  }
0x211: {  	[tilespmem:s14+$0xFFFFFFC0] =	vst v4  }
0x212: {  	[tilespmem:s14+$0xFFFFFFD0] =	vst v6  }
.Ltmp2:
0x213: {  	[tilespmem:s14+$0xFFFFFFF0] =	vst v3;
	v4 =	vld [tilespmem:s14+$0x40];
	(pc) =	sbr.rel @p0 .LBB2_6-.Ltmp2, $4  }
0x214: {  	[tilespmem:s14+$0xFFFFFFE0] =	vst v9;
	v6 =	vld [tilespmem:s14+$0x60]  }
0x215: {  	v3 =	vld.idx.msk [tilespmem:v5+s0+$0x0], $0xffff  }
0x216: {  	v7 =	vld [tilespmem:s14+$0x0]  }
0x217: {  	v5 =	vld [tilespmem:s14+$0x10]  }
0x218: {  	_ =	sdelay $0x1  }
0x219: {  	v6 =	vmul.f32 v6, v3  }
0x21a: {  	v8 =	vld [tilespmem:s11+$0x50];
	v4 =	vmul.f32 v4, v3  }
0x21b: {  	v9 =	vld [tilespmem:s11+$0x70];
	v1 =	vmul.f32 v1, v3;
	[tilespmem:s11+$0x60] =	vst v6  }
0x21c: {  	v54 =	vmul.f32 v7, v3;
	[tilespmem:s11+$0x40] =	vst v4  }
0x21d: {  	s6 =	sadd.s32 $0x3, s10;
	[tilespmem:s11+$0x20] =	vst v1;
	v1 =	vmul.f32 v2, v3  }
0x21e: {  	v56 =	vmov s6;
	v5 =	vmul.f32 v5, v3;
	[tilespmem:s11+$0x0] =	vst v54  }
0x21f: {  	v55 =	vmul.f32 v8, v3;
	[tilespmem:s11+$0x30] =	vst v1  }
0x220: {  	v3 =	vmul.f32 v9, v3;
	[tilespmem:s11+$0x10] =	vst v5  }
0x221: {  	[tilespmem:s11+$0x50] =	vst v55  }
0x222: {  	v2 =	vld [tilespmem:s11+$0x80];
	[tilespmem:s11+$0x70] =	vst v3  }
0x223: {  	v1 =	vld.idx.msk [tilespmem:v56+s0+$0x0], $0xffff  }
0x224: {  	v3 =	vld [tilespmem:s11+$0xA0]  }
0x225: {  	v59 =	vld [tilespmem:s11+$0xE0]  }
0x226: {  	v57 =	vld [tilespmem:s11+$0xC0]  }
0x227: {  	v58 =	vld [tilespmem:s11+$0xF0]  }
0x228: {  	v60 =	vld [tilespmem:s11+$0x90];
	v2 =	vmul.f32 v2, v1  }
0x229: {  	v61 =	vld [tilespmem:s11+$0xB0];
	v3 =	vmul.f32 v3, v1  }
0x22a: {  	v62 =	vld [tilespmem:s11+$0xD0];
	v63 =	vmul.f32 v59, v1;
	[tilespmem:s11+$0x80] =	vst v2  }
0x22b: {  	v2 =	vmul.f32 v57, v1;
	[tilespmem:s11+$0xA0] =	vst v3  }
0x22c: {  	v3 =	vmul.f32 v58, v1;
	[tilespmem:s11+$0xE0] =	vst v63  }
0x22d: {  	[tilespmem:s11+$0xC0] =	vst v2;
	v2 =	vmul.f32 v60, v1  }
0x22e: {  	[tilespmem:s11+$0xF0] =	vst v3;
	v3 =	vmul.f32 v61, v1  }
0x22f: {  	v1 =	vmul.f32 v62, v1;
	[tilespmem:s11+$0x90] =	vst v2  }
0x230: {  	[tilespmem:s11+$0xB0] =	vst v3  }
0x231: {  	[tilespmem:s11+$0xD0] =	vst v1  }
0x232: {  	[spmem:s17] =	stream.indirect.scatter.add.f32 [tilespmem:s24], [sflag:$0x5], $0x80, s1, s22, $0xb8;
	[tilespmem:$0x1EED8] =	vst v63  }
0x233: {  	s10 =	simm.s32 $0x0;
	s11 =	simm.s32 $0x0  }
0x234: {  	[spmem:s18] =	stream.indirect.scatter.add.f32 [tilespmem:s0], [sflag:$0x5], $0x1, s1, s22, $0xb8;
	[tilespmem:$0x1EED8] =	vst v63  }
.LBB2_8:
0x235: {  	_ =	swait.ge [sflag:s2], $0x2000  }
0x236: {  	[sflag:s2] =	ssyncset.done $0x0  }
0x237: {  	[sflag:s2] =	ssyncadd.s32 $0xFFFFE000  }
0x238: {  	_ =	swait.ge [sflag:s2], $0x40  }
0x239: {  	s6 =	sld [smem:$0x7F1]  }
0x23a: {  	s14 =	smul.u32 $0x60, s10;
	_ =	sdelay $0x1  }
0x23b: {  	s6 =	sadd.s32 s6, s14  }
0x23c: {  	[sflag:s2] =	ssyncset.done $0x0;
	s6 =	sshll.u32 s6, $0x3  }
0x23d: {  	s13 =	simm.s32 $0x4E20;
	[sflag:s2] =	ssyncadd.s32 $0xFFFFFFC0;
	s6 =	sadd.s32 s15, s6  }
0x23e: {  	[tilespmem:s13], [sflag:$0x7] =	stream.strided.gather [hbm4b:s6+s22], $0x80, s23, s22, $0x38;
	[tilespmem:$0x1EED8] =	vst v63  }
0x23f: {  	_ =	swait.ge [sflag:s16], $0x80  }
0x240: {  	[sflag:s16] =	ssyncset.done $0x0  }
0x241: {  	[sflag:s16] =	ssyncadd.s32 $0xFFFFFF80  }
0x242: {  	[tilespmem:s7], [sflag:$0x1] =	stream.indirect.gather [hbm4b:s21+s22], $0x80, s13, s22, $0xb8;
	[tilespmem:$0x1EED8] =	vst v63  }
0x243: {  	_ =	swait.ge [sflag:s4], $0x2000  }
0x244: {  	[sflag:s4] =	ssyncset.done $0x0  }
0x245: {  	[sflag:s4] =	ssyncadd.s32 $0xFFFFE000  }
0x246: {  	v1 =	vld [tilespmem:$0x4F20]  }
0x247: {  	v2 =	vld [tilespmem:$0x4F60];
	_ =	sdelay $0x6  }
0x248: {  	v3 =	vld.idx.msk [tilespmem:v1+s11+$0x0], $0xffff  }
0x249: {  	v4 =	vld.idx.msk [tilespmem:v2+s3+$0x0], $0xffff;
	_ =	sdelay $0x4  }
0x24a: {  	v3 =	vadd.f32 v4, v3;
	_ =	sdelay $0x1  }
0x24b: {  	v4 =	vmul.f32 $2.000000030e-01, v3  }
0x24c: {  	vm0 =	vge.f32 v3, $0.0e+00  }
0x24d: {  	v3 =	vsel vm0, v3, v4  }
0x24e: {  	v3 =	vmul.f32 $1.442695020e+00, v3;
	_ =	sdelay $0x1  }
0x24f: {  	(erf) = vpow2.f32 v3;
	_ =	sdelay $0x3  }
0x250: {  	v3 =	vld [tilespmem:$0x4F30]  }
0x251: {  	v4 =	vld [tilespmem:$0x4F70];
	_ =	sdelay $0x3  }
0x252: {  	vm9 =	veq.s32 v1, v2;
	v1 =	vpop (erf)  }
0x253: {  	v1 =	vsel vm9, $0x0, v1  }
0x254: {  	[tilespmem:$0x5020] =	vst v1  }
0x255: {  	v1 =	vld.idx.msk [tilespmem:v3+s11+$0x0], $0xffff  }
0x256: {  	v2 =	vld.idx.msk [tilespmem:v4+s3+$0x0], $0xffff;
	_ =	sdelay $0x4  }
0x257: {  	v1 =	vadd.f32 v2, v1;
	_ =	sdelay $0x1  }
0x258: {  	v2 =	vmul.f32 $2.000000030e-01, v1  }
0x259: {  	vm10 =	vge.f32 v1, $0.0e+00  }
0x25a: {  	v1 =	vsel vm10, v1, v2  }
0x25b: {  	v1 =	vmul.f32 $1.442695020e+00, v1;
	_ =	sdelay $0x1  }
0x25c: {  	(erf) = vpow2.f32 v1;
	_ =	sdelay $0x3  }
0x25d: {  	v1 =	vld [tilespmem:$0x4F40]  }
0x25e: {  	v2 =	vld [tilespmem:$0x4F80];
	_ =	sdelay $0x3  }
0x25f: {  	vm11 =	veq.s32 v3, v4;
	v3 =	vpop (erf)  }
0x260: {  	v3 =	vsel vm11, $0x0, v3  }
0x261: {  	[tilespmem:$0x5030] =	vst v3  }
0x262: {  	v3 =	vld.idx.msk [tilespmem:v1+s11+$0x0], $0xffff  }
0x263: {  	v4 =	vld.idx.msk [tilespmem:v2+s3+$0x0], $0xffff;
	_ =	sdelay $0x4  }
0x264: {  	v3 =	vadd.f32 v4, v3;
	_ =	sdelay $0x1  }
0x265: {  	v4 =	vmul.f32 $2.000000030e-01, v3  }
0x266: {  	vm12 =	vge.f32 v3, $0.0e+00  }
0x267: {  	v3 =	vsel vm12, v3, v4  }
0x268: {  	v3 =	vmul.f32 $1.442695020e+00, v3;
	_ =	sdelay $0x1  }
0x269: {  	(erf) = vpow2.f32 v3;
	_ =	sdelay $0x3  }
0x26a: {  	v3 =	vld [tilespmem:$0x4F50]  }
0x26b: {  	v4 =	vld [tilespmem:$0x4F90];
	_ =	sdelay $0x3  }
0x26c: {  	vm13 =	veq.s32 v1, v2;
	v1 =	vpop (erf)  }
0x26d: {  	v1 =	vsel vm13, $0x0, v1  }
0x26e: {  	[tilespmem:$0x5040] =	vst v1  }
0x26f: {  	v1 =	vld.idx.msk [tilespmem:v3+s11+$0x0], $0xffff  }
0x270: {  	v2 =	vld.idx.msk [tilespmem:v4+s3+$0x0], $0xffff;
	_ =	sdelay $0x4  }
0x271: {  	v1 =	vadd.f32 v2, v1;
	_ =	sdelay $0x1  }
0x272: {  	v2 =	vmul.f32 $2.000000030e-01, v1  }
0x273: {  	vm14 =	vge.f32 v1, $0.0e+00  }
0x274: {  	v1 =	vsel vm14, v1, v2  }
0x275: {  	v1 =	vmul.f32 $1.442695020e+00, v1;
	_ =	sdelay $0x1  }
0x276: {  	(erf) = vpow2.f32 v1;
	_ =	sdelay $0x4  }
0x277: {  	v1 =	vmov s11  }
0x278: {  	v1 =	vand.u32 $0xFFFFFFFC, v1  }
0x279: {  	v1 =	vbroadcast v1, $0x0;
	_ =	sdelay $0x1  }
0x27a: {  	vm15 =	veq.s32 v3, v4;
	v2 =	vpop (erf)  }
0x27b: {  	v2 =	vsel vm15, $0x0, v2  }
0x27c: {  	s19 =	simm.s32 $0x9160;
	[tilespmem:$0x5050] =	vst v2  }
0x27d: {  	v2 =	vld [tilespmem:s19+$0xFFFFFF70]  }
0x27e: {  	v1 =	vld.idx.msk [tilespmem:v1+s5+$0x0], $0xffff  }
0x27f: {  	v3 =	vld [tilespmem:s19+$0xFFFFFF00]  }
0x280: {  	v4 =	vld [tilespmem:s19+$0xFFFFFF20]  }
0x281: {  	v5 =	vld [tilespmem:s19+$0xFFFFFF50]  }
0x282: {  	v6 =	vld [tilespmem:s19+$0xFFFFFF40]  }
0x283: {  	v7 =	vld [tilespmem:s19+$0xFFFFFF60];
	v2 =	vmul.f32 v2, v1  }
0x284: {  	s20 =	simm.s32 $0x1;
	v8 =	vld [tilespmem:s19+$0xFFFFFF30];
	v3 =	vmul.f32 v3, v1  }
0x285: {  	v9 =	vld [tilespmem:s19+$0xFFFFFF10];
	v4 =	vmul.f32 v4, v1;
	[tilespmem:s19+$0xFFFFFF70] =	vst v2;
	v2 =	vmov s20  }
0x286: {  	v5 =	vmul.f32 v5, v1;
	[tilespmem:s19+$0xFFFFFF00] =	vst v3;
	v2 =	vand.u32 $0xFFFFFFFD, v2  }
0x287: {  	v3 =	vmul.f32 v6, v1;
	[tilespmem:s19+$0xFFFFFF20] =	vst v4;
	v2 =	vbroadcast v2, $0x0  }
0x288: {  	v4 =	vmul.f32 v7, v1;
	[tilespmem:s19+$0xFFFFFF50] =	vst v5  }
0x289: {  	v5 =	vmul.f32 v8, v1;
	[tilespmem:s19+$0xFFFFFF40] =	vst v3  }
0x28a: {  	v1 =	vmul.f32 v9, v1;
	[tilespmem:s19+$0xFFFFFF60] =	vst v4  }
0x28b: {  	[tilespmem:s19+$0xFFFFFF30] =	vst v5  }
0x28c: {  	[tilespmem:s19+$0xFFFFFF10] =	vst v1;
	v1 =	vld [tilespmem:s19+$0xFFFFFF90]  }
0x28d: {  	v3 =	vld.idx.msk [tilespmem:v2+s5+$0x0], $0xffff  }
0x28e: {  	v2 =	vld [tilespmem:s19+$0xFFFFFFA0]  }
0x28f: {  	v4 =	vld [tilespmem:s19+$0xFFFFFF80]  }
0x290: {  	v5 =	vld [tilespmem:s19+$0xFFFFFFB0]  }
0x291: {  	v6 =	vld [tilespmem:s19+$0xFFFFFFC0]  }
0x292: {  	v7 =	vld [tilespmem:s19+$0xFFFFFFD0];
	v1 =	vmul.f32 v1, v3  }
0x293: {  	s26 =	simm.s32 $0x2;
	v8 =	vld [tilespmem:s19+$0xFFFFFFF0];
	v2 =	vmul.f32 v2, v3  }
0x294: {  	v63 =	vld [tilespmem:s19+$0xFFFFFFE0];
	v4 =	vmul.f32 v4, v3;
	[tilespmem:s19+$0xFFFFFF90] =	vst v1;
	v1 =	vmov s26  }
0x295: {  	v5 =	vmul.f32 v5, v3;
	[tilespmem:s19+$0xFFFFFFA0] =	vst v2;
	v1 =	vand.u32 $0xFFFFFFFE, v1  }
0x296: {  	v2 =	vmul.f32 v6, v3;
	[tilespmem:s19+$0xFFFFFF80] =	vst v4;
	v6 =	vld [tilespmem:s19+$0x60];
	v10 =	vbroadcast v1, $0x0  }
0x297: {  	v4 =	vmul.f32 v7, v3;
	[tilespmem:s19+$0xFFFFFFB0] =	vst v5;
	v7 =	vld [tilespmem:s19+$0x0]  }
0x298: {  	v5 =	vmul.f32 v8, v3;
	v1 =	vld [tilespmem:s19+$0x20];
	[tilespmem:s19+$0xFFFFFFC0] =	vst v2  }
0x299: {  	v3 =	vmul.f32 v63, v3;
	v2 =	vld [tilespmem:s19+$0x30];
	[tilespmem:s19+$0xFFFFFFD0] =	vst v4  }
0x29a: {  	[tilespmem:s19+$0xFFFFFFF0] =	vst v5;
	v4 =	vld [tilespmem:s19+$0x40]  }
0x29b: {  	[tilespmem:s19+$0xFFFFFFE0] =	vst v3;
	v5 =	vld [tilespmem:s19+$0x10]  }
0x29c: {  	s28 =	simm.s32 $0x9160;
	s6 =	simm.s32 $0x4;
	s20 =	simm.s32 $0x0;
	v3 =	vld.idx.msk [tilespmem:v10+s5+$0x0], $0xffff  }
.LBB2_9:
0x29d: {  	p0 =	sne.s32 s6, $0x3C  }
0x29e: {  	v8 =	vld [tilespmem:s19+$0x50];
	s28 =	sadd.s32 $0x200, s28;
	s13 =	smov.u32 s6;
	s6 =	sadd.s32 $0x4, s6  }
0x29f: {  	v9 =	vld [tilespmem:s19+$0x70];
	_ =	sdelay $0x1  }
0x2a0: {  	v6 =	vmul.f32 v6, v3;
	v7 =	vmul.f32 v7, v3  }
0x2a1: {  	v4 =	vmul.f32 v4, v3;
	v5 =	vmul.f32 v5, v3  }
0x2a2: {  	v1 =	vmul.f32 v1, v3;
	v2 =	vmul.f32 v2, v3;
	[tilespmem:s19+$0x60] =	vst v6  }
0x2a3: {  	[tilespmem:s19+$0x40] =	vst v4;
	v4 =	vmul.f32 v8, v3;
	v3 =	vmul.f32 v9, v3  }
0x2a4: {  	s26 =	sadd.s32 $0x3, s20;
	s20 =	smov.u32 s13;
	[tilespmem:s19+$0x20] =	vst v1;
	v6 =	vld [tilespmem:s19+$0x80]  }
0x2a5: {  	v1 =	vld [tilespmem:s28+$0x20];
	[tilespmem:s19+$0x0] =	vst v7;
	v7 =	vmov s26  }
0x2a6: {  	[tilespmem:s19+$0x50] =	vst v4;
	v4 =	vld [tilespmem:s19+$0xE0]  }
0x2a7: {  	[tilespmem:s19+$0x30] =	vst v2;
	v8 =	vld [tilespmem:s19+$0xC0]  }
0x2a8: {  	v2 =	vld [tilespmem:s28+$0x30];
	[tilespmem:s19+$0x10] =	vst v5  }
0x2a9: {  	[tilespmem:s19+$0x70] =	vst v3;
	v3 =	vld [tilespmem:s19+$0xA0]  }
0x2aa: {  	v5 =	vld.idx.msk [tilespmem:v7+s5+$0x0], $0xffff  }
0x2ab: {  	v7 =	vld [tilespmem:s19+$0x90]  }
0x2ac: {  	v9 =	vld [tilespmem:s19+$0xB0]  }
0x2ad: {  	v10 =	vld [tilespmem:s19+$0xD0]  }
0x2ae: {  	v11 =	vld [tilespmem:s19+$0xF0];
	_ =	sdelay $0x1  }
0x2af: {  	v6 =	vmul.f32 v6, v5;
	v7 =	vmul.f32 v7, v5  }
0x2b0: {  	v3 =	vmul.f32 v3, v5;
	v9 =	vmul.f32 v9, v5  }
0x2b1: {  	v12 =	vmov s20;
	[tilespmem:s19+$0x80] =	vst v6;
	v6 =	vmul.f32 v8, v5;
	v8 =	vmul.f32 v10, v5  }
0x2b2: {  	v10 =	vand.u32 $0xFFFFFFFC, v12;
	[tilespmem:s19+$0xA0] =	vst v3;
	v3 =	vmul.f32 v4, v5;
	v4 =	vmul.f32 v11, v5  }
0x2b3: {  	v5 =	vbroadcast v10, $0x0;
	[tilespmem:s19+$0xC0] =	vst v6  }
0x2b4: {  	[tilespmem:s19+$0xF0] =	vst v4  }
0x2b5: {  	v4 =	vld [tilespmem:s28+$0xFFFFFF40];
	[tilespmem:s19+$0xE0] =	vst v3  }
0x2b6: {  	v3 =	vld [tilespmem:s28+$0xFFFFFF50];
	[tilespmem:s19+$0x90] =	vst v7  }
0x2b7: {  	v6 =	vld [tilespmem:s28+$0xFFFFFF60];
	[tilespmem:s19+$0xB0] =	vst v9  }
0x2b8: {  	v7 =	vld [tilespmem:s28+$0xFFFFFF70];
	[tilespmem:s19+$0xD0] =	vst v8;
	s19 =	smov.u32 s28  }
0x2b9: {  	v5 =	vld.idx.msk [tilespmem:v5+s5+$0x0], $0xffff  }
0x2ba: {  	v8 =	vld [tilespmem:s28+$0xFFFFFF00]  }
0x2bb: {  	v9 =	vld [tilespmem:s28+$0xFFFFFF20]  }
0x2bc: {  	v10 =	vld [tilespmem:s28+$0xFFFFFF10]  }
0x2bd: {  	v11 =	vld [tilespmem:s28+$0xFFFFFF30];
	_ =	sdelay $0x1  }
0x2be: {  	v7 =	vmul.f32 v7, v5;
	v8 =	vmul.f32 v8, v5  }
0x2bf: {  	s13 =	sadd.s32 $0x1, s20;
	v6 =	vmul.f32 v6, v5;
	v9 =	vmul.f32 v9, v5  }
0x2c0: {  	v3 =	vmul.f32 v3, v5;
	v10 =	vmul.f32 v10, v5;
	[tilespmem:s28+$0xFFFFFF70] =	vst v7;
	v7 =	vmov s13  }
0x2c1: {  	v4 =	vmul.f32 v4, v5;
	[tilespmem:s28+$0xFFFFFF00] =	vst v8;
	v8 =	vmul.f32 v11, v5;
	v5 =	vand.u32 $0xFFFFFFFD, v7  }
0x2c2: {  	[tilespmem:s28+$0xFFFFFF20] =	vst v9;
	v5 =	vbroadcast v5, $0x0  }
0x2c3: {  	[tilespmem:s28+$0xFFFFFF50] =	vst v3  }
0x2c4: {  	[tilespmem:s28+$0xFFFFFF40] =	vst v4;
	v3 =	vld [tilespmem:s28+$0xFFFFFFF0]  }
0x2c5: {  	[tilespmem:s28+$0xFFFFFF60] =	vst v6;
	v4 =	vld [tilespmem:s28+$0xFFFFFFC0]  }
0x2c6: {  	[tilespmem:s28+$0xFFFFFF30] =	vst v8;
	v6 =	vld [tilespmem:s28+$0xFFFFFFD0]  }
0x2c7: {  	[tilespmem:s28+$0xFFFFFF10] =	vst v10;
	v7 =	vld [tilespmem:s28+$0xFFFFFF90]  }
0x2c8: {  	v5 =	vld.idx.msk [tilespmem:v5+s5+$0x0], $0xffff  }
0x2c9: {  	v8 =	vld [tilespmem:s28+$0xFFFFFF80]  }
0x2ca: {  	v9 =	vld [tilespmem:s28+$0xFFFFFFA0]  }
0x2cb: {  	v10 =	vld [tilespmem:s28+$0xFFFFFFB0]  }
0x2cc: {  	v11 =	vld [tilespmem:s28+$0xFFFFFFE0];
	_ =	sdelay $0x1  }
0x2cd: {  	v7 =	vmul.f32 v7, v5;
	v8 =	vmul.f32 v8, v5  }
0x2ce: {  	s13 =	sadd.s32 $0x2, s20;
	v6 =	vmul.f32 v6, v5;
	v9 =	vmul.f32 v9, v5  }
0x2cf: {  	v4 =	vmul.f32 v4, v5;
	[tilespmem:s28+$0xFFFFFF90] =	vst v7;
	v7 =	vmul.f32 v10, v5;
	v10 =	vmov s13  }
0x2d0: {  	v3 =	vmul.f32 v3, v5;
	[tilespmem:s28+$0xFFFFFFA0] =	vst v9;
	v9 =	vmul.f32 v11, v5;
	v5 =	vand.u32 $0xFFFFFFFE, v10  }
0x2d1: {  	[tilespmem:s28+$0xFFFFFF80] =	vst v8;
	v5 =	vbroadcast v5, $0x0  }
0x2d2: {  	[tilespmem:s28+$0xFFFFFFB0] =	vst v7  }
0x2d3: {  	[tilespmem:s28+$0xFFFFFFC0] =	vst v4  }
0x2d4: {  	[tilespmem:s28+$0xFFFFFFD0] =	vst v6  }
.Ltmp3:
0x2d5: {  	[tilespmem:s28+$0xFFFFFFF0] =	vst v3;
	v4 =	vld [tilespmem:s28+$0x40];
	(pc) =	sbr.rel @p0 .LBB2_9-.Ltmp3, $4  }
0x2d6: {  	[tilespmem:s28+$0xFFFFFFE0] =	vst v9;
	v6 =	vld [tilespmem:s28+$0x60]  }
0x2d7: {  	v3 =	vld.idx.msk [tilespmem:v5+s5+$0x0], $0xffff  }
0x2d8: {  	v7 =	vld [tilespmem:s28+$0x0]  }
0x2d9: {  	v5 =	vld [tilespmem:s28+$0x10]  }
0x2da: {  	_ =	sdelay $0x1  }
0x2db: {  	v6 =	vmul.f32 v6, v3  }
0x2dc: {  	v8 =	vld [tilespmem:s19+$0x50];
	v4 =	vmul.f32 v4, v3  }
0x2dd: {  	v9 =	vld [tilespmem:s19+$0x70];
	v1 =	vmul.f32 v1, v3;
	[tilespmem:s19+$0x60] =	vst v6  }
0x2de: {  	v6 =	vmul.f32 v7, v3;
	[tilespmem:s19+$0x40] =	vst v4  }
0x2df: {  	s6 =	sadd.s32 $0x3, s20;
	[tilespmem:s19+$0x20] =	vst v1;
	v1 =	vmul.f32 v2, v3  }
0x2e0: {  	v5 =	vmul.f32 v5, v3;
	[tilespmem:s19+$0x0] =	vst v6;
	v6 =	vmov s6  }
0x2e1: {  	v4 =	vmul.f32 v8, v3;
	[tilespmem:s19+$0x30] =	vst v1  }
0x2e2: {  	v3 =	vmul.f32 v9, v3;
	[tilespmem:s19+$0x10] =	vst v5  }
0x2e3: {  	[tilespmem:s19+$0x50] =	vst v4  }
0x2e4: {  	v2 =	vld [tilespmem:s19+$0x80];
	[tilespmem:s19+$0x70] =	vst v3  }
0x2e5: {  	v1 =	vld.idx.msk [tilespmem:v6+s5+$0x0], $0xffff  }
0x2e6: {  	v3 =	vld [tilespmem:s19+$0xA0]  }
0x2e7: {  	v4 =	vld [tilespmem:s19+$0xC0]  }
0x2e8: {  	v5 =	vld [tilespmem:s19+$0xF0]  }
0x2e9: {  	v6 =	vld [tilespmem:s19+$0xE0]  }
0x2ea: {  	v7 =	vld [tilespmem:s19+$0x90];
	v2 =	vmul.f32 v2, v1  }
0x2eb: {  	v8 =	vld [tilespmem:s19+$0xB0];
	v3 =	vmul.f32 v3, v1  }
0x2ec: {  	v61 =	vld [tilespmem:s19+$0xD0];
	[tilespmem:s19+$0x80] =	vst v2;
	v2 =	vmul.f32 v4, v1  }
0x2ed: {  	[tilespmem:s19+$0xA0] =	vst v3;
	v3 =	vmul.f32 v5, v1  }
0x2ee: {  	v4 =	vmul.f32 v6, v1;
	[tilespmem:s19+$0xC0] =	vst v2  }
0x2ef: {  	v2 =	vmul.f32 v7, v1;
	[tilespmem:s19+$0xF0] =	vst v3  }
0x2f0: {  	v3 =	vmul.f32 v8, v1;
	[tilespmem:s19+$0xE0] =	vst v4  }
0x2f1: {  	v1 =	vmul.f32 v61, v1;
	[tilespmem:s19+$0x90] =	vst v2  }
0x2f2: {  	[tilespmem:s19+$0xB0] =	vst v3  }
0x2f3: {  	s20 =	simm.s32 $0x4F60;
	[tilespmem:s19+$0xD0] =	vst v1  }
0x2f4: {  	[spmem:s17] =	stream.indirect.scatter.add.f32 [tilespmem:s30], [sflag:$0x6], $0x80, s20, s22, $0xb8;
	[tilespmem:$0x1EED8] =	vst v63  }
0x2f5: {  	_ = 	snop  }
0x2f6: {  	[spmem:s18] =	stream.indirect.scatter.add.f32 [tilespmem:s5], [sflag:$0x6], $0x1, s20, s22, $0xb8;
	[tilespmem:$0x1EED8] =	vst v63  }
0x2f7: {  	_ =	swait.ge [sflag:s8], $0x2000  }
0x2f8: {  	[sflag:s8] =	ssyncset.done $0x0  }
0x2f9: {  	[sflag:s8] =	ssyncadd.s32 $0xFFFFE000  }
0x2fa: {  	_ =	swait.ge [sflag:s8], $0x40  }
0x2fb: {  	s26 =	sld [smem:$0x7F2];
	_ =	sdelay $0x2  }
0x2fc: {  	s6 =	sadd.s32 s26, s14  }
0x2fd: {  	[sflag:s8] =	ssyncset.done $0x0;
	s6 =	sshll.u32 s6, $0x3  }
0x2fe: {  	s13 =	simm.s32 $0x4EA0;
	[sflag:s8] =	ssyncadd.s32 $0xFFFFFFC0;
	s6 =	sadd.s32 s15, s6  }
0x2ff: {  	[tilespmem:s13], [sflag:$0x7] =	stream.strided.gather [hbm4b:s6+s22], $0x80, s23, s22, $0x38;
	[tilespmem:$0x1EED8] =	vst v63  }
0x300: {  	_ =	swait.ge [sflag:s16], $0x80  }
0x301: {  	[sflag:s16] =	ssyncset.done $0x0  }
0x302: {  	[sflag:s16] =	ssyncadd.s32 $0xFFFFFF80  }
0x303: {  	[tilespmem:s24], [sflag:$0x2] =	stream.indirect.gather [hbm4b:s21+s22], $0x80, s13, s22, $0xb8;
	[tilespmem:$0x1EED8] =	vst v63  }
0x304: {  	_ =	swait.ge [sflag:s25], $0x2000  }
0x305: {  	[sflag:s25] =	ssyncset.done $0x0  }
0x306: {  	[sflag:s25] =	ssyncadd.s32 $0xFFFFE000  }
0x307: {  	v1 =	vld [tilespmem:$0x4E20]  }
0x308: {  	v2 =	vld [tilespmem:$0x4E60];
	_ =	sdelay $0x5  }
0x309: {  	s19 =	simm.s32 $0x0  }
0x30a: {  	v3 =	vld.idx.msk [tilespmem:v1+s19+$0x0], $0xffff  }
0x30b: {  	v4 =	vld.idx.msk [tilespmem:v2+s3+$0x0], $0xffff;
	_ =	sdelay $0x4  }
0x30c: {  	v3 =	vadd.f32 v4, v3;
	_ =	sdelay $0x1  }
0x30d: {  	v4 =	vmul.f32 $2.000000030e-01, v3  }
0x30e: {  	vm0 =	vge.f32 v3, $0.0e+00  }
0x30f: {  	v3 =	vsel vm0, v3, v4  }
0x310: {  	v3 =	vmul.f32 $1.442695020e+00, v3;
	_ =	sdelay $0x1  }
0x311: {  	(erf) = vpow2.f32 v3;
	_ =	sdelay $0x3  }
0x312: {  	v3 =	vld [tilespmem:$0x4E30]  }
0x313: {  	v4 =	vld [tilespmem:$0x4E70];
	_ =	sdelay $0x3  }
0x314: {  	vm9 =	veq.s32 v1, v2;
	v1 =	vpop (erf)  }
0x315: {  	v1 =	vsel vm9, $0x0, v1  }
0x316: {  	[tilespmem:$0x4FA0] =	vst v1  }
0x317: {  	v1 =	vld.idx.msk [tilespmem:v3+s19+$0x0], $0xffff  }
0x318: {  	v2 =	vld.idx.msk [tilespmem:v4+s3+$0x0], $0xffff;
	_ =	sdelay $0x4  }
0x319: {  	v1 =	vadd.f32 v2, v1;
	_ =	sdelay $0x1  }
0x31a: {  	v2 =	vmul.f32 $2.000000030e-01, v1  }
0x31b: {  	vm10 =	vge.f32 v1, $0.0e+00  }
0x31c: {  	v1 =	vsel vm10, v1, v2  }
0x31d: {  	v1 =	vmul.f32 $1.442695020e+00, v1;
	_ =	sdelay $0x1  }
0x31e: {  	(erf) = vpow2.f32 v1;
	_ =	sdelay $0x3  }
0x31f: {  	v1 =	vld [tilespmem:$0x4E40]  }
0x320: {  	v2 =	vld [tilespmem:$0x4E80];
	_ =	sdelay $0x3  }
0x321: {  	vm11 =	veq.s32 v3, v4;
	v3 =	vpop (erf)  }
0x322: {  	v3 =	vsel vm11, $0x0, v3  }
0x323: {  	[tilespmem:$0x4FB0] =	vst v3  }
0x324: {  	v3 =	vld.idx.msk [tilespmem:v1+s19+$0x0], $0xffff  }
0x325: {  	v4 =	vld.idx.msk [tilespmem:v2+s3+$0x0], $0xffff;
	_ =	sdelay $0x4  }
0x326: {  	v3 =	vadd.f32 v4, v3;
	_ =	sdelay $0x1  }
0x327: {  	v4 =	vmul.f32 $2.000000030e-01, v3  }
0x328: {  	vm12 =	vge.f32 v3, $0.0e+00  }
0x329: {  	v3 =	vsel vm12, v3, v4  }
0x32a: {  	v3 =	vmul.f32 $1.442695020e+00, v3;
	_ =	sdelay $0x1  }
0x32b: {  	(erf) = vpow2.f32 v3;
	_ =	sdelay $0x3  }
0x32c: {  	v3 =	vld [tilespmem:$0x4E50]  }
0x32d: {  	v4 =	vld [tilespmem:$0x4E90];
	_ =	sdelay $0x3  }
0x32e: {  	vm13 =	veq.s32 v1, v2;
	v1 =	vpop (erf)  }
0x32f: {  	v1 =	vsel vm13, $0x0, v1  }
0x330: {  	[tilespmem:$0x4FC0] =	vst v1  }
0x331: {  	v1 =	vld.idx.msk [tilespmem:v3+s19+$0x0], $0xffff  }
0x332: {  	v2 =	vld.idx.msk [tilespmem:v4+s3+$0x0], $0xffff;
	_ =	sdelay $0x4  }
0x333: {  	v1 =	vadd.f32 v2, v1;
	_ =	sdelay $0x1  }
0x334: {  	v2 =	vmul.f32 $2.000000030e-01, v1  }
0x335: {  	vm14 =	vge.f32 v1, $0.0e+00  }
0x336: {  	v1 =	vsel vm14, v1, v2  }
0x337: {  	v1 =	vmul.f32 $1.442695020e+00, v1;
	_ =	sdelay $0x1  }
0x338: {  	(erf) = vpow2.f32 v1;
	_ =	sdelay $0x4  }
0x339: {  	v1 =	vmov s19  }
0x33a: {  	v1 =	vand.u32 $0xFFFFFFFC, v1  }
0x33b: {  	v1 =	vbroadcast v1, $0x0;
	_ =	sdelay $0x1  }
0x33c: {  	vm15 =	veq.s32 v3, v4;
	v2 =	vpop (erf)  }
0x33d: {  	v2 =	vsel vm15, $0x0, v2  }
0x33e: {  	s20 =	simm.s32 $0x5160;
	[tilespmem:$0x4FD0] =	vst v2  }
0x33f: {  	v2 =	vld [tilespmem:s20+$0xFFFFFF70]  }
0x340: {  	v1 =	vld.idx.msk [tilespmem:v1+s12+$0x0], $0xffff  }
0x341: {  	v3 =	vld [tilespmem:s20+$0xFFFFFF00]  }
0x342: {  	v4 =	vld [tilespmem:s20+$0xFFFFFF20]  }
0x343: {  	v5 =	vld [tilespmem:s20+$0xFFFFFF50]  }
0x344: {  	v6 =	vld [tilespmem:s20+$0xFFFFFF40]  }
0x345: {  	v7 =	vld [tilespmem:s20+$0xFFFFFF60];
	v2 =	vmul.f32 v2, v1  }
0x346: {  	s13 =	simm.s32 $0x1;
	v8 =	vld [tilespmem:s20+$0xFFFFFF30];
	v3 =	vmul.f32 v3, v1  }
0x347: {  	v62 =	vld [tilespmem:s20+$0xFFFFFF10];
	v4 =	vmul.f32 v4, v1;
	[tilespmem:s20+$0xFFFFFF70] =	vst v2;
	v2 =	vmov s13  }
0x348: {  	v5 =	vmul.f32 v5, v1;
	[tilespmem:s20+$0xFFFFFF00] =	vst v3;
	v2 =	vand.u32 $0xFFFFFFFD, v2  }
0x349: {  	v3 =	vmul.f32 v6, v1;
	[tilespmem:s20+$0xFFFFFF20] =	vst v4;
	v2 =	vbroadcast v2, $0x0  }
0x34a: {  	v4 =	vmul.f32 v7, v1;
	[tilespmem:s20+$0xFFFFFF50] =	vst v5  }
0x34b: {  	v5 =	vmul.f32 v8, v1;
	[tilespmem:s20+$0xFFFFFF40] =	vst v3  }
0x34c: {  	v1 =	vmul.f32 v62, v1;
	[tilespmem:s20+$0xFFFFFF60] =	vst v4  }
0x34d: {  	[tilespmem:s20+$0xFFFFFF30] =	vst v5  }
0x34e: {  	[tilespmem:s20+$0xFFFFFF10] =	vst v1;
	v1 =	vld [tilespmem:s20+$0xFFFFFF90]  }
0x34f: {  	v3 =	vld.idx.msk [tilespmem:v2+s12+$0x0], $0xffff  }
0x350: {  	v2 =	vld [tilespmem:s20+$0xFFFFFFA0]  }
0x351: {  	v4 =	vld [tilespmem:s20+$0xFFFFFF80]  }
0x352: {  	v5 =	vld [tilespmem:s20+$0xFFFFFFB0]  }
0x353: {  	v6 =	vld [tilespmem:s20+$0xFFFFFFC0]  }
0x354: {  	v7 =	vld [tilespmem:s20+$0xFFFFFFD0];
	v1 =	vmul.f32 v1, v3  }
0x355: {  	s26 =	simm.s32 $0x2;
	v8 =	vld [tilespmem:s20+$0xFFFFFFF0];
	v2 =	vmul.f32 v2, v3  }
0x356: {  	v63 =	vld [tilespmem:s20+$0xFFFFFFE0];
	v4 =	vmul.f32 v4, v3;
	[tilespmem:s20+$0xFFFFFF90] =	vst v1;
	v1 =	vmov s26  }
0x357: {  	v5 =	vmul.f32 v5, v3;
	[tilespmem:s20+$0xFFFFFFA0] =	vst v2;
	v1 =	vand.u32 $0xFFFFFFFE, v1  }
0x358: {  	v2 =	vmul.f32 v6, v3;
	[tilespmem:s20+$0xFFFFFF80] =	vst v4;
	v6 =	vld [tilespmem:s20+$0x60];
	v10 =	vbroadcast v1, $0x0  }
0x359: {  	v4 =	vmul.f32 v7, v3;
	[tilespmem:s20+$0xFFFFFFB0] =	vst v5;
	v7 =	vld [tilespmem:s20+$0x0]  }
0x35a: {  	v5 =	vmul.f32 v8, v3;
	v1 =	vld [tilespmem:s20+$0x20];
	[tilespmem:s20+$0xFFFFFFC0] =	vst v2  }
0x35b: {  	v3 =	vmul.f32 v63, v3;
	v2 =	vld [tilespmem:s20+$0x30];
	[tilespmem:s20+$0xFFFFFFD0] =	vst v4  }
0x35c: {  	[tilespmem:s20+$0xFFFFFFF0] =	vst v5;
	v4 =	vld [tilespmem:s20+$0x40]  }
0x35d: {  	[tilespmem:s20+$0xFFFFFFE0] =	vst v3;
	v5 =	vld [tilespmem:s20+$0x10]  }
0x35e: {  	s28 =	simm.s32 $0x5160;
	s6 =	simm.s32 $0x4;
	v3 =	vld.idx.msk [tilespmem:v10+s12+$0x0], $0xffff  }
.LBB2_11:
0x35f: {  	p0 =	sne.s32 s6, $0x3C  }
0x360: {  	v8 =	vld [tilespmem:s20+$0x50];
	s28 =	sadd.s32 $0x200, s28;
	s13 =	smov.u32 s6;
	s6 =	sadd.s32 $0x4, s6  }
0x361: {  	v9 =	vld [tilespmem:s20+$0x70];
	_ =	sdelay $0x1  }
0x362: {  	v6 =	vmul.f32 v6, v3;
	v7 =	vmul.f32 v7, v3  }
0x363: {  	v4 =	vmul.f32 v4, v3;
	v5 =	vmul.f32 v5, v3  }
0x364: {  	v1 =	vmul.f32 v1, v3;
	v2 =	vmul.f32 v2, v3;
	[tilespmem:s20+$0x60] =	vst v6  }
0x365: {  	[tilespmem:s20+$0x40] =	vst v4;
	v4 =	vmul.f32 v8, v3;
	v3 =	vmul.f32 v9, v3  }
0x366: {  	s26 =	sadd.s32 $0x3, s19;
	s19 =	smov.u32 s13;
	[tilespmem:s20+$0x20] =	vst v1;
	v6 =	vld [tilespmem:s20+$0x80]  }
0x367: {  	v1 =	vld [tilespmem:s28+$0x20];
	[tilespmem:s20+$0x0] =	vst v7;
	v7 =	vmov s26  }
0x368: {  	[tilespmem:s20+$0x50] =	vst v4;
	v4 =	vld [tilespmem:s20+$0xE0]  }
0x369: {  	[tilespmem:s20+$0x30] =	vst v2;
	v8 =	vld [tilespmem:s20+$0xC0]  }
0x36a: {  	v2 =	vld [tilespmem:s28+$0x30];
	[tilespmem:s20+$0x10] =	vst v5  }
0x36b: {  	[tilespmem:s20+$0x70] =	vst v3;
	v3 =	vld [tilespmem:s20+$0xA0]  }
0x36c: {  	v5 =	vld.idx.msk [tilespmem:v7+s12+$0x0], $0xffff  }
0x36d: {  	v7 =	vld [tilespmem:s20+$0x90]  }
0x36e: {  	v9 =	vld [tilespmem:s20+$0xB0]  }
0x36f: {  	v10 =	vld [tilespmem:s20+$0xD0]  }
0x370: {  	v11 =	vld [tilespmem:s20+$0xF0];
	_ =	sdelay $0x1  }
0x371: {  	v6 =	vmul.f32 v6, v5;
	v7 =	vmul.f32 v7, v5  }
0x372: {  	v3 =	vmul.f32 v3, v5;
	v9 =	vmul.f32 v9, v5  }
0x373: {  	v12 =	vmov s19;
	[tilespmem:s20+$0x80] =	vst v6;
	v6 =	vmul.f32 v8, v5;
	v8 =	vmul.f32 v10, v5  }
0x374: {  	v10 =	vand.u32 $0xFFFFFFFC, v12;
	[tilespmem:s20+$0xA0] =	vst v3;
	v3 =	vmul.f32 v4, v5;
	v4 =	vmul.f32 v11, v5  }
0x375: {  	v5 =	vbroadcast v10, $0x0;
	[tilespmem:s20+$0xC0] =	vst v6  }
0x376: {  	[tilespmem:s20+$0xF0] =	vst v4  }
0x377: {  	v4 =	vld [tilespmem:s28+$0xFFFFFF40];
	[tilespmem:s20+$0xE0] =	vst v3  }
0x378: {  	v3 =	vld [tilespmem:s28+$0xFFFFFF50];
	[tilespmem:s20+$0x90] =	vst v7  }
0x379: {  	v6 =	vld [tilespmem:s28+$0xFFFFFF60];
	[tilespmem:s20+$0xB0] =	vst v9  }
0x37a: {  	v7 =	vld [tilespmem:s28+$0xFFFFFF70];
	[tilespmem:s20+$0xD0] =	vst v8;
	s20 =	smov.u32 s28  }
0x37b: {  	v5 =	vld.idx.msk [tilespmem:v5+s12+$0x0], $0xffff  }
0x37c: {  	v8 =	vld [tilespmem:s28+$0xFFFFFF00]  }
0x37d: {  	v9 =	vld [tilespmem:s28+$0xFFFFFF20]  }
0x37e: {  	v10 =	vld [tilespmem:s28+$0xFFFFFF10]  }
0x37f: {  	v11 =	vld [tilespmem:s28+$0xFFFFFF30];
	_ =	sdelay $0x1  }
0x380: {  	v7 =	vmul.f32 v7, v5;
	v8 =	vmul.f32 v8, v5  }
0x381: {  	s13 =	sadd.s32 $0x1, s19;
	v6 =	vmul.f32 v6, v5;
	v9 =	vmul.f32 v9, v5  }
0x382: {  	v3 =	vmul.f32 v3, v5;
	v10 =	vmul.f32 v10, v5;
	[tilespmem:s28+$0xFFFFFF70] =	vst v7;
	v7 =	vmov s13  }
0x383: {  	v4 =	vmul.f32 v4, v5;
	[tilespmem:s28+$0xFFFFFF00] =	vst v8;
	v8 =	vmul.f32 v11, v5;
	v5 =	vand.u32 $0xFFFFFFFD, v7  }
0x384: {  	[tilespmem:s28+$0xFFFFFF20] =	vst v9;
	v5 =	vbroadcast v5, $0x0  }
0x385: {  	[tilespmem:s28+$0xFFFFFF50] =	vst v3  }
0x386: {  	[tilespmem:s28+$0xFFFFFF40] =	vst v4;
	v3 =	vld [tilespmem:s28+$0xFFFFFFF0]  }
0x387: {  	[tilespmem:s28+$0xFFFFFF60] =	vst v6;
	v4 =	vld [tilespmem:s28+$0xFFFFFFC0]  }
0x388: {  	[tilespmem:s28+$0xFFFFFF30] =	vst v8;
	v6 =	vld [tilespmem:s28+$0xFFFFFFD0]  }
0x389: {  	[tilespmem:s28+$0xFFFFFF10] =	vst v10;
	v7 =	vld [tilespmem:s28+$0xFFFFFF90]  }
0x38a: {  	v5 =	vld.idx.msk [tilespmem:v5+s12+$0x0], $0xffff  }
0x38b: {  	v8 =	vld [tilespmem:s28+$0xFFFFFF80]  }
0x38c: {  	v9 =	vld [tilespmem:s28+$0xFFFFFFA0]  }
0x38d: {  	v10 =	vld [tilespmem:s28+$0xFFFFFFB0]  }
0x38e: {  	v11 =	vld [tilespmem:s28+$0xFFFFFFE0];
	_ =	sdelay $0x1  }
0x38f: {  	v7 =	vmul.f32 v7, v5;
	v8 =	vmul.f32 v8, v5  }
0x390: {  	s13 =	sadd.s32 $0x2, s19;
	v6 =	vmul.f32 v6, v5;
	v9 =	vmul.f32 v9, v5  }
0x391: {  	v4 =	vmul.f32 v4, v5;
	[tilespmem:s28+$0xFFFFFF90] =	vst v7;
	v7 =	vmul.f32 v10, v5;
	v10 =	vmov s13  }
0x392: {  	v3 =	vmul.f32 v3, v5;
	[tilespmem:s28+$0xFFFFFFA0] =	vst v9;
	v9 =	vmul.f32 v11, v5;
	v5 =	vand.u32 $0xFFFFFFFE, v10  }
0x393: {  	[tilespmem:s28+$0xFFFFFF80] =	vst v8;
	v5 =	vbroadcast v5, $0x0  }
0x394: {  	[tilespmem:s28+$0xFFFFFFB0] =	vst v7  }
0x395: {  	[tilespmem:s28+$0xFFFFFFC0] =	vst v4  }
0x396: {  	[tilespmem:s28+$0xFFFFFFD0] =	vst v6  }
.Ltmp4:
0x397: {  	[tilespmem:s28+$0xFFFFFFF0] =	vst v3;
	v4 =	vld [tilespmem:s28+$0x40];
	(pc) =	sbr.rel @p0 .LBB2_11-.Ltmp4, $4  }
0x398: {  	[tilespmem:s28+$0xFFFFFFE0] =	vst v9;
	v6 =	vld [tilespmem:s28+$0x60]  }
0x399: {  	v3 =	vld.idx.msk [tilespmem:v5+s12+$0x0], $0xffff  }
0x39a: {  	v7 =	vld [tilespmem:s28+$0x0]  }
0x39b: {  	v5 =	vld [tilespmem:s28+$0x10]  }
0x39c: {  	_ =	sdelay $0x1  }
0x39d: {  	v6 =	vmul.f32 v6, v3  }
0x39e: {  	v8 =	vld [tilespmem:s20+$0x50];
	v4 =	vmul.f32 v4, v3  }
0x39f: {  	v9 =	vld [tilespmem:s20+$0x70];
	v1 =	vmul.f32 v1, v3;
	[tilespmem:s20+$0x60] =	vst v6  }
0x3a0: {  	v6 =	vmul.f32 v7, v3;
	[tilespmem:s20+$0x40] =	vst v4  }
0x3a1: {  	s6 =	sadd.s32 $0x3, s19;
	[tilespmem:s20+$0x20] =	vst v1;
	v1 =	vmul.f32 v2, v3  }
0x3a2: {  	v5 =	vmul.f32 v5, v3;
	[tilespmem:s20+$0x0] =	vst v6;
	v6 =	vmov s6  }
0x3a3: {  	v4 =	vmul.f32 v8, v3;
	[tilespmem:s20+$0x30] =	vst v1  }
0x3a4: {  	v3 =	vmul.f32 v9, v3;
	[tilespmem:s20+$0x10] =	vst v5  }
0x3a5: {  	[tilespmem:s20+$0x50] =	vst v4  }
0x3a6: {  	v2 =	vld [tilespmem:s20+$0x80];
	[tilespmem:s20+$0x70] =	vst v3  }
0x3a7: {  	v1 =	vld.idx.msk [tilespmem:v6+s12+$0x0], $0xffff  }
0x3a8: {  	v3 =	vld [tilespmem:s20+$0xA0]  }
0x3a9: {  	v4 =	vld [tilespmem:s20+$0xC0]  }
0x3aa: {  	v5 =	vld [tilespmem:s20+$0xF0]  }
0x3ab: {  	v6 =	vld [tilespmem:s20+$0xE0]  }
0x3ac: {  	v7 =	vld [tilespmem:s20+$0x90];
	v2 =	vmul.f32 v2, v1  }
0x3ad: {  	v8 =	vld [tilespmem:s20+$0xB0];
	v3 =	vmul.f32 v3, v1  }
0x3ae: {  	v61 =	vld [tilespmem:s20+$0xD0];
	[tilespmem:s20+$0x80] =	vst v2;
	v2 =	vmul.f32 v4, v1  }
0x3af: {  	[tilespmem:s20+$0xA0] =	vst v3;
	v3 =	vmul.f32 v5, v1  }
0x3b0: {  	v4 =	vmul.f32 v6, v1;
	[tilespmem:s20+$0xC0] =	vst v2  }
0x3b1: {  	v2 =	vmul.f32 v7, v1;
	[tilespmem:s20+$0xF0] =	vst v3  }
0x3b2: {  	v3 =	vmul.f32 v8, v1;
	[tilespmem:s20+$0xE0] =	vst v4  }
0x3b3: {  	v1 =	vmul.f32 v61, v1;
	[tilespmem:s20+$0x90] =	vst v2  }
0x3b4: {  	[tilespmem:s20+$0xB0] =	vst v3  }
0x3b5: {  	s19 =	simm.s32 $0x4E60;
	[tilespmem:s20+$0xD0] =	vst v1  }
0x3b6: {  	[spmem:s17] =	stream.indirect.scatter.add.f32 [tilespmem:s7], [sflag:$0x4], $0x80, s19, s22, $0xb8;
	[tilespmem:$0x1EED8] =	vst v63  }
0x3b7: {  	_ = 	snop  }
0x3b8: {  	[spmem:s18] =	stream.indirect.scatter.add.f32 [tilespmem:s12], [sflag:$0x4], $0x1, s19, s22, $0xb8;
	[tilespmem:$0x1EED8] =	vst v63  }
0x3b9: {  	_ =	swait.ge [sflag:s9], $0x2000  }
0x3ba: {  	[sflag:s9] =	ssyncset.done $0x0  }
0x3bb: {  	[sflag:s9] =	ssyncadd.s32 $0xFFFFE000  }
0x3bc: {  	_ =	swait.ge [sflag:s9], $0x40  }
0x3bd: {  	s20 =	sld [smem:$0x7F3];
	_ =	sdelay $0x2  }
0x3be: {  	s6 =	sadd.s32 s20, s14  }
0x3bf: {  	[sflag:s9] =	ssyncset.done $0x0;
	s6 =	sshll.u32 s6, $0x3  }
0x3c0: {  	[sflag:s9] =	ssyncadd.s32 $0xFFFFFFC0;
	s6 =	sadd.s32 s15, s6  }
0x3c1: {  	[tilespmem:s29], [sflag:$0x7] =	stream.strided.gather [hbm4b:s6+s22], $0x80, s23, s22, $0x38;
	[tilespmem:$0x1EED8] =	vst v63  }
0x3c2: {  	_ =	swait.ge [sflag:s16], $0x80  }
0x3c3: {  	[sflag:s16] =	ssyncset.done $0x0  }
0x3c4: {  	[sflag:s16] =	ssyncadd.s32 $0xFFFFFF80  }
0x3c5: {  	[tilespmem:s30], [sflag:$0x3] =	stream.indirect.gather [hbm4b:s21+s22], $0x80, s29, s22, $0xb8;
	[tilespmem:$0x1EED8] =	vst v63  }
0x3c6: {  	_ =	swait.ge [sflag:s31], $0x2000  }
0x3c7: {  	[sflag:s31] =	ssyncset.done $0x0  }
0x3c8: {  	[sflag:s31] =	ssyncadd.s32 $0xFFFFE000  }
0x3c9: {  	v1 =	vld [tilespmem:$0x4EA0]  }
0x3ca: {  	v2 =	vld [tilespmem:$0x4EE0];
	_ =	sdelay $0x5  }
0x3cb: {  	s14 =	simm.s32 $0x0  }
0x3cc: {  	v3 =	vld.idx.msk [tilespmem:v1+s14+$0x0], $0xffff  }
0x3cd: {  	v4 =	vld.idx.msk [tilespmem:v2+s3+$0x0], $0xffff;
	_ =	sdelay $0x4  }
0x3ce: {  	v3 =	vadd.f32 v4, v3;
	_ =	sdelay $0x1  }
0x3cf: {  	v4 =	vmul.f32 $2.000000030e-01, v3  }
0x3d0: {  	vm0 =	vge.f32 v3, $0.0e+00  }
0x3d1: {  	v3 =	vsel vm0, v3, v4  }
0x3d2: {  	v3 =	vmul.f32 $1.442695020e+00, v3;
	_ =	sdelay $0x1  }
0x3d3: {  	(erf) = vpow2.f32 v3;
	_ =	sdelay $0x3  }
0x3d4: {  	v3 =	vld [tilespmem:$0x4EB0]  }
0x3d5: {  	v4 =	vld [tilespmem:$0x4EF0];
	_ =	sdelay $0x3  }
0x3d6: {  	vm9 =	veq.s32 v1, v2;
	v1 =	vpop (erf)  }
0x3d7: {  	v1 =	vsel vm9, $0x0, v1  }
0x3d8: {  	[tilespmem:$0x4FE0] =	vst v1  }
0x3d9: {  	v1 =	vld.idx.msk [tilespmem:v3+s14+$0x0], $0xffff  }
0x3da: {  	v2 =	vld.idx.msk [tilespmem:v4+s3+$0x0], $0xffff;
	_ =	sdelay $0x4  }
0x3db: {  	v1 =	vadd.f32 v2, v1;
	_ =	sdelay $0x1  }
0x3dc: {  	v2 =	vmul.f32 $2.000000030e-01, v1  }
0x3dd: {  	vm10 =	vge.f32 v1, $0.0e+00  }
0x3de: {  	v1 =	vsel vm10, v1, v2  }
0x3df: {  	v1 =	vmul.f32 $1.442695020e+00, v1;
	_ =	sdelay $0x1  }
0x3e0: {  	(erf) = vpow2.f32 v1;
	_ =	sdelay $0x3  }
0x3e1: {  	v1 =	vld [tilespmem:$0x4EC0]  }
0x3e2: {  	v2 =	vld [tilespmem:$0x4F00];
	_ =	sdelay $0x3  }
0x3e3: {  	vm11 =	veq.s32 v3, v4;
	v3 =	vpop (erf)  }
0x3e4: {  	v3 =	vsel vm11, $0x0, v3  }
0x3e5: {  	[tilespmem:$0x4FF0] =	vst v3  }
0x3e6: {  	v3 =	vld.idx.msk [tilespmem:v1+s14+$0x0], $0xffff  }
0x3e7: {  	v4 =	vld.idx.msk [tilespmem:v2+s3+$0x0], $0xffff;
	_ =	sdelay $0x4  }
0x3e8: {  	v3 =	vadd.f32 v4, v3;
	_ =	sdelay $0x1  }
0x3e9: {  	v4 =	vmul.f32 $2.000000030e-01, v3  }
0x3ea: {  	vm12 =	vge.f32 v3, $0.0e+00  }
0x3eb: {  	v3 =	vsel vm12, v3, v4  }
0x3ec: {  	v3 =	vmul.f32 $1.442695020e+00, v3;
	_ =	sdelay $0x1  }
0x3ed: {  	(erf) = vpow2.f32 v3;
	_ =	sdelay $0x3  }
0x3ee: {  	v3 =	vld [tilespmem:$0x4ED0]  }
0x3ef: {  	v4 =	vld [tilespmem:$0x4F10];
	_ =	sdelay $0x3  }
0x3f0: {  	vm13 =	veq.s32 v1, v2;
	v1 =	vpop (erf)  }
0x3f1: {  	v1 =	vsel vm13, $0x0, v1  }
0x3f2: {  	[tilespmem:$0x5000] =	vst v1  }
0x3f3: {  	v1 =	vld.idx.msk [tilespmem:v3+s14+$0x0], $0xffff  }
0x3f4: {  	v2 =	vld.idx.msk [tilespmem:v4+s3+$0x0], $0xffff;
	_ =	sdelay $0x4  }
0x3f5: {  	v1 =	vadd.f32 v2, v1;
	_ =	sdelay $0x1  }
0x3f6: {  	v2 =	vmul.f32 $2.000000030e-01, v1  }
0x3f7: {  	vm14 =	vge.f32 v1, $0.0e+00  }
0x3f8: {  	v1 =	vsel vm14, v1, v2  }
0x3f9: {  	v1 =	vmul.f32 $1.442695020e+00, v1;
	_ =	sdelay $0x1  }
0x3fa: {  	(erf) = vpow2.f32 v1;
	_ =	sdelay $0x4  }
0x3fb: {  	v1 =	vmov s14  }
0x3fc: {  	v1 =	vand.u32 $0xFFFFFFFC, v1  }
0x3fd: {  	v1 =	vbroadcast v1, $0x0;
	_ =	sdelay $0x1  }
0x3fe: {  	vm15 =	veq.s32 v3, v4;
	v2 =	vpop (erf)  }
0x3ff: {  	v2 =	vsel vm15, $0x0, v2  }
0x400: {  	s19 =	simm.s32 $0x7160;
	[tilespmem:$0x5010] =	vst v2  }
0x401: {  	v2 =	vld [tilespmem:s19+$0xFFFFFF70]  }
0x402: {  	v1 =	vld.idx.msk [tilespmem:v1+s0+$0x0], $0xffff  }
0x403: {  	v3 =	vld [tilespmem:s19+$0xFFFFFF00]  }
0x404: {  	v4 =	vld [tilespmem:s19+$0xFFFFFF20]  }
0x405: {  	v5 =	vld [tilespmem:s19+$0xFFFFFF50]  }
0x406: {  	v6 =	vld [tilespmem:s19+$0xFFFFFF40]  }
0x407: {  	v7 =	vld [tilespmem:s19+$0xFFFFFF60];
	v2 =	vmul.f32 v2, v1  }
0x408: {  	s26 =	simm.s32 $0x1;
	v8 =	vld [tilespmem:s19+$0xFFFFFF30];
	v3 =	vmul.f32 v3, v1  }
0x409: {  	v62 =	vld [tilespmem:s19+$0xFFFFFF10];
	v4 =	vmul.f32 v4, v1;
	[tilespmem:s19+$0xFFFFFF70] =	vst v2;
	v2 =	vmov s26  }
0x40a: {  	v5 =	vmul.f32 v5, v1;
	[tilespmem:s19+$0xFFFFFF00] =	vst v3;
	v2 =	vand.u32 $0xFFFFFFFD, v2  }
0x40b: {  	v3 =	vmul.f32 v6, v1;
	[tilespmem:s19+$0xFFFFFF20] =	vst v4;
	v2 =	vbroadcast v2, $0x0  }
0x40c: {  	v4 =	vmul.f32 v7, v1;
	[tilespmem:s19+$0xFFFFFF50] =	vst v5  }
0x40d: {  	v5 =	vmul.f32 v8, v1;
	[tilespmem:s19+$0xFFFFFF40] =	vst v3  }
0x40e: {  	v1 =	vmul.f32 v62, v1;
	[tilespmem:s19+$0xFFFFFF60] =	vst v4  }
0x40f: {  	[tilespmem:s19+$0xFFFFFF30] =	vst v5  }
0x410: {  	[tilespmem:s19+$0xFFFFFF10] =	vst v1;
	v1 =	vld [tilespmem:s19+$0xFFFFFF90]  }
0x411: {  	v3 =	vld.idx.msk [tilespmem:v2+s0+$0x0], $0xffff  }
0x412: {  	v2 =	vld [tilespmem:s19+$0xFFFFFFA0]  }
0x413: {  	v4 =	vld [tilespmem:s19+$0xFFFFFF80]  }
0x414: {  	v5 =	vld [tilespmem:s19+$0xFFFFFFB0]  }
0x415: {  	v6 =	vld [tilespmem:s19+$0xFFFFFFC0]  }
0x416: {  	v7 =	vld [tilespmem:s19+$0xFFFFFFD0];
	v1 =	vmul.f32 v1, v3  }
0x417: {  	s28 =	simm.s32 $0x2;
	v8 =	vld [tilespmem:s19+$0xFFFFFFF0];
	v2 =	vmul.f32 v2, v3  }
0x418: {  	v63 =	vld [tilespmem:s19+$0xFFFFFFE0];
	v4 =	vmul.f32 v4, v3;
	[tilespmem:s19+$0xFFFFFF90] =	vst v1;
	v1 =	vmov s28  }
0x419: {  	v5 =	vmul.f32 v5, v3;
	[tilespmem:s19+$0xFFFFFFA0] =	vst v2;
	v1 =	vand.u32 $0xFFFFFFFE, v1  }
0x41a: {  	v2 =	vmul.f32 v6, v3;
	[tilespmem:s19+$0xFFFFFF80] =	vst v4;
	v6 =	vld [tilespmem:s19+$0x60];
	v10 =	vbroadcast v1, $0x0  }
0x41b: {  	v4 =	vmul.f32 v7, v3;
	[tilespmem:s19+$0xFFFFFFB0] =	vst v5;
	v7 =	vld [tilespmem:s19+$0x0]  }
0x41c: {  	v5 =	vmul.f32 v8, v3;
	v1 =	vld [tilespmem:s19+$0x20];
	[tilespmem:s19+$0xFFFFFFC0] =	vst v2  }
0x41d: {  	v3 =	vmul.f32 v63, v3;
	v2 =	vld [tilespmem:s19+$0x30];
	[tilespmem:s19+$0xFFFFFFD0] =	vst v4  }
0x41e: {  	[tilespmem:s19+$0xFFFFFFF0] =	vst v5;
	v4 =	vld [tilespmem:s19+$0x40]  }
0x41f: {  	[tilespmem:s19+$0xFFFFFFE0] =	vst v3;
	v5 =	vld [tilespmem:s19+$0x10]  }
0x420: {  	s20 =	simm.s32 $0x7160;
	s6 =	simm.s32 $0x4;
	v3 =	vld.idx.msk [tilespmem:v10+s0+$0x0], $0xffff  }
.LBB2_13:
0x421: {  	p0 =	sne.s32 s6, $0x3C  }
0x422: {  	v8 =	vld [tilespmem:s19+$0x50];
	s20 =	sadd.s32 $0x200, s20;
	s13 =	smov.u32 s6;
	s6 =	sadd.s32 $0x4, s6  }
0x423: {  	v9 =	vld [tilespmem:s19+$0x70];
	_ =	sdelay $0x1  }
0x424: {  	v6 =	vmul.f32 v6, v3;
	v7 =	vmul.f32 v7, v3  }
0x425: {  	v4 =	vmul.f32 v4, v3;
	v5 =	vmul.f32 v5, v3  }
0x426: {  	v1 =	vmul.f32 v1, v3;
	v2 =	vmul.f32 v2, v3;
	[tilespmem:s19+$0x60] =	vst v6  }
0x427: {  	[tilespmem:s19+$0x40] =	vst v4;
	v4 =	vmul.f32 v8, v3;
	v3 =	vmul.f32 v9, v3  }
0x428: {  	s26 =	sadd.s32 $0x3, s14;
	s14 =	smov.u32 s13;
	[tilespmem:s19+$0x20] =	vst v1;
	v6 =	vld [tilespmem:s19+$0x80]  }
0x429: {  	v1 =	vld [tilespmem:s20+$0x20];
	[tilespmem:s19+$0x0] =	vst v7;
	v7 =	vmov s26  }
0x42a: {  	[tilespmem:s19+$0x50] =	vst v4;
	v4 =	vld [tilespmem:s19+$0xE0]  }
0x42b: {  	[tilespmem:s19+$0x30] =	vst v2;
	v8 =	vld [tilespmem:s19+$0xC0]  }
0x42c: {  	v2 =	vld [tilespmem:s20+$0x30];
	[tilespmem:s19+$0x10] =	vst v5  }
0x42d: {  	[tilespmem:s19+$0x70] =	vst v3;
	v3 =	vld [tilespmem:s19+$0xA0]  }
0x42e: {  	v5 =	vld.idx.msk [tilespmem:v7+s0+$0x0], $0xffff  }
0x42f: {  	v7 =	vld [tilespmem:s19+$0x90]  }
0x430: {  	v9 =	vld [tilespmem:s19+$0xB0]  }
0x431: {  	v10 =	vld [tilespmem:s19+$0xD0]  }
0x432: {  	v11 =	vld [tilespmem:s19+$0xF0];
	_ =	sdelay $0x1  }
0x433: {  	v6 =	vmul.f32 v6, v5;
	v7 =	vmul.f32 v7, v5  }
0x434: {  	v3 =	vmul.f32 v3, v5;
	v9 =	vmul.f32 v9, v5  }
0x435: {  	v12 =	vmov s14;
	[tilespmem:s19+$0x80] =	vst v6;
	v6 =	vmul.f32 v8, v5;
	v8 =	vmul.f32 v10, v5  }
0x436: {  	v10 =	vand.u32 $0xFFFFFFFC, v12;
	[tilespmem:s19+$0xA0] =	vst v3;
	v3 =	vmul.f32 v4, v5;
	v4 =	vmul.f32 v11, v5  }
0x437: {  	v5 =	vbroadcast v10, $0x0;
	[tilespmem:s19+$0xC0] =	vst v6  }
0x438: {  	[tilespmem:s19+$0xF0] =	vst v4  }
0x439: {  	v4 =	vld [tilespmem:s20+$0xFFFFFF40];
	[tilespmem:s19+$0xE0] =	vst v3  }
0x43a: {  	v3 =	vld [tilespmem:s20+$0xFFFFFF50];
	[tilespmem:s19+$0x90] =	vst v7  }
0x43b: {  	v6 =	vld [tilespmem:s20+$0xFFFFFF60];
	[tilespmem:s19+$0xB0] =	vst v9  }
0x43c: {  	v7 =	vld [tilespmem:s20+$0xFFFFFF70];
	[tilespmem:s19+$0xD0] =	vst v8;
	s19 =	smov.u32 s20  }
0x43d: {  	v5 =	vld.idx.msk [tilespmem:v5+s0+$0x0], $0xffff  }
0x43e: {  	v8 =	vld [tilespmem:s20+$0xFFFFFF00]  }
0x43f: {  	v9 =	vld [tilespmem:s20+$0xFFFFFF20]  }
0x440: {  	v10 =	vld [tilespmem:s20+$0xFFFFFF10]  }
0x441: {  	v11 =	vld [tilespmem:s20+$0xFFFFFF30];
	_ =	sdelay $0x1  }
0x442: {  	v7 =	vmul.f32 v7, v5;
	v8 =	vmul.f32 v8, v5  }
0x443: {  	s13 =	sadd.s32 $0x1, s14;
	v6 =	vmul.f32 v6, v5;
	v9 =	vmul.f32 v9, v5  }
0x444: {  	v3 =	vmul.f32 v3, v5;
	v10 =	vmul.f32 v10, v5;
	[tilespmem:s20+$0xFFFFFF70] =	vst v7;
	v7 =	vmov s13  }
0x445: {  	v4 =	vmul.f32 v4, v5;
	[tilespmem:s20+$0xFFFFFF00] =	vst v8;
	v8 =	vmul.f32 v11, v5;
	v5 =	vand.u32 $0xFFFFFFFD, v7  }
0x446: {  	[tilespmem:s20+$0xFFFFFF20] =	vst v9;
	v5 =	vbroadcast v5, $0x0  }
0x447: {  	[tilespmem:s20+$0xFFFFFF50] =	vst v3  }
0x448: {  	[tilespmem:s20+$0xFFFFFF40] =	vst v4;
	v3 =	vld [tilespmem:s20+$0xFFFFFFF0]  }
0x449: {  	[tilespmem:s20+$0xFFFFFF60] =	vst v6;
	v4 =	vld [tilespmem:s20+$0xFFFFFFC0]  }
0x44a: {  	[tilespmem:s20+$0xFFFFFF30] =	vst v8;
	v6 =	vld [tilespmem:s20+$0xFFFFFFD0]  }
0x44b: {  	[tilespmem:s20+$0xFFFFFF10] =	vst v10;
	v7 =	vld [tilespmem:s20+$0xFFFFFF90]  }
0x44c: {  	v5 =	vld.idx.msk [tilespmem:v5+s0+$0x0], $0xffff  }
0x44d: {  	v8 =	vld [tilespmem:s20+$0xFFFFFF80]  }
0x44e: {  	v9 =	vld [tilespmem:s20+$0xFFFFFFA0]  }
0x44f: {  	v10 =	vld [tilespmem:s20+$0xFFFFFFB0]  }
0x450: {  	v11 =	vld [tilespmem:s20+$0xFFFFFFE0];
	_ =	sdelay $0x1  }
0x451: {  	v7 =	vmul.f32 v7, v5;
	v8 =	vmul.f32 v8, v5  }
0x452: {  	s13 =	sadd.s32 $0x2, s14;
	v6 =	vmul.f32 v6, v5;
	v9 =	vmul.f32 v9, v5  }
0x453: {  	v4 =	vmul.f32 v4, v5;
	[tilespmem:s20+$0xFFFFFF90] =	vst v7;
	v7 =	vmul.f32 v10, v5;
	v10 =	vmov s13  }
0x454: {  	v3 =	vmul.f32 v3, v5;
	[tilespmem:s20+$0xFFFFFFA0] =	vst v9;
	v9 =	vmul.f32 v11, v5;
	v5 =	vand.u32 $0xFFFFFFFE, v10  }
0x455: {  	[tilespmem:s20+$0xFFFFFF80] =	vst v8;
	v5 =	vbroadcast v5, $0x0  }
0x456: {  	[tilespmem:s20+$0xFFFFFFB0] =	vst v7  }
0x457: {  	[tilespmem:s20+$0xFFFFFFC0] =	vst v4  }
0x458: {  	[tilespmem:s20+$0xFFFFFFD0] =	vst v6  }
.Ltmp5:
0x459: {  	[tilespmem:s20+$0xFFFFFFF0] =	vst v3;
	v4 =	vld [tilespmem:s20+$0x40];
	(pc) =	sbr.rel @p0 .LBB2_13-.Ltmp5, $4  }
0x45a: {  	[tilespmem:s20+$0xFFFFFFE0] =	vst v9;
	v6 =	vld [tilespmem:s20+$0x60]  }
0x45b: {  	v3 =	vld.idx.msk [tilespmem:v5+s0+$0x0], $0xffff  }
0x45c: {  	v7 =	vld [tilespmem:s20+$0x0]  }
0x45d: {  	v5 =	vld [tilespmem:s20+$0x10]  }
0x45e: {  	_ =	sdelay $0x1  }
0x45f: {  	v6 =	vmul.f32 v6, v3  }
0x460: {  	v8 =	vld [tilespmem:s19+$0x50];
	v4 =	vmul.f32 v4, v3  }
0x461: {  	v9 =	vld [tilespmem:s19+$0x70];
	v1 =	vmul.f32 v1, v3;
	[tilespmem:s19+$0x60] =	vst v6  }
0x462: {  	v54 =	vmul.f32 v7, v3;
	[tilespmem:s19+$0x40] =	vst v4  }
0x463: {  	s6 =	sadd.s32 $0x3, s14;
	[tilespmem:s19+$0x20] =	vst v1;
	v1 =	vmul.f32 v2, v3  }
0x464: {  	v56 =	vmov s6;
	v5 =	vmul.f32 v5, v3;
	[tilespmem:s19+$0x0] =	vst v54  }
0x465: {  	v55 =	vmul.f32 v8, v3;
	[tilespmem:s19+$0x30] =	vst v1  }
0x466: {  	v3 =	vmul.f32 v9, v3;
	[tilespmem:s19+$0x10] =	vst v5  }
0x467: {  	[tilespmem:s19+$0x50] =	vst v55  }
0x468: {  	v2 =	vld [tilespmem:s19+$0x80];
	[tilespmem:s19+$0x70] =	vst v3  }
0x469: {  	v1 =	vld.idx.msk [tilespmem:v56+s0+$0x0], $0xffff  }
0x46a: {  	v3 =	vld [tilespmem:s19+$0xA0]  }
0x46b: {  	v59 =	vld [tilespmem:s19+$0xE0]  }
0x46c: {  	v57 =	vld [tilespmem:s19+$0xC0]  }
0x46d: {  	v58 =	vld [tilespmem:s19+$0xF0]  }
0x46e: {  	v60 =	vld [tilespmem:s19+$0x90];
	v2 =	vmul.f32 v2, v1  }
0x46f: {  	v61 =	vld [tilespmem:s19+$0xB0];
	v3 =	vmul.f32 v3, v1  }
0x470: {  	v62 =	vld [tilespmem:s19+$0xD0];
	v63 =	vmul.f32 v59, v1;
	[tilespmem:s19+$0x80] =	vst v2  }
0x471: {  	v2 =	vmul.f32 v57, v1;
	[tilespmem:s19+$0xA0] =	vst v3  }
0x472: {  	v3 =	vmul.f32 v58, v1;
	[tilespmem:s19+$0xE0] =	vst v63  }
0x473: {  	[tilespmem:s19+$0xC0] =	vst v2;
	v2 =	vmul.f32 v60, v1  }
0x474: {  	s10 =	sadd.s32 $0x1, s10;
	[tilespmem:s19+$0xF0] =	vst v3;
	v3 =	vmul.f32 v61, v1  }
0x475: {  	p0 =	sne.s32 s10, $0x34;
	v1 =	vmul.f32 v62, v1;
	[tilespmem:s19+$0x90] =	vst v2  }
.Ltmp6:
0x476: {  	[tilespmem:s19+$0xB0] =	vst v3;
	(pc) =	sbr.rel @p0 .LBB2_8-.Ltmp6, $4  }
0x477: {  	[tilespmem:s19+$0xD0] =	vst v1  }
0x478: {  	[spmem:s17] =	stream.indirect.scatter.add.f32 [tilespmem:s24], [sflag:$0x5], $0x80, s1, s22, $0xb8;
	[tilespmem:$0x1EED8] =	vst v63  }
0x479: {  	_ = 	snop  }
0x47a: {  	[spmem:s18] =	stream.indirect.scatter.add.f32 [tilespmem:s0], [sflag:$0x5], $0x1, s1, s22, $0xb8;
	[tilespmem:$0x1EED8] =	vst v63  }
0x47b: {  	_ =	swait.ge [sflag:s4], $0x2000  }
0x47c: {  	[sflag:s4] =	ssyncset.done $0x0  }
0x47d: {  	[sflag:s4] =	ssyncadd.s32 $0xFFFFE000  }
0x47e: {  	_ =	swait.ge [sflag:s2], $0x2000  }
0x47f: {  	[sflag:s2] =	ssyncset.done $0x0  }
0x480: {  	[sflag:s2] =	ssyncadd.s32 $0xFFFFE000  }
0x481: {  	_ =	swait.ge [sflag:s2], $0x40  }
0x482: {  	[sflag:s2] =	ssyncset.done $0x0  }
0x483: {  	[sflag:s2] =	ssyncadd.s32 $0xFFFFFFC0  }
0x484: {  	_ =	swait.ge [sflag:s8], $0x2000  }
0x485: {  	[sflag:s8] =	ssyncset.done $0x0  }
0x486: {  	[sflag:s8] =	ssyncadd.s32 $0xFFFFE000  }
0x487: {  	_ =	swait.ge [sflag:s8], $0x40  }
0x488: {  	[sflag:s8] =	ssyncset.done $0x0  }
0x489: {  	[sflag:s8] =	ssyncadd.s32 $0xFFFFFFC0  }
0x48a: {  	[bflag:$0x0] =	sbarrier.arrive $0xFFFF  }
0x48b: {  	s6 =	rddreg [dreg:$0x16]  }
0x48c: {  	[tilespmem:s7], [sflag:$0x7] =	stream.linear.gather [spmem:s6], $0x2000, $0x38;
	[tilespmem:$0x1EED8] =	vst v63  }
0x48d: {  	_ =	swait.ge [sflag:s16], $0x2000  }
0x48e: {  	[sflag:s16] =	ssyncset.done $0x0  }
0x48f: {  	s10 =	simm.s32 $0x0;
	s13 =	rddreg [dreg:$0x5];
	[sflag:s16] =	ssyncadd.s32 $0xFFFFE000  }
0x490: {  	[hbm4b:s13+s10] =	stream.linear.scatter [tilespmem:s7], [sflag:$0x7], $0x2000, $0x38;
	[tilespmem:$0x1EED8] =	vst v63  }
0x491: {  	_ =	swait.ge [sflag:s16], $0x2000  }
0x492: {  	[sflag:s16] =	ssyncset.done $0x0  }
0x493: {  	s14 =	rddreg [dreg:$0x18];
	[sflag:s16] =	ssyncadd.s32 $0xFFFFE000  }
0x494: {  	[tilespmem:s24], [sflag:$0x7] =	stream.linear.gather [spmem:s14], $0x2000, $0x38;
	[tilespmem:$0x1EED8] =	vst v63  }
0x495: {  	_ =	swait.ge [sflag:s16], $0x2000  }
0x496: {  	[sflag:s16] =	ssyncset.done $0x0  }
0x497: {  	s19 =	rddreg [dreg:$0x6];
	[sflag:s16] =	ssyncadd.s32 $0xFFFFE000  }
0x498: {  	[hbm4b:s19+s10] =	stream.linear.scatter [tilespmem:s24], [sflag:$0x7], $0x2000, $0x38;
	[tilespmem:$0x1EED8] =	vst v63  }
0x499: {  	_ =	swait.ge [sflag:s16], $0x2000  }
0x49a: {  	[sflag:s16] =	ssyncset.done $0x0  }
0x49b: {  	s20 =	rddreg [dreg:$0x1a];
	[sflag:s16] =	ssyncadd.s32 $0xFFFFE000  }
0x49c: {  	[tilespmem:s30], [sflag:$0x7] =	stream.linear.gather [spmem:s20], $0x2000, $0x38;
	[tilespmem:$0x1EED8] =	vst v63  }
0x49d: {  	_ =	swait.ge [sflag:s16], $0x2000  }
0x49e: {  	[sflag:s16] =	ssyncset.done $0x0  }
0x49f: {  	s26 =	rddreg [dreg:$0x7];
	[sflag:s16] =	ssyncadd.s32 $0xFFFFE000  }
0x4a0: {  	[hbm4b:s26+s10] =	stream.linear.scatter [tilespmem:s30], [sflag:$0x7], $0x2000, $0x38;
	[tilespmem:$0x1EED8] =	vst v63  }
0x4a1: {  	_ =	swait.ge [sflag:s16], $0x2000  }
0x4a2: {  	[sflag:s16] =	ssyncset.done $0x0  }
0x4a3: {  	s11 =	rddreg [dreg:$0x1c];
	[sflag:s16] =	ssyncadd.s32 $0xFFFFE000  }
0x4a4: {  	[tilespmem:s7], [sflag:$0x7] =	stream.linear.gather [spmem:s11], $0x2000, $0x38;
	[tilespmem:$0x1EED8] =	vst v63  }
0x4a5: {  	_ =	swait.ge [sflag:s16], $0x2000  }
0x4a6: {  	[sflag:s16] =	ssyncset.done $0x0  }
0x4a7: {  	s28 =	rddreg [dreg:$0x8];
	[sflag:s16] =	ssyncadd.s32 $0xFFFFE000  }
0x4a8: {  	[hbm4b:s28+s10] =	stream.linear.scatter [tilespmem:s7], [sflag:$0x7], $0x2000, $0x38;
	[tilespmem:$0x1EED8] =	vst v63  }
0x4a9: {  	_ =	swait.ge [sflag:s16], $0x2000  }
0x4aa: {  	[sflag:s16] =	ssyncset.done $0x0  }
0x4ab: {  	s19 =	rddreg [dreg:$0x1e];
	[sflag:s16] =	ssyncadd.s32 $0xFFFFE000  }
0x4ac: {  	[tilespmem:s24], [sflag:$0x7] =	stream.linear.gather [spmem:s19], $0x2000, $0x38;
	[tilespmem:$0x1EED8] =	vst v63  }
0x4ad: {  	_ =	swait.ge [sflag:s16], $0x2000  }
0x4ae: {  	[sflag:s16] =	ssyncset.done $0x0  }
0x4af: {  	s13 =	rddreg [dreg:$0x9];
	[sflag:s16] =	ssyncadd.s32 $0xFFFFE000  }
0x4b0: {  	[hbm4b:s13+s10] =	stream.linear.scatter [tilespmem:s24], [sflag:$0x7], $0x2000, $0x38;
	[tilespmem:$0x1EED8] =	vst v63  }
0x4b1: {  	_ =	swait.ge [sflag:s16], $0x2000  }
0x4b2: {  	s14 =	sld [smem:$0x7FA]  }
0x4b3: {  	[sflag:s16] =	ssyncset.done $0x0  }
0x4b4: {  	[sflag:s16] =	ssyncadd.s32 $0xFFFFE000  }
0x4b5: {  	[tilespmem:s30], [sflag:$0x7] =	stream.linear.gather [spmem:s14], $0x2000, $0x38;
	[tilespmem:$0x1EED8] =	vst v63  }
0x4b6: {  	_ =	swait.ge [sflag:s16], $0x2000  }
0x4b7: {  	[sflag:s16] =	ssyncset.done $0x0  }
0x4b8: {  	s20 =	rddreg [dreg:$0xa];
	[sflag:s16] =	ssyncadd.s32 $0xFFFFE000  }
0x4b9: {  	[hbm4b:s20+s10] =	stream.linear.scatter [tilespmem:s30], [sflag:$0x7], $0x2000, $0x38;
	[tilespmem:$0x1EED8] =	vst v63  }
0x4ba: {  	_ =	swait.ge [sflag:s16], $0x2000  }
0x4bb: {  	s13 =	smov.u32 s14;
	s14 =	sld [smem:$0x7FB]  }
0x4bc: {  	[sflag:s16] =	ssyncset.done $0x0  }
0x4bd: {  	[sflag:s16] =	ssyncadd.s32 $0xFFFFE000  }
0x4be: {  	[tilespmem:s7], [sflag:$0x7] =	stream.linear.gather [spmem:s14], $0x2000, $0x38;
	[tilespmem:$0x1EED8] =	vst v63  }
0x4bf: {  	_ =	swait.ge [sflag:s16], $0x2000  }
0x4c0: {  	[sflag:s16] =	ssyncset.done $0x0  }
0x4c1: {  	s26 =	rddreg [dreg:$0xb];
	[sflag:s16] =	ssyncadd.s32 $0xFFFFE000  }
0x4c2: {  	[hbm4b:s26+s10] =	stream.linear.scatter [tilespmem:s7], [sflag:$0x7], $0x2000, $0x38;
	[tilespmem:$0x1EED8] =	vst v63  }
0x4c3: {  	_ =	swait.ge [sflag:s16], $0x2000  }
0x4c4: {  	s28 =	sld [smem:$0x7ED]  }
0x4c5: {  	[sflag:s16] =	ssyncset.done $0x0  }
0x4c6: {  	[sflag:s16] =	ssyncadd.s32 $0xFFFFE000  }
0x4c7: {  	[tilespmem:s24], [sflag:$0x7] =	stream.linear.gather [spmem:s28], $0x2000, $0x38;
	[tilespmem:$0x1EED8] =	vst v63  }
0x4c8: {  	_ =	swait.ge [sflag:s16], $0x2000  }
0x4c9: {  	[sflag:s16] =	ssyncset.done $0x0  }
0x4ca: {  	s20 =	rddreg [dreg:$0xc];
	[sflag:s16] =	ssyncadd.s32 $0xFFFFE000  }
0x4cb: {  	[hbm4b:s20+s10] =	stream.linear.scatter [tilespmem:s24], [sflag:$0x7], $0x2000, $0x38;
	[tilespmem:$0x1EED8] =	vst v63  }
0x4cc: {  	_ =	swait.ge [sflag:s16], $0x2000  }
0x4cd: {  	s20 =	sld [smem:$0x7FC]  }
0x4ce: {  	[sflag:s16] =	ssyncset.done $0x0  }
0x4cf: {  	[sflag:s16] =	ssyncadd.s32 $0xFFFFE000  }
0x4d0: {  	[tilespmem:s30], [sflag:$0x7] =	stream.linear.gather [spmem:s20], $0x2000, $0x38;
	[tilespmem:$0x1EED8] =	vst v63  }
0x4d1: {  	_ =	swait.ge [sflag:s16], $0x2000  }
0x4d2: {  	[sflag:s16] =	ssyncset.done $0x0  }
0x4d3: {  	s26 =	rddreg [dreg:$0xd];
	[sflag:s16] =	ssyncadd.s32 $0xFFFFE000  }
0x4d4: {  	[hbm4b:s26+s10] =	stream.linear.scatter [tilespmem:s30], [sflag:$0x7], $0x2000, $0x38;
	[tilespmem:$0x1EED8] =	vst v63  }
0x4d5: {  	_ =	swait.ge [sflag:s16], $0x2000  }
0x4d6: {  	s28 =	sld [smem:$0x7FD]  }
0x4d7: {  	[sflag:s16] =	ssyncset.done $0x0  }
0x4d8: {  	[sflag:s16] =	ssyncadd.s32 $0xFFFFE000  }
0x4d9: {  	[tilespmem:s24], [sflag:$0x7] =	stream.linear.gather [spmem:s28], $0x1C00, $0x38;
	[tilespmem:$0x1EED8] =	vst v63  }
0x4da: {  	_ =	swait.ge [sflag:s16], $0x1C00  }
0x4db: {  	[sflag:s16] =	ssyncset.done $0x0  }
0x4dc: {  	s26 =	smov.u32 s28;
	s28 =	rddreg [dreg:$0xe];
	[sflag:s16] =	ssyncadd.s32 $0xFFFFE400  }
0x4dd: {  	[hbm4b:s28+s10] =	stream.linear.scatter [tilespmem:s24], [sflag:$0x7], $0x1C00, $0x38;
	[tilespmem:$0x1EED8] =	vst v63  }
0x4de: {  	_ =	swait.ge [sflag:s16], $0x1C00  }
0x4df: {  	[sflag:s16] =	ssyncset.done $0x0  }
0x4e0: {  	s28 =	rddreg [dreg:$0x17];
	[sflag:s16] =	ssyncadd.s32 $0xFFFFE400  }
0x4e1: {  	[tilespmem:s7], [sflag:$0x7] =	stream.linear.gather [spmem:s28], $0x80, $0x38;
	[tilespmem:$0x1EED8] =	vst v63  }
0x4e2: {  	_ =	swait.ge [sflag:s16], $0x80  }
0x4e3: {  	[sflag:s16] =	ssyncset.done $0x0  }
0x4e4: {  	s28 =	rddreg [dreg:$0xf];
	[sflag:s16] =	ssyncadd.s32 $0xFFFFFF80  }
0x4e5: {  	[hbm4b:s28+s10] =	stream.linear.scatter [tilespmem:s7], [sflag:$0x7], $0x80, $0x38;
	[tilespmem:$0x1EED8] =	vst v63  }
0x4e6: {  	_ =	swait.ge [sflag:s16], $0x80  }
0x4e7: {  	[sflag:s16] =	ssyncset.done $0x0  }
0x4e8: {  	s28 =	rddreg [dreg:$0x1b];
	[sflag:s16] =	ssyncadd.s32 $0xFFFFFF80  }
0x4e9: {  	[tilespmem:s7], [sflag:$0x7] =	stream.linear.gather [spmem:s28], $0x80, $0x38;
	[tilespmem:$0x1EED8] =	vst v63  }
0x4ea: {  	_ =	swait.ge [sflag:s16], $0x80  }
0x4eb: {  	[sflag:s16] =	ssyncset.done $0x0  }
0x4ec: {  	s28 =	rddreg [dreg:$0x10];
	[sflag:s16] =	ssyncadd.s32 $0xFFFFFF80  }
0x4ed: {  	[hbm4b:s28+s10] =	stream.linear.scatter [tilespmem:s7], [sflag:$0x7], $0x80, $0x38;
	[tilespmem:$0x1EED8] =	vst v63  }
0x4ee: {  	_ =	swait.ge [sflag:s16], $0x80  }
0x4ef: {  	[sflag:s16] =	ssyncset.done $0x0  }
0x4f0: {  	s28 =	rddreg [dreg:$0x1f];
	[sflag:s16] =	ssyncadd.s32 $0xFFFFFF80  }
0x4f1: {  	[tilespmem:s7], [sflag:$0x7] =	stream.linear.gather [spmem:s28], $0x80, $0x38;
	[tilespmem:$0x1EED8] =	vst v63  }
0x4f2: {  	_ =	swait.ge [sflag:s16], $0x80  }
0x4f3: {  	[sflag:s16] =	ssyncset.done $0x0  }
0x4f4: {  	s28 =	rddreg [dreg:$0x11];
	[sflag:s16] =	ssyncadd.s32 $0xFFFFFF80  }
0x4f5: {  	[hbm4b:s28+s10] =	stream.linear.scatter [tilespmem:s7], [sflag:$0x7], $0x80, $0x38;
	[tilespmem:$0x1EED8] =	vst v63  }
0x4f6: {  	_ =	swait.ge [sflag:s16], $0x80  }
0x4f7: {  	s28 =	sld [smem:$0x7EC]  }
0x4f8: {  	[sflag:s16] =	ssyncset.done $0x0  }
0x4f9: {  	[sflag:s16] =	ssyncadd.s32 $0xFFFFFF80  }
0x4fa: {  	[tilespmem:s7], [sflag:$0x7] =	stream.linear.gather [spmem:s28], $0x80, $0x38;
	[tilespmem:$0x1EED8] =	vst v63  }
0x4fb: {  	_ =	swait.ge [sflag:s16], $0x80  }
0x4fc: {  	[sflag:s16] =	ssyncset.done $0x0  }
0x4fd: {  	s28 =	rddreg [dreg:$0x12];
	[sflag:s16] =	ssyncadd.s32 $0xFFFFFF80  }
0x4fe: {  	[hbm4b:s28+s10] =	stream.linear.scatter [tilespmem:s7], [sflag:$0x7], $0x80, $0x38;
	[tilespmem:$0x1EED8] =	vst v63  }
0x4ff: {  	_ =	swait.ge [sflag:s16], $0x80  }
0x500: {  	s28 =	sld [smem:$0x7EF]  }
0x501: {  	[sflag:s16] =	ssyncset.done $0x0  }
0x502: {  	[sflag:s16] =	ssyncadd.s32 $0xFFFFFF80  }
0x503: {  	[tilespmem:s7], [sflag:$0x7] =	stream.linear.gather [spmem:s28], $0x78, $0x38;
	[tilespmem:$0x1EED8] =	vst v63  }
0x504: {  	_ =	swait.ge [sflag:s16], $0x78  }
0x505: {  	[sflag:s16] =	ssyncset.done $0x0  }
0x506: {  	s28 =	rddreg [dreg:$0x13];
	[sflag:s16] =	ssyncadd.s32 $0xFFFFFF88  }
0x507: {  	[hbm4b:s28+s10] =	stream.linear.scatter [tilespmem:s7], [sflag:$0x7], $0x78, $0x38;
	[tilespmem:$0x1EED8] =	vst v63  }
0x508: {  	_ =	swait.ge [sflag:s16], $0x78  }
0x509: {  	s28 =	sld [smem:$0x7F9]  }
0x50a: {  	s29 =	smov.u32 s6;
	s6 =	sld [smem:$0x7F5];
	_ =	sdelay $0x1  }
0x50b: {  	s28 =	sadd.s32 $0x1, s28  }
0x50c: {  	p0 =	sne.s32 s28, s6  }
.Ltmp7:
0x50d: {  	_ = 	snop;
	(pc) =	sbr.rel @p0 .LBB2_1-.Ltmp7, $3  }
0x50e: {  	_ =	sdelay $0x1  }
0x50f: {  	[sflag:s16] =	ssyncset.done $0x0  }
0x510: {  	[sflag:s16] =	ssyncadd.s32 $0xFFFFFF88;
	[smem:$0x7F9] =	sst s28  }
0x511: {  	_ =	sfence.sel $0x180000  }
0x512: {  	[bflag:$0x0] =	sbarrier.arrive $0xFFFF  }
0x513: {  	_ =	strace $0x90000047  }
0x514: {  	s0 =	stileid.u32;
	[bflag:$0x2] =	sbarrier.arrive $0xFFFF  }
0x515: {  	p0 =	sne.s32 s0, $0x0;
	s0 =	rddreg [dreg:$0x4]  }
0x516: {  	s0 =	sadd.s32 @!p0 $0x100000, s0  }
0x517: {  	[sflag:s0] =	ssyncadd.tile.s32 @!p0 $0x1;
	_ =	shalt  }
.Lfunc_end2:
_tile_overlayer_lowered:
.L_overlay_start_2:
0x518: {  	(tag) =	ssettag $0x2  }
0x519: {  	s0 =	rddreg [dreg:$0x0];
	s2 =	stileid.u32  }
0x51a: {  	s1 =	rddreg [dreg:$0x1];
	p0 =	sne.s32 s2, $0x0  }
0x51b: {  	s3 =	rddreg [dreg:$0x2];
	[bflag:$0x3] =	sbarrier.arrive $0xFFFF;
	s2 =	simm.s32 @!p0 $0x1C07  }
0x51c: {  	[timem:s3], [sflag:s2] =	dma.local @!p0 [hbm:s0], s1  }
0x51d: {  	s0 =	simm.s32 @!p0 $0x7  }
0x51e: {  	_ =	swait.ge @!p0 [sflag:s0], s1  }
0x51f: {  	s1 =	ssub.s32 @!p0 $0x0, s1;
	[sflag:s0] =	ssyncset.done @!p0 $0x0  }
0x520: {  	[sflag:s0] =	ssyncadd.s32 @!p0 s1  }
0x521: {  	[bflag:$0x3] =	sbarrier.arrive $0xFFFF  }
0x522: {  	_ =	shalt  }

</sc_bundles>
